<compile_context>
chip_gen: v7x
topology: tpu7x:2x2x1
jax: 0.10.2.dev20260603
libtpu: 0.0.44.dev20260713+nightly
codegen_flags: <defaults>
</compile_context>

<pallas_src>
import jax
import jax.numpy as jnp
from jax import lax
from jax.experimental import pallas as pl
from jax.experimental.pallas import tpu as pltpu
from jax.experimental.pallas import tpu_sc as plsc

N = 10000
E = 320000
D = 128
DH = D // 2
G = 128
OUT = 10

NC = 2
NS = 16

EPW = E // NS
K = 80
NCH = EPW // K
STRIPE = 624
TAIL = N - NS * STRIPE
ZROWS = 104
NB = 5
GL = 2


def _sc_agg_body(xs_hbm, edges_hbm, out_hbm,
                 src_v, dst_v, rows_v, zbuf, agg_sh, semg, sems):
    c = lax.axis_index("c")
    s = lax.axis_index("s")
    x_half = xs_hbm.at[c]
    out_half = out_hbm.at[c]

    pltpu.sync_copy(edges_hbm.at[0, s], src_v)
    pltpu.sync_copy(edges_hbm.at[1, s], dst_v)
    for b0 in range(GL):
        pltpu.async_copy(x_half.at[src_v.at[b0]], rows_v.at[b0], semg.at[b0])

    def _zrow(r, carry):
        for f in range(DH // 16):
            zbuf[r, pl.ds(f * 16, 16)] = jnp.zeros((16,), jnp.float32)
        return carry
    lax.fori_loop(0, ZROWS, _zrow, 0)
    row0 = pl.multiple_of(s * STRIPE, 8)
    for j in range(STRIPE // ZROWS):
        pltpu.sync_copy(zbuf, agg_sh.at[pl.ds(row0 + j * ZROWS, ZROWS)])

    @pl.when(s == NS - 1)
    def _zero_tail():
        pltpu.sync_copy(zbuf.at[pl.ds(0, TAIL)], agg_sh.at[pl.ds(NS * STRIPE, TAIL)])
    plsc.subcore_barrier()


    def _round(r, carry):
        i0 = NB * r
        for b in range(NB):
            i = i0 + b
            gs = (b + GL) % NB

            @pl.when(jnp.logical_and(i + GL < NCH, i >= NB - GL))
            def _free_slot():
                pltpu.make_async_copy(rows_v.at[gs], agg_sh.at[dst_v.at[i - (NB - GL)]],
                                      sems.at[gs]).wait()

            @pl.when(i + GL < NCH)
            def _prefetch():
                pltpu.async_copy(x_half.at[src_v.at[i + GL]], rows_v.at[gs],
                                 semg.at[gs])
            pltpu.make_async_copy(x_half.at[src_v.at[i]], rows_v.at[b],
                                  semg.at[b]).wait()
            pltpu.async_copy(rows_v.at[b], agg_sh.at[dst_v.at[i]], sems.at[b],
                             add=True)
        return carry
    lax.fori_loop(0, NCH // NB, _round, 0)
    for b in range(NB):
        pltpu.make_async_copy(rows_v.at[b], agg_sh.at[dst_v.at[NCH - NB + b]],
                              sems.at[b]).wait()
    plsc.subcore_barrier()

    pltpu.sync_copy(agg_sh.at[pl.ds(row0, STRIPE)],
                    out_half.at[pl.ds(row0, STRIPE)])

    @pl.when(s == NS - 1)
    def _write_tail():
        pltpu.sync_copy(agg_sh.at[pl.ds(NS * STRIPE, TAIL)],
                        out_half.at[pl.ds(NS * STRIPE, TAIL)])


_sc_agg = pl.kernel(
    _sc_agg_body,
    out_type=jax.ShapeDtypeStruct((NC, N, DH), jnp.float32),
    mesh=plsc.VectorSubcoreMesh(core_axis_name="c", subcore_axis_name="s",
                                num_cores=NC, num_subcores=NS),
    compiler_params=pltpu.CompilerParams(use_tc_tiling_on_sc=False),
    scratch_types=[
        pltpu.VMEM((NCH, K), jnp.int32),
        pltpu.VMEM((NCH, K), jnp.int32),
        pltpu.VMEM((NB, K, DH), jnp.float32),
        pltpu.VMEM((ZROWS, DH), jnp.float32),
        pltpu.VMEM_SHARED((N, DH), jnp.float32),
        pltpu.SemaphoreType.DMA((NB,)),
        pltpu.SemaphoreType.DMA((NB,)),
    ],
)


BS = 2000


def _mlp_block(x_ref, a_ref, w1_ref, b1_ref, w2_ref, b2_ref, o_ref):
    t0 = x_ref[0] + a_ref[0]
    t1 = x_ref[1] + a_ref[1]
    h = jnp.maximum(
        jnp.dot(t0, w1_ref[0], preferred_element_type=jnp.float32)
        + jnp.dot(t1, w1_ref[1], preferred_element_type=jnp.float32)
        + b1_ref[...], 0.0)
    o_ref[0] = jnp.maximum(
        jnp.dot(h, w2_ref[0], preferred_element_type=jnp.float32) + b2_ref[0], 0.0)
    o_ref[1] = jnp.maximum(
        jnp.dot(h, w2_ref[1], preferred_element_type=jnp.float32) + b2_ref[1], 0.0)


_mlp = pl.pallas_call(
    _mlp_block,
    grid=(N // BS,),
    in_specs=[
        pl.BlockSpec((NC, BS, DH), lambda i: (0, i, 0)),
        pl.BlockSpec((NC, BS, DH), lambda i: (0, i, 0)),
        pl.BlockSpec((NC, DH, D), lambda i: (0, 0, 0)),
        pl.BlockSpec((1, D), lambda i: (0, 0)),
        pl.BlockSpec((NC, D, DH), lambda i: (0, 0, 0)),
        pl.BlockSpec((NC, 1, DH), lambda i: (0, 0, 0)),
    ],
    out_specs=pl.BlockSpec((NC, BS, DH), lambda i: (0, i, 0)),
    out_shape=jax.ShapeDtypeStruct((NC, N, DH), jnp.float32),
)


PC = 16


def _mlp_pool_block(x_ref, a_ref, w1_ref, b1_ref, w2_ref, b2_ref, b_ref,
                    fw1_ref, fb1_ref, fw2_ref, fb2_ref, o_ref,
                    h0_ref, h1_ref, acc0_ref, acc1_ref):
    pid = pl.program_id(0)

    @pl.when(pid == 0)
    def _init():
        acc0_ref[...] = jnp.zeros((G, DH), jnp.float32)
        acc1_ref[...] = jnp.zeros((G, DH), jnp.float32)

    t0 = x_ref[0] + a_ref[0]
    t1 = x_ref[1] + a_ref[1]
    h = jnp.maximum(
        jnp.dot(t0, w1_ref[0], preferred_element_type=jnp.float32)
        + jnp.dot(t1, w1_ref[1], preferred_element_type=jnp.float32)
        + b1_ref[...], 0.0)
    h0_ref[...] = jnp.maximum(
        jnp.dot(h, w2_ref[0], preferred_element_type=jnp.float32) + b2_ref[0], 0.0)
    h1_ref[...] = jnp.maximum(
        jnp.dot(h, w2_ref[1], preferred_element_type=jnp.float32) + b2_ref[1], 0.0)

    def _rmw(g, r0, r1):
        acc0_ref[pl.ds(g, 1), :] = jnp.maximum(acc0_ref[pl.ds(g, 1), :], r0)
        acc1_ref[pl.ds(g, 1), :] = jnp.maximum(acc1_ref[pl.ds(g, 1), :], r1)

    def _chunk(cix, carry):
        base = cix * PC
        hb0 = h0_ref[pl.ds(base, PC), :]
        hb1 = h1_ref[pl.ds(base, PC), :]
        gbase = pid * BS + base
        b0 = b_ref[gbase]
        b7 = b_ref[gbase + PC - 1]

        @pl.when(b0 == b7)
        def _single():
            _rmw(b0, hb0.max(axis=0, keepdims=True), hb1.max(axis=0, keepdims=True))

        @pl.when(b0 != b7)
        def _mixed():
            for r in range(PC):
                _rmw(b_ref[gbase + r], hb0[r:r + 1, :], hb1[r:r + 1, :])
        return carry
    lax.fori_loop(0, BS // PC, _chunk, 0)

    @pl.when(pid == N // BS - 1)
    def _classify():
        pooled = jnp.concatenate([acc0_ref[...], acc1_ref[...]], axis=1)
        z = jnp.maximum(
            jnp.dot(pooled, fw1_ref[...], preferred_element_type=jnp.float32)
            + fb1_ref[...], 0.0)
        o_ref[...] = (jnp.dot(z, fw2_ref[...], preferred_element_type=jnp.float32)
                      + fb2_ref[...])


_mlp_pool = pl.pallas_call(
    _mlp_pool_block,
    grid=(N // BS,),
    in_specs=[
        pl.BlockSpec((NC, BS, DH), lambda i: (0, i, 0)),
        pl.BlockSpec((NC, BS, DH), lambda i: (0, i, 0)),
        pl.BlockSpec((NC, DH, D), lambda i: (0, 0, 0)),
        pl.BlockSpec((1, D), lambda i: (0, 0)),
        pl.BlockSpec((NC, D, DH), lambda i: (0, 0, 0)),
        pl.BlockSpec((NC, 1, DH), lambda i: (0, 0, 0)),
        pl.BlockSpec(memory_space=pltpu.SMEM),
        pl.BlockSpec((D, D), lambda i: (0, 0)),
        pl.BlockSpec((1, D), lambda i: (0, 0)),
        pl.BlockSpec((D, OUT), lambda i: (0, 0)),
        pl.BlockSpec((1, OUT), lambda i: (0, 0)),
    ],
    out_specs=pl.BlockSpec((G, OUT), lambda i: (0, 0)),
    out_shape=jax.ShapeDtypeStruct((G, OUT), jnp.float32),
    scratch_shapes=[pltpu.VMEM((BS, DH), jnp.float32),
                    pltpu.VMEM((BS, DH), jnp.float32),
                    pltpu.VMEM((G, DH), jnp.float32),
                    pltpu.VMEM((G, DH), jnp.float32)],
)


@jax.jit
def kernel(x, edge_index, batch,
           c0_w1, c0_b1, c0_w2, c0_b2,
           c1_w1, c1_b1, c1_w2, c1_b2,
           c2_w1, c2_b1, c2_w2, c2_b2,
           f_w1, f_b1, f_w2, f_b2):
    e4 = edge_index.astype(jnp.int32).reshape(2, NS, NCH, K)
    bvec = batch.astype(jnp.int32)

    def _mlp_args(w1, b1, w2, b2):
        return (w1.reshape(NC, DH, D), b1.reshape(1, D),
                w2.reshape(D, NC, DH).transpose(1, 0, 2),
                b2.reshape(NC, 1, DH))

    xs = x.reshape(N, NC, DH).transpose(1, 0, 2)
    for w1, b1, w2, b2 in ((c0_w1, c0_b1, c0_w2, c0_b2),
                           (c1_w1, c1_b1, c1_w2, c1_b2)):
        aggs = _sc_agg(xs, e4)
        xs = _mlp(xs, aggs, *_mlp_args(w1, b1, w2, b2))
    aggs = _sc_agg(xs, e4)
    return _mlp_pool(xs, aggs, *_mlp_args(c2_w1, c2_b1, c2_w2, c2_b2),
                     bvec, f_w1, f_b1.reshape(1, D), f_w2, f_b2.reshape(1, OUT))

# --- scband reference (transcript-rebuilt; emitter-appended) ---
"""Pipeline reference for scband-gin-subgraph-x-7078106104087 (READ-ONLY COPY).

The authoritative reference and input builder live on the scoring server;
editing this copy changes nothing except your own understanding.
"""

import jax, jax.numpy as jnp
import numpy as np

N = 10000
E = 320000
D = 128
H = 128
OUT = 10
G = 128


def _linear_params(key, fan_in, fan_out):
    k1, k2 = jax.random.split(key)
    lim = 1.0 / np.sqrt(fan_in)
    w = jax.random.uniform(k1, (fan_in, fan_out), minval=-lim, maxval=lim, dtype=jnp.float32)
    b = jax.random.uniform(k2, (fan_out,), minval=-lim, maxval=lim, dtype=jnp.float32)
    return w, b


def setup_inputs(seed: int = 0):
    key = jax.random.key(seed)
    ks = jax.random.split(key, 12)
    inp = {}
    inp['x'] = jax.random.normal(ks[0], (N, D), dtype=jnp.float32)
    inp['edge_index'] = jax.random.randint(ks[1], (2, E), 0, N)
    inp['batch'] = jnp.sort(jax.random.randint(ks[2], (N,), 0, G))
    dims = [(D, H), (H, H), (H, H)]
    for i in range(3):
        fi = dims[i][0]
        w1, b1 = _linear_params(ks[3 + 2 * i], fi, H)
        w2, b2 = _linear_params(ks[4 + 2 * i], H, H)
        inp['c%d_w1' % i], inp['c%d_b1' % i] = w1, b1
        inp['c%d_w2' % i], inp['c%d_b2' % i] = w2, b2
    inp['f_w1'], inp['f_b1'] = _linear_params(ks[9], H, H)
    inp['f_w2'], inp['f_b2'] = _linear_params(ks[10], H, OUT)
    return inp


def _gin_conv(x, src, dst, w1, b1, w2, b2):
    # GINConv with default eps=0: out = mlp((1+eps)*x + sum_{j in N(i)} x_j)
    agg = jax.ops.segment_sum(x[src], dst, num_segments=N)
    h = x + agg
    h = jax.nn.relu(h @ w1 + b1)
    h = jax.nn.relu(h @ w2 + b2)
    return h


def reference(x, edge_index, batch, c0_w1, c0_b1, c0_w2, c0_b2, c1_w1, c1_b1, c1_w2, c1_b2, c2_w1, c2_b1, c2_w2, c2_b2, f_w1, f_b1, f_w2, f_b2):
    src = edge_index[0]
    dst = edge_index[1]
    h = _gin_conv(x, src, dst, c0_w1, c0_b1, c0_w2, c0_b2)
    h = _gin_conv(h, src, dst, c1_w1, c1_b1, c1_w2, c1_b2)
    h = _gin_conv(h, src, dst, c2_w1, c2_b1, c2_w2, c2_b2)
    pooled = jax.ops.segment_max(h, batch, num_segments=G)
    pooled = jnp.where(jnp.isfinite(pooled), pooled, 0.0)
    out = jax.nn.relu(pooled @ f_w1 + f_b1)
    # dropout is inactive in eval mode
    out = out @ f_w2 + f_b2
    return out

if __name__ == "__main__":
    import jax
    _d = setup_inputs()
    print(jax.jit(kernel)(*tuple(_d.values())))

</pallas_src>

<mosaic_0001>
#map = affine_map<(d0, d1) -> (0, 0, 0)>
#map1 = affine_map<(d0, d1) -> (0, 0, 0, 0)>
module attributes {stable_mosaic.version = 14 : i64} {
  func.func @_sc_agg_body(%arg0: i32, %arg1: i32, %arg2: memref<2x10000x64xf32, #tpu.memory_space<hbm>>, %arg3: memref<2x16x250x80xi32, #tpu.memory_space<hbm>>, %arg4: memref<2x10000x64xf32, #tpu.memory_space<hbm>>, %arg5: memref<250x80xi32, #tpu.memory_space<vmem>>, %arg6: memref<250x80xi32, #tpu.memory_space<vmem>>, %arg7: memref<5x80x64xf32, #tpu.memory_space<vmem>>, %arg8: memref<104x64xf32, #tpu.memory_space<vmem>>, %arg9: memref<10000x64xf32, #tpu.memory_space<vmem_shared>>, %arg10: memref<5x!tpu.dma_semaphore, #tpu.memory_space<semaphore_mem>>, %arg11: memref<5x!tpu.dma_semaphore, #tpu.memory_space<semaphore_mem>>) attributes {dimension_semantics = [#tpu.dimension_semantics<core_parallel>, #tpu.dimension_semantics<subcore_parallel>], iteration_bounds = array<i64: 2, 16>, scalar_prefetch = 0 : i64, scratch_operands = 7 : i64, tpu.core_type = #tpu.core_type<sc_vector_subcore>, window_params = [{transform_indices = #map}, {transform_indices = #map1}, {transform_indices = #map}]} {
    %run_scoped3A = arith.constant 0 : i32
    "tpu.region"() ({
      %run_scoped3A_143 = tpu.sem_alloc : memref<!tpu.dma_semaphore, #tpu.memory_space<semaphore_mem>>
      %dma_start3A_144 = arith.constant 0 : i32
      %dma_start3A_145 = arith.constant 0 : i32
      %dma_start3A_146 = tpu.memref_slice %arg3[%run_scoped3A, %arg1, %dma_start3A_144, %dma_start3A_145] : memref<2x16x250x80xi32, #tpu.memory_space<hbm>> -> memref<1x1x250x80xi32, #tpu.memory_space<hbm>>
      %dma_start3A_147 = tpu.memref_squeeze %dma_start3A_146 : memref<1x1x250x80xi32, #tpu.memory_space<hbm>> -> memref<250x80xi32, #tpu.memory_space<hbm>>
      %dma_start3A_148 = arith.constant 0 : i32
      %dma_start3A_149 = arith.constant 0 : i32
      %dma_start3A_150 = tpu.memref_slice %arg3[%run_scoped3A, %arg1, %dma_start3A_148, %dma_start3A_149] : memref<2x16x250x80xi32, #tpu.memory_space<hbm>> -> memref<1x1x250x80xi32, #tpu.memory_space<hbm>>
      %dma_start3A_151 = tpu.memref_squeeze %dma_start3A_150 : memref<1x1x250x80xi32, #tpu.memory_space<hbm>> -> memref<250x80xi32, #tpu.memory_space<hbm>>
      tpu.enqueue_dma source(%dma_start3A_151 : memref<250x80xi32, #tpu.memory_space<hbm>>) target(%arg5 : memref<250x80xi32, #tpu.memory_space<vmem>>) target_semaphore(%run_scoped3A_143 : memref<!tpu.dma_semaphore, #tpu.memory_space<semaphore_mem>>)
      %dma_wait3A_152 = arith.constant 0 : i32
      %dma_wait3A_153 = arith.constant 0 : i32
      %dma_wait3A_154 = tpu.memref_slice %arg3[%run_scoped3A, %arg1, %dma_wait3A_152, %dma_wait3A_153] : memref<2x16x250x80xi32, #tpu.memory_space<hbm>> -> memref<1x1x250x80xi32, #tpu.memory_space<hbm>>
      %dma_wait3A_155 = tpu.memref_squeeze %dma_wait3A_154 : memref<1x1x250x80xi32, #tpu.memory_space<hbm>> -> memref<250x80xi32, #tpu.memory_space<hbm>>
      %dma_wait3A_156 = arith.constant 0 : i32
      %dma_wait3A_157 = arith.constant 0 : i32
      %dma_wait3A_158 = tpu.memref_slice %arg3[%run_scoped3A, %arg1, %dma_wait3A_156, %dma_wait3A_157] : memref<2x16x250x80xi32, #tpu.memory_space<hbm>> -> memref<1x1x250x80xi32, #tpu.memory_space<hbm>>
      %dma_wait3A_159 = tpu.memref_squeeze %dma_wait3A_158 : memref<1x1x250x80xi32, #tpu.memory_space<hbm>> -> memref<250x80xi32, #tpu.memory_space<hbm>>
      tpu.wait_dma2 semaphore(%run_scoped3A_143 : memref<!tpu.dma_semaphore, #tpu.memory_space<semaphore_mem>>) src(%dma_wait3A_159 : memref<250x80xi32, #tpu.memory_space<hbm>>) dst(%arg5 : memref<250x80xi32, #tpu.memory_space<vmem>>)
      tpu.yield
    }) : () -> ()
    %run_scoped3A_0 = arith.constant 1 : i32
    "tpu.region"() ({
      %run_scoped3A_143 = tpu.sem_alloc : memref<!tpu.dma_semaphore, #tpu.memory_space<semaphore_mem>>
      %dma_start3A_144 = arith.constant 0 : i32
      %dma_start3A_145 = arith.constant 0 : i32
      %dma_start3A_146 = tpu.memref_slice %arg3[%run_scoped3A_0, %arg1, %dma_start3A_144, %dma_start3A_145] : memref<2x16x250x80xi32, #tpu.memory_space<hbm>> -> memref<1x1x250x80xi32, #tpu.memory_space<hbm>>
      %dma_start3A_147 = tpu.memref_squeeze %dma_start3A_146 : memref<1x1x250x80xi32, #tpu.memory_space<hbm>> -> memref<250x80xi32, #tpu.memory_space<hbm>>
      %dma_start3A_148 = arith.constant 0 : i32
      %dma_start3A_149 = arith.constant 0 : i32
      %dma_start3A_150 = tpu.memref_slice %arg3[%run_scoped3A_0, %arg1, %dma_start3A_148, %dma_start3A_149] : memref<2x16x250x80xi32, #tpu.memory_space<hbm>> -> memref<1x1x250x80xi32, #tpu.memory_space<hbm>>
      %dma_start3A_151 = tpu.memref_squeeze %dma_start3A_150 : memref<1x1x250x80xi32, #tpu.memory_space<hbm>> -> memref<250x80xi32, #tpu.memory_space<hbm>>
      tpu.enqueue_dma source(%dma_start3A_151 : memref<250x80xi32, #tpu.memory_space<hbm>>) target(%arg6 : memref<250x80xi32, #tpu.memory_space<vmem>>) target_semaphore(%run_scoped3A_143 : memref<!tpu.dma_semaphore, #tpu.memory_space<semaphore_mem>>)
      %dma_wait3A_152 = arith.constant 0 : i32
      %dma_wait3A_153 = arith.constant 0 : i32
      %dma_wait3A_154 = tpu.memref_slice %arg3[%run_scoped3A_0, %arg1, %dma_wait3A_152, %dma_wait3A_153] : memref<2x16x250x80xi32, #tpu.memory_space<hbm>> -> memref<1x1x250x80xi32, #tpu.memory_space<hbm>>
      %dma_wait3A_155 = tpu.memref_squeeze %dma_wait3A_154 : memref<1x1x250x80xi32, #tpu.memory_space<hbm>> -> memref<250x80xi32, #tpu.memory_space<hbm>>
      %dma_wait3A_156 = arith.constant 0 : i32
      %dma_wait3A_157 = arith.constant 0 : i32
      %dma_wait3A_158 = tpu.memref_slice %arg3[%run_scoped3A_0, %arg1, %dma_wait3A_156, %dma_wait3A_157] : memref<2x16x250x80xi32, #tpu.memory_space<hbm>> -> memref<1x1x250x80xi32, #tpu.memory_space<hbm>>
      %dma_wait3A_159 = tpu.memref_squeeze %dma_wait3A_158 : memref<1x1x250x80xi32, #tpu.memory_space<hbm>> -> memref<250x80xi32, #tpu.memory_space<hbm>>
      tpu.wait_dma2 semaphore(%run_scoped3A_143 : memref<!tpu.dma_semaphore, #tpu.memory_space<semaphore_mem>>) src(%dma_wait3A_159 : memref<250x80xi32, #tpu.memory_space<hbm>>) dst(%arg6 : memref<250x80xi32, #tpu.memory_space<vmem>>)
      tpu.yield
    }) : () -> ()
    %dma_start3A = arith.constant 0 : i32
    %dma_start3A_1 = arith.constant 0 : i32
    %dma_start3A_2 = arith.constant 0 : i32
    %dma_start3A_3 = arith.constant 0 : i32
    %dma_start3A_4 = arith.constant 0 : i32
    %dma_start3A_5 = tpu.memref_slice %arg7[%dma_start3A_1, %dma_start3A_3, %dma_start3A_4] : memref<5x80x64xf32, #tpu.memory_space<vmem>> -> memref<1x80x64xf32, #tpu.memory_space<vmem>>
    %dma_start3A_6 = tpu.memref_squeeze %dma_start3A_5 : memref<1x80x64xf32, #tpu.memory_space<vmem>> -> memref<80x64xf32, #tpu.memory_space<vmem>>
    %dma_start3A_7 = arith.constant 0 : i32
    %dma_start3A_8 = tpu.memref_slice %arg5[%dma_start3A, %dma_start3A_7] : memref<250x80xi32, #tpu.memory_space<vmem>> -> memref<1x80xi32, #tpu.memory_space<vmem>>
    %dma_start3A_9 = tpu.memref_squeeze %dma_start3A_8 : memref<1x80xi32, #tpu.memory_space<vmem>> -> memref<80xi32, #tpu.memory_space<vmem>>
    %dma_start3A_10 = arith.constant 0 : i32
    %dma_start3A_11 = arith.constant 0 : i32
    %dma_start3A_12 = tpu.memref_slice %arg2[%arg0, %dma_start3A_10, %dma_start3A_11] : memref<2x10000x64xf32, #tpu.memory_space<hbm>> -> memref<1x10000x64xf32, #tpu.memory_space<hbm>>
    %dma_start3A_13 = tpu.memref_squeeze %dma_start3A_12 : memref<1x10000x64xf32, #tpu.memory_space<hbm>> -> memref<10000x64xf32, #tpu.memory_space<hbm>>
    %dma_start3A_14 = arith.constant 0 : i32
    %dma_start3A_15 = arith.constant 0 : i32
    %dma_start3A_16 = tpu.memref_slice %dma_start3A_13[%dma_start3A_14, %dma_start3A_15] : memref<10000x64xf32, #tpu.memory_space<hbm>> -> memref<10000x64xf32, #tpu.memory_space<hbm>>
    %dma_start3A_17 = tpu.memref_slice %arg10[%dma_start3A_2] : memref<5x!tpu.dma_semaphore, #tpu.memory_space<semaphore_mem>> -> memref<1x!tpu.dma_semaphore, #tpu.memory_space<semaphore_mem>>
    %dma_start3A_18 = tpu.memref_squeeze %dma_start3A_17 : memref<1x!tpu.dma_semaphore, #tpu.memory_space<semaphore_mem>> -> memref<!tpu.dma_semaphore, #tpu.memory_space<semaphore_mem>>
    tpu.enqueue_indirect_dma source(%dma_start3A_16 : memref<10000x64xf32, #tpu.memory_space<hbm>>) target(%dma_start3A_6 : memref<80x64xf32, #tpu.memory_space<vmem>>) offsets(%dma_start3A_9 : memref<80xi32, #tpu.memory_space<vmem>>) semaphore(%dma_start3A_18 : memref<!tpu.dma_semaphore, #tpu.memory_space<semaphore_mem>>)
    %dma_start3A_19 = arith.constant 1 : i32
    %dma_start3A_20 = arith.constant 1 : i32
    %dma_start3A_21 = arith.constant 1 : i32
    %dma_start3A_22 = arith.constant 0 : i32
    %dma_start3A_23 = arith.constant 0 : i32
    %dma_start3A_24 = tpu.memref_slice %arg7[%dma_start3A_20, %dma_start3A_22, %dma_start3A_23] : memref<5x80x64xf32, #tpu.memory_space<vmem>> -> memref<1x80x64xf32, #tpu.memory_space<vmem>>
    %dma_start3A_25 = tpu.memref_squeeze %dma_start3A_24 : memref<1x80x64xf32, #tpu.memory_space<vmem>> -> memref<80x64xf32, #tpu.memory_space<vmem>>
    %dma_start3A_26 = arith.constant 0 : i32
    %dma_start3A_27 = tpu.memref_slice %arg5[%dma_start3A_19, %dma_start3A_26] : memref<250x80xi32, #tpu.memory_space<vmem>> -> memref<1x80xi32, #tpu.memory_space<vmem>>
    %dma_start3A_28 = tpu.memref_squeeze %dma_start3A_27 : memref<1x80xi32, #tpu.memory_space<vmem>> -> memref<80xi32, #tpu.memory_space<vmem>>
    %dma_start3A_29 = arith.constant 0 : i32
    %dma_start3A_30 = arith.constant 0 : i32
    %dma_start3A_31 = tpu.memref_slice %arg2[%arg0, %dma_start3A_29, %dma_start3A_30] : memref<2x10000x64xf32, #tpu.memory_space<hbm>> -> memref<1x10000x64xf32, #tpu.memory_space<hbm>>
    %dma_start3A_32 = tpu.memref_squeeze %dma_start3A_31 : memref<1x10000x64xf32, #tpu.memory_space<hbm>> -> memref<10000x64xf32, #tpu.memory_space<hbm>>
    %dma_start3A_33 = arith.constant 0 : i32
    %dma_start3A_34 = arith.constant 0 : i32
    %dma_start3A_35 = tpu.memref_slice %dma_start3A_32[%dma_start3A_33, %dma_start3A_34] : memref<10000x64xf32, #tpu.memory_space<hbm>> -> memref<10000x64xf32, #tpu.memory_space<hbm>>
    %dma_start3A_36 = tpu.memref_slice %arg10[%dma_start3A_21] : memref<5x!tpu.dma_semaphore, #tpu.memory_space<semaphore_mem>> -> memref<1x!tpu.dma_semaphore, #tpu.memory_space<semaphore_mem>>
    %dma_start3A_37 = tpu.memref_squeeze %dma_start3A_36 : memref<1x!tpu.dma_semaphore, #tpu.memory_space<semaphore_mem>> -> memref<!tpu.dma_semaphore, #tpu.memory_space<semaphore_mem>>
    tpu.enqueue_indirect_dma source(%dma_start3A_35 : memref<10000x64xf32, #tpu.memory_space<hbm>>) target(%dma_start3A_25 : memref<80x64xf32, #tpu.memory_space<vmem>>) offsets(%dma_start3A_28 : memref<80xi32, #tpu.memory_space<vmem>>) semaphore(%dma_start3A_37 : memref<!tpu.dma_semaphore, #tpu.memory_space<semaphore_mem>>)
    %scan3A = arith.constant 0 : i32
    %scan3A_38 = arith.constant 0 : i32
    %scan3A_39 = arith.constant 104 : i32
    %scan3A_40 = arith.addi %scan3A_38, %scan3A_39 : i32
    %scan3A_41 = arith.constant 1 : i32
    scf.for %scan3A_143 = %scan3A_38 to %scan3A_40 step %scan3A_41  : i32 {
      %broadcast_in_dim3A = arith.constant 0.000000e+00 : f32
      %broadcast_in_dim3A_144 = vector.broadcast %broadcast_in_dim3A : f32 to vector<16xf32>
      %swap3A = arith.index_cast %scan3A_143 : i32 to index
      %swap3A_145 = arith.constant 0 : index
      %swap3A_146 = tpu.vector_load %arg8[%swap3A, %swap3A_145] {strides = array<i32>} : memref<104x64xf32, #tpu.memory_space<vmem>>, vector<1x16xf32>,
      %swap3A_147 = vector.shape_cast %swap3A_146 : vector<1x16xf32> to vector<16xf32>
      %swap3A_148 = vector.shape_cast %broadcast_in_dim3A_144 : vector<16xf32> to vector<1x16xf32>
      tpu.vector_store %arg8[%swap3A, %swap3A_145], %swap3A_148 {strides = array<i32>} : memref<104x64xf32, #tpu.memory_space<vmem>>, vector<1x16xf32>,
      %broadcast_in_dim3A_149 = arith.constant 0.000000e+00 : f32
      %broadcast_in_dim3A_150 = vector.broadcast %broadcast_in_dim3A_149 : f32 to vector<16xf32>
      %swap3A_151 = arith.index_cast %scan3A_143 : i32 to index
      %swap3A_152 = arith.constant 16 : index
      %swap3A_153 = tpu.vector_load %arg8[%swap3A_151, %swap3A_152] {strides = array<i32>} : memref<104x64xf32, #tpu.memory_space<vmem>>, vector<1x16xf32>,
      %swap3A_154 = vector.shape_cast %swap3A_153 : vector<1x16xf32> to vector<16xf32>
      %swap3A_155 = vector.shape_cast %broadcast_in_dim3A_150 : vector<16xf32> to vector<1x16xf32>
      tpu.vector_store %arg8[%swap3A_151, %swap3A_152], %swap3A_155 {strides = array<i32>} : memref<104x64xf32, #tpu.memory_space<vmem>>, vector<1x16xf32>,
      %broadcast_in_dim3A_156 = arith.constant 0.000000e+00 : f32
      %broadcast_in_dim3A_157 = vector.broadcast %broadcast_in_dim3A_156 : f32 to vector<16xf32>
      %swap3A_158 = arith.index_cast %scan3A_143 : i32 to index
      %swap3A_159 = arith.constant 32 : index
      %swap3A_160 = tpu.vector_load %arg8[%swap3A_158, %swap3A_159] {strides = array<i32>} : memref<104x64xf32, #tpu.memory_space<vmem>>, vector<1x16xf32>,
      %swap3A_161 = vector.shape_cast %swap3A_160 : vector<1x16xf32> to vector<16xf32>
      %swap3A_162 = vector.shape_cast %broadcast_in_dim3A_157 : vector<16xf32> to vector<1x16xf32>
      tpu.vector_store %arg8[%swap3A_158, %swap3A_159], %swap3A_162 {strides = array<i32>} : memref<104x64xf32, #tpu.memory_space<vmem>>, vector<1x16xf32>,
      %broadcast_in_dim3A_163 = arith.constant 0.000000e+00 : f32
      %broadcast_in_dim3A_164 = vector.broadcast %broadcast_in_dim3A_163 : f32 to vector<16xf32>
      %swap3A_165 = arith.index_cast %scan3A_143 : i32 to index
      %swap3A_166 = arith.constant 48 : index
      %swap3A_167 = tpu.vector_load %arg8[%swap3A_165, %swap3A_166] {strides = array<i32>} : memref<104x64xf32, #tpu.memory_space<vmem>>, vector<1x16xf32>,
      %swap3A_168 = vector.shape_cast %swap3A_167 : vector<1x16xf32> to vector<16xf32>
      %swap3A_169 = vector.shape_cast %broadcast_in_dim3A_164 : vector<16xf32> to vector<1x16xf32>
      tpu.vector_store %arg8[%swap3A_165, %swap3A_166], %swap3A_169 {strides = array<i32>} : memref<104x64xf32, #tpu.memory_space<vmem>>, vector<1x16xf32>,
    }
    %scan3A_42 = arith.constant 104 : i32
    %mul3A = arith.constant 624 : i32
    %mul3A_43 = arith.muli %arg1, %mul3A : i32
    %multiple_of3A = tpu.assume_multiple %mul3A_43, 8 : i32
    %add3A = arith.constant 0 : i32
    %add3A_44 = arith.addi %multiple_of3A, %add3A : i32
    "tpu.region"() ({
      %run_scoped3A_143 = tpu.sem_alloc : memref<!tpu.dma_semaphore, #tpu.memory_space<semaphore_mem>>
      %dma_start3A_144 = arith.constant 0 : i32
      %dma_start3A_145 = tpu.memref_slice %arg9[%add3A_44, %dma_start3A_144] : memref<10000x64xf32, #tpu.memory_space<vmem_shared>> -> memref<104x64xf32, #tpu.memory_space<vmem_shared>>
      %dma_start3A_146 = arith.constant 0 : i32
      %dma_start3A_147 = tpu.memref_slice %arg9[%add3A_44, %dma_start3A_146] : memref<10000x64xf32, #tpu.memory_space<vmem_shared>> -> memref<104x64xf32, #tpu.memory_space<vmem_shared>>
      tpu.enqueue_dma source(%arg8 : memref<104x64xf32, #tpu.memory_space<vmem>>) target(%dma_start3A_147 : memref<104x64xf32, #tpu.memory_space<vmem_shared>>) target_semaphore(%run_scoped3A_143 : memref<!tpu.dma_semaphore, #tpu.memory_space<semaphore_mem>>)
      %dma_wait3A_148 = arith.constant 0 : i32
      %dma_wait3A_149 = tpu.memref_slice %arg9[%add3A_44, %dma_wait3A_148] : memref<10000x64xf32, #tpu.memory_space<vmem_shared>> -> memref<104x64xf32, #tpu.memory_space<vmem_shared>>
      %dma_wait3A_150 = arith.constant 0 : i32
      %dma_wait3A_151 = tpu.memref_slice %arg9[%add3A_44, %dma_wait3A_150] : memref<10000x64xf32, #tpu.memory_space<vmem_shared>> -> memref<104x64xf32, #tpu.memory_space<vmem_shared>>
      tpu.wait_dma2 semaphore(%run_scoped3A_143 : memref<!tpu.dma_semaphore, #tpu.memory_space<semaphore_mem>>) src(%arg8 : memref<104x64xf32, #tpu.memory_space<vmem>>) dst(%dma_wait3A_151 : memref<104x64xf32, #tpu.memory_space<vmem_shared>>)
      tpu.yield
    }) : () -> ()
    %add3A_45 = arith.constant 104 : i32
    %add3A_46 = arith.addi %multiple_of3A, %add3A_45 : i32
    "tpu.region"() ({
      %run_scoped3A_143 = tpu.sem_alloc : memref<!tpu.dma_semaphore, #tpu.memory_space<semaphore_mem>>
      %dma_start3A_144 = arith.constant 0 : i32
      %dma_start3A_145 = tpu.memref_slice %arg9[%add3A_46, %dma_start3A_144] : memref<10000x64xf32, #tpu.memory_space<vmem_shared>> -> memref<104x64xf32, #tpu.memory_space<vmem_shared>>
      %dma_start3A_146 = arith.constant 0 : i32
      %dma_start3A_147 = tpu.memref_slice %arg9[%add3A_46, %dma_start3A_146] : memref<10000x64xf32, #tpu.memory_space<vmem_shared>> -> memref<104x64xf32, #tpu.memory_space<vmem_shared>>
      tpu.enqueue_dma source(%arg8 : memref<104x64xf32, #tpu.memory_space<vmem>>) target(%dma_start3A_147 : memref<104x64xf32, #tpu.memory_space<vmem_shared>>) target_semaphore(%run_scoped3A_143 : memref<!tpu.dma_semaphore, #tpu.memory_space<semaphore_mem>>)
      %dma_wait3A_148 = arith.constant 0 : i32
      %dma_wait3A_149 = tpu.memref_slice %arg9[%add3A_46, %dma_wait3A_148] : memref<10000x64xf32, #tpu.memory_space<vmem_shared>> -> memref<104x64xf32, #tpu.memory_space<vmem_shared>>
      %dma_wait3A_150 = arith.constant 0 : i32
      %dma_wait3A_151 = tpu.memref_slice %arg9[%add3A_46, %dma_wait3A_150] : memref<10000x64xf32, #tpu.memory_space<vmem_shared>> -> memref<104x64xf32, #tpu.memory_space<vmem_shared>>
      tpu.wait_dma2 semaphore(%run_scoped3A_143 : memref<!tpu.dma_semaphore, #tpu.memory_space<semaphore_mem>>) src(%arg8 : memref<104x64xf32, #tpu.memory_space<vmem>>) dst(%dma_wait3A_151 : memref<104x64xf32, #tpu.memory_space<vmem_shared>>)
      tpu.yield
    }) : () -> ()
    %add3A_47 = arith.constant 208 : i32
    %add3A_48 = arith.addi %multiple_of3A, %add3A_47 : i32
    "tpu.region"() ({
      %run_scoped3A_143 = tpu.sem_alloc : memref<!tpu.dma_semaphore, #tpu.memory_space<semaphore_mem>>
      %dma_start3A_144 = arith.constant 0 : i32
      %dma_start3A_145 = tpu.memref_slice %arg9[%add3A_48, %dma_start3A_144] : memref<10000x64xf32, #tpu.memory_space<vmem_shared>> -> memref<104x64xf32, #tpu.memory_space<vmem_shared>>
      %dma_start3A_146 = arith.constant 0 : i32
      %dma_start3A_147 = tpu.memref_slice %arg9[%add3A_48, %dma_start3A_146] : memref<10000x64xf32, #tpu.memory_space<vmem_shared>> -> memref<104x64xf32, #tpu.memory_space<vmem_shared>>
      tpu.enqueue_dma source(%arg8 : memref<104x64xf32, #tpu.memory_space<vmem>>) target(%dma_start3A_147 : memref<104x64xf32, #tpu.memory_space<vmem_shared>>) target_semaphore(%run_scoped3A_143 : memref<!tpu.dma_semaphore, #tpu.memory_space<semaphore_mem>>)
      %dma_wait3A_148 = arith.constant 0 : i32
      %dma_wait3A_149 = tpu.memref_slice %arg9[%add3A_48, %dma_wait3A_148] : memref<10000x64xf32, #tpu.memory_space<vmem_shared>> -> memref<104x64xf32, #tpu.memory_space<vmem_shared>>
      %dma_wait3A_150 = arith.constant 0 : i32
      %dma_wait3A_151 = tpu.memref_slice %arg9[%add3A_48, %dma_wait3A_150] : memref<10000x64xf32, #tpu.memory_space<vmem_shared>> -> memref<104x64xf32, #tpu.memory_space<vmem_shared>>
      tpu.wait_dma2 semaphore(%run_scoped3A_143 : memref<!tpu.dma_semaphore, #tpu.memory_space<semaphore_mem>>) src(%arg8 : memref<104x64xf32, #tpu.memory_space<vmem>>) dst(%dma_wait3A_151 : memref<104x64xf32, #tpu.memory_space<vmem_shared>>)
      tpu.yield
    }) : () -> ()
    %add3A_49 = arith.constant 312 : i32
    %add3A_50 = arith.addi %multiple_of3A, %add3A_49 : i32
    "tpu.region"() ({
      %run_scoped3A_143 = tpu.sem_alloc : memref<!tpu.dma_semaphore, #tpu.memory_space<semaphore_mem>>
      %dma_start3A_144 = arith.constant 0 : i32
      %dma_start3A_145 = tpu.memref_slice %arg9[%add3A_50, %dma_start3A_144] : memref<10000x64xf32, #tpu.memory_space<vmem_shared>> -> memref<104x64xf32, #tpu.memory_space<vmem_shared>>
      %dma_start3A_146 = arith.constant 0 : i32
      %dma_start3A_147 = tpu.memref_slice %arg9[%add3A_50, %dma_start3A_146] : memref<10000x64xf32, #tpu.memory_space<vmem_shared>> -> memref<104x64xf32, #tpu.memory_space<vmem_shared>>
      tpu.enqueue_dma source(%arg8 : memref<104x64xf32, #tpu.memory_space<vmem>>) target(%dma_start3A_147 : memref<104x64xf32, #tpu.memory_space<vmem_shared>>) target_semaphore(%run_scoped3A_143 : memref<!tpu.dma_semaphore, #tpu.memory_space<semaphore_mem>>)
      %dma_wait3A_148 = arith.constant 0 : i32
      %dma_wait3A_149 = tpu.memref_slice %arg9[%add3A_50, %dma_wait3A_148] : memref<10000x64xf32, #tpu.memory_space<vmem_shared>> -> memref<104x64xf32, #tpu.memory_space<vmem_shared>>
      %dma_wait3A_150 = arith.constant 0 : i32
      %dma_wait3A_151 = tpu.memref_slice %arg9[%add3A_50, %dma_wait3A_150] : memref<10000x64xf32, #tpu.memory_space<vmem_shared>> -> memref<104x64xf32, #tpu.memory_space<vmem_shared>>
      tpu.wait_dma2 semaphore(%run_scoped3A_143 : memref<!tpu.dma_semaphore, #tpu.memory_space<semaphore_mem>>) src(%arg8 : memref<104x64xf32, #tpu.memory_space<vmem>>) dst(%dma_wait3A_151 : memref<104x64xf32, #tpu.memory_space<vmem_shared>>)
      tpu.yield
    }) : () -> ()
    %add3A_51 = arith.constant 416 : i32
    %add3A_52 = arith.addi %multiple_of3A, %add3A_51 : i32
    "tpu.region"() ({
      %run_scoped3A_143 = tpu.sem_alloc : memref<!tpu.dma_semaphore, #tpu.memory_space<semaphore_mem>>
      %dma_start3A_144 = arith.constant 0 : i32
      %dma_start3A_145 = tpu.memref_slice %arg9[%add3A_52, %dma_start3A_144] : memref<10000x64xf32, #tpu.memory_space<vmem_shared>> -> memref<104x64xf32, #tpu.memory_space<vmem_shared>>
      %dma_start3A_146 = arith.constant 0 : i32
      %dma_start3A_147 = tpu.memref_slice %arg9[%add3A_52, %dma_start3A_146] : memref<10000x64xf32, #tpu.memory_space<vmem_shared>> -> memref<104x64xf32, #tpu.memory_space<vmem_shared>>
      tpu.enqueue_dma source(%arg8 : memref<104x64xf32, #tpu.memory_space<vmem>>) target(%dma_start3A_147 : memref<104x64xf32, #tpu.memory_space<vmem_shared>>) target_semaphore(%run_scoped3A_143 : memref<!tpu.dma_semaphore, #tpu.memory_space<semaphore_mem>>)
      %dma_wait3A_148 = arith.constant 0 : i32
      %dma_wait3A_149 = tpu.memref_slice %arg9[%add3A_52, %dma_wait3A_148] : memref<10000x64xf32, #tpu.memory_space<vmem_shared>> -> memref<104x64xf32, #tpu.memory_space<vmem_shared>>
      %dma_wait3A_150 = arith.constant 0 : i32
      %dma_wait3A_151 = tpu.memref_slice %arg9[%add3A_52, %dma_wait3A_150] : memref<10000x64xf32, #tpu.memory_space<vmem_shared>> -> memref<104x64xf32, #tpu.memory_space<vmem_shared>>
      tpu.wait_dma2 semaphore(%run_scoped3A_143 : memref<!tpu.dma_semaphore, #tpu.memory_space<semaphore_mem>>) src(%arg8 : memref<104x64xf32, #tpu.memory_space<vmem>>) dst(%dma_wait3A_151 : memref<104x64xf32, #tpu.memory_space<vmem_shared>>)
      tpu.yield
    }) : () -> ()
    %add3A_53 = arith.constant 520 : i32
    %add3A_54 = arith.addi %multiple_of3A, %add3A_53 : i32
    "tpu.region"() ({
      %run_scoped3A_143 = tpu.sem_alloc : memref<!tpu.dma_semaphore, #tpu.memory_space<semaphore_mem>>
      %dma_start3A_144 = arith.constant 0 : i32
      %dma_start3A_145 = tpu.memref_slice %arg9[%add3A_54, %dma_start3A_144] : memref<10000x64xf32, #tpu.memory_space<vmem_shared>> -> memref<104x64xf32, #tpu.memory_space<vmem_shared>>
      %dma_start3A_146 = arith.constant 0 : i32
      %dma_start3A_147 = tpu.memref_slice %arg9[%add3A_54, %dma_start3A_146] : memref<10000x64xf32, #tpu.memory_space<vmem_shared>> -> memref<104x64xf32, #tpu.memory_space<vmem_shared>>
      tpu.enqueue_dma source(%arg8 : memref<104x64xf32, #tpu.memory_space<vmem>>) target(%dma_start3A_147 : memref<104x64xf32, #tpu.memory_space<vmem_shared>>) target_semaphore(%run_scoped3A_143 : memref<!tpu.dma_semaphore, #tpu.memory_space<semaphore_mem>>)
      %dma_wait3A_148 = arith.constant 0 : i32
      %dma_wait3A_149 = tpu.memref_slice %arg9[%add3A_54, %dma_wait3A_148] : memref<10000x64xf32, #tpu.memory_space<vmem_shared>> -> memref<104x64xf32, #tpu.memory_space<vmem_shared>>
      %dma_wait3A_150 = arith.constant 0 : i32
      %dma_wait3A_151 = tpu.memref_slice %arg9[%add3A_54, %dma_wait3A_150] : memref<10000x64xf32, #tpu.memory_space<vmem_shared>> -> memref<104x64xf32, #tpu.memory_space<vmem_shared>>
      tpu.wait_dma2 semaphore(%run_scoped3A_143 : memref<!tpu.dma_semaphore, #tpu.memory_space<semaphore_mem>>) src(%arg8 : memref<104x64xf32, #tpu.memory_space<vmem>>) dst(%dma_wait3A_151 : memref<104x64xf32, #tpu.memory_space<vmem_shared>>)
      tpu.yield
    }) : () -> ()
    %eq3A = arith.constant 15 : i32
    %eq3A_55 = arith.cmpi eq, %arg1, %eq3A : i32
    %convert_element_type3A = arith.extui %eq3A_55 : i1 to i32
    %cond3A = arith.constant 0 : i32
    %cond3A_56 = arith.cmpi ne, %convert_element_type3A, %cond3A : i32
    scf.if %cond3A_56 {
      "tpu.region"() ({
        %run_scoped3A_143 = tpu.sem_alloc : memref<!tpu.dma_semaphore, #tpu.memory_space<semaphore_mem>>
        %dma_start3A_144 = arith.constant 0 : i32
        %dma_start3A_145 = arith.constant 0 : i32
        %dma_start3A_146 = tpu.memref_slice %arg8[%dma_start3A_144, %dma_start3A_145] : memref<104x64xf32, #tpu.memory_space<vmem>> -> memref<16x64xf32, #tpu.memory_space<vmem>>
        %dma_start3A_147 = arith.constant 9984 : i32
        %dma_start3A_148 = arith.constant 0 : i32
        %dma_start3A_149 = tpu.memref_slice %arg9[%dma_start3A_147, %dma_start3A_148] : memref<10000x64xf32, #tpu.memory_space<vmem_shared>> -> memref<16x64xf32, #tpu.memory_space<vmem_shared>>
        %dma_start3A_150 = arith.constant 9984 : i32
        %dma_start3A_151 = arith.constant 0 : i32
        %dma_start3A_152 = tpu.memref_slice %arg9[%dma_start3A_150, %dma_start3A_151] : memref<10000x64xf32, #tpu.memory_space<vmem_shared>> -> memref<16x64xf32, #tpu.memory_space<vmem_shared>>
        %dma_start3A_153 = arith.constant 0 : i32
        %dma_start3A_154 = arith.constant 0 : i32
        %dma_start3A_155 = tpu.memref_slice %arg8[%dma_start3A_153, %dma_start3A_154] : memref<104x64xf32, #tpu.memory_space<vmem>> -> memref<16x64xf32, #tpu.memory_space<vmem>>
        tpu.enqueue_dma source(%dma_start3A_155 : memref<16x64xf32, #tpu.memory_space<vmem>>) target(%dma_start3A_152 : memref<16x64xf32, #tpu.memory_space<vmem_shared>>) target_semaphore(%run_scoped3A_143 : memref<!tpu.dma_semaphore, #tpu.memory_space<semaphore_mem>>)
        %dma_wait3A_156 = arith.constant 0 : i32
        %dma_wait3A_157 = arith.constant 0 : i32
        %dma_wait3A_158 = tpu.memref_slice %arg8[%dma_wait3A_156, %dma_wait3A_157] : memref<104x64xf32, #tpu.memory_space<vmem>> -> memref<16x64xf32, #tpu.memory_space<vmem>>
        %dma_wait3A_159 = arith.constant 9984 : i32
        %dma_wait3A_160 = arith.constant 0 : i32
        %dma_wait3A_161 = tpu.memref_slice %arg9[%dma_wait3A_159, %dma_wait3A_160] : memref<10000x64xf32, #tpu.memory_space<vmem_shared>> -> memref<16x64xf32, #tpu.memory_space<vmem_shared>>
        %dma_wait3A_162 = arith.constant 9984 : i32
        %dma_wait3A_163 = arith.constant 0 : i32
        %dma_wait3A_164 = tpu.memref_slice %arg9[%dma_wait3A_162, %dma_wait3A_163] : memref<10000x64xf32, #tpu.memory_space<vmem_shared>> -> memref<16x64xf32, #tpu.memory_space<vmem_shared>>
        %dma_wait3A_165 = arith.constant 0 : i32
        %dma_wait3A_166 = arith.constant 0 : i32
        %dma_wait3A_167 = tpu.memref_slice %arg8[%dma_wait3A_165, %dma_wait3A_166] : memref<104x64xf32, #tpu.memory_space<vmem>> -> memref<16x64xf32, #tpu.memory_space<vmem>>
        tpu.wait_dma2 semaphore(%run_scoped3A_143 : memref<!tpu.dma_semaphore, #tpu.memory_space<semaphore_mem>>) src(%dma_wait3A_167 : memref<16x64xf32, #tpu.memory_space<vmem>>) dst(%dma_wait3A_164 : memref<16x64xf32, #tpu.memory_space<vmem_shared>>)
        tpu.yield
      }) : () -> ()
    } else {
    }
    %barrier3A = arith.constant 0 : index
    tpu.barrier barrier_id(%barrier3A)
    %scan3A_57 = arith.constant 0 : i32
    %scan3A_58 = arith.constant 0 : i32
    %scan3A_59 = arith.constant 50 : i32
    %scan3A_60 = arith.addi %scan3A_58, %scan3A_59 : i32
    %scan3A_61 = arith.constant 1 : i32
    scf.for %scan3A_143 = %scan3A_58 to %scan3A_60 step %scan3A_61  : i32 {
      %mul3A_144 = arith.constant 5 : i32
      %mul3A_145 = arith.muli %mul3A_144, %scan3A_143 : i32
      %add3A_146 = arith.constant 0 : i32
      %add3A_147 = arith.addi %mul3A_145, %add3A_146 : i32
      %add3A_148 = arith.constant 2 : i32
      %add3A_149 = arith.addi %add3A_147, %add3A_148 : i32
      %lt3A = arith.constant 250 : i32
      %lt3A_150 = arith.cmpi slt, %add3A_149, %lt3A : i32
      %ge3A = arith.constant 3 : i32
      %ge3A_151 = arith.cmpi sge, %add3A_147, %ge3A : i32
      %and3A = arith.andi %lt3A_150, %ge3A_151 : i1
      %convert_element_type3A_152 = arith.extui %and3A : i1 to i32
      %cond3A_153 = arith.constant 0 : i32
      %cond3A_154 = arith.cmpi ne, %convert_element_type3A_152, %cond3A_153 : i32
      scf.if %cond3A_154 {
        %sub3A = arith.constant 3 : i32
        %sub3A_398 = arith.subi %add3A_147, %sub3A : i32
        %dma_wait3A_399 = arith.constant 2 : i32
        %dma_wait3A_400 = arith.constant 2 : i32
        %dma_wait3A_401 = arith.constant 0 : i32
        %dma_wait3A_402 = arith.constant 0 : i32
        %dma_wait3A_403 = tpu.memref_slice %arg7[%dma_wait3A_399, %dma_wait3A_401, %dma_wait3A_402] : memref<5x80x64xf32, #tpu.memory_space<vmem>> -> memref<1x80x64xf32, #tpu.memory_space<vmem>>
        %dma_wait3A_404 = tpu.memref_squeeze %dma_wait3A_403 : memref<1x80x64xf32, #tpu.memory_space<vmem>> -> memref<80x64xf32, #tpu.memory_space<vmem>>
        %dma_wait3A_405 = arith.constant 0 : i32
        %dma_wait3A_406 = tpu.memref_slice %arg6[%sub3A_398, %dma_wait3A_405] : memref<250x80xi32, #tpu.memory_space<vmem>> -> memref<1x80xi32, #tpu.memory_space<vmem>>
        %dma_wait3A_407 = tpu.memref_squeeze %dma_wait3A_406 : memref<1x80xi32, #tpu.memory_space<vmem>> -> memref<80xi32, #tpu.memory_space<vmem>>
        %dma_wait3A_408 = arith.constant 0 : i32
        %dma_wait3A_409 = arith.constant 0 : i32
        %dma_wait3A_410 = tpu.memref_slice %arg9[%dma_wait3A_408, %dma_wait3A_409] : memref<10000x64xf32, #tpu.memory_space<vmem_shared>> -> memref<10000x64xf32, #tpu.memory_space<vmem_shared>>
        %dma_wait3A_411 = tpu.memref_slice %arg11[%dma_wait3A_400] : memref<5x!tpu.dma_semaphore, #tpu.memory_space<semaphore_mem>> -> memref<1x!tpu.dma_semaphore, #tpu.memory_space<semaphore_mem>>
        %dma_wait3A_412 = tpu.memref_squeeze %dma_wait3A_411 : memref<1x!tpu.dma_semaphore, #tpu.memory_space<semaphore_mem>> -> memref<!tpu.dma_semaphore, #tpu.memory_space<semaphore_mem>>
        tpu.wait_indirect_dma semaphore(%dma_wait3A_412 : memref<!tpu.dma_semaphore, #tpu.memory_space<semaphore_mem>>) src(%dma_wait3A_404 : memref<80x64xf32, #tpu.memory_space<vmem>>) dst(%dma_wait3A_410 : memref<10000x64xf32, #tpu.memory_space<vmem_shared>>)
      } else {
      }
      %add3A_155 = arith.constant 2 : i32
      %add3A_156 = arith.addi %add3A_147, %add3A_155 : i32
      %lt3A_157 = arith.constant 250 : i32
      %lt3A_158 = arith.cmpi slt, %add3A_156, %lt3A_157 : i32
      %convert_element_type3A_159 = arith.extui %lt3A_158 : i1 to i32
      %cond3A_160 = arith.constant 0 : i32
      %cond3A_161 = arith.cmpi ne, %convert_element_type3A_159, %cond3A_160 : i32
      scf.if %cond3A_161 {
        %add3A_398 = arith.constant 2 : i32
        %add3A_399 = arith.addi %add3A_147, %add3A_398 : i32
        %dma_start3A_400 = arith.constant 2 : i32
        %dma_start3A_401 = arith.constant 2 : i32
        %dma_start3A_402 = arith.constant 0 : i32
        %dma_start3A_403 = arith.constant 0 : i32
        %dma_start3A_404 = tpu.memref_slice %arg7[%dma_start3A_400, %dma_start3A_402, %dma_start3A_403] : memref<5x80x64xf32, #tpu.memory_space<vmem>> -> memref<1x80x64xf32, #tpu.memory_space<vmem>>
        %dma_start3A_405 = tpu.memref_squeeze %dma_start3A_404 : memref<1x80x64xf32, #tpu.memory_space<vmem>> -> memref<80x64xf32, #tpu.memory_space<vmem>>
        %dma_start3A_406 = arith.constant 0 : i32
        %dma_start3A_407 = tpu.memref_slice %arg5[%add3A_399, %dma_start3A_406] : memref<250x80xi32, #tpu.memory_space<vmem>> -> memref<1x80xi32, #tpu.memory_space<vmem>>
        %dma_start3A_408 = tpu.memref_squeeze %dma_start3A_407 : memref<1x80xi32, #tpu.memory_space<vmem>> -> memref<80xi32, #tpu.memory_space<vmem>>
        %dma_start3A_409 = arith.constant 0 : i32
        %dma_start3A_410 = arith.constant 0 : i32
        %dma_start3A_411 = tpu.memref_slice %arg2[%arg0, %dma_start3A_409, %dma_start3A_410] : memref<2x10000x64xf32, #tpu.memory_space<hbm>> -> memref<1x10000x64xf32, #tpu.memory_space<hbm>>
        %dma_start3A_412 = tpu.memref_squeeze %dma_start3A_411 : memref<1x10000x64xf32, #tpu.memory_space<hbm>> -> memref<10000x64xf32, #tpu.memory_space<hbm>>
        %dma_start3A_413 = arith.constant 0 : i32
        %dma_start3A_414 = arith.constant 0 : i32
        %dma_start3A_415 = tpu.memref_slice %dma_start3A_412[%dma_start3A_413, %dma_start3A_414] : memref<10000x64xf32, #tpu.memory_space<hbm>> -> memref<10000x64xf32, #tpu.memory_space<hbm>>
        %dma_start3A_416 = tpu.memref_slice %arg10[%dma_start3A_401] : memref<5x!tpu.dma_semaphore, #tpu.memory_space<semaphore_mem>> -> memref<1x!tpu.dma_semaphore, #tpu.memory_space<semaphore_mem>>
        %dma_start3A_417 = tpu.memref_squeeze %dma_start3A_416 : memref<1x!tpu.dma_semaphore, #tpu.memory_space<semaphore_mem>> -> memref<!tpu.dma_semaphore, #tpu.memory_space<semaphore_mem>>
        tpu.enqueue_indirect_dma source(%dma_start3A_415 : memref<10000x64xf32, #tpu.memory_space<hbm>>) target(%dma_start3A_405 : memref<80x64xf32, #tpu.memory_space<vmem>>) offsets(%dma_start3A_408 : memref<80xi32, #tpu.memory_space<vmem>>) semaphore(%dma_start3A_417 : memref<!tpu.dma_semaphore, #tpu.memory_space<semaphore_mem>>)
      } else {
      }
      %dma_wait3A_162 = arith.constant 0 : i32
      %dma_wait3A_163 = arith.constant 0 : i32
      %dma_wait3A_164 = arith.constant 0 : i32
      %dma_wait3A_165 = arith.constant 0 : i32
      %dma_wait3A_166 = tpu.memref_slice %arg7[%dma_wait3A_162, %dma_wait3A_164, %dma_wait3A_165] : memref<5x80x64xf32, #tpu.memory_space<vmem>> -> memref<1x80x64xf32, #tpu.memory_space<vmem>>
      %dma_wait3A_167 = tpu.memref_squeeze %dma_wait3A_166 : memref<1x80x64xf32, #tpu.memory_space<vmem>> -> memref<80x64xf32, #tpu.memory_space<vmem>>
      %dma_wait3A_168 = arith.constant 0 : i32
      %dma_wait3A_169 = tpu.memref_slice %arg5[%add3A_147, %dma_wait3A_168] : memref<250x80xi32, #tpu.memory_space<vmem>> -> memref<1x80xi32, #tpu.memory_space<vmem>>
      %dma_wait3A_170 = tpu.memref_squeeze %dma_wait3A_169 : memref<1x80xi32, #tpu.memory_space<vmem>> -> memref<80xi32, #tpu.memory_space<vmem>>
      %dma_wait3A_171 = arith.constant 0 : i32
      %dma_wait3A_172 = arith.constant 0 : i32
      %dma_wait3A_173 = tpu.memref_slice %arg2[%arg0, %dma_wait3A_171, %dma_wait3A_172] : memref<2x10000x64xf32, #tpu.memory_space<hbm>> -> memref<1x10000x64xf32, #tpu.memory_space<hbm>>
      %dma_wait3A_174 = tpu.memref_squeeze %dma_wait3A_173 : memref<1x10000x64xf32, #tpu.memory_space<hbm>> -> memref<10000x64xf32, #tpu.memory_space<hbm>>
      %dma_wait3A_175 = arith.constant 0 : i32
      %dma_wait3A_176 = arith.constant 0 : i32
      %dma_wait3A_177 = tpu.memref_slice %dma_wait3A_174[%dma_wait3A_175, %dma_wait3A_176] : memref<10000x64xf32, #tpu.memory_space<hbm>> -> memref<10000x64xf32, #tpu.memory_space<hbm>>
      %dma_wait3A_178 = tpu.memref_slice %arg10[%dma_wait3A_163] : memref<5x!tpu.dma_semaphore, #tpu.memory_space<semaphore_mem>> -> memref<1x!tpu.dma_semaphore, #tpu.memory_space<semaphore_mem>>
      %dma_wait3A_179 = tpu.memref_squeeze %dma_wait3A_178 : memref<1x!tpu.dma_semaphore, #tpu.memory_space<semaphore_mem>> -> memref<!tpu.dma_semaphore, #tpu.memory_space<semaphore_mem>>
      tpu.wait_indirect_dma semaphore(%dma_wait3A_179 : memref<!tpu.dma_semaphore, #tpu.memory_space<semaphore_mem>>) src(%dma_wait3A_177 : memref<10000x64xf32, #tpu.memory_space<hbm>>) dst(%dma_wait3A_167 : memref<80x64xf32, #tpu.memory_space<vmem>>)
      %dma_start3A_180 = arith.constant 0 : i32
      %dma_start3A_181 = arith.constant 0 : i32
      %dma_start3A_182 = arith.constant 0 : i32
      %dma_start3A_183 = arith.constant 0 : i32
      %dma_start3A_184 = tpu.memref_slice %arg7[%dma_start3A_180, %dma_start3A_182, %dma_start3A_183] : memref<5x80x64xf32, #tpu.memory_space<vmem>> -> memref<1x80x64xf32, #tpu.memory_space<vmem>>
      %dma_start3A_185 = tpu.memref_squeeze %dma_start3A_184 : memref<1x80x64xf32, #tpu.memory_space<vmem>> -> memref<80x64xf32, #tpu.memory_space<vmem>>
      %dma_start3A_186 = arith.constant 0 : i32
      %dma_start3A_187 = tpu.memref_slice %arg6[%add3A_147, %dma_start3A_186] : memref<250x80xi32, #tpu.memory_space<vmem>> -> memref<1x80xi32, #tpu.memory_space<vmem>>
      %dma_start3A_188 = tpu.memref_squeeze %dma_start3A_187 : memref<1x80xi32, #tpu.memory_space<vmem>> -> memref<80xi32, #tpu.memory_space<vmem>>
      %dma_start3A_189 = arith.constant 0 : i32
      %dma_start3A_190 = arith.constant 0 : i32
      %dma_start3A_191 = tpu.memref_slice %arg9[%dma_start3A_189, %dma_start3A_190] : memref<10000x64xf32, #tpu.memory_space<vmem_shared>> -> memref<10000x64xf32, #tpu.memory_space<vmem_shared>>
      %dma_start3A_192 = tpu.memref_slice %arg11[%dma_start3A_181] : memref<5x!tpu.dma_semaphore, #tpu.memory_space<semaphore_mem>> -> memref<1x!tpu.dma_semaphore, #tpu.memory_space<semaphore_mem>>
      %dma_start3A_193 = tpu.memref_squeeze %dma_start3A_192 : memref<1x!tpu.dma_semaphore, #tpu.memory_space<semaphore_mem>> -> memref<!tpu.dma_semaphore, #tpu.memory_space<semaphore_mem>>
      tpu.enqueue_indirect_dma source(%dma_start3A_185 : memref<80x64xf32, #tpu.memory_space<vmem>>) target(%dma_start3A_191 : memref<10000x64xf32, #tpu.memory_space<vmem_shared>>) offsets(%dma_start3A_188 : memref<80xi32, #tpu.memory_space<vmem>>) semaphore(%dma_start3A_193 : memref<!tpu.dma_semaphore, #tpu.memory_space<semaphore_mem>>) {add = true}
      %add3A_194 = arith.constant 1 : i32
      %add3A_195 = arith.addi %mul3A_145, %add3A_194 : i32
      %add3A_196 = arith.constant 2 : i32
      %add3A_197 = arith.addi %add3A_195, %add3A_196 : i32
      %lt3A_198 = arith.constant 250 : i32
      %lt3A_199 = arith.cmpi slt, %add3A_197, %lt3A_198 : i32
      %ge3A_200 = arith.constant 3 : i32
      %ge3A_201 = arith.cmpi sge, %add3A_195, %ge3A_200 : i32
      %and3A_202 = arith.andi %lt3A_199, %ge3A_201 : i1
      %convert_element_type3A_203 = arith.extui %and3A_202 : i1 to i32
      %cond3A_204 = arith.constant 0 : i32
      %cond3A_205 = arith.cmpi ne, %convert_element_type3A_203, %cond3A_204 : i32
      scf.if %cond3A_205 {
        %sub3A = arith.constant 3 : i32
        %sub3A_398 = arith.subi %add3A_195, %sub3A : i32
        %dma_wait3A_399 = arith.constant 3 : i32
        %dma_wait3A_400 = arith.constant 3 : i32
        %dma_wait3A_401 = arith.constant 0 : i32
        %dma_wait3A_402 = arith.constant 0 : i32
        %dma_wait3A_403 = tpu.memref_slice %arg7[%dma_wait3A_399, %dma_wait3A_401, %dma_wait3A_402] : memref<5x80x64xf32, #tpu.memory_space<vmem>> -> memref<1x80x64xf32, #tpu.memory_space<vmem>>
        %dma_wait3A_404 = tpu.memref_squeeze %dma_wait3A_403 : memref<1x80x64xf32, #tpu.memory_space<vmem>> -> memref<80x64xf32, #tpu.memory_space<vmem>>
        %dma_wait3A_405 = arith.constant 0 : i32
        %dma_wait3A_406 = tpu.memref_slice %arg6[%sub3A_398, %dma_wait3A_405] : memref<250x80xi32, #tpu.memory_space<vmem>> -> memref<1x80xi32, #tpu.memory_space<vmem>>
        %dma_wait3A_407 = tpu.memref_squeeze %dma_wait3A_406 : memref<1x80xi32, #tpu.memory_space<vmem>> -> memref<80xi32, #tpu.memory_space<vmem>>
        %dma_wait3A_408 = arith.constant 0 : i32
        %dma_wait3A_409 = arith.constant 0 : i32
        %dma_wait3A_410 = tpu.memref_slice %arg9[%dma_wait3A_408, %dma_wait3A_409] : memref<10000x64xf32, #tpu.memory_space<vmem_shared>> -> memref<10000x64xf32, #tpu.memory_space<vmem_shared>>
        %dma_wait3A_411 = tpu.memref_slice %arg11[%dma_wait3A_400] : memref<5x!tpu.dma_semaphore, #tpu.memory_space<semaphore_mem>> -> memref<1x!tpu.dma_semaphore, #tpu.memory_space<semaphore_mem>>
        %dma_wait3A_412 = tpu.memref_squeeze %dma_wait3A_411 : memref<1x!tpu.dma_semaphore, #tpu.memory_space<semaphore_mem>> -> memref<!tpu.dma_semaphore, #tpu.memory_space<semaphore_mem>>
        tpu.wait_indirect_dma semaphore(%dma_wait3A_412 : memref<!tpu.dma_semaphore, #tpu.memory_space<semaphore_mem>>) src(%dma_wait3A_404 : memref<80x64xf32, #tpu.memory_space<vmem>>) dst(%dma_wait3A_410 : memref<10000x64xf32, #tpu.memory_space<vmem_shared>>)
      } else {
      }
      %add3A_206 = arith.constant 2 : i32
      %add3A_207 = arith.addi %add3A_195, %add3A_206 : i32
      %lt3A_208 = arith.constant 250 : i32
      %lt3A_209 = arith.cmpi slt, %add3A_207, %lt3A_208 : i32
      %convert_element_type3A_210 = arith.extui %lt3A_209 : i1 to i32
      %cond3A_211 = arith.constant 0 : i32
      %cond3A_212 = arith.cmpi ne, %convert_element_type3A_210, %cond3A_211 : i32
      scf.if %cond3A_212 {
        %add3A_398 = arith.constant 2 : i32
        %add3A_399 = arith.addi %add3A_195, %add3A_398 : i32
        %dma_start3A_400 = arith.constant 3 : i32
        %dma_start3A_401 = arith.constant 3 : i32
        %dma_start3A_402 = arith.constant 0 : i32
        %dma_start3A_403 = arith.constant 0 : i32
        %dma_start3A_404 = tpu.memref_slice %arg7[%dma_start3A_400, %dma_start3A_402, %dma_start3A_403] : memref<5x80x64xf32, #tpu.memory_space<vmem>> -> memref<1x80x64xf32, #tpu.memory_space<vmem>>
        %dma_start3A_405 = tpu.memref_squeeze %dma_start3A_404 : memref<1x80x64xf32, #tpu.memory_space<vmem>> -> memref<80x64xf32, #tpu.memory_space<vmem>>
        %dma_start3A_406 = arith.constant 0 : i32
        %dma_start3A_407 = tpu.memref_slice %arg5[%add3A_399, %dma_start3A_406] : memref<250x80xi32, #tpu.memory_space<vmem>> -> memref<1x80xi32, #tpu.memory_space<vmem>>
        %dma_start3A_408 = tpu.memref_squeeze %dma_start3A_407 : memref<1x80xi32, #tpu.memory_space<vmem>> -> memref<80xi32, #tpu.memory_space<vmem>>
        %dma_start3A_409 = arith.constant 0 : i32
        %dma_start3A_410 = arith.constant 0 : i32
        %dma_start3A_411 = tpu.memref_slice %arg2[%arg0, %dma_start3A_409, %dma_start3A_410] : memref<2x10000x64xf32, #tpu.memory_space<hbm>> -> memref<1x10000x64xf32, #tpu.memory_space<hbm>>
        %dma_start3A_412 = tpu.memref_squeeze %dma_start3A_411 : memref<1x10000x64xf32, #tpu.memory_space<hbm>> -> memref<10000x64xf32, #tpu.memory_space<hbm>>
        %dma_start3A_413 = arith.constant 0 : i32
        %dma_start3A_414 = arith.constant 0 : i32
        %dma_start3A_415 = tpu.memref_slice %dma_start3A_412[%dma_start3A_413, %dma_start3A_414] : memref<10000x64xf32, #tpu.memory_space<hbm>> -> memref<10000x64xf32, #tpu.memory_space<hbm>>
        %dma_start3A_416 = tpu.memref_slice %arg10[%dma_start3A_401] : memref<5x!tpu.dma_semaphore, #tpu.memory_space<semaphore_mem>> -> memref<1x!tpu.dma_semaphore, #tpu.memory_space<semaphore_mem>>
        %dma_start3A_417 = tpu.memref_squeeze %dma_start3A_416 : memref<1x!tpu.dma_semaphore, #tpu.memory_space<semaphore_mem>> -> memref<!tpu.dma_semaphore, #tpu.memory_space<semaphore_mem>>
        tpu.enqueue_indirect_dma source(%dma_start3A_415 : memref<10000x64xf32, #tpu.memory_space<hbm>>) target(%dma_start3A_405 : memref<80x64xf32, #tpu.memory_space<vmem>>) offsets(%dma_start3A_408 : memref<80xi32, #tpu.memory_space<vmem>>) semaphore(%dma_start3A_417 : memref<!tpu.dma_semaphore, #tpu.memory_space<semaphore_mem>>)
      } else {
      }
      %dma_wait3A_213 = arith.constant 1 : i32
      %dma_wait3A_214 = arith.constant 1 : i32
      %dma_wait3A_215 = arith.constant 0 : i32
      %dma_wait3A_216 = arith.constant 0 : i32
      %dma_wait3A_217 = tpu.memref_slice %arg7[%dma_wait3A_213, %dma_wait3A_215, %dma_wait3A_216] : memref<5x80x64xf32, #tpu.memory_space<vmem>> -> memref<1x80x64xf32, #tpu.memory_space<vmem>>
      %dma_wait3A_218 = tpu.memref_squeeze %dma_wait3A_217 : memref<1x80x64xf32, #tpu.memory_space<vmem>> -> memref<80x64xf32, #tpu.memory_space<vmem>>
      %dma_wait3A_219 = arith.constant 0 : i32
      %dma_wait3A_220 = tpu.memref_slice %arg5[%add3A_195, %dma_wait3A_219] : memref<250x80xi32, #tpu.memory_space<vmem>> -> memref<1x80xi32, #tpu.memory_space<vmem>>
      %dma_wait3A_221 = tpu.memref_squeeze %dma_wait3A_220 : memref<1x80xi32, #tpu.memory_space<vmem>> -> memref<80xi32, #tpu.memory_space<vmem>>
      %dma_wait3A_222 = arith.constant 0 : i32
      %dma_wait3A_223 = arith.constant 0 : i32
      %dma_wait3A_224 = tpu.memref_slice %arg2[%arg0, %dma_wait3A_222, %dma_wait3A_223] : memref<2x10000x64xf32, #tpu.memory_space<hbm>> -> memref<1x10000x64xf32, #tpu.memory_space<hbm>>
      %dma_wait3A_225 = tpu.memref_squeeze %dma_wait3A_224 : memref<1x10000x64xf32, #tpu.memory_space<hbm>> -> memref<10000x64xf32, #tpu.memory_space<hbm>>
      %dma_wait3A_226 = arith.constant 0 : i32
      %dma_wait3A_227 = arith.constant 0 : i32
      %dma_wait3A_228 = tpu.memref_slice %dma_wait3A_225[%dma_wait3A_226, %dma_wait3A_227] : memref<10000x64xf32, #tpu.memory_space<hbm>> -> memref<10000x64xf32, #tpu.memory_space<hbm>>
      %dma_wait3A_229 = tpu.memref_slice %arg10[%dma_wait3A_214] : memref<5x!tpu.dma_semaphore, #tpu.memory_space<semaphore_mem>> -> memref<1x!tpu.dma_semaphore, #tpu.memory_space<semaphore_mem>>
      %dma_wait3A_230 = tpu.memref_squeeze %dma_wait3A_229 : memref<1x!tpu.dma_semaphore, #tpu.memory_space<semaphore_mem>> -> memref<!tpu.dma_semaphore, #tpu.memory_space<semaphore_mem>>
      tpu.wait_indirect_dma semaphore(%dma_wait3A_230 : memref<!tpu.dma_semaphore, #tpu.memory_space<semaphore_mem>>) src(%dma_wait3A_228 : memref<10000x64xf32, #tpu.memory_space<hbm>>) dst(%dma_wait3A_218 : memref<80x64xf32, #tpu.memory_space<vmem>>)
      %dma_start3A_231 = arith.constant 1 : i32
      %dma_start3A_232 = arith.constant 1 : i32
      %dma_start3A_233 = arith.constant 0 : i32
      %dma_start3A_234 = arith.constant 0 : i32
      %dma_start3A_235 = tpu.memref_slice %arg7[%dma_start3A_231, %dma_start3A_233, %dma_start3A_234] : memref<5x80x64xf32, #tpu.memory_space<vmem>> -> memref<1x80x64xf32, #tpu.memory_space<vmem>>
      %dma_start3A_236 = tpu.memref_squeeze %dma_start3A_235 : memref<1x80x64xf32, #tpu.memory_space<vmem>> -> memref<80x64xf32, #tpu.memory_space<vmem>>
      %dma_start3A_237 = arith.constant 0 : i32
      %dma_start3A_238 = tpu.memref_slice %arg6[%add3A_195, %dma_start3A_237] : memref<250x80xi32, #tpu.memory_space<vmem>> -> memref<1x80xi32, #tpu.memory_space<vmem>>
      %dma_start3A_239 = tpu.memref_squeeze %dma_start3A_238 : memref<1x80xi32, #tpu.memory_space<vmem>> -> memref<80xi32, #tpu.memory_space<vmem>>
      %dma_start3A_240 = arith.constant 0 : i32
      %dma_start3A_241 = arith.constant 0 : i32
      %dma_start3A_242 = tpu.memref_slice %arg9[%dma_start3A_240, %dma_start3A_241] : memref<10000x64xf32, #tpu.memory_space<vmem_shared>> -> memref<10000x64xf32, #tpu.memory_space<vmem_shared>>
      %dma_start3A_243 = tpu.memref_slice %arg11[%dma_start3A_232] : memref<5x!tpu.dma_semaphore, #tpu.memory_space<semaphore_mem>> -> memref<1x!tpu.dma_semaphore, #tpu.memory_space<semaphore_mem>>
      %dma_start3A_244 = tpu.memref_squeeze %dma_start3A_243 : memref<1x!tpu.dma_semaphore, #tpu.memory_space<semaphore_mem>> -> memref<!tpu.dma_semaphore, #tpu.memory_space<semaphore_mem>>
      tpu.enqueue_indirect_dma source(%dma_start3A_236 : memref<80x64xf32, #tpu.memory_space<vmem>>) target(%dma_start3A_242 : memref<10000x64xf32, #tpu.memory_space<vmem_shared>>) offsets(%dma_start3A_239 : memref<80xi32, #tpu.memory_space<vmem>>) semaphore(%dma_start3A_244 : memref<!tpu.dma_semaphore, #tpu.memory_space<semaphore_mem>>) {add = true}
      %add3A_245 = arith.constant 2 : i32
      %add3A_246 = arith.addi %mul3A_145, %add3A_245 : i32
      %add3A_247 = arith.constant 2 : i32
      %add3A_248 = arith.addi %add3A_246, %add3A_247 : i32
      %lt3A_249 = arith.constant 250 : i32
      %lt3A_250 = arith.cmpi slt, %add3A_248, %lt3A_249 : i32
      %ge3A_251 = arith.constant 3 : i32
      %ge3A_252 = arith.cmpi sge, %add3A_246, %ge3A_251 : i32
      %and3A_253 = arith.andi %lt3A_250, %ge3A_252 : i1
      %convert_element_type3A_254 = arith.extui %and3A_253 : i1 to i32
      %cond3A_255 = arith.constant 0 : i32
      %cond3A_256 = arith.cmpi ne, %convert_element_type3A_254, %cond3A_255 : i32
      scf.if %cond3A_256 {
        %sub3A = arith.constant 3 : i32
        %sub3A_398 = arith.subi %add3A_246, %sub3A : i32
        %dma_wait3A_399 = arith.constant 4 : i32
        %dma_wait3A_400 = arith.constant 4 : i32
        %dma_wait3A_401 = arith.constant 0 : i32
        %dma_wait3A_402 = arith.constant 0 : i32
        %dma_wait3A_403 = tpu.memref_slice %arg7[%dma_wait3A_399, %dma_wait3A_401, %dma_wait3A_402] : memref<5x80x64xf32, #tpu.memory_space<vmem>> -> memref<1x80x64xf32, #tpu.memory_space<vmem>>
        %dma_wait3A_404 = tpu.memref_squeeze %dma_wait3A_403 : memref<1x80x64xf32, #tpu.memory_space<vmem>> -> memref<80x64xf32, #tpu.memory_space<vmem>>
        %dma_wait3A_405 = arith.constant 0 : i32
        %dma_wait3A_406 = tpu.memref_slice %arg6[%sub3A_398, %dma_wait3A_405] : memref<250x80xi32, #tpu.memory_space<vmem>> -> memref<1x80xi32, #tpu.memory_space<vmem>>
        %dma_wait3A_407 = tpu.memref_squeeze %dma_wait3A_406 : memref<1x80xi32, #tpu.memory_space<vmem>> -> memref<80xi32, #tpu.memory_space<vmem>>
        %dma_wait3A_408 = arith.constant 0 : i32
        %dma_wait3A_409 = arith.constant 0 : i32
        %dma_wait3A_410 = tpu.memref_slice %arg9[%dma_wait3A_408, %dma_wait3A_409] : memref<10000x64xf32, #tpu.memory_space<vmem_shared>> -> memref<10000x64xf32, #tpu.memory_space<vmem_shared>>
        %dma_wait3A_411 = tpu.memref_slice %arg11[%dma_wait3A_400] : memref<5x!tpu.dma_semaphore, #tpu.memory_space<semaphore_mem>> -> memref<1x!tpu.dma_semaphore, #tpu.memory_space<semaphore_mem>>
        %dma_wait3A_412 = tpu.memref_squeeze %dma_wait3A_411 : memref<1x!tpu.dma_semaphore, #tpu.memory_space<semaphore_mem>> -> memref<!tpu.dma_semaphore, #tpu.memory_space<semaphore_mem>>
        tpu.wait_indirect_dma semaphore(%dma_wait3A_412 : memref<!tpu.dma_semaphore, #tpu.memory_space<semaphore_mem>>) src(%dma_wait3A_404 : memref<80x64xf32, #tpu.memory_space<vmem>>) dst(%dma_wait3A_410 : memref<10000x64xf32, #tpu.memory_space<vmem_shared>>)
      } else {
      }
      %add3A_257 = arith.constant 2 : i32
      %add3A_258 = arith.addi %add3A_246, %add3A_257 : i32
      %lt3A_259 = arith.constant 250 : i32
      %lt3A_260 = arith.cmpi slt, %add3A_258, %lt3A_259 : i32
      %convert_element_type3A_261 = arith.extui %lt3A_260 : i1 to i32
      %cond3A_262 = arith.constant 0 : i32
      %cond3A_263 = arith.cmpi ne, %convert_element_type3A_261, %cond3A_262 : i32
      scf.if %cond3A_263 {
        %add3A_398 = arith.constant 2 : i32
        %add3A_399 = arith.addi %add3A_246, %add3A_398 : i32
        %dma_start3A_400 = arith.constant 4 : i32
        %dma_start3A_401 = arith.constant 4 : i32
        %dma_start3A_402 = arith.constant 0 : i32
        %dma_start3A_403 = arith.constant 0 : i32
        %dma_start3A_404 = tpu.memref_slice %arg7[%dma_start3A_400, %dma_start3A_402, %dma_start3A_403] : memref<5x80x64xf32, #tpu.memory_space<vmem>> -> memref<1x80x64xf32, #tpu.memory_space<vmem>>
        %dma_start3A_405 = tpu.memref_squeeze %dma_start3A_404 : memref<1x80x64xf32, #tpu.memory_space<vmem>> -> memref<80x64xf32, #tpu.memory_space<vmem>>
        %dma_start3A_406 = arith.constant 0 : i32
        %dma_start3A_407 = tpu.memref_slice %arg5[%add3A_399, %dma_start3A_406] : memref<250x80xi32, #tpu.memory_space<vmem>> -> memref<1x80xi32, #tpu.memory_space<vmem>>
        %dma_start3A_408 = tpu.memref_squeeze %dma_start3A_407 : memref<1x80xi32, #tpu.memory_space<vmem>> -> memref<80xi32, #tpu.memory_space<vmem>>
        %dma_start3A_409 = arith.constant 0 : i32
        %dma_start3A_410 = arith.constant 0 : i32
        %dma_start3A_411 = tpu.memref_slice %arg2[%arg0, %dma_start3A_409, %dma_start3A_410] : memref<2x10000x64xf32, #tpu.memory_space<hbm>> -> memref<1x10000x64xf32, #tpu.memory_space<hbm>>
        %dma_start3A_412 = tpu.memref_squeeze %dma_start3A_411 : memref<1x10000x64xf32, #tpu.memory_space<hbm>> -> memref<10000x64xf32, #tpu.memory_space<hbm>>
        %dma_start3A_413 = arith.constant 0 : i32
        %dma_start3A_414 = arith.constant 0 : i32
        %dma_start3A_415 = tpu.memref_slice %dma_start3A_412[%dma_start3A_413, %dma_start3A_414] : memref<10000x64xf32, #tpu.memory_space<hbm>> -> memref<10000x64xf32, #tpu.memory_space<hbm>>
        %dma_start3A_416 = tpu.memref_slice %arg10[%dma_start3A_401] : memref<5x!tpu.dma_semaphore, #tpu.memory_space<semaphore_mem>> -> memref<1x!tpu.dma_semaphore, #tpu.memory_space<semaphore_mem>>
        %dma_start3A_417 = tpu.memref_squeeze %dma_start3A_416 : memref<1x!tpu.dma_semaphore, #tpu.memory_space<semaphore_mem>> -> memref<!tpu.dma_semaphore, #tpu.memory_space<semaphore_mem>>
        tpu.enqueue_indirect_dma source(%dma_start3A_415 : memref<10000x64xf32, #tpu.memory_space<hbm>>) target(%dma_start3A_405 : memref<80x64xf32, #tpu.memory_space<vmem>>) offsets(%dma_start3A_408 : memref<80xi32, #tpu.memory_space<vmem>>) semaphore(%dma_start3A_417 : memref<!tpu.dma_semaphore, #tpu.memory_space<semaphore_mem>>)
      } else {
      }
      %dma_wait3A_264 = arith.constant 2 : i32
      %dma_wait3A_265 = arith.constant 2 : i32
      %dma_wait3A_266 = arith.constant 0 : i32
      %dma_wait3A_267 = arith.constant 0 : i32
      %dma_wait3A_268 = tpu.memref_slice %arg7[%dma_wait3A_264, %dma_wait3A_266, %dma_wait3A_267] : memref<5x80x64xf32, #tpu.memory_space<vmem>> -> memref<1x80x64xf32, #tpu.memory_space<vmem>>
      %dma_wait3A_269 = tpu.memref_squeeze %dma_wait3A_268 : memref<1x80x64xf32, #tpu.memory_space<vmem>> -> memref<80x64xf32, #tpu.memory_space<vmem>>
      %dma_wait3A_270 = arith.constant 0 : i32
      %dma_wait3A_271 = tpu.memref_slice %arg5[%add3A_246, %dma_wait3A_270] : memref<250x80xi32, #tpu.memory_space<vmem>> -> memref<1x80xi32, #tpu.memory_space<vmem>>
      %dma_wait3A_272 = tpu.memref_squeeze %dma_wait3A_271 : memref<1x80xi32, #tpu.memory_space<vmem>> -> memref<80xi32, #tpu.memory_space<vmem>>
      %dma_wait3A_273 = arith.constant 0 : i32
      %dma_wait3A_274 = arith.constant 0 : i32
      %dma_wait3A_275 = tpu.memref_slice %arg2[%arg0, %dma_wait3A_273, %dma_wait3A_274] : memref<2x10000x64xf32, #tpu.memory_space<hbm>> -> memref<1x10000x64xf32, #tpu.memory_space<hbm>>
      %dma_wait3A_276 = tpu.memref_squeeze %dma_wait3A_275 : memref<1x10000x64xf32, #tpu.memory_space<hbm>> -> memref<10000x64xf32, #tpu.memory_space<hbm>>
      %dma_wait3A_277 = arith.constant 0 : i32
      %dma_wait3A_278 = arith.constant 0 : i32
      %dma_wait3A_279 = tpu.memref_slice %dma_wait3A_276[%dma_wait3A_277, %dma_wait3A_278] : memref<10000x64xf32, #tpu.memory_space<hbm>> -> memref<10000x64xf32, #tpu.memory_space<hbm>>
      %dma_wait3A_280 = tpu.memref_slice %arg10[%dma_wait3A_265] : memref<5x!tpu.dma_semaphore, #tpu.memory_space<semaphore_mem>> -> memref<1x!tpu.dma_semaphore, #tpu.memory_space<semaphore_mem>>
      %dma_wait3A_281 = tpu.memref_squeeze %dma_wait3A_280 : memref<1x!tpu.dma_semaphore, #tpu.memory_space<semaphore_mem>> -> memref<!tpu.dma_semaphore, #tpu.memory_space<semaphore_mem>>
      tpu.wait_indirect_dma semaphore(%dma_wait3A_281 : memref<!tpu.dma_semaphore, #tpu.memory_space<semaphore_mem>>) src(%dma_wait3A_279 : memref<10000x64xf32, #tpu.memory_space<hbm>>) dst(%dma_wait3A_269 : memref<80x64xf32, #tpu.memory_space<vmem>>)
      %dma_start3A_282 = arith.constant 2 : i32
      %dma_start3A_283 = arith.constant 2 : i32
      %dma_start3A_284 = arith.constant 0 : i32
      %dma_start3A_285 = arith.constant 0 : i32
      %dma_start3A_286 = tpu.memref_slice %arg7[%dma_start3A_282, %dma_start3A_284, %dma_start3A_285] : memref<5x80x64xf32, #tpu.memory_space<vmem>> -> memref<1x80x64xf32, #tpu.memory_space<vmem>>
      %dma_start3A_287 = tpu.memref_squeeze %dma_start3A_286 : memref<1x80x64xf32, #tpu.memory_space<vmem>> -> memref<80x64xf32, #tpu.memory_space<vmem>>
      %dma_start3A_288 = arith.constant 0 : i32
      %dma_start3A_289 = tpu.memref_slice %arg6[%add3A_246, %dma_start3A_288] : memref<250x80xi32, #tpu.memory_space<vmem>> -> memref<1x80xi32, #tpu.memory_space<vmem>>
      %dma_start3A_290 = tpu.memref_squeeze %dma_start3A_289 : memref<1x80xi32, #tpu.memory_space<vmem>> -> memref<80xi32, #tpu.memory_space<vmem>>
      %dma_start3A_291 = arith.constant 0 : i32
      %dma_start3A_292 = arith.constant 0 : i32
      %dma_start3A_293 = tpu.memref_slice %arg9[%dma_start3A_291, %dma_start3A_292] : memref<10000x64xf32, #tpu.memory_space<vmem_shared>> -> memref<10000x64xf32, #tpu.memory_space<vmem_shared>>
      %dma_start3A_294 = tpu.memref_slice %arg11[%dma_start3A_283] : memref<5x!tpu.dma_semaphore, #tpu.memory_space<semaphore_mem>> -> memref<1x!tpu.dma_semaphore, #tpu.memory_space<semaphore_mem>>
      %dma_start3A_295 = tpu.memref_squeeze %dma_start3A_294 : memref<1x!tpu.dma_semaphore, #tpu.memory_space<semaphore_mem>> -> memref<!tpu.dma_semaphore, #tpu.memory_space<semaphore_mem>>
      tpu.enqueue_indirect_dma source(%dma_start3A_287 : memref<80x64xf32, #tpu.memory_space<vmem>>) target(%dma_start3A_293 : memref<10000x64xf32, #tpu.memory_space<vmem_shared>>) offsets(%dma_start3A_290 : memref<80xi32, #tpu.memory_space<vmem>>) semaphore(%dma_start3A_295 : memref<!tpu.dma_semaphore, #tpu.memory_space<semaphore_mem>>) {add = true}
      %add3A_296 = arith.constant 3 : i32
      %add3A_297 = arith.addi %mul3A_145, %add3A_296 : i32
      %add3A_298 = arith.constant 2 : i32
      %add3A_299 = arith.addi %add3A_297, %add3A_298 : i32
      %lt3A_300 = arith.constant 250 : i32
      %lt3A_301 = arith.cmpi slt, %add3A_299, %lt3A_300 : i32
      %ge3A_302 = arith.constant 3 : i32
      %ge3A_303 = arith.cmpi sge, %add3A_297, %ge3A_302 : i32
      %and3A_304 = arith.andi %lt3A_301, %ge3A_303 : i1
      %convert_element_type3A_305 = arith.extui %and3A_304 : i1 to i32
      %cond3A_306 = arith.constant 0 : i32
      %cond3A_307 = arith.cmpi ne, %convert_element_type3A_305, %cond3A_306 : i32
      scf.if %cond3A_307 {
        %sub3A = arith.constant 3 : i32
        %sub3A_398 = arith.subi %add3A_297, %sub3A : i32
        %dma_wait3A_399 = arith.constant 0 : i32
        %dma_wait3A_400 = arith.constant 0 : i32
        %dma_wait3A_401 = arith.constant 0 : i32
        %dma_wait3A_402 = arith.constant 0 : i32
        %dma_wait3A_403 = tpu.memref_slice %arg7[%dma_wait3A_399, %dma_wait3A_401, %dma_wait3A_402] : memref<5x80x64xf32, #tpu.memory_space<vmem>> -> memref<1x80x64xf32, #tpu.memory_space<vmem>>
        %dma_wait3A_404 = tpu.memref_squeeze %dma_wait3A_403 : memref<1x80x64xf32, #tpu.memory_space<vmem>> -> memref<80x64xf32, #tpu.memory_space<vmem>>
        %dma_wait3A_405 = arith.constant 0 : i32
        %dma_wait3A_406 = tpu.memref_slice %arg6[%sub3A_398, %dma_wait3A_405] : memref<250x80xi32, #tpu.memory_space<vmem>> -> memref<1x80xi32, #tpu.memory_space<vmem>>
        %dma_wait3A_407 = tpu.memref_squeeze %dma_wait3A_406 : memref<1x80xi32, #tpu.memory_space<vmem>> -> memref<80xi32, #tpu.memory_space<vmem>>
        %dma_wait3A_408 = arith.constant 0 : i32
        %dma_wait3A_409 = arith.constant 0 : i32
        %dma_wait3A_410 = tpu.memref_slice %arg9[%dma_wait3A_408, %dma_wait3A_409] : memref<10000x64xf32, #tpu.memory_space<vmem_shared>> -> memref<10000x64xf32, #tpu.memory_space<vmem_shared>>
        %dma_wait3A_411 = tpu.memref_slice %arg11[%dma_wait3A_400] : memref<5x!tpu.dma_semaphore, #tpu.memory_space<semaphore_mem>> -> memref<1x!tpu.dma_semaphore, #tpu.memory_space<semaphore_mem>>
        %dma_wait3A_412 = tpu.memref_squeeze %dma_wait3A_411 : memref<1x!tpu.dma_semaphore, #tpu.memory_space<semaphore_mem>> -> memref<!tpu.dma_semaphore, #tpu.memory_space<semaphore_mem>>
        tpu.wait_indirect_dma semaphore(%dma_wait3A_412 : memref<!tpu.dma_semaphore, #tpu.memory_space<semaphore_mem>>) src(%dma_wait3A_404 : memref<80x64xf32, #tpu.memory_space<vmem>>) dst(%dma_wait3A_410 : memref<10000x64xf32, #tpu.memory_space<vmem_shared>>)
      } else {
      }
      %add3A_308 = arith.constant 2 : i32
      %add3A_309 = arith.addi %add3A_297, %add3A_308 : i32
      %lt3A_310 = arith.constant 250 : i32
      %lt3A_311 = arith.cmpi slt, %add3A_309, %lt3A_310 : i32
      %convert_element_type3A_312 = arith.extui %lt3A_311 : i1 to i32
      %cond3A_313 = arith.constant 0 : i32
      %cond3A_314 = arith.cmpi ne, %convert_element_type3A_312, %cond3A_313 : i32
      scf.if %cond3A_314 {
        %add3A_398 = arith.constant 2 : i32
        %add3A_399 = arith.addi %add3A_297, %add3A_398 : i32
        %dma_start3A_400 = arith.constant 0 : i32
        %dma_start3A_401 = arith.constant 0 : i32
        %dma_start3A_402 = arith.constant 0 : i32
        %dma_start3A_403 = arith.constant 0 : i32
        %dma_start3A_404 = tpu.memref_slice %arg7[%dma_start3A_400, %dma_start3A_402, %dma_start3A_403] : memref<5x80x64xf32, #tpu.memory_space<vmem>> -> memref<1x80x64xf32, #tpu.memory_space<vmem>>
        %dma_start3A_405 = tpu.memref_squeeze %dma_start3A_404 : memref<1x80x64xf32, #tpu.memory_space<vmem>> -> memref<80x64xf32, #tpu.memory_space<vmem>>
        %dma_start3A_406 = arith.constant 0 : i32
        %dma_start3A_407 = tpu.memref_slice %arg5[%add3A_399, %dma_start3A_406] : memref<250x80xi32, #tpu.memory_space<vmem>> -> memref<1x80xi32, #tpu.memory_space<vmem>>
        %dma_start3A_408 = tpu.memref_squeeze %dma_start3A_407 : memref<1x80xi32, #tpu.memory_space<vmem>> -> memref<80xi32, #tpu.memory_space<vmem>>
        %dma_start3A_409 = arith.constant 0 : i32
        %dma_start3A_410 = arith.constant 0 : i32
        %dma_start3A_411 = tpu.memref_slice %arg2[%arg0, %dma_start3A_409, %dma_start3A_410] : memref<2x10000x64xf32, #tpu.memory_space<hbm>> -> memref<1x10000x64xf32, #tpu.memory_space<hbm>>
        %dma_start3A_412 = tpu.memref_squeeze %dma_start3A_411 : memref<1x10000x64xf32, #tpu.memory_space<hbm>> -> memref<10000x64xf32, #tpu.memory_space<hbm>>
        %dma_start3A_413 = arith.constant 0 : i32
        %dma_start3A_414 = arith.constant 0 : i32
        %dma_start3A_415 = tpu.memref_slice %dma_start3A_412[%dma_start3A_413, %dma_start3A_414] : memref<10000x64xf32, #tpu.memory_space<hbm>> -> memref<10000x64xf32, #tpu.memory_space<hbm>>
        %dma_start3A_416 = tpu.memref_slice %arg10[%dma_start3A_401] : memref<5x!tpu.dma_semaphore, #tpu.memory_space<semaphore_mem>> -> memref<1x!tpu.dma_semaphore, #tpu.memory_space<semaphore_mem>>
        %dma_start3A_417 = tpu.memref_squeeze %dma_start3A_416 : memref<1x!tpu.dma_semaphore, #tpu.memory_space<semaphore_mem>> -> memref<!tpu.dma_semaphore, #tpu.memory_space<semaphore_mem>>
        tpu.enqueue_indirect_dma source(%dma_start3A_415 : memref<10000x64xf32, #tpu.memory_space<hbm>>) target(%dma_start3A_405 : memref<80x64xf32, #tpu.memory_space<vmem>>) offsets(%dma_start3A_408 : memref<80xi32, #tpu.memory_space<vmem>>) semaphore(%dma_start3A_417 : memref<!tpu.dma_semaphore, #tpu.memory_space<semaphore_mem>>)
      } else {
      }
      %dma_wait3A_315 = arith.constant 3 : i32
      %dma_wait3A_316 = arith.constant 3 : i32
      %dma_wait3A_317 = arith.constant 0 : i32
      %dma_wait3A_318 = arith.constant 0 : i32
      %dma_wait3A_319 = tpu.memref_slice %arg7[%dma_wait3A_315, %dma_wait3A_317, %dma_wait3A_318] : memref<5x80x64xf32, #tpu.memory_space<vmem>> -> memref<1x80x64xf32, #tpu.memory_space<vmem>>
      %dma_wait3A_320 = tpu.memref_squeeze %dma_wait3A_319 : memref<1x80x64xf32, #tpu.memory_space<vmem>> -> memref<80x64xf32, #tpu.memory_space<vmem>>
      %dma_wait3A_321 = arith.constant 0 : i32
      %dma_wait3A_322 = tpu.memref_slice %arg5[%add3A_297, %dma_wait3A_321] : memref<250x80xi32, #tpu.memory_space<vmem>> -> memref<1x80xi32, #tpu.memory_space<vmem>>
      %dma_wait3A_323 = tpu.memref_squeeze %dma_wait3A_322 : memref<1x80xi32, #tpu.memory_space<vmem>> -> memref<80xi32, #tpu.memory_space<vmem>>
      %dma_wait3A_324 = arith.constant 0 : i32
      %dma_wait3A_325 = arith.constant 0 : i32
      %dma_wait3A_326 = tpu.memref_slice %arg2[%arg0, %dma_wait3A_324, %dma_wait3A_325] : memref<2x10000x64xf32, #tpu.memory_space<hbm>> -> memref<1x10000x64xf32, #tpu.memory_space<hbm>>
      %dma_wait3A_327 = tpu.memref_squeeze %dma_wait3A_326 : memref<1x10000x64xf32, #tpu.memory_space<hbm>> -> memref<10000x64xf32, #tpu.memory_space<hbm>>
      %dma_wait3A_328 = arith.constant 0 : i32
      %dma_wait3A_329 = arith.constant 0 : i32
      %dma_wait3A_330 = tpu.memref_slice %dma_wait3A_327[%dma_wait3A_328, %dma_wait3A_329] : memref<10000x64xf32, #tpu.memory_space<hbm>> -> memref<10000x64xf32, #tpu.memory_space<hbm>>
      %dma_wait3A_331 = tpu.memref_slice %arg10[%dma_wait3A_316] : memref<5x!tpu.dma_semaphore, #tpu.memory_space<semaphore_mem>> -> memref<1x!tpu.dma_semaphore, #tpu.memory_space<semaphore_mem>>
      %dma_wait3A_332 = tpu.memref_squeeze %dma_wait3A_331 : memref<1x!tpu.dma_semaphore, #tpu.memory_space<semaphore_mem>> -> memref<!tpu.dma_semaphore, #tpu.memory_space<semaphore_mem>>
      tpu.wait_indirect_dma semaphore(%dma_wait3A_332 : memref<!tpu.dma_semaphore, #tpu.memory_space<semaphore_mem>>) src(%dma_wait3A_330 : memref<10000x64xf32, #tpu.memory_space<hbm>>) dst(%dma_wait3A_320 : memref<80x64xf32, #tpu.memory_space<vmem>>)
      %dma_start3A_333 = arith.constant 3 : i32
      %dma_start3A_334 = arith.constant 3 : i32
      %dma_start3A_335 = arith.constant 0 : i32
      %dma_start3A_336 = arith.constant 0 : i32
      %dma_start3A_337 = tpu.memref_slice %arg7[%dma_start3A_333, %dma_start3A_335, %dma_start3A_336] : memref<5x80x64xf32, #tpu.memory_space<vmem>> -> memref<1x80x64xf32, #tpu.memory_space<vmem>>
      %dma_start3A_338 = tpu.memref_squeeze %dma_start3A_337 : memref<1x80x64xf32, #tpu.memory_space<vmem>> -> memref<80x64xf32, #tpu.memory_space<vmem>>
      %dma_start3A_339 = arith.constant 0 : i32
      %dma_start3A_340 = tpu.memref_slice %arg6[%add3A_297, %dma_start3A_339] : memref<250x80xi32, #tpu.memory_space<vmem>> -> memref<1x80xi32, #tpu.memory_space<vmem>>
      %dma_start3A_341 = tpu.memref_squeeze %dma_start3A_340 : memref<1x80xi32, #tpu.memory_space<vmem>> -> memref<80xi32, #tpu.memory_space<vmem>>
      %dma_start3A_342 = arith.constant 0 : i32
      %dma_start3A_343 = arith.constant 0 : i32
      %dma_start3A_344 = tpu.memref_slice %arg9[%dma_start3A_342, %dma_start3A_343] : memref<10000x64xf32, #tpu.memory_space<vmem_shared>> -> memref<10000x64xf32, #tpu.memory_space<vmem_shared>>
      %dma_start3A_345 = tpu.memref_slice %arg11[%dma_start3A_334] : memref<5x!tpu.dma_semaphore, #tpu.memory_space<semaphore_mem>> -> memref<1x!tpu.dma_semaphore, #tpu.memory_space<semaphore_mem>>
      %dma_start3A_346 = tpu.memref_squeeze %dma_start3A_345 : memref<1x!tpu.dma_semaphore, #tpu.memory_space<semaphore_mem>> -> memref<!tpu.dma_semaphore, #tpu.memory_space<semaphore_mem>>
      tpu.enqueue_indirect_dma source(%dma_start3A_338 : memref<80x64xf32, #tpu.memory_space<vmem>>) target(%dma_start3A_344 : memref<10000x64xf32, #tpu.memory_space<vmem_shared>>) offsets(%dma_start3A_341 : memref<80xi32, #tpu.memory_space<vmem>>) semaphore(%dma_start3A_346 : memref<!tpu.dma_semaphore, #tpu.memory_space<semaphore_mem>>) {add = true}
      %add3A_347 = arith.constant 4 : i32
      %add3A_348 = arith.addi %mul3A_145, %add3A_347 : i32
      %add3A_349 = arith.constant 2 : i32
      %add3A_350 = arith.addi %add3A_348, %add3A_349 : i32
      %lt3A_351 = arith.constant 250 : i32
      %lt3A_352 = arith.cmpi slt, %add3A_350, %lt3A_351 : i32
      %ge3A_353 = arith.constant 3 : i32
      %ge3A_354 = arith.cmpi sge, %add3A_348, %ge3A_353 : i32
      %and3A_355 = arith.andi %lt3A_352, %ge3A_354 : i1
      %convert_element_type3A_356 = arith.extui %and3A_355 : i1 to i32
      %cond3A_357 = arith.constant 0 : i32
      %cond3A_358 = arith.cmpi ne, %convert_element_type3A_356, %cond3A_357 : i32
      scf.if %cond3A_358 {
        %sub3A = arith.constant 3 : i32
        %sub3A_398 = arith.subi %add3A_348, %sub3A : i32
        %dma_wait3A_399 = arith.constant 1 : i32
        %dma_wait3A_400 = arith.constant 1 : i32
        %dma_wait3A_401 = arith.constant 0 : i32
        %dma_wait3A_402 = arith.constant 0 : i32
        %dma_wait3A_403 = tpu.memref_slice %arg7[%dma_wait3A_399, %dma_wait3A_401, %dma_wait3A_402] : memref<5x80x64xf32, #tpu.memory_space<vmem>> -> memref<1x80x64xf32, #tpu.memory_space<vmem>>
        %dma_wait3A_404 = tpu.memref_squeeze %dma_wait3A_403 : memref<1x80x64xf32, #tpu.memory_space<vmem>> -> memref<80x64xf32, #tpu.memory_space<vmem>>
        %dma_wait3A_405 = arith.constant 0 : i32
        %dma_wait3A_406 = tpu.memref_slice %arg6[%sub3A_398, %dma_wait3A_405] : memref<250x80xi32, #tpu.memory_space<vmem>> -> memref<1x80xi32, #tpu.memory_space<vmem>>
        %dma_wait3A_407 = tpu.memref_squeeze %dma_wait3A_406 : memref<1x80xi32, #tpu.memory_space<vmem>> -> memref<80xi32, #tpu.memory_space<vmem>>
        %dma_wait3A_408 = arith.constant 0 : i32
        %dma_wait3A_409 = arith.constant 0 : i32
        %dma_wait3A_410 = tpu.memref_slice %arg9[%dma_wait3A_408, %dma_wait3A_409] : memref<10000x64xf32, #tpu.memory_space<vmem_shared>> -> memref<10000x64xf32, #tpu.memory_space<vmem_shared>>
        %dma_wait3A_411 = tpu.memref_slice %arg11[%dma_wait3A_400] : memref<5x!tpu.dma_semaphore, #tpu.memory_space<semaphore_mem>> -> memref<1x!tpu.dma_semaphore, #tpu.memory_space<semaphore_mem>>
        %dma_wait3A_412 = tpu.memref_squeeze %dma_wait3A_411 : memref<1x!tpu.dma_semaphore, #tpu.memory_space<semaphore_mem>> -> memref<!tpu.dma_semaphore, #tpu.memory_space<semaphore_mem>>
        tpu.wait_indirect_dma semaphore(%dma_wait3A_412 : memref<!tpu.dma_semaphore, #tpu.memory_space<semaphore_mem>>) src(%dma_wait3A_404 : memref<80x64xf32, #tpu.memory_space<vmem>>) dst(%dma_wait3A_410 : memref<10000x64xf32, #tpu.memory_space<vmem_shared>>)
      } else {
      }
      %add3A_359 = arith.constant 2 : i32
      %add3A_360 = arith.addi %add3A_348, %add3A_359 : i32
      %lt3A_361 = arith.constant 250 : i32
      %lt3A_362 = arith.cmpi slt, %add3A_360, %lt3A_361 : i32
      %convert_element_type3A_363 = arith.extui %lt3A_362 : i1 to i32
      %cond3A_364 = arith.constant 0 : i32
      %cond3A_365 = arith.cmpi ne, %convert_element_type3A_363, %cond3A_364 : i32
      scf.if %cond3A_365 {
        %add3A_398 = arith.constant 2 : i32
        %add3A_399 = arith.addi %add3A_348, %add3A_398 : i32
        %dma_start3A_400 = arith.constant 1 : i32
        %dma_start3A_401 = arith.constant 1 : i32
        %dma_start3A_402 = arith.constant 0 : i32
        %dma_start3A_403 = arith.constant 0 : i32
        %dma_start3A_404 = tpu.memref_slice %arg7[%dma_start3A_400, %dma_start3A_402, %dma_start3A_403] : memref<5x80x64xf32, #tpu.memory_space<vmem>> -> memref<1x80x64xf32, #tpu.memory_space<vmem>>
        %dma_start3A_405 = tpu.memref_squeeze %dma_start3A_404 : memref<1x80x64xf32, #tpu.memory_space<vmem>> -> memref<80x64xf32, #tpu.memory_space<vmem>>
        %dma_start3A_406 = arith.constant 0 : i32
        %dma_start3A_407 = tpu.memref_slice %arg5[%add3A_399, %dma_start3A_406] : memref<250x80xi32, #tpu.memory_space<vmem>> -> memref<1x80xi32, #tpu.memory_space<vmem>>
        %dma_start3A_408 = tpu.memref_squeeze %dma_start3A_407 : memref<1x80xi32, #tpu.memory_space<vmem>> -> memref<80xi32, #tpu.memory_space<vmem>>
        %dma_start3A_409 = arith.constant 0 : i32
        %dma_start3A_410 = arith.constant 0 : i32
        %dma_start3A_411 = tpu.memref_slice %arg2[%arg0, %dma_start3A_409, %dma_start3A_410] : memref<2x10000x64xf32, #tpu.memory_space<hbm>> -> memref<1x10000x64xf32, #tpu.memory_space<hbm>>
        %dma_start3A_412 = tpu.memref_squeeze %dma_start3A_411 : memref<1x10000x64xf32, #tpu.memory_space<hbm>> -> memref<10000x64xf32, #tpu.memory_space<hbm>>
        %dma_start3A_413 = arith.constant 0 : i32
        %dma_start3A_414 = arith.constant 0 : i32
        %dma_start3A_415 = tpu.memref_slice %dma_start3A_412[%dma_start3A_413, %dma_start3A_414] : memref<10000x64xf32, #tpu.memory_space<hbm>> -> memref<10000x64xf32, #tpu.memory_space<hbm>>
        %dma_start3A_416 = tpu.memref_slice %arg10[%dma_start3A_401] : memref<5x!tpu.dma_semaphore, #tpu.memory_space<semaphore_mem>> -> memref<1x!tpu.dma_semaphore, #tpu.memory_space<semaphore_mem>>
        %dma_start3A_417 = tpu.memref_squeeze %dma_start3A_416 : memref<1x!tpu.dma_semaphore, #tpu.memory_space<semaphore_mem>> -> memref<!tpu.dma_semaphore, #tpu.memory_space<semaphore_mem>>
        tpu.enqueue_indirect_dma source(%dma_start3A_415 : memref<10000x64xf32, #tpu.memory_space<hbm>>) target(%dma_start3A_405 : memref<80x64xf32, #tpu.memory_space<vmem>>) offsets(%dma_start3A_408 : memref<80xi32, #tpu.memory_space<vmem>>) semaphore(%dma_start3A_417 : memref<!tpu.dma_semaphore, #tpu.memory_space<semaphore_mem>>)
      } else {
      }
      %dma_wait3A_366 = arith.constant 4 : i32
      %dma_wait3A_367 = arith.constant 4 : i32
      %dma_wait3A_368 = arith.constant 0 : i32
      %dma_wait3A_369 = arith.constant 0 : i32
      %dma_wait3A_370 = tpu.memref_slice %arg7[%dma_wait3A_366, %dma_wait3A_368, %dma_wait3A_369] : memref<5x80x64xf32, #tpu.memory_space<vmem>> -> memref<1x80x64xf32, #tpu.memory_space<vmem>>
      %dma_wait3A_371 = tpu.memref_squeeze %dma_wait3A_370 : memref<1x80x64xf32, #tpu.memory_space<vmem>> -> memref<80x64xf32, #tpu.memory_space<vmem>>
      %dma_wait3A_372 = arith.constant 0 : i32
      %dma_wait3A_373 = tpu.memref_slice %arg5[%add3A_348, %dma_wait3A_372] : memref<250x80xi32, #tpu.memory_space<vmem>> -> memref<1x80xi32, #tpu.memory_space<vmem>>
      %dma_wait3A_374 = tpu.memref_squeeze %dma_wait3A_373 : memref<1x80xi32, #tpu.memory_space<vmem>> -> memref<80xi32, #tpu.memory_space<vmem>>
      %dma_wait3A_375 = arith.constant 0 : i32
      %dma_wait3A_376 = arith.constant 0 : i32
      %dma_wait3A_377 = tpu.memref_slice %arg2[%arg0, %dma_wait3A_375, %dma_wait3A_376] : memref<2x10000x64xf32, #tpu.memory_space<hbm>> -> memref<1x10000x64xf32, #tpu.memory_space<hbm>>
      %dma_wait3A_378 = tpu.memref_squeeze %dma_wait3A_377 : memref<1x10000x64xf32, #tpu.memory_space<hbm>> -> memref<10000x64xf32, #tpu.memory_space<hbm>>
      %dma_wait3A_379 = arith.constant 0 : i32
      %dma_wait3A_380 = arith.constant 0 : i32
      %dma_wait3A_381 = tpu.memref_slice %dma_wait3A_378[%dma_wait3A_379, %dma_wait3A_380] : memref<10000x64xf32, #tpu.memory_space<hbm>> -> memref<10000x64xf32, #tpu.memory_space<hbm>>
      %dma_wait3A_382 = tpu.memref_slice %arg10[%dma_wait3A_367] : memref<5x!tpu.dma_semaphore, #tpu.memory_space<semaphore_mem>> -> memref<1x!tpu.dma_semaphore, #tpu.memory_space<semaphore_mem>>
      %dma_wait3A_383 = tpu.memref_squeeze %dma_wait3A_382 : memref<1x!tpu.dma_semaphore, #tpu.memory_space<semaphore_mem>> -> memref<!tpu.dma_semaphore, #tpu.memory_space<semaphore_mem>>
      tpu.wait_indirect_dma semaphore(%dma_wait3A_383 : memref<!tpu.dma_semaphore, #tpu.memory_space<semaphore_mem>>) src(%dma_wait3A_381 : memref<10000x64xf32, #tpu.memory_space<hbm>>) dst(%dma_wait3A_371 : memref<80x64xf32, #tpu.memory_space<vmem>>)
      %dma_start3A_384 = arith.constant 4 : i32
      %dma_start3A_385 = arith.constant 4 : i32
      %dma_start3A_386 = arith.constant 0 : i32
      %dma_start3A_387 = arith.constant 0 : i32
      %dma_start3A_388 = tpu.memref_slice %arg7[%dma_start3A_384, %dma_start3A_386, %dma_start3A_387] : memref<5x80x64xf32, #tpu.memory_space<vmem>> -> memref<1x80x64xf32, #tpu.memory_space<vmem>>
      %dma_start3A_389 = tpu.memref_squeeze %dma_start3A_388 : memref<1x80x64xf32, #tpu.memory_space<vmem>> -> memref<80x64xf32, #tpu.memory_space<vmem>>
      %dma_start3A_390 = arith.constant 0 : i32
      %dma_start3A_391 = tpu.memref_slice %arg6[%add3A_348, %dma_start3A_390] : memref<250x80xi32, #tpu.memory_space<vmem>> -> memref<1x80xi32, #tpu.memory_space<vmem>>
      %dma_start3A_392 = tpu.memref_squeeze %dma_start3A_391 : memref<1x80xi32, #tpu.memory_space<vmem>> -> memref<80xi32, #tpu.memory_space<vmem>>
      %dma_start3A_393 = arith.constant 0 : i32
      %dma_start3A_394 = arith.constant 0 : i32
      %dma_start3A_395 = tpu.memref_slice %arg9[%dma_start3A_393, %dma_start3A_394] : memref<10000x64xf32, #tpu.memory_space<vmem_shared>> -> memref<10000x64xf32, #tpu.memory_space<vmem_shared>>
      %dma_start3A_396 = tpu.memref_slice %arg11[%dma_start3A_385] : memref<5x!tpu.dma_semaphore, #tpu.memory_space<semaphore_mem>> -> memref<1x!tpu.dma_semaphore, #tpu.memory_space<semaphore_mem>>
      %dma_start3A_397 = tpu.memref_squeeze %dma_start3A_396 : memref<1x!tpu.dma_semaphore, #tpu.memory_space<semaphore_mem>> -> memref<!tpu.dma_semaphore, #tpu.memory_space<semaphore_mem>>
      tpu.enqueue_indirect_dma source(%dma_start3A_389 : memref<80x64xf32, #tpu.memory_space<vmem>>) target(%dma_start3A_395 : memref<10000x64xf32, #tpu.memory_space<vmem_shared>>) offsets(%dma_start3A_392 : memref<80xi32, #tpu.memory_space<vmem>>) semaphore(%dma_start3A_397 : memref<!tpu.dma_semaphore, #tpu.memory_space<semaphore_mem>>) {add = true}
    }
    %scan3A_62 = arith.constant 50 : i32
    %dma_wait3A = arith.constant 0 : i32
    %dma_wait3A_63 = arith.constant 245 : i32
    %dma_wait3A_64 = arith.constant 0 : i32
    %dma_wait3A_65 = arith.constant 0 : i32
    %dma_wait3A_66 = arith.constant 0 : i32
    %dma_wait3A_67 = tpu.memref_slice %arg7[%dma_wait3A, %dma_wait3A_65, %dma_wait3A_66] : memref<5x80x64xf32, #tpu.memory_space<vmem>> -> memref<1x80x64xf32, #tpu.memory_space<vmem>>
    %dma_wait3A_68 = tpu.memref_squeeze %dma_wait3A_67 : memref<1x80x64xf32, #tpu.memory_space<vmem>> -> memref<80x64xf32, #tpu.memory_space<vmem>>
    %dma_wait3A_69 = arith.constant 0 : i32
    %dma_wait3A_70 = tpu.memref_slice %arg6[%dma_wait3A_63, %dma_wait3A_69] : memref<250x80xi32, #tpu.memory_space<vmem>> -> memref<1x80xi32, #tpu.memory_space<vmem>>
    %dma_wait3A_71 = tpu.memref_squeeze %dma_wait3A_70 : memref<1x80xi32, #tpu.memory_space<vmem>> -> memref<80xi32, #tpu.memory_space<vmem>>
    %dma_wait3A_72 = arith.constant 0 : i32
    %dma_wait3A_73 = arith.constant 0 : i32
    %dma_wait3A_74 = tpu.memref_slice %arg9[%dma_wait3A_72, %dma_wait3A_73] : memref<10000x64xf32, #tpu.memory_space<vmem_shared>> -> memref<10000x64xf32, #tpu.memory_space<vmem_shared>>
    %dma_wait3A_75 = tpu.memref_slice %arg11[%dma_wait3A_64] : memref<5x!tpu.dma_semaphore, #tpu.memory_space<semaphore_mem>> -> memref<1x!tpu.dma_semaphore, #tpu.memory_space<semaphore_mem>>
    %dma_wait3A_76 = tpu.memref_squeeze %dma_wait3A_75 : memref<1x!tpu.dma_semaphore, #tpu.memory_space<semaphore_mem>> -> memref<!tpu.dma_semaphore, #tpu.memory_space<semaphore_mem>>
    tpu.wait_indirect_dma semaphore(%dma_wait3A_76 : memref<!tpu.dma_semaphore, #tpu.memory_space<semaphore_mem>>) src(%dma_wait3A_68 : memref<80x64xf32, #tpu.memory_space<vmem>>) dst(%dma_wait3A_74 : memref<10000x64xf32, #tpu.memory_space<vmem_shared>>)
    %dma_wait3A_77 = arith.constant 1 : i32
    %dma_wait3A_78 = arith.constant 246 : i32
    %dma_wait3A_79 = arith.constant 1 : i32
    %dma_wait3A_80 = arith.constant 0 : i32
    %dma_wait3A_81 = arith.constant 0 : i32
    %dma_wait3A_82 = tpu.memref_slice %arg7[%dma_wait3A_77, %dma_wait3A_80, %dma_wait3A_81] : memref<5x80x64xf32, #tpu.memory_space<vmem>> -> memref<1x80x64xf32, #tpu.memory_space<vmem>>
    %dma_wait3A_83 = tpu.memref_squeeze %dma_wait3A_82 : memref<1x80x64xf32, #tpu.memory_space<vmem>> -> memref<80x64xf32, #tpu.memory_space<vmem>>
    %dma_wait3A_84 = arith.constant 0 : i32
    %dma_wait3A_85 = tpu.memref_slice %arg6[%dma_wait3A_78, %dma_wait3A_84] : memref<250x80xi32, #tpu.memory_space<vmem>> -> memref<1x80xi32, #tpu.memory_space<vmem>>
    %dma_wait3A_86 = tpu.memref_squeeze %dma_wait3A_85 : memref<1x80xi32, #tpu.memory_space<vmem>> -> memref<80xi32, #tpu.memory_space<vmem>>
    %dma_wait3A_87 = arith.constant 0 : i32
    %dma_wait3A_88 = arith.constant 0 : i32
    %dma_wait3A_89 = tpu.memref_slice %arg9[%dma_wait3A_87, %dma_wait3A_88] : memref<10000x64xf32, #tpu.memory_space<vmem_shared>> -> memref<10000x64xf32, #tpu.memory_space<vmem_shared>>
    %dma_wait3A_90 = tpu.memref_slice %arg11[%dma_wait3A_79] : memref<5x!tpu.dma_semaphore, #tpu.memory_space<semaphore_mem>> -> memref<1x!tpu.dma_semaphore, #tpu.memory_space<semaphore_mem>>
    %dma_wait3A_91 = tpu.memref_squeeze %dma_wait3A_90 : memref<1x!tpu.dma_semaphore, #tpu.memory_space<semaphore_mem>> -> memref<!tpu.dma_semaphore, #tpu.memory_space<semaphore_mem>>
    tpu.wait_indirect_dma semaphore(%dma_wait3A_91 : memref<!tpu.dma_semaphore, #tpu.memory_space<semaphore_mem>>) src(%dma_wait3A_83 : memref<80x64xf32, #tpu.memory_space<vmem>>) dst(%dma_wait3A_89 : memref<10000x64xf32, #tpu.memory_space<vmem_shared>>)
    %dma_wait3A_92 = arith.constant 2 : i32
    %dma_wait3A_93 = arith.constant 247 : i32
    %dma_wait3A_94 = arith.constant 2 : i32
    %dma_wait3A_95 = arith.constant 0 : i32
    %dma_wait3A_96 = arith.constant 0 : i32
    %dma_wait3A_97 = tpu.memref_slice %arg7[%dma_wait3A_92, %dma_wait3A_95, %dma_wait3A_96] : memref<5x80x64xf32, #tpu.memory_space<vmem>> -> memref<1x80x64xf32, #tpu.memory_space<vmem>>
    %dma_wait3A_98 = tpu.memref_squeeze %dma_wait3A_97 : memref<1x80x64xf32, #tpu.memory_space<vmem>> -> memref<80x64xf32, #tpu.memory_space<vmem>>
    %dma_wait3A_99 = arith.constant 0 : i32
    %dma_wait3A_100 = tpu.memref_slice %arg6[%dma_wait3A_93, %dma_wait3A_99] : memref<250x80xi32, #tpu.memory_space<vmem>> -> memref<1x80xi32, #tpu.memory_space<vmem>>
    %dma_wait3A_101 = tpu.memref_squeeze %dma_wait3A_100 : memref<1x80xi32, #tpu.memory_space<vmem>> -> memref<80xi32, #tpu.memory_space<vmem>>
    %dma_wait3A_102 = arith.constant 0 : i32
    %dma_wait3A_103 = arith.constant 0 : i32
    %dma_wait3A_104 = tpu.memref_slice %arg9[%dma_wait3A_102, %dma_wait3A_103] : memref<10000x64xf32, #tpu.memory_space<vmem_shared>> -> memref<10000x64xf32, #tpu.memory_space<vmem_shared>>
    %dma_wait3A_105 = tpu.memref_slice %arg11[%dma_wait3A_94] : memref<5x!tpu.dma_semaphore, #tpu.memory_space<semaphore_mem>> -> memref<1x!tpu.dma_semaphore, #tpu.memory_space<semaphore_mem>>
    %dma_wait3A_106 = tpu.memref_squeeze %dma_wait3A_105 : memref<1x!tpu.dma_semaphore, #tpu.memory_space<semaphore_mem>> -> memref<!tpu.dma_semaphore, #tpu.memory_space<semaphore_mem>>
    tpu.wait_indirect_dma semaphore(%dma_wait3A_106 : memref<!tpu.dma_semaphore, #tpu.memory_space<semaphore_mem>>) src(%dma_wait3A_98 : memref<80x64xf32, #tpu.memory_space<vmem>>) dst(%dma_wait3A_104 : memref<10000x64xf32, #tpu.memory_space<vmem_shared>>)
    %dma_wait3A_107 = arith.constant 3 : i32
    %dma_wait3A_108 = arith.constant 248 : i32
    %dma_wait3A_109 = arith.constant 3 : i32
    %dma_wait3A_110 = arith.constant 0 : i32
    %dma_wait3A_111 = arith.constant 0 : i32
    %dma_wait3A_112 = tpu.memref_slice %arg7[%dma_wait3A_107, %dma_wait3A_110, %dma_wait3A_111] : memref<5x80x64xf32, #tpu.memory_space<vmem>> -> memref<1x80x64xf32, #tpu.memory_space<vmem>>
    %dma_wait3A_113 = tpu.memref_squeeze %dma_wait3A_112 : memref<1x80x64xf32, #tpu.memory_space<vmem>> -> memref<80x64xf32, #tpu.memory_space<vmem>>
    %dma_wait3A_114 = arith.constant 0 : i32
    %dma_wait3A_115 = tpu.memref_slice %arg6[%dma_wait3A_108, %dma_wait3A_114] : memref<250x80xi32, #tpu.memory_space<vmem>> -> memref<1x80xi32, #tpu.memory_space<vmem>>
    %dma_wait3A_116 = tpu.memref_squeeze %dma_wait3A_115 : memref<1x80xi32, #tpu.memory_space<vmem>> -> memref<80xi32, #tpu.memory_space<vmem>>
    %dma_wait3A_117 = arith.constant 0 : i32
    %dma_wait3A_118 = arith.constant 0 : i32
    %dma_wait3A_119 = tpu.memref_slice %arg9[%dma_wait3A_117, %dma_wait3A_118] : memref<10000x64xf32, #tpu.memory_space<vmem_shared>> -> memref<10000x64xf32, #tpu.memory_space<vmem_shared>>
    %dma_wait3A_120 = tpu.memref_slice %arg11[%dma_wait3A_109] : memref<5x!tpu.dma_semaphore, #tpu.memory_space<semaphore_mem>> -> memref<1x!tpu.dma_semaphore, #tpu.memory_space<semaphore_mem>>
    %dma_wait3A_121 = tpu.memref_squeeze %dma_wait3A_120 : memref<1x!tpu.dma_semaphore, #tpu.memory_space<semaphore_mem>> -> memref<!tpu.dma_semaphore, #tpu.memory_space<semaphore_mem>>
    tpu.wait_indirect_dma semaphore(%dma_wait3A_121 : memref<!tpu.dma_semaphore, #tpu.memory_space<semaphore_mem>>) src(%dma_wait3A_113 : memref<80x64xf32, #tpu.memory_space<vmem>>) dst(%dma_wait3A_119 : memref<10000x64xf32, #tpu.memory_space<vmem_shared>>)
    %dma_wait3A_122 = arith.constant 4 : i32
    %dma_wait3A_123 = arith.constant 249 : i32
    %dma_wait3A_124 = arith.constant 4 : i32
    %dma_wait3A_125 = arith.constant 0 : i32
    %dma_wait3A_126 = arith.constant 0 : i32
    %dma_wait3A_127 = tpu.memref_slice %arg7[%dma_wait3A_122, %dma_wait3A_125, %dma_wait3A_126] : memref<5x80x64xf32, #tpu.memory_space<vmem>> -> memref<1x80x64xf32, #tpu.memory_space<vmem>>
    %dma_wait3A_128 = tpu.memref_squeeze %dma_wait3A_127 : memref<1x80x64xf32, #tpu.memory_space<vmem>> -> memref<80x64xf32, #tpu.memory_space<vmem>>
    %dma_wait3A_129 = arith.constant 0 : i32
    %dma_wait3A_130 = tpu.memref_slice %arg6[%dma_wait3A_123, %dma_wait3A_129] : memref<250x80xi32, #tpu.memory_space<vmem>> -> memref<1x80xi32, #tpu.memory_space<vmem>>
    %dma_wait3A_131 = tpu.memref_squeeze %dma_wait3A_130 : memref<1x80xi32, #tpu.memory_space<vmem>> -> memref<80xi32, #tpu.memory_space<vmem>>
    %dma_wait3A_132 = arith.constant 0 : i32
    %dma_wait3A_133 = arith.constant 0 : i32
    %dma_wait3A_134 = tpu.memref_slice %arg9[%dma_wait3A_132, %dma_wait3A_133] : memref<10000x64xf32, #tpu.memory_space<vmem_shared>> -> memref<10000x64xf32, #tpu.memory_space<vmem_shared>>
    %dma_wait3A_135 = tpu.memref_slice %arg11[%dma_wait3A_124] : memref<5x!tpu.dma_semaphore, #tpu.memory_space<semaphore_mem>> -> memref<1x!tpu.dma_semaphore, #tpu.memory_space<semaphore_mem>>
    %dma_wait3A_136 = tpu.memref_squeeze %dma_wait3A_135 : memref<1x!tpu.dma_semaphore, #tpu.memory_space<semaphore_mem>> -> memref<!tpu.dma_semaphore, #tpu.memory_space<semaphore_mem>>
    tpu.wait_indirect_dma semaphore(%dma_wait3A_136 : memref<!tpu.dma_semaphore, #tpu.memory_space<semaphore_mem>>) src(%dma_wait3A_128 : memref<80x64xf32, #tpu.memory_space<vmem>>) dst(%dma_wait3A_134 : memref<10000x64xf32, #tpu.memory_space<vmem_shared>>)
    %barrier3A_137 = arith.constant 0 : index
    tpu.barrier barrier_id(%barrier3A_137)
    "tpu.region"() ({
      %run_scoped3A_143 = tpu.sem_alloc : memref<!tpu.dma_semaphore, #tpu.memory_space<semaphore_mem>>
      %dma_start3A_144 = arith.constant 0 : i32
      %dma_start3A_145 = arith.constant 0 : i32
      %dma_start3A_146 = tpu.memref_slice %arg4[%arg0, %dma_start3A_144, %dma_start3A_145] : memref<2x10000x64xf32, #tpu.memory_space<hbm>> -> memref<1x10000x64xf32, #tpu.memory_space<hbm>>
      %dma_start3A_147 = tpu.memref_squeeze %dma_start3A_146 : memref<1x10000x64xf32, #tpu.memory_space<hbm>> -> memref<10000x64xf32, #tpu.memory_space<hbm>>
      %dma_start3A_148 = arith.constant 0 : i32
      %dma_start3A_149 = tpu.memref_slice %dma_start3A_147[%multiple_of3A, %dma_start3A_148] : memref<10000x64xf32, #tpu.memory_space<hbm>> -> memref<624x64xf32, #tpu.memory_space<hbm>>
      %dma_start3A_150 = arith.constant 0 : i32
      %dma_start3A_151 = tpu.memref_slice %arg9[%multiple_of3A, %dma_start3A_150] : memref<10000x64xf32, #tpu.memory_space<vmem_shared>> -> memref<624x64xf32, #tpu.memory_space<vmem_shared>>
      tpu.enqueue_dma source(%dma_start3A_151 : memref<624x64xf32, #tpu.memory_space<vmem_shared>>) target(%dma_start3A_149 : memref<624x64xf32, #tpu.memory_space<hbm>>) target_semaphore(%run_scoped3A_143 : memref<!tpu.dma_semaphore, #tpu.memory_space<semaphore_mem>>)
      %dma_wait3A_152 = arith.constant 0 : i32
      %dma_wait3A_153 = arith.constant 0 : i32
      %dma_wait3A_154 = tpu.memref_slice %arg4[%arg0, %dma_wait3A_152, %dma_wait3A_153] : memref<2x10000x64xf32, #tpu.memory_space<hbm>> -> memref<1x10000x64xf32, #tpu.memory_space<hbm>>
      %dma_wait3A_155 = tpu.memref_squeeze %dma_wait3A_154 : memref<1x10000x64xf32, #tpu.memory_space<hbm>> -> memref<10000x64xf32, #tpu.memory_space<hbm>>
      %dma_wait3A_156 = arith.constant 0 : i32
      %dma_wait3A_157 = tpu.memref_slice %dma_wait3A_155[%multiple_of3A, %dma_wait3A_156] : memref<10000x64xf32, #tpu.memory_space<hbm>> -> memref<624x64xf32, #tpu.memory_space<hbm>>
      %dma_wait3A_158 = arith.constant 0 : i32
      %dma_wait3A_159 = tpu.memref_slice %arg9[%multiple_of3A, %dma_wait3A_158] : memref<10000x64xf32, #tpu.memory_space<vmem_shared>> -> memref<624x64xf32, #tpu.memory_space<vmem_shared>>
      tpu.wait_dma2 semaphore(%run_scoped3A_143 : memref<!tpu.dma_semaphore, #tpu.memory_space<semaphore_mem>>) src(%dma_wait3A_159 : memref<624x64xf32, #tpu.memory_space<vmem_shared>>) dst(%dma_wait3A_157 : memref<624x64xf32, #tpu.memory_space<hbm>>)
      tpu.yield
    }) : () -> ()
    %eq3A_138 = arith.constant 15 : i32
    %eq3A_139 = arith.cmpi eq, %arg1, %eq3A_138 : i32
    %convert_element_type3A_140 = arith.extui %eq3A_139 : i1 to i32
    %cond3A_141 = arith.constant 0 : i32
    %cond3A_142 = arith.cmpi ne, %convert_element_type3A_140, %cond3A_141 : i32
    scf.if %cond3A_142 {
      "tpu.region"() ({
        %run_scoped3A_143 = tpu.sem_alloc : memref<!tpu.dma_semaphore, #tpu.memory_space<semaphore_mem>>
        %dma_start3A_144 = arith.constant 0 : i32
        %dma_start3A_145 = arith.constant 0 : i32
        %dma_start3A_146 = tpu.memref_slice %arg4[%arg0, %dma_start3A_144, %dma_start3A_145] : memref<2x10000x64xf32, #tpu.memory_space<hbm>> -> memref<1x10000x64xf32, #tpu.memory_space<hbm>>
        %dma_start3A_147 = tpu.memref_squeeze %dma_start3A_146 : memref<1x10000x64xf32, #tpu.memory_space<hbm>> -> memref<10000x64xf32, #tpu.memory_space<hbm>>
        %dma_start3A_148 = arith.constant 9984 : i32
        %dma_start3A_149 = arith.constant 0 : i32
        %dma_start3A_150 = tpu.memref_slice %dma_start3A_147[%dma_start3A_148, %dma_start3A_149] : memref<10000x64xf32, #tpu.memory_space<hbm>> -> memref<16x64xf32, #tpu.memory_space<hbm>>
        %dma_start3A_151 = arith.constant 9984 : i32
        %dma_start3A_152 = arith.constant 0 : i32
        %dma_start3A_153 = tpu.memref_slice %arg9[%dma_start3A_151, %dma_start3A_152] : memref<10000x64xf32, #tpu.memory_space<vmem_shared>> -> memref<16x64xf32, #tpu.memory_space<vmem_shared>>
        tpu.enqueue_dma source(%dma_start3A_153 : memref<16x64xf32, #tpu.memory_space<vmem_shared>>) target(%dma_start3A_150 : memref<16x64xf32, #tpu.memory_space<hbm>>) target_semaphore(%run_scoped3A_143 : memref<!tpu.dma_semaphore, #tpu.memory_space<semaphore_mem>>)
        %dma_wait3A_154 = arith.constant 0 : i32
        %dma_wait3A_155 = arith.constant 0 : i32
        %dma_wait3A_156 = tpu.memref_slice %arg4[%arg0, %dma_wait3A_154, %dma_wait3A_155] : memref<2x10000x64xf32, #tpu.memory_space<hbm>> -> memref<1x10000x64xf32, #tpu.memory_space<hbm>>
        %dma_wait3A_157 = tpu.memref_squeeze %dma_wait3A_156 : memref<1x10000x64xf32, #tpu.memory_space<hbm>> -> memref<10000x64xf32, #tpu.memory_space<hbm>>
        %dma_wait3A_158 = arith.constant 9984 : i32
        %dma_wait3A_159 = arith.constant 0 : i32
        %dma_wait3A_160 = tpu.memref_slice %dma_wait3A_157[%dma_wait3A_158, %dma_wait3A_159] : memref<10000x64xf32, #tpu.memory_space<hbm>> -> memref<16x64xf32, #tpu.memory_space<hbm>>
        %dma_wait3A_161 = arith.constant 9984 : i32
        %dma_wait3A_162 = arith.constant 0 : i32
        %dma_wait3A_163 = tpu.memref_slice %arg9[%dma_wait3A_161, %dma_wait3A_162] : memref<10000x64xf32, #tpu.memory_space<vmem_shared>> -> memref<16x64xf32, #tpu.memory_space<vmem_shared>>
        tpu.wait_dma2 semaphore(%run_scoped3A_143 : memref<!tpu.dma_semaphore, #tpu.memory_space<semaphore_mem>>) src(%dma_wait3A_163 : memref<16x64xf32, #tpu.memory_space<vmem_shared>>) dst(%dma_wait3A_160 : memref<16x64xf32, #tpu.memory_space<hbm>>)
        tpu.yield
      }) : () -> ()
    } else {
    }
    return
  }
}

#map = affine_map<(d0, d1) -> (0, 0, 0)>
#map1 = affine_map<(d0, d1) -> (0, 0, 0, 0)>
module attributes {stable_mosaic.version = 14 : i64} {
  func.func @_sc_agg_body(%arg0: i32, %arg1: i32, %arg2: memref<2x10000x64xf32, #tpu.memory_space<hbm>>, %arg3: memref<2x16x250x80xi32, #tpu.memory_space<hbm>>, %arg4: memref<2x10000x64xf32, #tpu.memory_space<hbm>>, %arg5: memref<250x80xi32, #tpu.memory_space<vmem>>, %arg6: memref<250x80xi32, #tpu.memory_space<vmem>>, %arg7: memref<5x80x64xf32, #tpu.memory_space<vmem>>, %arg8: memref<104x64xf32, #tpu.memory_space<vmem>>, %arg9: memref<10000x64xf32, #tpu.memory_space<vmem_shared>>, %arg10: memref<5x!tpu.dma_semaphore, #tpu.memory_space<semaphore_mem>>, %arg11: memref<5x!tpu.dma_semaphore, #tpu.memory_space<semaphore_mem>>) attributes {dimension_semantics = [#tpu.dimension_semantics<core_parallel>, #tpu.dimension_semantics<subcore_parallel>], iteration_bounds = array<i64: 2, 16>, scalar_prefetch = 0 : i64, scratch_operands = 7 : i64, tpu.core_type = #tpu.core_type<sc_vector_subcore>, window_params = [{transform_indices = #map}, {transform_indices = #map1}, {transform_indices = #map}]} {
    %run_scoped3A = arith.constant 0 : i32
    "tpu.region"() ({
      %run_scoped3A_143 = tpu.sem_alloc : memref<!tpu.dma_semaphore, #tpu.memory_space<semaphore_mem>>
      %dma_start3A_144 = arith.constant 0 : i32
      %dma_start3A_145 = arith.constant 0 : i32
      %dma_start3A_146 = tpu.memref_slice %arg3[%run_scoped3A, %arg1, %dma_start3A_144, %dma_start3A_145] : memref<2x16x250x80xi32, #tpu.memory_space<hbm>> -> memref<1x1x250x80xi32, #tpu.memory_space<hbm>>
      %dma_start3A_147 = tpu.memref_squeeze %dma_start3A_146 : memref<1x1x250x80xi32, #tpu.memory_space<hbm>> -> memref<250x80xi32, #tpu.memory_space<hbm>>
      %dma_start3A_148 = arith.constant 0 : i32
      %dma_start3A_149 = arith.constant 0 : i32
      %dma_start3A_150 = tpu.memref_slice %arg3[%run_scoped3A, %arg1, %dma_start3A_148, %dma_start3A_149] : memref<2x16x250x80xi32, #tpu.memory_space<hbm>> -> memref<1x1x250x80xi32, #tpu.memory_space<hbm>>
      %dma_start3A_151 = tpu.memref_squeeze %dma_start3A_150 : memref<1x1x250x80xi32, #tpu.memory_space<hbm>> -> memref<250x80xi32, #tpu.memory_space<hbm>>
      tpu.enqueue_dma source(%dma_start3A_151 : memref<250x80xi32, #tpu.memory_space<hbm>>) target(%arg5 : memref<250x80xi32, #tpu.memory_space<vmem>>) target_semaphore(%run_scoped3A_143 : memref<!tpu.dma_semaphore, #tpu.memory_space<semaphore_mem>>)
      %dma_wait3A_152 = arith.constant 0 : i32
      %dma_wait3A_153 = arith.constant 0 : i32
      %dma_wait3A_154 = tpu.memref_slice %arg3[%run_scoped3A, %arg1, %dma_wait3A_152, %dma_wait3A_153] : memref<2x16x250x80xi32, #tpu.memory_space<hbm>> -> memref<1x1x250x80xi32, #tpu.memory_space<hbm>>
      %dma_wait3A_155 = tpu.memref_squeeze %dma_wait3A_154 : memref<1x1x250x80xi32, #tpu.memory_space<hbm>> -> memref<250x80xi32, #tpu.memory_space<hbm>>
      %dma_wait3A_156 = arith.constant 0 : i32
      %dma_wait3A_157 = arith.constant 0 : i32
      %dma_wait3A_158 = tpu.memref_slice %arg3[%run_scoped3A, %arg1, %dma_wait3A_156, %dma_wait3A_157] : memref<2x16x250x80xi32, #tpu.memory_space<hbm>> -> memref<1x1x250x80xi32, #tpu.memory_space<hbm>>
      %dma_wait3A_159 = tpu.memref_squeeze %dma_wait3A_158 : memref<1x1x250x80xi32, #tpu.memory_space<hbm>> -> memref<250x80xi32, #tpu.memory_space<hbm>>
      tpu.wait_dma2 semaphore(%run_scoped3A_143 : memref<!tpu.dma_semaphore, #tpu.memory_space<semaphore_mem>>) src(%dma_wait3A_159 : memref<250x80xi32, #tpu.memory_space<hbm>>) dst(%arg5 : memref<250x80xi32, #tpu.memory_space<vmem>>)
      tpu.yield
    }) : () -> ()
    %run_scoped3A_0 = arith.constant 1 : i32
    "tpu.region"() ({
      %run_scoped3A_143 = tpu.sem_alloc : memref<!tpu.dma_semaphore, #tpu.memory_space<semaphore_mem>>
      %dma_start3A_144 = arith.constant 0 : i32
      %dma_start3A_145 = arith.constant 0 : i32
      %dma_start3A_146 = tpu.memref_slice %arg3[%run_scoped3A_0, %arg1, %dma_start3A_144, %dma_start3A_145] : memref<2x16x250x80xi32, #tpu.memory_space<hbm>> -> memref<1x1x250x80xi32, #tpu.memory_space<hbm>>
      %dma_start3A_147 = tpu.memref_squeeze %dma_start3A_146 : memref<1x1x250x80xi32, #tpu.memory_space<hbm>> -> memref<250x80xi32, #tpu.memory_space<hbm>>
      %dma_start3A_148 = arith.constant 0 : i32
      %dma_start3A_149 = arith.constant 0 : i32
      %dma_start3A_150 = tpu.memref_slice %arg3[%run_scoped3A_0, %arg1, %dma_start3A_148, %dma_start3A_149] : memref<2x16x250x80xi32, #tpu.memory_space<hbm>> -> memref<1x1x250x80xi32, #tpu.memory_space<hbm>>
      %dma_start3A_151 = tpu.memref_squeeze %dma_start3A_150 : memref<1x1x250x80xi32, #tpu.memory_space<hbm>> -> memref<250x80xi32, #tpu.memory_space<hbm>>
      tpu.enqueue_dma source(%dma_start3A_151 : memref<250x80xi32, #tpu.memory_space<hbm>>) target(%arg6 : memref<250x80xi32, #tpu.memory_space<vmem>>) target_semaphore(%run_scoped3A_143 : memref<!tpu.dma_semaphore, #tpu.memory_space<semaphore_mem>>)
      %dma_wait3A_152 = arith.constant 0 : i32
      %dma_wait3A_153 = arith.constant 0 : i32
      %dma_wait3A_154 = tpu.memref_slice %arg3[%run_scoped3A_0, %arg1, %dma_wait3A_152, %dma_wait3A_153] : memref<2x16x250x80xi32, #tpu.memory_space<hbm>> -> memref<1x1x250x80xi32, #tpu.memory_space<hbm>>
      %dma_wait3A_155 = tpu.memref_squeeze %dma_wait3A_154 : memref<1x1x250x80xi32, #tpu.memory_space<hbm>> -> memref<250x80xi32, #tpu.memory_space<hbm>>
      %dma_wait3A_156 = arith.constant 0 : i32
      %dma_wait3A_157 = arith.constant 0 : i32
      %dma_wait3A_158 = tpu.memref_slice %arg3[%run_scoped3A_0, %arg1, %dma_wait3A_156, %dma_wait3A_157] : memref<2x16x250x80xi32, #tpu.memory_space<hbm>> -> memref<1x1x250x80xi32, #tpu.memory_space<hbm>>
      %dma_wait3A_159 = tpu.memref_squeeze %dma_wait3A_158 : memref<1x1x250x80xi32, #tpu.memory_space<hbm>> -> memref<250x80xi32, #tpu.memory_space<hbm>>
      tpu.wait_dma2 semaphore(%run_scoped3A_143 : memref<!tpu.dma_semaphore, #tpu.memory_space<semaphore_mem>>) src(%dma_wait3A_159 : memref<250x80xi32, #tpu.memory_space<hbm>>) dst(%arg6 : memref<250x80xi32, #tpu.memory_space<vmem>>)
      tpu.yield
    }) : () -> ()
    %dma_start3A = arith.constant 0 : i32
    %dma_start3A_1 = arith.constant 0 : i32
    %dma_start3A_2 = arith.constant 0 : i32
    %dma_start3A_3 = arith.constant 0 : i32
    %dma_start3A_4 = arith.constant 0 : i32
    %dma_start3A_5 = tpu.memref_slice %arg7[%dma_start3A_1, %dma_start3A_3, %dma_start3A_4] : memref<5x80x64xf32, #tpu.memory_space<vmem>> -> memref<1x80x64xf32, #tpu.memory_space<vmem>>
    %dma_start3A_6 = tpu.memref_squeeze %dma_start3A_5 : memref<1x80x64xf32, #tpu.memory_space<vmem>> -> memref<80x64xf32, #tpu.memory_space<vmem>>
    %dma_start3A_7 = arith.constant 0 : i32
    %dma_start3A_8 = tpu.memref_slice %arg5[%dma_start3A, %dma_start3A_7] : memref<250x80xi32, #tpu.memory_space<vmem>> -> memref<1x80xi32, #tpu.memory_space<vmem>>
    %dma_start3A_9 = tpu.memref_squeeze %dma_start3A_8 : memref<1x80xi32, #tpu.memory_space<vmem>> -> memref<80xi32, #tpu.memory_space<vmem>>
    %dma_start3A_10 = arith.constant 0 : i32
    %dma_start3A_11 = arith.constant 0 : i32
    %dma_start3A_12 = tpu.memref_slice %arg2[%arg0, %dma_start3A_10, %dma_start3A_11] : memref<2x10000x64xf32, #tpu.memory_space<hbm>> -> memref<1x10000x64xf32, #tpu.memory_space<hbm>>
    %dma_start3A_13 = tpu.memref_squeeze %dma_start3A_12 : memref<1x10000x64xf32, #tpu.memory_space<hbm>> -> memref<10000x64xf32, #tpu.memory_space<hbm>>
    %dma_start3A_14 = arith.constant 0 : i32
    %dma_start3A_15 = arith.constant 0 : i32
    %dma_start3A_16 = tpu.memref_slice %dma_start3A_13[%dma_start3A_14, %dma_start3A_15] : memref<10000x64xf32, #tpu.memory_space<hbm>> -> memref<10000x64xf32, #tpu.memory_space<hbm>>
    %dma_start3A_17 = tpu.memref_slice %arg10[%dma_start3A_2] : memref<5x!tpu.dma_semaphore, #tpu.memory_space<semaphore_mem>> -> memref<1x!tpu.dma_semaphore, #tpu.memory_space<semaphore_mem>>
    %dma_start3A_18 = tpu.memref_squeeze %dma_start3A_17 : memref<1x!tpu.dma_semaphore, #tpu.memory_space<semaphore_mem>> -> memref<!tpu.dma_semaphore, #tpu.memory_space<semaphore_mem>>
    tpu.enqueue_indirect_dma source(%dma_start3A_16 : memref<10000x64xf32, #tpu.memory_space<hbm>>) target(%dma_start3A_6 : memref<80x64xf32, #tpu.memory_space<vmem>>) offsets(%dma_start3A_9 : memref<80xi32, #tpu.memory_space<vmem>>) semaphore(%dma_start3A_18 : memref<!tpu.dma_semaphore, #tpu.memory_space<semaphore_mem>>)
    %dma_start3A_19 = arith.constant 1 : i32
    %dma_start3A_20 = arith.constant 1 : i32
    %dma_start3A_21 = arith.constant 1 : i32
    %dma_start3A_22 = arith.constant 0 : i32
    %dma_start3A_23 = arith.constant 0 : i32
    %dma_start3A_24 = tpu.memref_slice %arg7[%dma_start3A_20, %dma_start3A_22, %dma_start3A_23] : memref<5x80x64xf32, #tpu.memory_space<vmem>> -> memref<1x80x64xf32, #tpu.memory_space<vmem>>
    %dma_start3A_25 = tpu.memref_squeeze %dma_start3A_24 : memref<1x80x64xf32, #tpu.memory_space<vmem>> -> memref<80x64xf32, #tpu.memory_space<vmem>>
    %dma_start3A_26 = arith.constant 0 : i32
    %dma_start3A_27 = tpu.memref_slice %arg5[%dma_start3A_19, %dma_start3A_26] : memref<250x80xi32, #tpu.memory_space<vmem>> -> memref<1x80xi32, #tpu.memory_space<vmem>>
    %dma_start3A_28 = tpu.memref_squeeze %dma_start3A_27 : memref<1x80xi32, #tpu.memory_space<vmem>> -> memref<80xi32, #tpu.memory_space<vmem>>
    %dma_start3A_29 = arith.constant 0 : i32
    %dma_start3A_30 = arith.constant 0 : i32
    %dma_start3A_31 = tpu.memref_slice %arg2[%arg0, %dma_start3A_29, %dma_start3A_30] : memref<2x10000x64xf32, #tpu.memory_space<hbm>> -> memref<1x10000x64xf32, #tpu.memory_space<hbm>>
    %dma_start3A_32 = tpu.memref_squeeze %dma_start3A_31 : memref<1x10000x64xf32, #tpu.memory_space<hbm>> -> memref<10000x64xf32, #tpu.memory_space<hbm>>
    %dma_start3A_33 = arith.constant 0 : i32
    %dma_start3A_34 = arith.constant 0 : i32
    %dma_start3A_35 = tpu.memref_slice %dma_start3A_32[%dma_start3A_33, %dma_start3A_34] : memref<10000x64xf32, #tpu.memory_space<hbm>> -> memref<10000x64xf32, #tpu.memory_space<hbm>>
    %dma_start3A_36 = tpu.memref_slice %arg10[%dma_start3A_21] : memref<5x!tpu.dma_semaphore, #tpu.memory_space<semaphore_mem>> -> memref<1x!tpu.dma_semaphore, #tpu.memory_space<semaphore_mem>>
    %dma_start3A_37 = tpu.memref_squeeze %dma_start3A_36 : memref<1x!tpu.dma_semaphore, #tpu.memory_space<semaphore_mem>> -> memref<!tpu.dma_semaphore, #tpu.memory_space<semaphore_mem>>
    tpu.enqueue_indirect_dma source(%dma_start3A_35 : memref<10000x64xf32, #tpu.memory_space<hbm>>) target(%dma_start3A_25 : memref<80x64xf32, #tpu.memory_space<vmem>>) offsets(%dma_start3A_28 : memref<80xi32, #tpu.memory_space<vmem>>) semaphore(%dma_start3A_37 : memref<!tpu.dma_semaphore, #tpu.memory_space<semaphore_mem>>)
    %scan3A = arith.constant 0 : i32
    %scan3A_38 = arith.constant 0 : i32
    %scan3A_39 = arith.constant 104 : i32
    %scan3A_40 = arith.addi %scan3A_38, %scan3A_39 : i32
    %scan3A_41 = arith.constant 1 : i32
    scf.for %scan3A_143 = %scan3A_38 to %scan3A_40 step %scan3A_41  : i32 {
      %broadcast_in_dim3A = arith.constant 0.000000e+00 : f32
      %broadcast_in_dim3A_144 = vector.broadcast %broadcast_in_dim3A : f32 to vector<16xf32>
      %swap3A = arith.index_cast %scan3A_143 : i32 to index
      %swap3A_145 = arith.constant 0 : index
      %swap3A_146 = tpu.vector_load %arg8[%swap3A, %swap3A_145] {strides = array<i32>} : memref<104x64xf32, #tpu.memory_space<vmem>>, vector<1x16xf32>,
      %swap3A_147 = vector.shape_cast %swap3A_146 : vector<1x16xf32> to vector<16xf32>
      %swap3A_148 = vector.shape_cast %broadcast_in_dim3A_144 : vector<16xf32> to vector<1x16xf32>
      tpu.vector_store %arg8[%swap3A, %swap3A_145], %swap3A_148 {strides = array<i32>} : memref<104x64xf32, #tpu.memory_space<vmem>>, vector<1x16xf32>,
      %broadcast_in_dim3A_149 = arith.constant 0.000000e+00 : f32
      %broadcast_in_dim3A_150 = vector.broadcast %broadcast_in_dim3A_149 : f32 to vector<16xf32>
      %swap3A_151 = arith.index_cast %scan3A_143 : i32 to index
      %swap3A_152 = arith.constant 16 : index
      %swap3A_153 = tpu.vector_load %arg8[%swap3A_151, %swap3A_152] {strides = array<i32>} : memref<104x64xf32, #tpu.memory_space<vmem>>, vector<1x16xf32>,
      %swap3A_154 = vector.shape_cast %swap3A_153 : vector<1x16xf32> to vector<16xf32>
      %swap3A_155 = vector.shape_cast %broadcast_in_dim3A_150 : vector<16xf32> to vector<1x16xf32>
      tpu.vector_store %arg8[%swap3A_151, %swap3A_152], %swap3A_155 {strides = array<i32>} : memref<104x64xf32, #tpu.memory_space<vmem>>, vector<1x16xf32>,
      %broadcast_in_dim3A_156 = arith.constant 0.000000e+00 : f32
      %broadcast_in_dim3A_157 = vector.broadcast %broadcast_in_dim3A_156 : f32 to vector<16xf32>
      %swap3A_158 = arith.index_cast %scan3A_143 : i32 to index
      %swap3A_159 = arith.constant 32 : index
      %swap3A_160 = tpu.vector_load %arg8[%swap3A_158, %swap3A_159] {strides = array<i32>} : memref<104x64xf32, #tpu.memory_space<vmem>>, vector<1x16xf32>,
      %swap3A_161 = vector.shape_cast %swap3A_160 : vector<1x16xf32> to vector<16xf32>
      %swap3A_162 = vector.shape_cast %broadcast_in_dim3A_157 : vector<16xf32> to vector<1x16xf32>
      tpu.vector_store %arg8[%swap3A_158, %swap3A_159], %swap3A_162 {strides = array<i32>} : memref<104x64xf32, #tpu.memory_space<vmem>>, vector<1x16xf32>,
      %broadcast_in_dim3A_163 = arith.constant 0.000000e+00 : f32
      %broadcast_in_dim3A_164 = vector.broadcast %broadcast_in_dim3A_163 : f32 to vector<16xf32>
      %swap3A_165 = arith.index_cast %scan3A_143 : i32 to index
      %swap3A_166 = arith.constant 48 : index
      %swap3A_167 = tpu.vector_load %arg8[%swap3A_165, %swap3A_166] {strides = array<i32>} : memref<104x64xf32, #tpu.memory_space<vmem>>, vector<1x16xf32>,
      %swap3A_168 = vector.shape_cast %swap3A_167 : vector<1x16xf32> to vector<16xf32>
      %swap3A_169 = vector.shape_cast %broadcast_in_dim3A_164 : vector<16xf32> to vector<1x16xf32>
      tpu.vector_store %arg8[%swap3A_165, %swap3A_166], %swap3A_169 {strides = array<i32>} : memref<104x64xf32, #tpu.memory_space<vmem>>, vector<1x16xf32>,
    }
    %scan3A_42 = arith.constant 104 : i32
    %mul3A = arith.constant 624 : i32
    %mul3A_43 = arith.muli %arg1, %mul3A : i32
    %multiple_of3A = tpu.assume_multiple %mul3A_43, 8 : i32
    %add3A = arith.constant 0 : i32
    %add3A_44 = arith.addi %multiple_of3A, %add3A : i32
    "tpu.region"() ({
      %run_scoped3A_143 = tpu.sem_alloc : memref<!tpu.dma_semaphore, #tpu.memory_space<semaphore_mem>>
      %dma_start3A_144 = arith.constant 0 : i32
      %dma_start3A_145 = tpu.memref_slice %arg9[%add3A_44, %dma_start3A_144] : memref<10000x64xf32, #tpu.memory_space<vmem_shared>> -> memref<104x64xf32, #tpu.memory_space<vmem_shared>>
      %dma_start3A_146 = arith.constant 0 : i32
      %dma_start3A_147 = tpu.memref_slice %arg9[%add3A_44, %dma_start3A_146] : memref<10000x64xf32, #tpu.memory_space<vmem_shared>> -> memref<104x64xf32, #tpu.memory_space<vmem_shared>>
      tpu.enqueue_dma source(%arg8 : memref<104x64xf32, #tpu.memory_space<vmem>>) target(%dma_start3A_147 : memref<104x64xf32, #tpu.memory_space<vmem_shared>>) target_semaphore(%run_scoped3A_143 : memref<!tpu.dma_semaphore, #tpu.memory_space<semaphore_mem>>)
      %dma_wait3A_148 = arith.constant 0 : i32
      %dma_wait3A_149 = tpu.memref_slice %arg9[%add3A_44, %dma_wait3A_148] : memref<10000x64xf32, #tpu.memory_space<vmem_shared>> -> memref<104x64xf32, #tpu.memory_space<vmem_shared>>
      %dma_wait3A_150 = arith.constant 0 : i32
      %dma_wait3A_151 = tpu.memref_slice %arg9[%add3A_44, %dma_wait3A_150] : memref<10000x64xf32, #tpu.memory_space<vmem_shared>> -> memref<104x64xf32, #tpu.memory_space<vmem_shared>>
      tpu.wait_dma2 semaphore(%run_scoped3A_143 : memref<!tpu.dma_semaphore, #tpu.memory_space<semaphore_mem>>) src(%arg8 : memref<104x64xf32, #tpu.memory_space<vmem>>) dst(%dma_wait3A_151 : memref<104x64xf32, #tpu.memory_space<vmem_shared>>)
      tpu.yield
    }) : () -> ()
    %add3A_45 = arith.constant 104 : i32
    %add3A_46 = arith.addi %multiple_of3A, %add3A_45 : i32
    "tpu.region"() ({
      %run_scoped3A_143 = tpu.sem_alloc : memref<!tpu.dma_semaphore, #tpu.memory_space<semaphore_mem>>
      %dma_start3A_144 = arith.constant 0 : i32
      %dma_start3A_145 = tpu.memref_slice %arg9[%add3A_46, %dma_start3A_144] : memref<10000x64xf32, #tpu.memory_space<vmem_shared>> -> memref<104x64xf32, #tpu.memory_space<vmem_shared>>
      %dma_start3A_146 = arith.constant 0 : i32
      %dma_start3A_147 = tpu.memref_slice %arg9[%add3A_46, %dma_start3A_146] : memref<10000x64xf32, #tpu.memory_space<vmem_shared>> -> memref<104x64xf32, #tpu.memory_space<vmem_shared>>
      tpu.enqueue_dma source(%arg8 : memref<104x64xf32, #tpu.memory_space<vmem>>) target(%dma_start3A_147 : memref<104x64xf32, #tpu.memory_space<vmem_shared>>) target_semaphore(%run_scoped3A_143 : memref<!tpu.dma_semaphore, #tpu.memory_space<semaphore_mem>>)
      %dma_wait3A_148 = arith.constant 0 : i32
      %dma_wait3A_149 = tpu.memref_slice %arg9[%add3A_46, %dma_wait3A_148] : memref<10000x64xf32, #tpu.memory_space<vmem_shared>> -> memref<104x64xf32, #tpu.memory_space<vmem_shared>>
      %dma_wait3A_150 = arith.constant 0 : i32
      %dma_wait3A_151 = tpu.memref_slice %arg9[%add3A_46, %dma_wait3A_150] : memref<10000x64xf32, #tpu.memory_space<vmem_shared>> -> memref<104x64xf32, #tpu.memory_space<vmem_shared>>
      tpu.wait_dma2 semaphore(%run_scoped3A_143 : memref<!tpu.dma_semaphore, #tpu.memory_space<semaphore_mem>>) src(%arg8 : memref<104x64xf32, #tpu.memory_space<vmem>>) dst(%dma_wait3A_151 : memref<104x64xf32, #tpu.memory_space<vmem_shared>>)
      tpu.yield
    }) : () -> ()
    %add3A_47 = arith.constant 208 : i32
    %add3A_48 = arith.addi %multiple_of3A, %add3A_47 : i32
    "tpu.region"() ({
      %run_scoped3A_143 = tpu.sem_alloc : memref<!tpu.dma_semaphore, #tpu.memory_space<semaphore_mem>>
      %dma_start3A_144 = arith.constant 0 : i32
      %dma_start3A_145 = tpu.memref_slice %arg9[%add3A_48, %dma_start3A_144] : memref<10000x64xf32, #tpu.memory_space<vmem_shared>> -> memref<104x64xf32, #tpu.memory_space<vmem_shared>>
      %dma_start3A_146 = arith.constant 0 : i32
      %dma_start3A_147 = tpu.memref_slice %arg9[%add3A_48, %dma_start3A_146] : memref<10000x64xf32, #tpu.memory_space<vmem_shared>> -> memref<104x64xf32, #tpu.memory_space<vmem_shared>>
      tpu.enqueue_dma source(%arg8 : memref<104x64xf32, #tpu.memory_space<vmem>>) target(%dma_start3A_147 : memref<104x64xf32, #tpu.memory_space<vmem_shared>>) target_semaphore(%run_scoped3A_143 : memref<!tpu.dma_semaphore, #tpu.memory_space<semaphore_mem>>)
      %dma_wait3A_148 = arith.constant 0 : i32
      %dma_wait3A_149 = tpu.memref_slice %arg9[%add3A_48, %dma_wait3A_148] : memref<10000x64xf32, #tpu.memory_space<vmem_shared>> -> memref<104x64xf32, #tpu.memory_space<vmem_shared>>
      %dma_wait3A_150 = arith.constant 0 : i32
      %dma_wait3A_151 = tpu.memref_slice %arg9[%add3A_48, %dma_wait3A_150] : memref<10000x64xf32, #tpu.memory_space<vmem_shared>> -> memref<104x64xf32, #tpu.memory_space<vmem_shared>>
      tpu.wait_dma2 semaphore(%run_scoped3A_143 : memref<!tpu.dma_semaphore, #tpu.memory_space<semaphore_mem>>) src(%arg8 : memref<104x64xf32, #tpu.memory_space<vmem>>) dst(%dma_wait3A_151 : memref<104x64xf32, #tpu.memory_space<vmem_shared>>)
      tpu.yield
    }) : () -> ()
    %add3A_49 = arith.constant 312 : i32
    %add3A_50 = arith.addi %multiple_of3A, %add3A_49 : i32
    "tpu.region"() ({
      %run_scoped3A_143 = tpu.sem_alloc : memref<!tpu.dma_semaphore, #tpu.memory_space<semaphore_mem>>
      %dma_start3A_144 = arith.constant 0 : i32
      %dma_start3A_145 = tpu.memref_slice %arg9[%add3A_50, %dma_start3A_144] : memref<10000x64xf32, #tpu.memory_space<vmem_shared>> -> memref<104x64xf32, #tpu.memory_space<vmem_shared>>
      %dma_start3A_146 = arith.constant 0 : i32
      %dma_start3A_147 = tpu.memref_slice %arg9[%add3A_50, %dma_start3A_146] : memref<10000x64xf32, #tpu.memory_space<vmem_shared>> -> memref<104x64xf32, #tpu.memory_space<vmem_shared>>
      tpu.enqueue_dma source(%arg8 : memref<104x64xf32, #tpu.memory_space<vmem>>) target(%dma_start3A_147 : memref<104x64xf32, #tpu.memory_space<vmem_shared>>) target_semaphore(%run_scoped3A_143 : memref<!tpu.dma_semaphore, #tpu.memory_space<semaphore_mem>>)
      %dma_wait3A_148 = arith.constant 0 : i32
      %dma_wait3A_149 = tpu.memref_slice %arg9[%add3A_50, %dma_wait3A_148] : memref<10000x64xf32, #tpu.memory_space<vmem_shared>> -> memref<104x64xf32, #tpu.memory_space<vmem_shared>>
      %dma_wait3A_150 = arith.constant 0 : i32
      %dma_wait3A_151 = tpu.memref_slice %arg9[%add3A_50, %dma_wait3A_150] : memref<10000x64xf32, #tpu.memory_space<vmem_shared>> -> memref<104x64xf32, #tpu.memory_space<vmem_shared>>
      tpu.wait_dma2 semaphore(%run_scoped3A_143 : memref<!tpu.dma_semaphore, #tpu.memory_space<semaphore_mem>>) src(%arg8 : memref<104x64xf32, #tpu.memory_space<vmem>>) dst(%dma_wait3A_151 : memref<104x64xf32, #tpu.memory_space<vmem_shared>>)
      tpu.yield
    }) : () -> ()
    %add3A_51 = arith.constant 416 : i32
    %add3A_52 = arith.addi %multiple_of3A, %add3A_51 : i32
    "tpu.region"() ({
      %run_scoped3A_143 = tpu.sem_alloc : memref<!tpu.dma_semaphore, #tpu.memory_space<semaphore_mem>>
      %dma_start3A_144 = arith.constant 0 : i32
      %dma_start3A_145 = tpu.memref_slice %arg9[%add3A_52, %dma_start3A_144] : memref<10000x64xf32, #tpu.memory_space<vmem_shared>> -> memref<104x64xf32, #tpu.memory_space<vmem_shared>>
      %dma_start3A_146 = arith.constant 0 : i32
      %dma_start3A_147 = tpu.memref_slice %arg9[%add3A_52, %dma_start3A_146] : memref<10000x64xf32, #tpu.memory_space<vmem_shared>> -> memref<104x64xf32, #tpu.memory_space<vmem_shared>>
      tpu.enqueue_dma source(%arg8 : memref<104x64xf32, #tpu.memory_space<vmem>>) target(%dma_start3A_147 : memref<104x64xf32, #tpu.memory_space<vmem_shared>>) target_semaphore(%run_scoped3A_143 : memref<!tpu.dma_semaphore, #tpu.memory_space<semaphore_mem>>)
      %dma_wait3A_148 = arith.constant 0 : i32
      %dma_wait3A_149 = tpu.memref_slice %arg9[%add3A_52, %dma_wait3A_148] : memref<10000x64xf32, #tpu.memory_space<vmem_shared>> -> memref<104x64xf32, #tpu.memory_space<vmem_shared>>
      %dma_wait3A_150 = arith.constant 0 : i32
      %dma_wait3A_151 = tpu.memref_slice %arg9[%add3A_52, %dma_wait3A_150] : memref<10000x64xf32, #tpu.memory_space<vmem_shared>> -> memref<104x64xf32, #tpu.memory_space<vmem_shared>>
      tpu.wait_dma2 semaphore(%run_scoped3A_143 : memref<!tpu.dma_semaphore, #tpu.memory_space<semaphore_mem>>) src(%arg8 : memref<104x64xf32, #tpu.memory_space<vmem>>) dst(%dma_wait3A_151 : memref<104x64xf32, #tpu.memory_space<vmem_shared>>)
      tpu.yield
    }) : () -> ()
    %add3A_53 = arith.constant 520 : i32
    %add3A_54 = arith.addi %multiple_of3A, %add3A_53 : i32
    "tpu.region"() ({
      %run_scoped3A_143 = tpu.sem_alloc : memref<!tpu.dma_semaphore, #tpu.memory_space<semaphore_mem>>
      %dma_start3A_144 = arith.constant 0 : i32
      %dma_start3A_145 = tpu.memref_slice %arg9[%add3A_54, %dma_start3A_144] : memref<10000x64xf32, #tpu.memory_space<vmem_shared>> -> memref<104x64xf32, #tpu.memory_space<vmem_shared>>
      %dma_start3A_146 = arith.constant 0 : i32
      %dma_start3A_147 = tpu.memref_slice %arg9[%add3A_54, %dma_start3A_146] : memref<10000x64xf32, #tpu.memory_space<vmem_shared>> -> memref<104x64xf32, #tpu.memory_space<vmem_shared>>
      tpu.enqueue_dma source(%arg8 : memref<104x64xf32, #tpu.memory_space<vmem>>) target(%dma_start3A_147 : memref<104x64xf32, #tpu.memory_space<vmem_shared>>) target_semaphore(%run_scoped3A_143 : memref<!tpu.dma_semaphore, #tpu.memory_space<semaphore_mem>>)
      %dma_wait3A_148 = arith.constant 0 : i32
      %dma_wait3A_149 = tpu.memref_slice %arg9[%add3A_54, %dma_wait3A_148] : memref<10000x64xf32, #tpu.memory_space<vmem_shared>> -> memref<104x64xf32, #tpu.memory_space<vmem_shared>>
      %dma_wait3A_150 = arith.constant 0 : i32
      %dma_wait3A_151 = tpu.memref_slice %arg9[%add3A_54, %dma_wait3A_150] : memref<10000x64xf32, #tpu.memory_space<vmem_shared>> -> memref<104x64xf32, #tpu.memory_space<vmem_shared>>
      tpu.wait_dma2 semaphore(%run_scoped3A_143 : memref<!tpu.dma_semaphore, #tpu.memory_space<semaphore_mem>>) src(%arg8 : memref<104x64xf32, #tpu.memory_space<vmem>>) dst(%dma_wait3A_151 : memref<104x64xf32, #tpu.memory_space<vmem_shared>>)
      tpu.yield
    }) : () -> ()
    %eq3A = arith.constant 15 : i32
    %eq3A_55 = arith.cmpi eq, %arg1, %eq3A : i32
    %convert_element_type3A = arith.extui %eq3A_55 : i1 to i32
    %cond3A = arith.constant 0 : i32
    %cond3A_56 = arith.cmpi ne, %convert_element_type3A, %cond3A : i32
    scf.if %cond3A_56 {
      "tpu.region"() ({
        %run_scoped3A_143 = tpu.sem_alloc : memref<!tpu.dma_semaphore, #tpu.memory_space<semaphore_mem>>
        %dma_start3A_144 = arith.constant 0 : i32
        %dma_start3A_145 = arith.constant 0 : i32
        %dma_start3A_146 = tpu.memref_slice %arg8[%dma_start3A_144, %dma_start3A_145] : memref<104x64xf32, #tpu.memory_space<vmem>> -> memref<16x64xf32, #tpu.memory_space<vmem>>
        %dma_start3A_147 = arith.constant 9984 : i32
        %dma_start3A_148 = arith.constant 0 : i32
        %dma_start3A_149 = tpu.memref_slice %arg9[%dma_start3A_147, %dma_start3A_148] : memref<10000x64xf32, #tpu.memory_space<vmem_shared>> -> memref<16x64xf32, #tpu.memory_space<vmem_shared>>
        %dma_start3A_150 = arith.constant 9984 : i32
        %dma_start3A_151 = arith.constant 0 : i32
        %dma_start3A_152 = tpu.memref_slice %arg9[%dma_start3A_150, %dma_start3A_151] : memref<10000x64xf32, #tpu.memory_space<vmem_shared>> -> memref<16x64xf32, #tpu.memory_space<vmem_shared>>
        %dma_start3A_153 = arith.constant 0 : i32
        %dma_start3A_154 = arith.constant 0 : i32
        %dma_start3A_155 = tpu.memref_slice %arg8[%dma_start3A_153, %dma_start3A_154] : memref<104x64xf32, #tpu.memory_space<vmem>> -> memref<16x64xf32, #tpu.memory_space<vmem>>
        tpu.enqueue_dma source(%dma_start3A_155 : memref<16x64xf32, #tpu.memory_space<vmem>>) target(%dma_start3A_152 : memref<16x64xf32, #tpu.memory_space<vmem_shared>>) target_semaphore(%run_scoped3A_143 : memref<!tpu.dma_semaphore, #tpu.memory_space<semaphore_mem>>)
        %dma_wait3A_156 = arith.constant 0 : i32
        %dma_wait3A_157 = arith.constant 0 : i32
        %dma_wait3A_158 = tpu.memref_slice %arg8[%dma_wait3A_156, %dma_wait3A_157] : memref<104x64xf32, #tpu.memory_space<vmem>> -> memref<16x64xf32, #tpu.memory_space<vmem>>
        %dma_wait3A_159 = arith.constant 9984 : i32
        %dma_wait3A_160 = arith.constant 0 : i32
        %dma_wait3A_161 = tpu.memref_slice %arg9[%dma_wait3A_159, %dma_wait3A_160] : memref<10000x64xf32, #tpu.memory_space<vmem_shared>> -> memref<16x64xf32, #tpu.memory_space<vmem_shared>>
        %dma_wait3A_162 = arith.constant 9984 : i32
        %dma_wait3A_163 = arith.constant 0 : i32
        %dma_wait3A_164 = tpu.memref_slice %arg9[%dma_wait3A_162, %dma_wait3A_163] : memref<10000x64xf32, #tpu.memory_space<vmem_shared>> -> memref<16x64xf32, #tpu.memory_space<vmem_shared>>
        %dma_wait3A_165 = arith.constant 0 : i32
        %dma_wait3A_166 = arith.constant 0 : i32
        %dma_wait3A_167 = tpu.memref_slice %arg8[%dma_wait3A_165, %dma_wait3A_166] : memref<104x64xf32, #tpu.memory_space<vmem>> -> memref<16x64xf32, #tpu.memory_space<vmem>>
        tpu.wait_dma2 semaphore(%run_scoped3A_143 : memref<!tpu.dma_semaphore, #tpu.memory_space<semaphore_mem>>) src(%dma_wait3A_167 : memref<16x64xf32, #tpu.memory_space<vmem>>) dst(%dma_wait3A_164 : memref<16x64xf32, #tpu.memory_space<vmem_shared>>)
        tpu.yield
      }) : () -> ()
    } else {
    }
    %barrier3A = arith.constant 0 : index
    tpu.barrier barrier_id(%barrier3A)
    %scan3A_57 = arith.constant 0 : i32
    %scan3A_58 = arith.constant 0 : i32
    %scan3A_59 = arith.constant 50 : i32
    %scan3A_60 = arith.addi %scan3A_58, %scan3A_59 : i32
    %scan3A_61 = arith.constant 1 : i32
    scf.for %scan3A_143 = %scan3A_58 to %scan3A_60 step %scan3A_61  : i32 {
      %mul3A_144 = arith.constant 5 : i32
      %mul3A_145 = arith.muli %mul3A_144, %scan3A_143 : i32
      %add3A_146 = arith.constant 0 : i32
      %add3A_147 = arith.addi %mul3A_145, %add3A_146 : i32
      %add3A_148 = arith.constant 2 : i32
      %add3A_149 = arith.addi %add3A_147, %add3A_148 : i32
      %lt3A = arith.constant 250 : i32
      %lt3A_150 = arith.cmpi slt, %add3A_149, %lt3A : i32
      %ge3A = arith.constant 3 : i32
      %ge3A_151 = arith.cmpi sge, %add3A_147, %ge3A : i32
      %and3A = arith.andi %lt3A_150, %ge3A_151 : i1
      %convert_element_type3A_152 = arith.extui %and3A : i1 to i32
      %cond3A_153 = arith.constant 0 : i32
      %cond3A_154 = arith.cmpi ne, %convert_element_type3A_152, %cond3A_153 : i32
      scf.if %cond3A_154 {
        %sub3A = arith.constant 3 : i32
        %sub3A_398 = arith.subi %add3A_147, %sub3A : i32
        %dma_wait3A_399 = arith.constant 2 : i32
        %dma_wait3A_400 = arith.constant 2 : i32
        %dma_wait3A_401 = arith.constant 0 : i32
        %dma_wait3A_402 = arith.constant 0 : i32
        %dma_wait3A_403 = tpu.memref_slice %arg7[%dma_wait3A_399, %dma_wait3A_401, %dma_wait3A_402] : memref<5x80x64xf32, #tpu.memory_space<vmem>> -> memref<1x80x64xf32, #tpu.memory_space<vmem>>
        %dma_wait3A_404 = tpu.memref_squeeze %dma_wait3A_403 : memref<1x80x64xf32, #tpu.memory_space<vmem>> -> memref<80x64xf32, #tpu.memory_space<vmem>>
        %dma_wait3A_405 = arith.constant 0 : i32
        %dma_wait3A_406 = tpu.memref_slice %arg6[%sub3A_398, %dma_wait3A_405] : memref<250x80xi32, #tpu.memory_space<vmem>> -> memref<1x80xi32, #tpu.memory_space<vmem>>
        %dma_wait3A_407 = tpu.memref_squeeze %dma_wait3A_406 : memref<1x80xi32, #tpu.memory_space<vmem>> -> memref<80xi32, #tpu.memory_space<vmem>>
        %dma_wait3A_408 = arith.constant 0 : i32
        %dma_wait3A_409 = arith.constant 0 : i32
        %dma_wait3A_410 = tpu.memref_slice %arg9[%dma_wait3A_408, %dma_wait3A_409] : memref<10000x64xf32, #tpu.memory_space<vmem_shared>> -> memref<10000x64xf32, #tpu.memory_space<vmem_shared>>
        %dma_wait3A_411 = tpu.memref_slice %arg11[%dma_wait3A_400] : memref<5x!tpu.dma_semaphore, #tpu.memory_space<semaphore_mem>> -> memref<1x!tpu.dma_semaphore, #tpu.memory_space<semaphore_mem>>
        %dma_wait3A_412 = tpu.memref_squeeze %dma_wait3A_411 : memref<1x!tpu.dma_semaphore, #tpu.memory_space<semaphore_mem>> -> memref<!tpu.dma_semaphore, #tpu.memory_space<semaphore_mem>>
        tpu.wait_indirect_dma semaphore(%dma_wait3A_412 : memref<!tpu.dma_semaphore, #tpu.memory_space<semaphore_mem>>) src(%dma_wait3A_404 : memref<80x64xf32, #tpu.memory_space<vmem>>) dst(%dma_wait3A_410 : memref<10000x64xf32, #tpu.memory_space<vmem_shared>>)
      } else {
      }
      %add3A_155 = arith.constant 2 : i32
      %add3A_156 = arith.addi %add3A_147, %add3A_155 : i32
      %lt3A_157 = arith.constant 250 : i32
      %lt3A_158 = arith.cmpi slt, %add3A_156, %lt3A_157 : i32
      %convert_element_type3A_159 = arith.extui %lt3A_158 : i1 to i32
      %cond3A_160 = arith.constant 0 : i32
      %cond3A_161 = arith.cmpi ne, %convert_element_type3A_159, %cond3A_160 : i32
      scf.if %cond3A_161 {
        %add3A_398 = arith.constant 2 : i32
        %add3A_399 = arith.addi %add3A_147, %add3A_398 : i32
        %dma_start3A_400 = arith.constant 2 : i32
        %dma_start3A_401 = arith.constant 2 : i32
        %dma_start3A_402 = arith.constant 0 : i32
        %dma_start3A_403 = arith.constant 0 : i32
        %dma_start3A_404 = tpu.memref_slice %arg7[%dma_start3A_400, %dma_start3A_402, %dma_start3A_403] : memref<5x80x64xf32, #tpu.memory_space<vmem>> -> memref<1x80x64xf32, #tpu.memory_space<vmem>>
        %dma_start3A_405 = tpu.memref_squeeze %dma_start3A_404 : memref<1x80x64xf32, #tpu.memory_space<vmem>> -> memref<80x64xf32, #tpu.memory_space<vmem>>
        %dma_start3A_406 = arith.constant 0 : i32
        %dma_start3A_407 = tpu.memref_slice %arg5[%add3A_399, %dma_start3A_406] : memref<250x80xi32, #tpu.memory_space<vmem>> -> memref<1x80xi32, #tpu.memory_space<vmem>>
        %dma_start3A_408 = tpu.memref_squeeze %dma_start3A_407 : memref<1x80xi32, #tpu.memory_space<vmem>> -> memref<80xi32, #tpu.memory_space<vmem>>
        %dma_start3A_409 = arith.constant 0 : i32
        %dma_start3A_410 = arith.constant 0 : i32
        %dma_start3A_411 = tpu.memref_slice %arg2[%arg0, %dma_start3A_409, %dma_start3A_410] : memref<2x10000x64xf32, #tpu.memory_space<hbm>> -> memref<1x10000x64xf32, #tpu.memory_space<hbm>>
        %dma_start3A_412 = tpu.memref_squeeze %dma_start3A_411 : memref<1x10000x64xf32, #tpu.memory_space<hbm>> -> memref<10000x64xf32, #tpu.memory_space<hbm>>
        %dma_start3A_413 = arith.constant 0 : i32
        %dma_start3A_414 = arith.constant 0 : i32
        %dma_start3A_415 = tpu.memref_slice %dma_start3A_412[%dma_start3A_413, %dma_start3A_414] : memref<10000x64xf32, #tpu.memory_space<hbm>> -> memref<10000x64xf32, #tpu.memory_space<hbm>>
        %dma_start3A_416 = tpu.memref_slice %arg10[%dma_start3A_401] : memref<5x!tpu.dma_semaphore, #tpu.memory_space<semaphore_mem>> -> memref<1x!tpu.dma_semaphore, #tpu.memory_space<semaphore_mem>>
        %dma_start3A_417 = tpu.memref_squeeze %dma_start3A_416 : memref<1x!tpu.dma_semaphore, #tpu.memory_space<semaphore_mem>> -> memref<!tpu.dma_semaphore, #tpu.memory_space<semaphore_mem>>
        tpu.enqueue_indirect_dma source(%dma_start3A_415 : memref<10000x64xf32, #tpu.memory_space<hbm>>) target(%dma_start3A_405 : memref<80x64xf32, #tpu.memory_space<vmem>>) offsets(%dma_start3A_408 : memref<80xi32, #tpu.memory_space<vmem>>) semaphore(%dma_start3A_417 : memref<!tpu.dma_semaphore, #tpu.memory_space<semaphore_mem>>)
      } else {
      }
      %dma_wait3A_162 = arith.constant 0 : i32
      %dma_wait3A_163 = arith.constant 0 : i32
      %dma_wait3A_164 = arith.constant 0 : i32
      %dma_wait3A_165 = arith.constant 0 : i32
      %dma_wait3A_166 = tpu.memref_slice %arg7[%dma_wait3A_162, %dma_wait3A_164, %dma_wait3A_165] : memref<5x80x64xf32, #tpu.memory_space<vmem>> -> memref<1x80x64xf32, #tpu.memory_space<vmem>>
      %dma_wait3A_167 = tpu.memref_squeeze %dma_wait3A_166 : memref<1x80x64xf32, #tpu.memory_space<vmem>> -> memref<80x64xf32, #tpu.memory_space<vmem>>
      %dma_wait3A_168 = arith.constant 0 : i32
      %dma_wait3A_169 = tpu.memref_slice %arg5[%add3A_147, %dma_wait3A_168] : memref<250x80xi32, #tpu.memory_space<vmem>> -> memref<1x80xi32, #tpu.memory_space<vmem>>
      %dma_wait3A_170 = tpu.memref_squeeze %dma_wait3A_169 : memref<1x80xi32, #tpu.memory_space<vmem>> -> memref<80xi32, #tpu.memory_space<vmem>>
      %dma_wait3A_171 = arith.constant 0 : i32
      %dma_wait3A_172 = arith.constant 0 : i32
      %dma_wait3A_173 = tpu.memref_slice %arg2[%arg0, %dma_wait3A_171, %dma_wait3A_172] : memref<2x10000x64xf32, #tpu.memory_space<hbm>> -> memref<1x10000x64xf32, #tpu.memory_space<hbm>>
      %dma_wait3A_174 = tpu.memref_squeeze %dma_wait3A_173 : memref<1x10000x64xf32, #tpu.memory_space<hbm>> -> memref<10000x64xf32, #tpu.memory_space<hbm>>
      %dma_wait3A_175 = arith.constant 0 : i32
      %dma_wait3A_176 = arith.constant 0 : i32
      %dma_wait3A_177 = tpu.memref_slice %dma_wait3A_174[%dma_wait3A_175, %dma_wait3A_176] : memref<10000x64xf32, #tpu.memory_space<hbm>> -> memref<10000x64xf32, #tpu.memory_space<hbm>>
      %dma_wait3A_178 = tpu.memref_slice %arg10[%dma_wait3A_163] : memref<5x!tpu.dma_semaphore, #tpu.memory_space<semaphore_mem>> -> memref<1x!tpu.dma_semaphore, #tpu.memory_space<semaphore_mem>>
      %dma_wait3A_179 = tpu.memref_squeeze %dma_wait3A_178 : memref<1x!tpu.dma_semaphore, #tpu.memory_space<semaphore_mem>> -> memref<!tpu.dma_semaphore, #tpu.memory_space<semaphore_mem>>
      tpu.wait_indirect_dma semaphore(%dma_wait3A_179 : memref<!tpu.dma_semaphore, #tpu.memory_space<semaphore_mem>>) src(%dma_wait3A_177 : memref<10000x64xf32, #tpu.memory_space<hbm>>) dst(%dma_wait3A_167 : memref<80x64xf32, #tpu.memory_space<vmem>>)
      %dma_start3A_180 = arith.constant 0 : i32
      %dma_start3A_181 = arith.constant 0 : i32
      %dma_start3A_182 = arith.constant 0 : i32
      %dma_start3A_183 = arith.constant 0 : i32
      %dma_start3A_184 = tpu.memref_slice %arg7[%dma_start3A_180, %dma_start3A_182, %dma_start3A_183] : memref<5x80x64xf32, #tpu.memory_space<vmem>> -> memref<1x80x64xf32, #tpu.memory_space<vmem>>
      %dma_start3A_185 = tpu.memref_squeeze %dma_start3A_184 : memref<1x80x64xf32, #tpu.memory_space<vmem>> -> memref<80x64xf32, #tpu.memory_space<vmem>>
      %dma_start3A_186 = arith.constant 0 : i32
      %dma_start3A_187 = tpu.memref_slice %arg6[%add3A_147, %dma_start3A_186] : memref<250x80xi32, #tpu.memory_space<vmem>> -> memref<1x80xi32, #tpu.memory_space<vmem>>
      %dma_start3A_188 = tpu.memref_squeeze %dma_start3A_187 : memref<1x80xi32, #tpu.memory_space<vmem>> -> memref<80xi32, #tpu.memory_space<vmem>>
      %dma_start3A_189 = arith.constant 0 : i32
      %dma_start3A_190 = arith.constant 0 : i32
      %dma_start3A_191 = tpu.memref_slice %arg9[%dma_start3A_189, %dma_start3A_190] : memref<10000x64xf32, #tpu.memory_space<vmem_shared>> -> memref<10000x64xf32, #tpu.memory_space<vmem_shared>>
      %dma_start3A_192 = tpu.memref_slice %arg11[%dma_start3A_181] : memref<5x!tpu.dma_semaphore, #tpu.memory_space<semaphore_mem>> -> memref<1x!tpu.dma_semaphore, #tpu.memory_space<semaphore_mem>>
      %dma_start3A_193 = tpu.memref_squeeze %dma_start3A_192 : memref<1x!tpu.dma_semaphore, #tpu.memory_space<semaphore_mem>> -> memref<!tpu.dma_semaphore, #tpu.memory_space<semaphore_mem>>
      tpu.enqueue_indirect_dma source(%dma_start3A_185 : memref<80x64xf32, #tpu.memory_space<vmem>>) target(%dma_start3A_191 : memref<10000x64xf32, #tpu.memory_space<vmem_shared>>) offsets(%dma_start3A_188 : memref<80xi32, #tpu.memory_space<vmem>>) semaphore(%dma_start3A_193 : memref<!tpu.dma_semaphore, #tpu.memory_space<semaphore_mem>>) {add = true}
      %add3A_194 = arith.constant 1 : i32
      %add3A_195 = arith.addi %mul3A_145, %add3A_194 : i32
      %add3A_196 = arith.constant 2 : i32
      %add3A_197 = arith.addi %add3A_195, %add3A_196 : i32
      %lt3A_198 = arith.constant 250 : i32
      %lt3A_199 = arith.cmpi slt, %add3A_197, %lt3A_198 : i32
      %ge3A_200 = arith.constant 3 : i32
      %ge3A_201 = arith.cmpi sge, %add3A_195, %ge3A_200 : i32
      %and3A_202 = arith.andi %lt3A_199, %ge3A_201 : i1
      %convert_element_type3A_203 = arith.extui %and3A_202 : i1 to i32
      %cond3A_204 = arith.constant 0 : i32
      %cond3A_205 = arith.cmpi ne, %convert_element_type3A_203, %cond3A_204 : i32
      scf.if %cond3A_205 {
        %sub3A = arith.constant 3 : i32
        %sub3A_398 = arith.subi %add3A_195, %sub3A : i32
        %dma_wait3A_399 = arith.constant 3 : i32
        %dma_wait3A_400 = arith.constant 3 : i32
        %dma_wait3A_401 = arith.constant 0 : i32
        %dma_wait3A_402 = arith.constant 0 : i32
        %dma_wait3A_403 = tpu.memref_slice %arg7[%dma_wait3A_399, %dma_wait3A_401, %dma_wait3A_402] : memref<5x80x64xf32, #tpu.memory_space<vmem>> -> memref<1x80x64xf32, #tpu.memory_space<vmem>>
        %dma_wait3A_404 = tpu.memref_squeeze %dma_wait3A_403 : memref<1x80x64xf32, #tpu.memory_space<vmem>> -> memref<80x64xf32, #tpu.memory_space<vmem>>
        %dma_wait3A_405 = arith.constant 0 : i32
        %dma_wait3A_406 = tpu.memref_slice %arg6[%sub3A_398, %dma_wait3A_405] : memref<250x80xi32, #tpu.memory_space<vmem>> -> memref<1x80xi32, #tpu.memory_space<vmem>>
        %dma_wait3A_407 = tpu.memref_squeeze %dma_wait3A_406 : memref<1x80xi32, #tpu.memory_space<vmem>> -> memref<80xi32, #tpu.memory_space<vmem>>
        %dma_wait3A_408 = arith.constant 0 : i32
        %dma_wait3A_409 = arith.constant 0 : i32
        %dma_wait3A_410 = tpu.memref_slice %arg9[%dma_wait3A_408, %dma_wait3A_409] : memref<10000x64xf32, #tpu.memory_space<vmem_shared>> -> memref<10000x64xf32, #tpu.memory_space<vmem_shared>>
        %dma_wait3A_411 = tpu.memref_slice %arg11[%dma_wait3A_400] : memref<5x!tpu.dma_semaphore, #tpu.memory_space<semaphore_mem>> -> memref<1x!tpu.dma_semaphore, #tpu.memory_space<semaphore_mem>>
        %dma_wait3A_412 = tpu.memref_squeeze %dma_wait3A_411 : memref<1x!tpu.dma_semaphore, #tpu.memory_space<semaphore_mem>> -> memref<!tpu.dma_semaphore, #tpu.memory_space<semaphore_mem>>
        tpu.wait_indirect_dma semaphore(%dma_wait3A_412 : memref<!tpu.dma_semaphore, #tpu.memory_space<semaphore_mem>>) src(%dma_wait3A_404 : memref<80x64xf32, #tpu.memory_space<vmem>>) dst(%dma_wait3A_410 : memref<10000x64xf32, #tpu.memory_space<vmem_shared>>)
      } else {
      }
      %add3A_206 = arith.constant 2 : i32
      %add3A_207 = arith.addi %add3A_195, %add3A_206 : i32
      %lt3A_208 = arith.constant 250 : i32
      %lt3A_209 = arith.cmpi slt, %add3A_207, %lt3A_208 : i32
      %convert_element_type3A_210 = arith.extui %lt3A_209 : i1 to i32
      %cond3A_211 = arith.constant 0 : i32
      %cond3A_212 = arith.cmpi ne, %convert_element_type3A_210, %cond3A_211 : i32
      scf.if %cond3A_212 {
        %add3A_398 = arith.constant 2 : i32
        %add3A_399 = arith.addi %add3A_195, %add3A_398 : i32
        %dma_start3A_400 = arith.constant 3 : i32
        %dma_start3A_401 = arith.constant 3 : i32
        %dma_start3A_402 = arith.constant 0 : i32
        %dma_start3A_403 = arith.constant 0 : i32
        %dma_start3A_404 = tpu.memref_slice %arg7[%dma_start3A_400, %dma_start3A_402, %dma_start3A_403] : memref<5x80x64xf32, #tpu.memory_space<vmem>> -> memref<1x80x64xf32, #tpu.memory_space<vmem>>
        %dma_start3A_405 = tpu.memref_squeeze %dma_start3A_404 : memref<1x80x64xf32, #tpu.memory_space<vmem>> -> memref<80x64xf32, #tpu.memory_space<vmem>>
        %dma_start3A_406 = arith.constant 0 : i32
        %dma_start3A_407 = tpu.memref_slice %arg5[%add3A_399, %dma_start3A_406] : memref<250x80xi32, #tpu.memory_space<vmem>> -> memref<1x80xi32, #tpu.memory_space<vmem>>
        %dma_start3A_408 = tpu.memref_squeeze %dma_start3A_407 : memref<1x80xi32, #tpu.memory_space<vmem>> -> memref<80xi32, #tpu.memory_space<vmem>>
        %dma_start3A_409 = arith.constant 0 : i32
        %dma_start3A_410 = arith.constant 0 : i32
        %dma_start3A_411 = tpu.memref_slice %arg2[%arg0, %dma_start3A_409, %dma_start3A_410] : memref<2x10000x64xf32, #tpu.memory_space<hbm>> -> memref<1x10000x64xf32, #tpu.memory_space<hbm>>
        %dma_start3A_412 = tpu.memref_squeeze %dma_start3A_411 : memref<1x10000x64xf32, #tpu.memory_space<hbm>> -> memref<10000x64xf32, #tpu.memory_space<hbm>>
        %dma_start3A_413 = arith.constant 0 : i32
        %dma_start3A_414 = arith.constant 0 : i32
        %dma_start3A_415 = tpu.memref_slice %dma_start3A_412[%dma_start3A_413, %dma_start3A_414] : memref<10000x64xf32, #tpu.memory_space<hbm>> -> memref<10000x64xf32, #tpu.memory_space<hbm>>
        %dma_start3A_416 = tpu.memref_slice %arg10[%dma_start3A_401] : memref<5x!tpu.dma_semaphore, #tpu.memory_space<semaphore_mem>> -> memref<1x!tpu.dma_semaphore, #tpu.memory_space<semaphore_mem>>
        %dma_start3A_417 = tpu.memref_squeeze %dma_start3A_416 : memref<1x!tpu.dma_semaphore, #tpu.memory_space<semaphore_mem>> -> memref<!tpu.dma_semaphore, #tpu.memory_space<semaphore_mem>>
        tpu.enqueue_indirect_dma source(%dma_start3A_415 : memref<10000x64xf32, #tpu.memory_space<hbm>>) target(%dma_start3A_405 : memref<80x64xf32, #tpu.memory_space<vmem>>) offsets(%dma_start3A_408 : memref<80xi32, #tpu.memory_space<vmem>>) semaphore(%dma_start3A_417 : memref<!tpu.dma_semaphore, #tpu.memory_space<semaphore_mem>>)
      } else {
      }
      %dma_wait3A_213 = arith.constant 1 : i32
      %dma_wait3A_214 = arith.constant 1 : i32
      %dma_wait3A_215 = arith.constant 0 : i32
      %dma_wait3A_216 = arith.constant 0 : i32
      %dma_wait3A_217 = tpu.memref_slice %arg7[%dma_wait3A_213, %dma_wait3A_215, %dma_wait3A_216] : memref<5x80x64xf32, #tpu.memory_space<vmem>> -> memref<1x80x64xf32, #tpu.memory_space<vmem>>
      %dma_wait3A_218 = tpu.memref_squeeze %dma_wait3A_217 : memref<1x80x64xf32, #tpu.memory_space<vmem>> -> memref<80x64xf32, #tpu.memory_space<vmem>>
      %dma_wait3A_219 = arith.constant 0 : i32
      %dma_wait3A_220 = tpu.memref_slice %arg5[%add3A_195, %dma_wait3A_219] : memref<250x80xi32, #tpu.memory_space<vmem>> -> memref<1x80xi32, #tpu.memory_space<vmem>>
      %dma_wait3A_221 = tpu.memref_squeeze %dma_wait3A_220 : memref<1x80xi32, #tpu.memory_space<vmem>> -> memref<80xi32, #tpu.memory_space<vmem>>
      %dma_wait3A_222 = arith.constant 0 : i32
      %dma_wait3A_223 = arith.constant 0 : i32
      %dma_wait3A_224 = tpu.memref_slice %arg2[%arg0, %dma_wait3A_222, %dma_wait3A_223] : memref<2x10000x64xf32, #tpu.memory_space<hbm>> -> memref<1x10000x64xf32, #tpu.memory_space<hbm>>
      %dma_wait3A_225 = tpu.memref_squeeze %dma_wait3A_224 : memref<1x10000x64xf32, #tpu.memory_space<hbm>> -> memref<10000x64xf32, #tpu.memory_space<hbm>>
      %dma_wait3A_226 = arith.constant 0 : i32
      %dma_wait3A_227 = arith.constant 0 : i32
      %dma_wait3A_228 = tpu.memref_slice %dma_wait3A_225[%dma_wait3A_226, %dma_wait3A_227] : memref<10000x64xf32, #tpu.memory_space<hbm>> -> memref<10000x64xf32, #tpu.memory_space<hbm>>
      %dma_wait3A_229 = tpu.memref_slice %arg10[%dma_wait3A_214] : memref<5x!tpu.dma_semaphore, #tpu.memory_space<semaphore_mem>> -> memref<1x!tpu.dma_semaphore, #tpu.memory_space<semaphore_mem>>
      %dma_wait3A_230 = tpu.memref_squeeze %dma_wait3A_229 : memref<1x!tpu.dma_semaphore, #tpu.memory_space<semaphore_mem>> -> memref<!tpu.dma_semaphore, #tpu.memory_space<semaphore_mem>>
      tpu.wait_indirect_dma semaphore(%dma_wait3A_230 : memref<!tpu.dma_semaphore, #tpu.memory_space<semaphore_mem>>) src(%dma_wait3A_228 : memref<10000x64xf32, #tpu.memory_space<hbm>>) dst(%dma_wait3A_218 : memref<80x64xf32, #tpu.memory_space<vmem>>)
      %dma_start3A_231 = arith.constant 1 : i32
      %dma_start3A_232 = arith.constant 1 : i32
      %dma_start3A_233 = arith.constant 0 : i32
      %dma_start3A_234 = arith.constant 0 : i32
      %dma_start3A_235 = tpu.memref_slice %arg7[%dma_start3A_231, %dma_start3A_233, %dma_start3A_234] : memref<5x80x64xf32, #tpu.memory_space<vmem>> -> memref<1x80x64xf32, #tpu.memory_space<vmem>>
      %dma_start3A_236 = tpu.memref_squeeze %dma_start3A_235 : memref<1x80x64xf32, #tpu.memory_space<vmem>> -> memref<80x64xf32, #tpu.memory_space<vmem>>
      %dma_start3A_237 = arith.constant 0 : i32
      %dma_start3A_238 = tpu.memref_slice %arg6[%add3A_195, %dma_start3A_237] : memref<250x80xi32, #tpu.memory_space<vmem>> -> memref<1x80xi32, #tpu.memory_space<vmem>>
      %dma_start3A_239 = tpu.memref_squeeze %dma_start3A_238 : memref<1x80xi32, #tpu.memory_space<vmem>> -> memref<80xi32, #tpu.memory_space<vmem>>
      %dma_start3A_240 = arith.constant 0 : i32
      %dma_start3A_241 = arith.constant 0 : i32
      %dma_start3A_242 = tpu.memref_slice %arg9[%dma_start3A_240, %dma_start3A_241] : memref<10000x64xf32, #tpu.memory_space<vmem_shared>> -> memref<10000x64xf32, #tpu.memory_space<vmem_shared>>
      %dma_start3A_243 = tpu.memref_slice %arg11[%dma_start3A_232] : memref<5x!tpu.dma_semaphore, #tpu.memory_space<semaphore_mem>> -> memref<1x!tpu.dma_semaphore, #tpu.memory_space<semaphore_mem>>
      %dma_start3A_244 = tpu.memref_squeeze %dma_start3A_243 : memref<1x!tpu.dma_semaphore, #tpu.memory_space<semaphore_mem>> -> memref<!tpu.dma_semaphore, #tpu.memory_space<semaphore_mem>>
      tpu.enqueue_indirect_dma source(%dma_start3A_236 : memref<80x64xf32, #tpu.memory_space<vmem>>) target(%dma_start3A_242 : memref<10000x64xf32, #tpu.memory_space<vmem_shared>>) offsets(%dma_start3A_239 : memref<80xi32, #tpu.memory_space<vmem>>) semaphore(%dma_start3A_244 : memref<!tpu.dma_semaphore, #tpu.memory_space<semaphore_mem>>) {add = true}
      %add3A_245 = arith.constant 2 : i32
      %add3A_246 = arith.addi %mul3A_145, %add3A_245 : i32
      %add3A_247 = arith.constant 2 : i32
      %add3A_248 = arith.addi %add3A_246, %add3A_247 : i32
      %lt3A_249 = arith.constant 250 : i32
      %lt3A_250 = arith.cmpi slt, %add3A_248, %lt3A_249 : i32
      %ge3A_251 = arith.constant 3 : i32
      %ge3A_252 = arith.cmpi sge, %add3A_246, %ge3A_251 : i32
      %and3A_253 = arith.andi %lt3A_250, %ge3A_252 : i1
      %convert_element_type3A_254 = arith.extui %and3A_253 : i1 to i32
      %cond3A_255 = arith.constant 0 : i32
      %cond3A_256 = arith.cmpi ne, %convert_element_type3A_254, %cond3A_255 : i32
      scf.if %cond3A_256 {
        %sub3A = arith.constant 3 : i32
        %sub3A_398 = arith.subi %add3A_246, %sub3A : i32
        %dma_wait3A_399 = arith.constant 4 : i32
        %dma_wait3A_400 = arith.constant 4 : i32
        %dma_wait3A_401 = arith.constant 0 : i32
        %dma_wait3A_402 = arith.constant 0 : i32
        %dma_wait3A_403 = tpu.memref_slice %arg7[%dma_wait3A_399, %dma_wait3A_401, %dma_wait3A_402] : memref<5x80x64xf32, #tpu.memory_space<vmem>> -> memref<1x80x64xf32, #tpu.memory_space<vmem>>
        %dma_wait3A_404 = tpu.memref_squeeze %dma_wait3A_403 : memref<1x80x64xf32, #tpu.memory_space<vmem>> -> memref<80x64xf32, #tpu.memory_space<vmem>>
        %dma_wait3A_405 = arith.constant 0 : i32
        %dma_wait3A_406 = tpu.memref_slice %arg6[%sub3A_398, %dma_wait3A_405] : memref<250x80xi32, #tpu.memory_space<vmem>> -> memref<1x80xi32, #tpu.memory_space<vmem>>
        %dma_wait3A_407 = tpu.memref_squeeze %dma_wait3A_406 : memref<1x80xi32, #tpu.memory_space<vmem>> -> memref<80xi32, #tpu.memory_space<vmem>>
        %dma_wait3A_408 = arith.constant 0 : i32
        %dma_wait3A_409 = arith.constant 0 : i32
        %dma_wait3A_410 = tpu.memref_slice %arg9[%dma_wait3A_408, %dma_wait3A_409] : memref<10000x64xf32, #tpu.memory_space<vmem_shared>> -> memref<10000x64xf32, #tpu.memory_space<vmem_shared>>
        %dma_wait3A_411 = tpu.memref_slice %arg11[%dma_wait3A_400] : memref<5x!tpu.dma_semaphore, #tpu.memory_space<semaphore_mem>> -> memref<1x!tpu.dma_semaphore, #tpu.memory_space<semaphore_mem>>
        %dma_wait3A_412 = tpu.memref_squeeze %dma_wait3A_411 : memref<1x!tpu.dma_semaphore, #tpu.memory_space<semaphore_mem>> -> memref<!tpu.dma_semaphore, #tpu.memory_space<semaphore_mem>>
        tpu.wait_indirect_dma semaphore(%dma_wait3A_412 : memref<!tpu.dma_semaphore, #tpu.memory_space<semaphore_mem>>) src(%dma_wait3A_404 : memref<80x64xf32, #tpu.memory_space<vmem>>) dst(%dma_wait3A_410 : memref<10000x64xf32, #tpu.memory_space<vmem_shared>>)
      } else {
      }
      %add3A_257 = arith.constant 2 : i32
      %add3A_258 = arith.addi %add3A_246, %add3A_257 : i32
      %lt3A_259 = arith.constant 250 : i32
      %lt3A_260 = arith.cmpi slt, %add3A_258, %lt3A_259 : i32
      %convert_element_type3A_261 = arith.extui %lt3A_260 : i1 to i32
      %cond3A_262 = arith.constant 0 : i32
      %cond3A_263 = arith.cmpi ne, %convert_element_type3A_261, %cond3A_262 : i32
      scf.if %cond3A_263 {
        %add3A_398 = arith.constant 2 : i32
        %add3A_399 = arith.addi %add3A_246, %add3A_398 : i32
        %dma_start3A_400 = arith.constant 4 : i32
        %dma_start3A_401 = arith.constant 4 : i32
        %dma_start3A_402 = arith.constant 0 : i32
        %dma_start3A_403 = arith.constant 0 : i32
        %dma_start3A_404 = tpu.memref_slice %arg7[%dma_start3A_400, %dma_start3A_402, %dma_start3A_403] : memref<5x80x64xf32, #tpu.memory_space<vmem>> -> memref<1x80x64xf32, #tpu.memory_space<vmem>>
        %dma_start3A_405 = tpu.memref_squeeze %dma_start3A_404 : memref<1x80x64xf32, #tpu.memory_space<vmem>> -> memref<80x64xf32, #tpu.memory_space<vmem>>
        %dma_start3A_406 = arith.constant 0 : i32
        %dma_start3A_407 = tpu.memref_slice %arg5[%add3A_399, %dma_start3A_406] : memref<250x80xi32, #tpu.memory_space<vmem>> -> memref<1x80xi32, #tpu.memory_space<vmem>>
        %dma_start3A_408 = tpu.memref_squeeze %dma_start3A_407 : memref<1x80xi32, #tpu.memory_space<vmem>> -> memref<80xi32, #tpu.memory_space<vmem>>
        %dma_start3A_409 = arith.constant 0 : i32
        %dma_start3A_410 = arith.constant 0 : i32
        %dma_start3A_411 = tpu.memref_slice %arg2[%arg0, %dma_start3A_409, %dma_start3A_410] : memref<2x10000x64xf32, #tpu.memory_space<hbm>> -> memref<1x10000x64xf32, #tpu.memory_space<hbm>>
        %dma_start3A_412 = tpu.memref_squeeze %dma_start3A_411 : memref<1x10000x64xf32, #tpu.memory_space<hbm>> -> memref<10000x64xf32, #tpu.memory_space<hbm>>
        %dma_start3A_413 = arith.constant 0 : i32
        %dma_start3A_414 = arith.constant 0 : i32
        %dma_start3A_415 = tpu.memref_slice %dma_start3A_412[%dma_start3A_413, %dma_start3A_414] : memref<10000x64xf32, #tpu.memory_space<hbm>> -> memref<10000x64xf32, #tpu.memory_space<hbm>>
        %dma_start3A_416 = tpu.memref_slice %arg10[%dma_start3A_401] : memref<5x!tpu.dma_semaphore, #tpu.memory_space<semaphore_mem>> -> memref<1x!tpu.dma_semaphore, #tpu.memory_space<semaphore_mem>>
        %dma_start3A_417 = tpu.memref_squeeze %dma_start3A_416 : memref<1x!tpu.dma_semaphore, #tpu.memory_space<semaphore_mem>> -> memref<!tpu.dma_semaphore, #tpu.memory_space<semaphore_mem>>
        tpu.enqueue_indirect_dma source(%dma_start3A_415 : memref<10000x64xf32, #tpu.memory_space<hbm>>) target(%dma_start3A_405 : memref<80x64xf32, #tpu.memory_space<vmem>>) offsets(%dma_start3A_408 : memref<80xi32, #tpu.memory_space<vmem>>) semaphore(%dma_start3A_417 : memref<!tpu.dma_semaphore, #tpu.memory_space<semaphore_mem>>)
      } else {
      }
      %dma_wait3A_264 = arith.constant 2 : i32
      %dma_wait3A_265 = arith.constant 2 : i32
      %dma_wait3A_266 = arith.constant 0 : i32
      %dma_wait3A_267 = arith.constant 0 : i32
      %dma_wait3A_268 = tpu.memref_slice %arg7[%dma_wait3A_264, %dma_wait3A_266, %dma_wait3A_267] : memref<5x80x64xf32, #tpu.memory_space<vmem>> -> memref<1x80x64xf32, #tpu.memory_space<vmem>>
      %dma_wait3A_269 = tpu.memref_squeeze %dma_wait3A_268 : memref<1x80x64xf32, #tpu.memory_space<vmem>> -> memref<80x64xf32, #tpu.memory_space<vmem>>
      %dma_wait3A_270 = arith.constant 0 : i32
      %dma_wait3A_271 = tpu.memref_slice %arg5[%add3A_246, %dma_wait3A_270] : memref<250x80xi32, #tpu.memory_space<vmem>> -> memref<1x80xi32, #tpu.memory_space<vmem>>
      %dma_wait3A_272 = tpu.memref_squeeze %dma_wait3A_271 : memref<1x80xi32, #tpu.memory_space<vmem>> -> memref<80xi32, #tpu.memory_space<vmem>>
      %dma_wait3A_273 = arith.constant 0 : i32
      %dma_wait3A_274 = arith.constant 0 : i32
      %dma_wait3A_275 = tpu.memref_slice %arg2[%arg0, %dma_wait3A_273, %dma_wait3A_274] : memref<2x10000x64xf32, #tpu.memory_space<hbm>> -> memref<1x10000x64xf32, #tpu.memory_space<hbm>>
      %dma_wait3A_276 = tpu.memref_squeeze %dma_wait3A_275 : memref<1x10000x64xf32, #tpu.memory_space<hbm>> -> memref<10000x64xf32, #tpu.memory_space<hbm>>
      %dma_wait3A_277 = arith.constant 0 : i32
      %dma_wait3A_278 = arith.constant 0 : i32
      %dma_wait3A_279 = tpu.memref_slice %dma_wait3A_276[%dma_wait3A_277, %dma_wait3A_278] : memref<10000x64xf32, #tpu.memory_space<hbm>> -> memref<10000x64xf32, #tpu.memory_space<hbm>>
      %dma_wait3A_280 = tpu.memref_slice %arg10[%dma_wait3A_265] : memref<5x!tpu.dma_semaphore, #tpu.memory_space<semaphore_mem>> -> memref<1x!tpu.dma_semaphore, #tpu.memory_space<semaphore_mem>>
      %dma_wait3A_281 = tpu.memref_squeeze %dma_wait3A_280 : memref<1x!tpu.dma_semaphore, #tpu.memory_space<semaphore_mem>> -> memref<!tpu.dma_semaphore, #tpu.memory_space<semaphore_mem>>
      tpu.wait_indirect_dma semaphore(%dma_wait3A_281 : memref<!tpu.dma_semaphore, #tpu.memory_space<semaphore_mem>>) src(%dma_wait3A_279 : memref<10000x64xf32, #tpu.memory_space<hbm>>) dst(%dma_wait3A_269 : memref<80x64xf32, #tpu.memory_space<vmem>>)
      %dma_start3A_282 = arith.constant 2 : i32
      %dma_start3A_283 = arith.constant 2 : i32
      %dma_start3A_284 = arith.constant 0 : i32
      %dma_start3A_285 = arith.constant 0 : i32
      %dma_start3A_286 = tpu.memref_slice %arg7[%dma_start3A_282, %dma_start3A_284, %dma_start3A_285] : memref<5x80x64xf32, #tpu.memory_space<vmem>> -> memref<1x80x64xf32, #tpu.memory_space<vmem>>
      %dma_start3A_287 = tpu.memref_squeeze %dma_start3A_286 : memref<1x80x64xf32, #tpu.memory_space<vmem>> -> memref<80x64xf32, #tpu.memory_space<vmem>>
      %dma_start3A_288 = arith.constant 0 : i32
      %dma_start3A_289 = tpu.memref_slice %arg6[%add3A_246, %dma_start3A_288] : memref<250x80xi32, #tpu.memory_space<vmem>> -> memref<1x80xi32, #tpu.memory_space<vmem>>
      %dma_start3A_290 = tpu.memref_squeeze %dma_start3A_289 : memref<1x80xi32, #tpu.memory_space<vmem>> -> memref<80xi32, #tpu.memory_space<vmem>>
      %dma_start3A_291 = arith.constant 0 : i32
      %dma_start3A_292 = arith.constant 0 : i32
      %dma_start3A_293 = tpu.memref_slice %arg9[%dma_start3A_291, %dma_start3A_292] : memref<10000x64xf32, #tpu.memory_space<vmem_shared>> -> memref<10000x64xf32, #tpu.memory_space<vmem_shared>>
      %dma_start3A_294 = tpu.memref_slice %arg11[%dma_start3A_283] : memref<5x!tpu.dma_semaphore, #tpu.memory_space<semaphore_mem>> -> memref<1x!tpu.dma_semaphore, #tpu.memory_space<semaphore_mem>>
      %dma_start3A_295 = tpu.memref_squeeze %dma_start3A_294 : memref<1x!tpu.dma_semaphore, #tpu.memory_space<semaphore_mem>> -> memref<!tpu.dma_semaphore, #tpu.memory_space<semaphore_mem>>
      tpu.enqueue_indirect_dma source(%dma_start3A_287 : memref<80x64xf32, #tpu.memory_space<vmem>>) target(%dma_start3A_293 : memref<10000x64xf32, #tpu.memory_space<vmem_shared>>) offsets(%dma_start3A_290 : memref<80xi32, #tpu.memory_space<vmem>>) semaphore(%dma_start3A_295 : memref<!tpu.dma_semaphore, #tpu.memory_space<semaphore_mem>>) {add = true}
      %add3A_296 = arith.constant 3 : i32
      %add3A_297 = arith.addi %mul3A_145, %add3A_296 : i32
      %add3A_298 = arith.constant 2 : i32
      %add3A_299 = arith.addi %add3A_297, %add3A_298 : i32
      %lt3A_300 = arith.constant 250 : i32
      %lt3A_301 = arith.cmpi slt, %add3A_299, %lt3A_300 : i32
      %ge3A_302 = arith.constant 3 : i32
      %ge3A_303 = arith.cmpi sge, %add3A_297, %ge3A_302 : i32
      %and3A_304 = arith.andi %lt3A_301, %ge3A_303 : i1
      %convert_element_type3A_305 = arith.extui %and3A_304 : i1 to i32
      %cond3A_306 = arith.constant 0 : i32
      %cond3A_307 = arith.cmpi ne, %convert_element_type3A_305, %cond3A_306 : i32
      scf.if %cond3A_307 {
        %sub3A = arith.constant 3 : i32
        %sub3A_398 = arith.subi %add3A_297, %sub3A : i32
        %dma_wait3A_399 = arith.constant 0 : i32
        %dma_wait3A_400 = arith.constant 0 : i32
        %dma_wait3A_401 = arith.constant 0 : i32
        %dma_wait3A_402 = arith.constant 0 : i32
        %dma_wait3A_403 = tpu.memref_slice %arg7[%dma_wait3A_399, %dma_wait3A_401, %dma_wait3A_402] : memref<5x80x64xf32, #tpu.memory_space<vmem>> -> memref<1x80x64xf32, #tpu.memory_space<vmem>>
        %dma_wait3A_404 = tpu.memref_squeeze %dma_wait3A_403 : memref<1x80x64xf32, #tpu.memory_space<vmem>> -> memref<80x64xf32, #tpu.memory_space<vmem>>
        %dma_wait3A_405 = arith.constant 0 : i32
        %dma_wait3A_406 = tpu.memref_slice %arg6[%sub3A_398, %dma_wait3A_405] : memref<250x80xi32, #tpu.memory_space<vmem>> -> memref<1x80xi32, #tpu.memory_space<vmem>>
        %dma_wait3A_407 = tpu.memref_squeeze %dma_wait3A_406 : memref<1x80xi32, #tpu.memory_space<vmem>> -> memref<80xi32, #tpu.memory_space<vmem>>
        %dma_wait3A_408 = arith.constant 0 : i32
        %dma_wait3A_409 = arith.constant 0 : i32
        %dma_wait3A_410 = tpu.memref_slice %arg9[%dma_wait3A_408, %dma_wait3A_409] : memref<10000x64xf32, #tpu.memory_space<vmem_shared>> -> memref<10000x64xf32, #tpu.memory_space<vmem_shared>>
        %dma_wait3A_411 = tpu.memref_slice %arg11[%dma_wait3A_400] : memref<5x!tpu.dma_semaphore, #tpu.memory_space<semaphore_mem>> -> memref<1x!tpu.dma_semaphore, #tpu.memory_space<semaphore_mem>>
        %dma_wait3A_412 = tpu.memref_squeeze %dma_wait3A_411 : memref<1x!tpu.dma_semaphore, #tpu.memory_space<semaphore_mem>> -> memref<!tpu.dma_semaphore, #tpu.memory_space<semaphore_mem>>
        tpu.wait_indirect_dma semaphore(%dma_wait3A_412 : memref<!tpu.dma_semaphore, #tpu.memory_space<semaphore_mem>>) src(%dma_wait3A_404 : memref<80x64xf32, #tpu.memory_space<vmem>>) dst(%dma_wait3A_410 : memref<10000x64xf32, #tpu.memory_space<vmem_shared>>)
      } else {
      }
      %add3A_308 = arith.constant 2 : i32
      %add3A_309 = arith.addi %add3A_297, %add3A_308 : i32
      %lt3A_310 = arith.constant 250 : i32
      %lt3A_311 = arith.cmpi slt, %add3A_309, %lt3A_310 : i32
      %convert_element_type3A_312 = arith.extui %lt3A_311 : i1 to i32
      %cond3A_313 = arith.constant 0 : i32
      %cond3A_314 = arith.cmpi ne, %convert_element_type3A_312, %cond3A_313 : i32
      scf.if %cond3A_314 {
        %add3A_398 = arith.constant 2 : i32
        %add3A_399 = arith.addi %add3A_297, %add3A_398 : i32
        %dma_start3A_400 = arith.constant 0 : i32
        %dma_start3A_401 = arith.constant 0 : i32
        %dma_start3A_402 = arith.constant 0 : i32
        %dma_start3A_403 = arith.constant 0 : i32
        %dma_start3A_404 = tpu.memref_slice %arg7[%dma_start3A_400, %dma_start3A_402, %dma_start3A_403] : memref<5x80x64xf32, #tpu.memory_space<vmem>> -> memref<1x80x64xf32, #tpu.memory_space<vmem>>
        %dma_start3A_405 = tpu.memref_squeeze %dma_start3A_404 : memref<1x80x64xf32, #tpu.memory_space<vmem>> -> memref<80x64xf32, #tpu.memory_space<vmem>>
        %dma_start3A_406 = arith.constant 0 : i32
        %dma_start3A_407 = tpu.memref_slice %arg5[%add3A_399, %dma_start3A_406] : memref<250x80xi32, #tpu.memory_space<vmem>> -> memref<1x80xi32, #tpu.memory_space<vmem>>
        %dma_start3A_408 = tpu.memref_squeeze %dma_start3A_407 : memref<1x80xi32, #tpu.memory_space<vmem>> -> memref<80xi32, #tpu.memory_space<vmem>>
        %dma_start3A_409 = arith.constant 0 : i32
        %dma_start3A_410 = arith.constant 0 : i32
        %dma_start3A_411 = tpu.memref_slice %arg2[%arg0, %dma_start3A_409, %dma_start3A_410] : memref<2x10000x64xf32, #tpu.memory_space<hbm>> -> memref<1x10000x64xf32, #tpu.memory_space<hbm>>
        %dma_start3A_412 = tpu.memref_squeeze %dma_start3A_411 : memref<1x10000x64xf32, #tpu.memory_space<hbm>> -> memref<10000x64xf32, #tpu.memory_space<hbm>>
        %dma_start3A_413 = arith.constant 0 : i32
        %dma_start3A_414 = arith.constant 0 : i32
        %dma_start3A_415 = tpu.memref_slice %dma_start3A_412[%dma_start3A_413, %dma_start3A_414] : memref<10000x64xf32, #tpu.memory_space<hbm>> -> memref<10000x64xf32, #tpu.memory_space<hbm>>
        %dma_start3A_416 = tpu.memref_slice %arg10[%dma_start3A_401] : memref<5x!tpu.dma_semaphore, #tpu.memory_space<semaphore_mem>> -> memref<1x!tpu.dma_semaphore, #tpu.memory_space<semaphore_mem>>
        %dma_start3A_417 = tpu.memref_squeeze %dma_start3A_416 : memref<1x!tpu.dma_semaphore, #tpu.memory_space<semaphore_mem>> -> memref<!tpu.dma_semaphore, #tpu.memory_space<semaphore_mem>>
        tpu.enqueue_indirect_dma source(%dma_start3A_415 : memref<10000x64xf32, #tpu.memory_space<hbm>>) target(%dma_start3A_405 : memref<80x64xf32, #tpu.memory_space<vmem>>) offsets(%dma_start3A_408 : memref<80xi32, #tpu.memory_space<vmem>>) semaphore(%dma_start3A_417 : memref<!tpu.dma_semaphore, #tpu.memory_space<semaphore_mem>>)
      } else {
      }
      %dma_wait3A_315 = arith.constant 3 : i32
      %dma_wait3A_316 = arith.constant 3 : i32
      %dma_wait3A_317 = arith.constant 0 : i32
      %dma_wait3A_318 = arith.constant 0 : i32
      %dma_wait3A_319 = tpu.memref_slice %arg7[%dma_wait3A_315, %dma_wait3A_317, %dma_wait3A_318] : memref<5x80x64xf32, #tpu.memory_space<vmem>> -> memref<1x80x64xf32, #tpu.memory_space<vmem>>
      %dma_wait3A_320 = tpu.memref_squeeze %dma_wait3A_319 : memref<1x80x64xf32, #tpu.memory_space<vmem>> -> memref<80x64xf32, #tpu.memory_space<vmem>>
      %dma_wait3A_321 = arith.constant 0 : i32
      %dma_wait3A_322 = tpu.memref_slice %arg5[%add3A_297, %dma_wait3A_321] : memref<250x80xi32, #tpu.memory_space<vmem>> -> memref<1x80xi32, #tpu.memory_space<vmem>>
      %dma_wait3A_323 = tpu.memref_squeeze %dma_wait3A_322 : memref<1x80xi32, #tpu.memory_space<vmem>> -> memref<80xi32, #tpu.memory_space<vmem>>
      %dma_wait3A_324 = arith.constant 0 : i32
      %dma_wait3A_325 = arith.constant 0 : i32
      %dma_wait3A_326 = tpu.memref_slice %arg2[%arg0, %dma_wait3A_324, %dma_wait3A_325] : memref<2x10000x64xf32, #tpu.memory_space<hbm>> -> memref<1x10000x64xf32, #tpu.memory_space<hbm>>
      %dma_wait3A_327 = tpu.memref_squeeze %dma_wait3A_326 : memref<1x10000x64xf32, #tpu.memory_space<hbm>> -> memref<10000x64xf32, #tpu.memory_space<hbm>>
      %dma_wait3A_328 = arith.constant 0 : i32
      %dma_wait3A_329 = arith.constant 0 : i32
      %dma_wait3A_330 = tpu.memref_slice %dma_wait3A_327[%dma_wait3A_328, %dma_wait3A_329] : memref<10000x64xf32, #tpu.memory_space<hbm>> -> memref<10000x64xf32, #tpu.memory_space<hbm>>
      %dma_wait3A_331 = tpu.memref_slice %arg10[%dma_wait3A_316] : memref<5x!tpu.dma_semaphore, #tpu.memory_space<semaphore_mem>> -> memref<1x!tpu.dma_semaphore, #tpu.memory_space<semaphore_mem>>
      %dma_wait3A_332 = tpu.memref_squeeze %dma_wait3A_331 : memref<1x!tpu.dma_semaphore, #tpu.memory_space<semaphore_mem>> -> memref<!tpu.dma_semaphore, #tpu.memory_space<semaphore_mem>>
      tpu.wait_indirect_dma semaphore(%dma_wait3A_332 : memref<!tpu.dma_semaphore, #tpu.memory_space<semaphore_mem>>) src(%dma_wait3A_330 : memref<10000x64xf32, #tpu.memory_space<hbm>>) dst(%dma_wait3A_320 : memref<80x64xf32, #tpu.memory_space<vmem>>)
      %dma_start3A_333 = arith.constant 3 : i32
      %dma_start3A_334 = arith.constant 3 : i32
      %dma_start3A_335 = arith.constant 0 : i32
      %dma_start3A_336 = arith.constant 0 : i32
      %dma_start3A_337 = tpu.memref_slice %arg7[%dma_start3A_333, %dma_start3A_335, %dma_start3A_336] : memref<5x80x64xf32, #tpu.memory_space<vmem>> -> memref<1x80x64xf32, #tpu.memory_space<vmem>>
      %dma_start3A_338 = tpu.memref_squeeze %dma_start3A_337 : memref<1x80x64xf32, #tpu.memory_space<vmem>> -> memref<80x64xf32, #tpu.memory_space<vmem>>
      %dma_start3A_339 = arith.constant 0 : i32
      %dma_start3A_340 = tpu.memref_slice %arg6[%add3A_297, %dma_start3A_339] : memref<250x80xi32, #tpu.memory_space<vmem>> -> memref<1x80xi32, #tpu.memory_space<vmem>>
      %dma_start3A_341 = tpu.memref_squeeze %dma_start3A_340 : memref<1x80xi32, #tpu.memory_space<vmem>> -> memref<80xi32, #tpu.memory_space<vmem>>
      %dma_start3A_342 = arith.constant 0 : i32
      %dma_start3A_343 = arith.constant 0 : i32
      %dma_start3A_344 = tpu.memref_slice %arg9[%dma_start3A_342, %dma_start3A_343] : memref<10000x64xf32, #tpu.memory_space<vmem_shared>> -> memref<10000x64xf32, #tpu.memory_space<vmem_shared>>
      %dma_start3A_345 = tpu.memref_slice %arg11[%dma_start3A_334] : memref<5x!tpu.dma_semaphore, #tpu.memory_space<semaphore_mem>> -> memref<1x!tpu.dma_semaphore, #tpu.memory_space<semaphore_mem>>
      %dma_start3A_346 = tpu.memref_squeeze %dma_start3A_345 : memref<1x!tpu.dma_semaphore, #tpu.memory_space<semaphore_mem>> -> memref<!tpu.dma_semaphore, #tpu.memory_space<semaphore_mem>>
      tpu.enqueue_indirect_dma source(%dma_start3A_338 : memref<80x64xf32, #tpu.memory_space<vmem>>) target(%dma_start3A_344 : memref<10000x64xf32, #tpu.memory_space<vmem_shared>>) offsets(%dma_start3A_341 : memref<80xi32, #tpu.memory_space<vmem>>) semaphore(%dma_start3A_346 : memref<!tpu.dma_semaphore, #tpu.memory_space<semaphore_mem>>) {add = true}
      %add3A_347 = arith.constant 4 : i32
      %add3A_348 = arith.addi %mul3A_145, %add3A_347 : i32
      %add3A_349 = arith.constant 2 : i32
      %add3A_350 = arith.addi %add3A_348, %add3A_349 : i32
      %lt3A_351 = arith.constant 250 : i32
      %lt3A_352 = arith.cmpi slt, %add3A_350, %lt3A_351 : i32
      %ge3A_353 = arith.constant 3 : i32
      %ge3A_354 = arith.cmpi sge, %add3A_348, %ge3A_353 : i32
      %and3A_355 = arith.andi %lt3A_352, %ge3A_354 : i1
      %convert_element_type3A_356 = arith.extui %and3A_355 : i1 to i32
      %cond3A_357 = arith.constant 0 : i32
      %cond3A_358 = arith.cmpi ne, %convert_element_type3A_356, %cond3A_357 : i32
      scf.if %cond3A_358 {
        %sub3A = arith.constant 3 : i32
        %sub3A_398 = arith.subi %add3A_348, %sub3A : i32
        %dma_wait3A_399 = arith.constant 1 : i32
        %dma_wait3A_400 = arith.constant 1 : i32
        %dma_wait3A_401 = arith.constant 0 : i32
        %dma_wait3A_402 = arith.constant 0 : i32
        %dma_wait3A_403 = tpu.memref_slice %arg7[%dma_wait3A_399, %dma_wait3A_401, %dma_wait3A_402] : memref<5x80x64xf32, #tpu.memory_space<vmem>> -> memref<1x80x64xf32, #tpu.memory_space<vmem>>
        %dma_wait3A_404 = tpu.memref_squeeze %dma_wait3A_403 : memref<1x80x64xf32, #tpu.memory_space<vmem>> -> memref<80x64xf32, #tpu.memory_space<vmem>>
        %dma_wait3A_405 = arith.constant 0 : i32
        %dma_wait3A_406 = tpu.memref_slice %arg6[%sub3A_398, %dma_wait3A_405] : memref<250x80xi32, #tpu.memory_space<vmem>> -> memref<1x80xi32, #tpu.memory_space<vmem>>
        %dma_wait3A_407 = tpu.memref_squeeze %dma_wait3A_406 : memref<1x80xi32, #tpu.memory_space<vmem>> -> memref<80xi32, #tpu.memory_space<vmem>>
        %dma_wait3A_408 = arith.constant 0 : i32
        %dma_wait3A_409 = arith.constant 0 : i32
        %dma_wait3A_410 = tpu.memref_slice %arg9[%dma_wait3A_408, %dma_wait3A_409] : memref<10000x64xf32, #tpu.memory_space<vmem_shared>> -> memref<10000x64xf32, #tpu.memory_space<vmem_shared>>
        %dma_wait3A_411 = tpu.memref_slice %arg11[%dma_wait3A_400] : memref<5x!tpu.dma_semaphore, #tpu.memory_space<semaphore_mem>> -> memref<1x!tpu.dma_semaphore, #tpu.memory_space<semaphore_mem>>
        %dma_wait3A_412 = tpu.memref_squeeze %dma_wait3A_411 : memref<1x!tpu.dma_semaphore, #tpu.memory_space<semaphore_mem>> -> memref<!tpu.dma_semaphore, #tpu.memory_space<semaphore_mem>>
        tpu.wait_indirect_dma semaphore(%dma_wait3A_412 : memref<!tpu.dma_semaphore, #tpu.memory_space<semaphore_mem>>) src(%dma_wait3A_404 : memref<80x64xf32, #tpu.memory_space<vmem>>) dst(%dma_wait3A_410 : memref<10000x64xf32, #tpu.memory_space<vmem_shared>>)
      } else {
      }
      %add3A_359 = arith.constant 2 : i32
      %add3A_360 = arith.addi %add3A_348, %add3A_359 : i32
      %lt3A_361 = arith.constant 250 : i32
      %lt3A_362 = arith.cmpi slt, %add3A_360, %lt3A_361 : i32
      %convert_element_type3A_363 = arith.extui %lt3A_362 : i1 to i32
      %cond3A_364 = arith.constant 0 : i32
      %cond3A_365 = arith.cmpi ne, %convert_element_type3A_363, %cond3A_364 : i32
      scf.if %cond3A_365 {
        %add3A_398 = arith.constant 2 : i32
        %add3A_399 = arith.addi %add3A_348, %add3A_398 : i32
        %dma_start3A_400 = arith.constant 1 : i32
        %dma_start3A_401 = arith.constant 1 : i32
        %dma_start3A_402 = arith.constant 0 : i32
        %dma_start3A_403 = arith.constant 0 : i32
        %dma_start3A_404 = tpu.memref_slice %arg7[%dma_start3A_400, %dma_start3A_402, %dma_start3A_403] : memref<5x80x64xf32, #tpu.memory_space<vmem>> -> memref<1x80x64xf32, #tpu.memory_space<vmem>>
        %dma_start3A_405 = tpu.memref_squeeze %dma_start3A_404 : memref<1x80x64xf32, #tpu.memory_space<vmem>> -> memref<80x64xf32, #tpu.memory_space<vmem>>
        %dma_start3A_406 = arith.constant 0 : i32
        %dma_start3A_407 = tpu.memref_slice %arg5[%add3A_399, %dma_start3A_406] : memref<250x80xi32, #tpu.memory_space<vmem>> -> memref<1x80xi32, #tpu.memory_space<vmem>>
        %dma_start3A_408 = tpu.memref_squeeze %dma_start3A_407 : memref<1x80xi32, #tpu.memory_space<vmem>> -> memref<80xi32, #tpu.memory_space<vmem>>
        %dma_start3A_409 = arith.constant 0 : i32
        %dma_start3A_410 = arith.constant 0 : i32
        %dma_start3A_411 = tpu.memref_slice %arg2[%arg0, %dma_start3A_409, %dma_start3A_410] : memref<2x10000x64xf32, #tpu.memory_space<hbm>> -> memref<1x10000x64xf32, #tpu.memory_space<hbm>>
        %dma_start3A_412 = tpu.memref_squeeze %dma_start3A_411 : memref<1x10000x64xf32, #tpu.memory_space<hbm>> -> memref<10000x64xf32, #tpu.memory_space<hbm>>
        %dma_start3A_413 = arith.constant 0 : i32
        %dma_start3A_414 = arith.constant 0 : i32
        %dma_start3A_415 = tpu.memref_slice %dma_start3A_412[%dma_start3A_413, %dma_start3A_414] : memref<10000x64xf32, #tpu.memory_space<hbm>> -> memref<10000x64xf32, #tpu.memory_space<hbm>>
        %dma_start3A_416 = tpu.memref_slice %arg10[%dma_start3A_401] : memref<5x!tpu.dma_semaphore, #tpu.memory_space<semaphore_mem>> -> memref<1x!tpu.dma_semaphore, #tpu.memory_space<semaphore_mem>>
        %dma_start3A_417 = tpu.memref_squeeze %dma_start3A_416 : memref<1x!tpu.dma_semaphore, #tpu.memory_space<semaphore_mem>> -> memref<!tpu.dma_semaphore, #tpu.memory_space<semaphore_mem>>
        tpu.enqueue_indirect_dma source(%dma_start3A_415 : memref<10000x64xf32, #tpu.memory_space<hbm>>) target(%dma_start3A_405 : memref<80x64xf32, #tpu.memory_space<vmem>>) offsets(%dma_start3A_408 : memref<80xi32, #tpu.memory_space<vmem>>) semaphore(%dma_start3A_417 : memref<!tpu.dma_semaphore, #tpu.memory_space<semaphore_mem>>)
      } else {
      }
      %dma_wait3A_366 = arith.constant 4 : i32
      %dma_wait3A_367 = arith.constant 4 : i32
      %dma_wait3A_368 = arith.constant 0 : i32
      %dma_wait3A_369 = arith.constant 0 : i32
      %dma_wait3A_370 = tpu.memref_slice %arg7[%dma_wait3A_366, %dma_wait3A_368, %dma_wait3A_369] : memref<5x80x64xf32, #tpu.memory_space<vmem>> -> memref<1x80x64xf32, #tpu.memory_space<vmem>>
      %dma_wait3A_371 = tpu.memref_squeeze %dma_wait3A_370 : memref<1x80x64xf32, #tpu.memory_space<vmem>> -> memref<80x64xf32, #tpu.memory_space<vmem>>
      %dma_wait3A_372 = arith.constant 0 : i32
      %dma_wait3A_373 = tpu.memref_slice %arg5[%add3A_348, %dma_wait3A_372] : memref<250x80xi32, #tpu.memory_space<vmem>> -> memref<1x80xi32, #tpu.memory_space<vmem>>
      %dma_wait3A_374 = tpu.memref_squeeze %dma_wait3A_373 : memref<1x80xi32, #tpu.memory_space<vmem>> -> memref<80xi32, #tpu.memory_space<vmem>>
      %dma_wait3A_375 = arith.constant 0 : i32
      %dma_wait3A_376 = arith.constant 0 : i32
      %dma_wait3A_377 = tpu.memref_slice %arg2[%arg0, %dma_wait3A_375, %dma_wait3A_376] : memref<2x10000x64xf32, #tpu.memory_space<hbm>> -> memref<1x10000x64xf32, #tpu.memory_space<hbm>>
      %dma_wait3A_378 = tpu.memref_squeeze %dma_wait3A_377 : memref<1x10000x64xf32, #tpu.memory_space<hbm>> -> memref<10000x64xf32, #tpu.memory_space<hbm>>
      %dma_wait3A_379 = arith.constant 0 : i32
      %dma_wait3A_380 = arith.constant 0 : i32
      %dma_wait3A_381 = tpu.memref_slice %dma_wait3A_378[%dma_wait3A_379, %dma_wait3A_380] : memref<10000x64xf32, #tpu.memory_space<hbm>> -> memref<10000x64xf32, #tpu.memory_space<hbm>>
      %dma_wait3A_382 = tpu.memref_slice %arg10[%dma_wait3A_367] : memref<5x!tpu.dma_semaphore, #tpu.memory_space<semaphore_mem>> -> memref<1x!tpu.dma_semaphore, #tpu.memory_space<semaphore_mem>>
      %dma_wait3A_383 = tpu.memref_squeeze %dma_wait3A_382 : memref<1x!tpu.dma_semaphore, #tpu.memory_space<semaphore_mem>> -> memref<!tpu.dma_semaphore, #tpu.memory_space<semaphore_mem>>
      tpu.wait_indirect_dma semaphore(%dma_wait3A_383 : memref<!tpu.dma_semaphore, #tpu.memory_space<semaphore_mem>>) src(%dma_wait3A_381 : memref<10000x64xf32, #tpu.memory_space<hbm>>) dst(%dma_wait3A_371 : memref<80x64xf32, #tpu.memory_space<vmem>>)
      %dma_start3A_384 = arith.constant 4 : i32
      %dma_start3A_385 = arith.constant 4 : i32
      %dma_start3A_386 = arith.constant 0 : i32
      %dma_start3A_387 = arith.constant 0 : i32
      %dma_start3A_388 = tpu.memref_slice %arg7[%dma_start3A_384, %dma_start3A_386, %dma_start3A_387] : memref<5x80x64xf32, #tpu.memory_space<vmem>> -> memref<1x80x64xf32, #tpu.memory_space<vmem>>
      %dma_start3A_389 = tpu.memref_squeeze %dma_start3A_388 : memref<1x80x64xf32, #tpu.memory_space<vmem>> -> memref<80x64xf32, #tpu.memory_space<vmem>>
      %dma_start3A_390 = arith.constant 0 : i32
      %dma_start3A_391 = tpu.memref_slice %arg6[%add3A_348, %dma_start3A_390] : memref<250x80xi32, #tpu.memory_space<vmem>> -> memref<1x80xi32, #tpu.memory_space<vmem>>
      %dma_start3A_392 = tpu.memref_squeeze %dma_start3A_391 : memref<1x80xi32, #tpu.memory_space<vmem>> -> memref<80xi32, #tpu.memory_space<vmem>>
      %dma_start3A_393 = arith.constant 0 : i32
      %dma_start3A_394 = arith.constant 0 : i32
      %dma_start3A_395 = tpu.memref_slice %arg9[%dma_start3A_393, %dma_start3A_394] : memref<10000x64xf32, #tpu.memory_space<vmem_shared>> -> memref<10000x64xf32, #tpu.memory_space<vmem_shared>>
      %dma_start3A_396 = tpu.memref_slice %arg11[%dma_start3A_385] : memref<5x!tpu.dma_semaphore, #tpu.memory_space<semaphore_mem>> -> memref<1x!tpu.dma_semaphore, #tpu.memory_space<semaphore_mem>>
      %dma_start3A_397 = tpu.memref_squeeze %dma_start3A_396 : memref<1x!tpu.dma_semaphore, #tpu.memory_space<semaphore_mem>> -> memref<!tpu.dma_semaphore, #tpu.memory_space<semaphore_mem>>
      tpu.enqueue_indirect_dma source(%dma_start3A_389 : memref<80x64xf32, #tpu.memory_space<vmem>>) target(%dma_start3A_395 : memref<10000x64xf32, #tpu.memory_space<vmem_shared>>) offsets(%dma_start3A_392 : memref<80xi32, #tpu.memory_space<vmem>>) semaphore(%dma_start3A_397 : memref<!tpu.dma_semaphore, #tpu.memory_space<semaphore_mem>>) {add = true}
    }
    %scan3A_62 = arith.constant 50 : i32
    %dma_wait3A = arith.constant 0 : i32
    %dma_wait3A_63 = arith.constant 245 : i32
    %dma_wait3A_64 = arith.constant 0 : i32
    %dma_wait3A_65 = arith.constant 0 : i32
    %dma_wait3A_66 = arith.constant 0 : i32
    %dma_wait3A_67 = tpu.memref_slice %arg7[%dma_wait3A, %dma_wait3A_65, %dma_wait3A_66] : memref<5x80x64xf32, #tpu.memory_space<vmem>> -> memref<1x80x64xf32, #tpu.memory_space<vmem>>
    %dma_wait3A_68 = tpu.memref_squeeze %dma_wait3A_67 : memref<1x80x64xf32, #tpu.memory_space<vmem>> -> memref<80x64xf32, #tpu.memory_space<vmem>>
    %dma_wait3A_69 = arith.constant 0 : i32
    %dma_wait3A_70 = tpu.memref_slice %arg6[%dma_wait3A_63, %dma_wait3A_69] : memref<250x80xi32, #tpu.memory_space<vmem>> -> memref<1x80xi32, #tpu.memory_space<vmem>>
    %dma_wait3A_71 = tpu.memref_squeeze %dma_wait3A_70 : memref<1x80xi32, #tpu.memory_space<vmem>> -> memref<80xi32, #tpu.memory_space<vmem>>
    %dma_wait3A_72 = arith.constant 0 : i32
    %dma_wait3A_73 = arith.constant 0 : i32
    %dma_wait3A_74 = tpu.memref_slice %arg9[%dma_wait3A_72, %dma_wait3A_73] : memref<10000x64xf32, #tpu.memory_space<vmem_shared>> -> memref<10000x64xf32, #tpu.memory_space<vmem_shared>>
    %dma_wait3A_75 = tpu.memref_slice %arg11[%dma_wait3A_64] : memref<5x!tpu.dma_semaphore, #tpu.memory_space<semaphore_mem>> -> memref<1x!tpu.dma_semaphore, #tpu.memory_space<semaphore_mem>>
    %dma_wait3A_76 = tpu.memref_squeeze %dma_wait3A_75 : memref<1x!tpu.dma_semaphore, #tpu.memory_space<semaphore_mem>> -> memref<!tpu.dma_semaphore, #tpu.memory_space<semaphore_mem>>
    tpu.wait_indirect_dma semaphore(%dma_wait3A_76 : memref<!tpu.dma_semaphore, #tpu.memory_space<semaphore_mem>>) src(%dma_wait3A_68 : memref<80x64xf32, #tpu.memory_space<vmem>>) dst(%dma_wait3A_74 : memref<10000x64xf32, #tpu.memory_space<vmem_shared>>)
    %dma_wait3A_77 = arith.constant 1 : i32
    %dma_wait3A_78 = arith.constant 246 : i32
    %dma_wait3A_79 = arith.constant 1 : i32
    %dma_wait3A_80 = arith.constant 0 : i32
    %dma_wait3A_81 = arith.constant 0 : i32
    %dma_wait3A_82 = tpu.memref_slice %arg7[%dma_wait3A_77, %dma_wait3A_80, %dma_wait3A_81] : memref<5x80x64xf32, #tpu.memory_space<vmem>> -> memref<1x80x64xf32, #tpu.memory_space<vmem>>
    %dma_wait3A_83 = tpu.memref_squeeze %dma_wait3A_82 : memref<1x80x64xf32, #tpu.memory_space<vmem>> -> memref<80x64xf32, #tpu.memory_space<vmem>>
    %dma_wait3A_84 = arith.constant 0 : i32
    %dma_wait3A_85 = tpu.memref_slice %arg6[%dma_wait3A_78, %dma_wait3A_84] : memref<250x80xi32, #tpu.memory_space<vmem>> -> memref<1x80xi32, #tpu.memory_space<vmem>>
    %dma_wait3A_86 = tpu.memref_squeeze %dma_wait3A_85 : memref<1x80xi32, #tpu.memory_space<vmem>> -> memref<80xi32, #tpu.memory_space<vmem>>
    %dma_wait3A_87 = arith.constant 0 : i32
    %dma_wait3A_88 = arith.constant 0 : i32
    %dma_wait3A_89 = tpu.memref_slice %arg9[%dma_wait3A_87, %dma_wait3A_88] : memref<10000x64xf32, #tpu.memory_space<vmem_shared>> -> memref<10000x64xf32, #tpu.memory_space<vmem_shared>>
    %dma_wait3A_90 = tpu.memref_slice %arg11[%dma_wait3A_79] : memref<5x!tpu.dma_semaphore, #tpu.memory_space<semaphore_mem>> -> memref<1x!tpu.dma_semaphore, #tpu.memory_space<semaphore_mem>>
    %dma_wait3A_91 = tpu.memref_squeeze %dma_wait3A_90 : memref<1x!tpu.dma_semaphore, #tpu.memory_space<semaphore_mem>> -> memref<!tpu.dma_semaphore, #tpu.memory_space<semaphore_mem>>
    tpu.wait_indirect_dma semaphore(%dma_wait3A_91 : memref<!tpu.dma_semaphore, #tpu.memory_space<semaphore_mem>>) src(%dma_wait3A_83 : memref<80x64xf32, #tpu.memory_space<vmem>>) dst(%dma_wait3A_89 : memref<10000x64xf32, #tpu.memory_space<vmem_shared>>)
    %dma_wait3A_92 = arith.constant 2 : i32
    %dma_wait3A_93 = arith.constant 247 : i32
    %dma_wait3A_94 = arith.constant 2 : i32
    %dma_wait3A_95 = arith.constant 0 : i32
    %dma_wait3A_96 = arith.constant 0 : i32
    %dma_wait3A_97 = tpu.memref_slice %arg7[%dma_wait3A_92, %dma_wait3A_95, %dma_wait3A_96] : memref<5x80x64xf32, #tpu.memory_space<vmem>> -> memref<1x80x64xf32, #tpu.memory_space<vmem>>
    %dma_wait3A_98 = tpu.memref_squeeze %dma_wait3A_97 : memref<1x80x64xf32, #tpu.memory_space<vmem>> -> memref<80x64xf32, #tpu.memory_space<vmem>>
    %dma_wait3A_99 = arith.constant 0 : i32
    %dma_wait3A_100 = tpu.memref_slice %arg6[%dma_wait3A_93, %dma_wait3A_99] : memref<250x80xi32, #tpu.memory_space<vmem>> -> memref<1x80xi32, #tpu.memory_space<vmem>>
    %dma_wait3A_101 = tpu.memref_squeeze %dma_wait3A_100 : memref<1x80xi32, #tpu.memory_space<vmem>> -> memref<80xi32, #tpu.memory_space<vmem>>
    %dma_wait3A_102 = arith.constant 0 : i32
    %dma_wait3A_103 = arith.constant 0 : i32
    %dma_wait3A_104 = tpu.memref_slice %arg9[%dma_wait3A_102, %dma_wait3A_103] : memref<10000x64xf32, #tpu.memory_space<vmem_shared>> -> memref<10000x64xf32, #tpu.memory_space<vmem_shared>>
    %dma_wait3A_105 = tpu.memref_slice %arg11[%dma_wait3A_94] : memref<5x!tpu.dma_semaphore, #tpu.memory_space<semaphore_mem>> -> memref<1x!tpu.dma_semaphore, #tpu.memory_space<semaphore_mem>>
    %dma_wait3A_106 = tpu.memref_squeeze %dma_wait3A_105 : memref<1x!tpu.dma_semaphore, #tpu.memory_space<semaphore_mem>> -> memref<!tpu.dma_semaphore, #tpu.memory_space<semaphore_mem>>
    tpu.wait_indirect_dma semaphore(%dma_wait3A_106 : memref<!tpu.dma_semaphore, #tpu.memory_space<semaphore_mem>>) src(%dma_wait3A_98 : memref<80x64xf32, #tpu.memory_space<vmem>>) dst(%dma_wait3A_104 : memref<10000x64xf32, #tpu.memory_space<vmem_shared>>)
    %dma_wait3A_107 = arith.constant 3 : i32
    %dma_wait3A_108 = arith.constant 248 : i32
    %dma_wait3A_109 = arith.constant 3 : i32
    %dma_wait3A_110 = arith.constant 0 : i32
    %dma_wait3A_111 = arith.constant 0 : i32
    %dma_wait3A_112 = tpu.memref_slice %arg7[%dma_wait3A_107, %dma_wait3A_110, %dma_wait3A_111] : memref<5x80x64xf32, #tpu.memory_space<vmem>> -> memref<1x80x64xf32, #tpu.memory_space<vmem>>
    %dma_wait3A_113 = tpu.memref_squeeze %dma_wait3A_112 : memref<1x80x64xf32, #tpu.memory_space<vmem>> -> memref<80x64xf32, #tpu.memory_space<vmem>>
    %dma_wait3A_114 = arith.constant 0 : i32
    %dma_wait3A_115 = tpu.memref_slice %arg6[%dma_wait3A_108, %dma_wait3A_114] : memref<250x80xi32, #tpu.memory_space<vmem>> -> memref<1x80xi32, #tpu.memory_space<vmem>>
    %dma_wait3A_116 = tpu.memref_squeeze %dma_wait3A_115 : memref<1x80xi32, #tpu.memory_space<vmem>> -> memref<80xi32, #tpu.memory_space<vmem>>
    %dma_wait3A_117 = arith.constant 0 : i32
    %dma_wait3A_118 = arith.constant 0 : i32
    %dma_wait3A_119 = tpu.memref_slice %arg9[%dma_wait3A_117, %dma_wait3A_118] : memref<10000x64xf32, #tpu.memory_space<vmem_shared>> -> memref<10000x64xf32, #tpu.memory_space<vmem_shared>>
    %dma_wait3A_120 = tpu.memref_slice %arg11[%dma_wait3A_109] : memref<5x!tpu.dma_semaphore, #tpu.memory_space<semaphore_mem>> -> memref<1x!tpu.dma_semaphore, #tpu.memory_space<semaphore_mem>>
    %dma_wait3A_121 = tpu.memref_squeeze %dma_wait3A_120 : memref<1x!tpu.dma_semaphore, #tpu.memory_space<semaphore_mem>> -> memref<!tpu.dma_semaphore, #tpu.memory_space<semaphore_mem>>
    tpu.wait_indirect_dma semaphore(%dma_wait3A_121 : memref<!tpu.dma_semaphore, #tpu.memory_space<semaphore_mem>>) src(%dma_wait3A_113 : memref<80x64xf32, #tpu.memory_space<vmem>>) dst(%dma_wait3A_119 : memref<10000x64xf32, #tpu.memory_space<vmem_shared>>)
    %dma_wait3A_122 = arith.constant 4 : i32
    %dma_wait3A_123 = arith.constant 249 : i32
    %dma_wait3A_124 = arith.constant 4 : i32
    %dma_wait3A_125 = arith.constant 0 : i32
    %dma_wait3A_126 = arith.constant 0 : i32
    %dma_wait3A_127 = tpu.memref_slice %arg7[%dma_wait3A_122, %dma_wait3A_125, %dma_wait3A_126] : memref<5x80x64xf32, #tpu.memory_space<vmem>> -> memref<1x80x64xf32, #tpu.memory_space<vmem>>
    %dma_wait3A_128 = tpu.memref_squeeze %dma_wait3A_127 : memref<1x80x64xf32, #tpu.memory_space<vmem>> -> memref<80x64xf32, #tpu.memory_space<vmem>>
    %dma_wait3A_129 = arith.constant 0 : i32
    %dma_wait3A_130 = tpu.memref_slice %arg6[%dma_wait3A_123, %dma_wait3A_129] : memref<250x80xi32, #tpu.memory_space<vmem>> -> memref<1x80xi32, #tpu.memory_space<vmem>>
    %dma_wait3A_131 = tpu.memref_squeeze %dma_wait3A_130 : memref<1x80xi32, #tpu.memory_space<vmem>> -> memref<80xi32, #tpu.memory_space<vmem>>
    %dma_wait3A_132 = arith.constant 0 : i32
    %dma_wait3A_133 = arith.constant 0 : i32
    %dma_wait3A_134 = tpu.memref_slice %arg9[%dma_wait3A_132, %dma_wait3A_133] : memref<10000x64xf32, #tpu.memory_space<vmem_shared>> -> memref<10000x64xf32, #tpu.memory_space<vmem_shared>>
    %dma_wait3A_135 = tpu.memref_slice %arg11[%dma_wait3A_124] : memref<5x!tpu.dma_semaphore, #tpu.memory_space<semaphore_mem>> -> memref<1x!tpu.dma_semaphore, #tpu.memory_space<semaphore_mem>>
    %dma_wait3A_136 = tpu.memref_squeeze %dma_wait3A_135 : memref<1x!tpu.dma_semaphore, #tpu.memory_space<semaphore_mem>> -> memref<!tpu.dma_semaphore, #tpu.memory_space<semaphore_mem>>
    tpu.wait_indirect_dma semaphore(%dma_wait3A_136 : memref<!tpu.dma_semaphore, #tpu.memory_space<semaphore_mem>>) src(%dma_wait3A_128 : memref<80x64xf32, #tpu.memory_space<vmem>>) dst(%dma_wait3A_134 : memref<10000x64xf32, #tpu.memory_space<vmem_shared>>)
    %barrier3A_137 = arith.constant 0 : index
    tpu.barrier barrier_id(%barrier3A_137)
    "tpu.region"() ({
      %run_scoped3A_143 = tpu.sem_alloc : memref<!tpu.dma_semaphore, #tpu.memory_space<semaphore_mem>>
      %dma_start3A_144 = arith.constant 0 : i32
      %dma_start3A_145 = arith.constant 0 : i32
      %dma_start3A_146 = tpu.memref_slice %arg4[%arg0, %dma_start3A_144, %dma_start3A_145] : memref<2x10000x64xf32, #tpu.memory_space<hbm>> -> memref<1x10000x64xf32, #tpu.memory_space<hbm>>
      %dma_start3A_147 = tpu.memref_squeeze %dma_start3A_146 : memref<1x10000x64xf32, #tpu.memory_space<hbm>> -> memref<10000x64xf32, #tpu.memory_space<hbm>>
      %dma_start3A_148 = arith.constant 0 : i32
      %dma_start3A_149 = tpu.memref_slice %dma_start3A_147[%multiple_of3A, %dma_start3A_148] : memref<10000x64xf32, #tpu.memory_space<hbm>> -> memref<624x64xf32, #tpu.memory_space<hbm>>
      %dma_start3A_150 = arith.constant 0 : i32
      %dma_start3A_151 = tpu.memref_slice %arg9[%multiple_of3A, %dma_start3A_150] : memref<10000x64xf32, #tpu.memory_space<vmem_shared>> -> memref<624x64xf32, #tpu.memory_space<vmem_shared>>
      tpu.enqueue_dma source(%dma_start3A_151 : memref<624x64xf32, #tpu.memory_space<vmem_shared>>) target(%dma_start3A_149 : memref<624x64xf32, #tpu.memory_space<hbm>>) target_semaphore(%run_scoped3A_143 : memref<!tpu.dma_semaphore, #tpu.memory_space<semaphore_mem>>)
      %dma_wait3A_152 = arith.constant 0 : i32
      %dma_wait3A_153 = arith.constant 0 : i32
      %dma_wait3A_154 = tpu.memref_slice %arg4[%arg0, %dma_wait3A_152, %dma_wait3A_153] : memref<2x10000x64xf32, #tpu.memory_space<hbm>> -> memref<1x10000x64xf32, #tpu.memory_space<hbm>>
      %dma_wait3A_155 = tpu.memref_squeeze %dma_wait3A_154 : memref<1x10000x64xf32, #tpu.memory_space<hbm>> -> memref<10000x64xf32, #tpu.memory_space<hbm>>
      %dma_wait3A_156 = arith.constant 0 : i32
      %dma_wait3A_157 = tpu.memref_slice %dma_wait3A_155[%multiple_of3A, %dma_wait3A_156] : memref<10000x64xf32, #tpu.memory_space<hbm>> -> memref<624x64xf32, #tpu.memory_space<hbm>>
      %dma_wait3A_158 = arith.constant 0 : i32
      %dma_wait3A_159 = tpu.memref_slice %arg9[%multiple_of3A, %dma_wait3A_158] : memref<10000x64xf32, #tpu.memory_space<vmem_shared>> -> memref<624x64xf32, #tpu.memory_space<vmem_shared>>
      tpu.wait_dma2 semaphore(%run_scoped3A_143 : memref<!tpu.dma_semaphore, #tpu.memory_space<semaphore_mem>>) src(%dma_wait3A_159 : memref<624x64xf32, #tpu.memory_space<vmem_shared>>) dst(%dma_wait3A_157 : memref<624x64xf32, #tpu.memory_space<hbm>>)
      tpu.yield
    }) : () -> ()
    %eq3A_138 = arith.constant 15 : i32
    %eq3A_139 = arith.cmpi eq, %arg1, %eq3A_138 : i32
    %convert_element_type3A_140 = arith.extui %eq3A_139 : i1 to i32
    %cond3A_141 = arith.constant 0 : i32
    %cond3A_142 = arith.cmpi ne, %convert_element_type3A_140, %cond3A_141 : i32
    scf.if %cond3A_142 {
      "tpu.region"() ({
        %run_scoped3A_143 = tpu.sem_alloc : memref<!tpu.dma_semaphore, #tpu.memory_space<semaphore_mem>>
        %dma_start3A_144 = arith.constant 0 : i32
        %dma_start3A_145 = arith.constant 0 : i32
        %dma_start3A_146 = tpu.memref_slice %arg4[%arg0, %dma_start3A_144, %dma_start3A_145] : memref<2x10000x64xf32, #tpu.memory_space<hbm>> -> memref<1x10000x64xf32, #tpu.memory_space<hbm>>
        %dma_start3A_147 = tpu.memref_squeeze %dma_start3A_146 : memref<1x10000x64xf32, #tpu.memory_space<hbm>> -> memref<10000x64xf32, #tpu.memory_space<hbm>>
        %dma_start3A_148 = arith.constant 9984 : i32
        %dma_start3A_149 = arith.constant 0 : i32
        %dma_start3A_150 = tpu.memref_slice %dma_start3A_147[%dma_start3A_148, %dma_start3A_149] : memref<10000x64xf32, #tpu.memory_space<hbm>> -> memref<16x64xf32, #tpu.memory_space<hbm>>
        %dma_start3A_151 = arith.constant 9984 : i32
        %dma_start3A_152 = arith.constant 0 : i32
        %dma_start3A_153 = tpu.memref_slice %arg9[%dma_start3A_151, %dma_start3A_152] : memref<10000x64xf32, #tpu.memory_space<vmem_shared>> -> memref<16x64xf32, #tpu.memory_space<vmem_shared>>
        tpu.enqueue_dma source(%dma_start3A_153 : memref<16x64xf32, #tpu.memory_space<vmem_shared>>) target(%dma_start3A_150 : memref<16x64xf32, #tpu.memory_space<hbm>>) target_semaphore(%run_scoped3A_143 : memref<!tpu.dma_semaphore, #tpu.memory_space<semaphore_mem>>)
        %dma_wait3A_154 = arith.constant 0 : i32
        %dma_wait3A_155 = arith.constant 0 : i32
        %dma_wait3A_156 = tpu.memref_slice %arg4[%arg0, %dma_wait3A_154, %dma_wait3A_155] : memref<2x10000x64xf32, #tpu.memory_space<hbm>> -> memref<1x10000x64xf32, #tpu.memory_space<hbm>>
        %dma_wait3A_157 = tpu.memref_squeeze %dma_wait3A_156 : memref<1x10000x64xf32, #tpu.memory_space<hbm>> -> memref<10000x64xf32, #tpu.memory_space<hbm>>
        %dma_wait3A_158 = arith.constant 9984 : i32
        %dma_wait3A_159 = arith.constant 0 : i32
        %dma_wait3A_160 = tpu.memref_slice %dma_wait3A_157[%dma_wait3A_158, %dma_wait3A_159] : memref<10000x64xf32, #tpu.memory_space<hbm>> -> memref<16x64xf32, #tpu.memory_space<hbm>>
        %dma_wait3A_161 = arith.constant 9984 : i32
        %dma_wait3A_162 = arith.constant 0 : i32
        %dma_wait3A_163 = tpu.memref_slice %arg9[%dma_wait3A_161, %dma_wait3A_162] : memref<10000x64xf32, #tpu.memory_space<vmem_shared>> -> memref<16x64xf32, #tpu.memory_space<vmem_shared>>
        tpu.wait_dma2 semaphore(%run_scoped3A_143 : memref<!tpu.dma_semaphore, #tpu.memory_space<semaphore_mem>>) src(%dma_wait3A_163 : memref<16x64xf32, #tpu.memory_space<vmem_shared>>) dst(%dma_wait3A_160 : memref<16x64xf32, #tpu.memory_space<hbm>>)
        tpu.yield
      }) : () -> ()
    } else {
    }
    return
  }
}

#map = affine_map<(d0, d1) -> (0, 0, 0)>
#map1 = affine_map<(d0, d1) -> (0, 0, 0, 0)>
module attributes {stable_mosaic.version = 14 : i64} {
  func.func @_sc_agg_body(%arg0: i32, %arg1: i32, %arg2: memref<2x10000x64xf32, #tpu.memory_space<hbm>>, %arg3: memref<2x16x250x80xi32, #tpu.memory_space<hbm>>, %arg4: memref<2x10000x64xf32, #tpu.memory_space<hbm>>, %arg5: memref<250x80xi32, #tpu.memory_space<vmem>>, %arg6: memref<250x80xi32, #tpu.memory_space<vmem>>, %arg7: memref<5x80x64xf32, #tpu.memory_space<vmem>>, %arg8: memref<104x64xf32, #tpu.memory_space<vmem>>, %arg9: memref<10000x64xf32, #tpu.memory_space<vmem_shared>>, %arg10: memref<5x!tpu.dma_semaphore, #tpu.memory_space<semaphore_mem>>, %arg11: memref<5x!tpu.dma_semaphore, #tpu.memory_space<semaphore_mem>>) attributes {dimension_semantics = [#tpu.dimension_semantics<core_parallel>, #tpu.dimension_semantics<subcore_parallel>], iteration_bounds = array<i64: 2, 16>, scalar_prefetch = 0 : i64, scratch_operands = 7 : i64, tpu.core_type = #tpu.core_type<sc_vector_subcore>, window_params = [{transform_indices = #map}, {transform_indices = #map1}, {transform_indices = #map}]} {
    %run_scoped3A = arith.constant 0 : i32
    "tpu.region"() ({
      %run_scoped3A_143 = tpu.sem_alloc : memref<!tpu.dma_semaphore, #tpu.memory_space<semaphore_mem>>
      %dma_start3A_144 = arith.constant 0 : i32
      %dma_start3A_145 = arith.constant 0 : i32
      %dma_start3A_146 = tpu.memref_slice %arg3[%run_scoped3A, %arg1, %dma_start3A_144, %dma_start3A_145] : memref<2x16x250x80xi32, #tpu.memory_space<hbm>> -> memref<1x1x250x80xi32, #tpu.memory_space<hbm>>
      %dma_start3A_147 = tpu.memref_squeeze %dma_start3A_146 : memref<1x1x250x80xi32, #tpu.memory_space<hbm>> -> memref<250x80xi32, #tpu.memory_space<hbm>>
      %dma_start3A_148 = arith.constant 0 : i32
      %dma_start3A_149 = arith.constant 0 : i32
      %dma_start3A_150 = tpu.memref_slice %arg3[%run_scoped3A, %arg1, %dma_start3A_148, %dma_start3A_149] : memref<2x16x250x80xi32, #tpu.memory_space<hbm>> -> memref<1x1x250x80xi32, #tpu.memory_space<hbm>>
      %dma_start3A_151 = tpu.memref_squeeze %dma_start3A_150 : memref<1x1x250x80xi32, #tpu.memory_space<hbm>> -> memref<250x80xi32, #tpu.memory_space<hbm>>
      tpu.enqueue_dma source(%dma_start3A_151 : memref<250x80xi32, #tpu.memory_space<hbm>>) target(%arg5 : memref<250x80xi32, #tpu.memory_space<vmem>>) target_semaphore(%run_scoped3A_143 : memref<!tpu.dma_semaphore, #tpu.memory_space<semaphore_mem>>)
      %dma_wait3A_152 = arith.constant 0 : i32
      %dma_wait3A_153 = arith.constant 0 : i32
      %dma_wait3A_154 = tpu.memref_slice %arg3[%run_scoped3A, %arg1, %dma_wait3A_152, %dma_wait3A_153] : memref<2x16x250x80xi32, #tpu.memory_space<hbm>> -> memref<1x1x250x80xi32, #tpu.memory_space<hbm>>
      %dma_wait3A_155 = tpu.memref_squeeze %dma_wait3A_154 : memref<1x1x250x80xi32, #tpu.memory_space<hbm>> -> memref<250x80xi32, #tpu.memory_space<hbm>>
      %dma_wait3A_156 = arith.constant 0 : i32
      %dma_wait3A_157 = arith.constant 0 : i32
      %dma_wait3A_158 = tpu.memref_slice %arg3[%run_scoped3A, %arg1, %dma_wait3A_156, %dma_wait3A_157] : memref<2x16x250x80xi32, #tpu.memory_space<hbm>> -> memref<1x1x250x80xi32, #tpu.memory_space<hbm>>
      %dma_wait3A_159 = tpu.memref_squeeze %dma_wait3A_158 : memref<1x1x250x80xi32, #tpu.memory_space<hbm>> -> memref<250x80xi32, #tpu.memory_space<hbm>>
      tpu.wait_dma2 semaphore(%run_scoped3A_143 : memref<!tpu.dma_semaphore, #tpu.memory_space<semaphore_mem>>) src(%dma_wait3A_159 : memref<250x80xi32, #tpu.memory_space<hbm>>) dst(%arg5 : memref<250x80xi32, #tpu.memory_space<vmem>>)
      tpu.yield
    }) : () -> ()
    %run_scoped3A_0 = arith.constant 1 : i32
    "tpu.region"() ({
      %run_scoped3A_143 = tpu.sem_alloc : memref<!tpu.dma_semaphore, #tpu.memory_space<semaphore_mem>>
      %dma_start3A_144 = arith.constant 0 : i32
      %dma_start3A_145 = arith.constant 0 : i32
      %dma_start3A_146 = tpu.memref_slice %arg3[%run_scoped3A_0, %arg1, %dma_start3A_144, %dma_start3A_145] : memref<2x16x250x80xi32, #tpu.memory_space<hbm>> -> memref<1x1x250x80xi32, #tpu.memory_space<hbm>>
      %dma_start3A_147 = tpu.memref_squeeze %dma_start3A_146 : memref<1x1x250x80xi32, #tpu.memory_space<hbm>> -> memref<250x80xi32, #tpu.memory_space<hbm>>
      %dma_start3A_148 = arith.constant 0 : i32
      %dma_start3A_149 = arith.constant 0 : i32
      %dma_start3A_150 = tpu.memref_slice %arg3[%run_scoped3A_0, %arg1, %dma_start3A_148, %dma_start3A_149] : memref<2x16x250x80xi32, #tpu.memory_space<hbm>> -> memref<1x1x250x80xi32, #tpu.memory_space<hbm>>
      %dma_start3A_151 = tpu.memref_squeeze %dma_start3A_150 : memref<1x1x250x80xi32, #tpu.memory_space<hbm>> -> memref<250x80xi32, #tpu.memory_space<hbm>>
      tpu.enqueue_dma source(%dma_start3A_151 : memref<250x80xi32, #tpu.memory_space<hbm>>) target(%arg6 : memref<250x80xi32, #tpu.memory_space<vmem>>) target_semaphore(%run_scoped3A_143 : memref<!tpu.dma_semaphore, #tpu.memory_space<semaphore_mem>>)
      %dma_wait3A_152 = arith.constant 0 : i32
      %dma_wait3A_153 = arith.constant 0 : i32
      %dma_wait3A_154 = tpu.memref_slice %arg3[%run_scoped3A_0, %arg1, %dma_wait3A_152, %dma_wait3A_153] : memref<2x16x250x80xi32, #tpu.memory_space<hbm>> -> memref<1x1x250x80xi32, #tpu.memory_space<hbm>>
      %dma_wait3A_155 = tpu.memref_squeeze %dma_wait3A_154 : memref<1x1x250x80xi32, #tpu.memory_space<hbm>> -> memref<250x80xi32, #tpu.memory_space<hbm>>
      %dma_wait3A_156 = arith.constant 0 : i32
      %dma_wait3A_157 = arith.constant 0 : i32
      %dma_wait3A_158 = tpu.memref_slice %arg3[%run_scoped3A_0, %arg1, %dma_wait3A_156, %dma_wait3A_157] : memref<2x16x250x80xi32, #tpu.memory_space<hbm>> -> memref<1x1x250x80xi32, #tpu.memory_space<hbm>>
      %dma_wait3A_159 = tpu.memref_squeeze %dma_wait3A_158 : memref<1x1x250x80xi32, #tpu.memory_space<hbm>> -> memref<250x80xi32, #tpu.memory_space<hbm>>
      tpu.wait_dma2 semaphore(%run_scoped3A_143 : memref<!tpu.dma_semaphore, #tpu.memory_space<semaphore_mem>>) src(%dma_wait3A_159 : memref<250x80xi32, #tpu.memory_space<hbm>>) dst(%arg6 : memref<250x80xi32, #tpu.memory_space<vmem>>)
      tpu.yield
    }) : () -> ()
    %dma_start3A = arith.constant 0 : i32
    %dma_start3A_1 = arith.constant 0 : i32
    %dma_start3A_2 = arith.constant 0 : i32
    %dma_start3A_3 = arith.constant 0 : i32
    %dma_start3A_4 = arith.constant 0 : i32
    %dma_start3A_5 = tpu.memref_slice %arg7[%dma_start3A_1, %dma_start3A_3, %dma_start3A_4] : memref<5x80x64xf32, #tpu.memory_space<vmem>> -> memref<1x80x64xf32, #tpu.memory_space<vmem>>
    %dma_start3A_6 = tpu.memref_squeeze %dma_start3A_5 : memref<1x80x64xf32, #tpu.memory_space<vmem>> -> memref<80x64xf32, #tpu.memory_space<vmem>>
    %dma_start3A_7 = arith.constant 0 : i32
    %dma_start3A_8 = tpu.memref_slice %arg5[%dma_start3A, %dma_start3A_7] : memref<250x80xi32, #tpu.memory_space<vmem>> -> memref<1x80xi32, #tpu.memory_space<vmem>>
    %dma_start3A_9 = tpu.memref_squeeze %dma_start3A_8 : memref<1x80xi32, #tpu.memory_space<vmem>> -> memref<80xi32, #tpu.memory_space<vmem>>
    %dma_start3A_10 = arith.constant 0 : i32
    %dma_start3A_11 = arith.constant 0 : i32
    %dma_start3A_12 = tpu.memref_slice %arg2[%arg0, %dma_start3A_10, %dma_start3A_11] : memref<2x10000x64xf32, #tpu.memory_space<hbm>> -> memref<1x10000x64xf32, #tpu.memory_space<hbm>>
    %dma_start3A_13 = tpu.memref_squeeze %dma_start3A_12 : memref<1x10000x64xf32, #tpu.memory_space<hbm>> -> memref<10000x64xf32, #tpu.memory_space<hbm>>
    %dma_start3A_14 = arith.constant 0 : i32
    %dma_start3A_15 = arith.constant 0 : i32
    %dma_start3A_16 = tpu.memref_slice %dma_start3A_13[%dma_start3A_14, %dma_start3A_15] : memref<10000x64xf32, #tpu.memory_space<hbm>> -> memref<10000x64xf32, #tpu.memory_space<hbm>>
    %dma_start3A_17 = tpu.memref_slice %arg10[%dma_start3A_2] : memref<5x!tpu.dma_semaphore, #tpu.memory_space<semaphore_mem>> -> memref<1x!tpu.dma_semaphore, #tpu.memory_space<semaphore_mem>>
    %dma_start3A_18 = tpu.memref_squeeze %dma_start3A_17 : memref<1x!tpu.dma_semaphore, #tpu.memory_space<semaphore_mem>> -> memref<!tpu.dma_semaphore, #tpu.memory_space<semaphore_mem>>
    tpu.enqueue_indirect_dma source(%dma_start3A_16 : memref<10000x64xf32, #tpu.memory_space<hbm>>) target(%dma_start3A_6 : memref<80x64xf32, #tpu.memory_space<vmem>>) offsets(%dma_start3A_9 : memref<80xi32, #tpu.memory_space<vmem>>) semaphore(%dma_start3A_18 : memref<!tpu.dma_semaphore, #tpu.memory_space<semaphore_mem>>)
    %dma_start3A_19 = arith.constant 1 : i32
    %dma_start3A_20 = arith.constant 1 : i32
    %dma_start3A_21 = arith.constant 1 : i32
    %dma_start3A_22 = arith.constant 0 : i32
    %dma_start3A_23 = arith.constant 0 : i32
    %dma_start3A_24 = tpu.memref_slice %arg7[%dma_start3A_20, %dma_start3A_22, %dma_start3A_23] : memref<5x80x64xf32, #tpu.memory_space<vmem>> -> memref<1x80x64xf32, #tpu.memory_space<vmem>>
    %dma_start3A_25 = tpu.memref_squeeze %dma_start3A_24 : memref<1x80x64xf32, #tpu.memory_space<vmem>> -> memref<80x64xf32, #tpu.memory_space<vmem>>
    %dma_start3A_26 = arith.constant 0 : i32
    %dma_start3A_27 = tpu.memref_slice %arg5[%dma_start3A_19, %dma_start3A_26] : memref<250x80xi32, #tpu.memory_space<vmem>> -> memref<1x80xi32, #tpu.memory_space<vmem>>
    %dma_start3A_28 = tpu.memref_squeeze %dma_start3A_27 : memref<1x80xi32, #tpu.memory_space<vmem>> -> memref<80xi32, #tpu.memory_space<vmem>>
    %dma_start3A_29 = arith.constant 0 : i32
    %dma_start3A_30 = arith.constant 0 : i32
    %dma_start3A_31 = tpu.memref_slice %arg2[%arg0, %dma_start3A_29, %dma_start3A_30] : memref<2x10000x64xf32, #tpu.memory_space<hbm>> -> memref<1x10000x64xf32, #tpu.memory_space<hbm>>
    %dma_start3A_32 = tpu.memref_squeeze %dma_start3A_31 : memref<1x10000x64xf32, #tpu.memory_space<hbm>> -> memref<10000x64xf32, #tpu.memory_space<hbm>>
    %dma_start3A_33 = arith.constant 0 : i32
    %dma_start3A_34 = arith.constant 0 : i32
    %dma_start3A_35 = tpu.memref_slice %dma_start3A_32[%dma_start3A_33, %dma_start3A_34] : memref<10000x64xf32, #tpu.memory_space<hbm>> -> memref<10000x64xf32, #tpu.memory_space<hbm>>
    %dma_start3A_36 = tpu.memref_slice %arg10[%dma_start3A_21] : memref<5x!tpu.dma_semaphore, #tpu.memory_space<semaphore_mem>> -> memref<1x!tpu.dma_semaphore, #tpu.memory_space<semaphore_mem>>
    %dma_start3A_37 = tpu.memref_squeeze %dma_start3A_36 : memref<1x!tpu.dma_semaphore, #tpu.memory_space<semaphore_mem>> -> memref<!tpu.dma_semaphore, #tpu.memory_space<semaphore_mem>>
    tpu.enqueue_indirect_dma source(%dma_start3A_35 : memref<10000x64xf32, #tpu.memory_space<hbm>>) target(%dma_start3A_25 : memref<80x64xf32, #tpu.memory_space<vmem>>) offsets(%dma_start3A_28 : memref<80xi32, #tpu.memory_space<vmem>>) semaphore(%dma_start3A_37 : memref<!tpu.dma_semaphore, #tpu.memory_space<semaphore_mem>>)
    %scan3A = arith.constant 0 : i32
    %scan3A_38 = arith.constant 0 : i32
    %scan3A_39 = arith.constant 104 : i32
    %scan3A_40 = arith.addi %scan3A_38, %scan3A_39 : i32
    %scan3A_41 = arith.constant 1 : i32
    scf.for %scan3A_143 = %scan3A_38 to %scan3A_40 step %scan3A_41  : i32 {
      %broadcast_in_dim3A = arith.constant 0.000000e+00 : f32
      %broadcast_in_dim3A_144 = vector.broadcast %broadcast_in_dim3A : f32 to vector<16xf32>
      %swap3A = arith.index_cast %scan3A_143 : i32 to index
      %swap3A_145 = arith.constant 0 : index
      %swap3A_146 = tpu.vector_load %arg8[%swap3A, %swap3A_145] {strides = array<i32>} : memref<104x64xf32, #tpu.memory_space<vmem>>, vector<1x16xf32>,
      %swap3A_147 = vector.shape_cast %swap3A_146 : vector<1x16xf32> to vector<16xf32>
      %swap3A_148 = vector.shape_cast %broadcast_in_dim3A_144 : vector<16xf32> to vector<1x16xf32>
      tpu.vector_store %arg8[%swap3A, %swap3A_145], %swap3A_148 {strides = array<i32>} : memref<104x64xf32, #tpu.memory_space<vmem>>, vector<1x16xf32>,
      %broadcast_in_dim3A_149 = arith.constant 0.000000e+00 : f32
      %broadcast_in_dim3A_150 = vector.broadcast %broadcast_in_dim3A_149 : f32 to vector<16xf32>
      %swap3A_151 = arith.index_cast %scan3A_143 : i32 to index
      %swap3A_152 = arith.constant 16 : index
      %swap3A_153 = tpu.vector_load %arg8[%swap3A_151, %swap3A_152] {strides = array<i32>} : memref<104x64xf32, #tpu.memory_space<vmem>>, vector<1x16xf32>,
      %swap3A_154 = vector.shape_cast %swap3A_153 : vector<1x16xf32> to vector<16xf32>
      %swap3A_155 = vector.shape_cast %broadcast_in_dim3A_150 : vector<16xf32> to vector<1x16xf32>
      tpu.vector_store %arg8[%swap3A_151, %swap3A_152], %swap3A_155 {strides = array<i32>} : memref<104x64xf32, #tpu.memory_space<vmem>>, vector<1x16xf32>,
      %broadcast_in_dim3A_156 = arith.constant 0.000000e+00 : f32
      %broadcast_in_dim3A_157 = vector.broadcast %broadcast_in_dim3A_156 : f32 to vector<16xf32>
      %swap3A_158 = arith.index_cast %scan3A_143 : i32 to index
      %swap3A_159 = arith.constant 32 : index
      %swap3A_160 = tpu.vector_load %arg8[%swap3A_158, %swap3A_159] {strides = array<i32>} : memref<104x64xf32, #tpu.memory_space<vmem>>, vector<1x16xf32>,
      %swap3A_161 = vector.shape_cast %swap3A_160 : vector<1x16xf32> to vector<16xf32>
      %swap3A_162 = vector.shape_cast %broadcast_in_dim3A_157 : vector<16xf32> to vector<1x16xf32>
      tpu.vector_store %arg8[%swap3A_158, %swap3A_159], %swap3A_162 {strides = array<i32>} : memref<104x64xf32, #tpu.memory_space<vmem>>, vector<1x16xf32>,
      %broadcast_in_dim3A_163 = arith.constant 0.000000e+00 : f32
      %broadcast_in_dim3A_164 = vector.broadcast %broadcast_in_dim3A_163 : f32 to vector<16xf32>
      %swap3A_165 = arith.index_cast %scan3A_143 : i32 to index
      %swap3A_166 = arith.constant 48 : index
      %swap3A_167 = tpu.vector_load %arg8[%swap3A_165, %swap3A_166] {strides = array<i32>} : memref<104x64xf32, #tpu.memory_space<vmem>>, vector<1x16xf32>,
      %swap3A_168 = vector.shape_cast %swap3A_167 : vector<1x16xf32> to vector<16xf32>
      %swap3A_169 = vector.shape_cast %broadcast_in_dim3A_164 : vector<16xf32> to vector<1x16xf32>
      tpu.vector_store %arg8[%swap3A_165, %swap3A_166], %swap3A_169 {strides = array<i32>} : memref<104x64xf32, #tpu.memory_space<vmem>>, vector<1x16xf32>,
    }
    %scan3A_42 = arith.constant 104 : i32
    %mul3A = arith.constant 624 : i32
    %mul3A_43 = arith.muli %arg1, %mul3A : i32
    %multiple_of3A = tpu.assume_multiple %mul3A_43, 8 : i32
    %add3A = arith.constant 0 : i32
    %add3A_44 = arith.addi %multiple_of3A, %add3A : i32
    "tpu.region"() ({
      %run_scoped3A_143 = tpu.sem_alloc : memref<!tpu.dma_semaphore, #tpu.memory_space<semaphore_mem>>
      %dma_start3A_144 = arith.constant 0 : i32
      %dma_start3A_145 = tpu.memref_slice %arg9[%add3A_44, %dma_start3A_144] : memref<10000x64xf32, #tpu.memory_space<vmem_shared>> -> memref<104x64xf32, #tpu.memory_space<vmem_shared>>
      %dma_start3A_146 = arith.constant 0 : i32
      %dma_start3A_147 = tpu.memref_slice %arg9[%add3A_44, %dma_start3A_146] : memref<10000x64xf32, #tpu.memory_space<vmem_shared>> -> memref<104x64xf32, #tpu.memory_space<vmem_shared>>
      tpu.enqueue_dma source(%arg8 : memref<104x64xf32, #tpu.memory_space<vmem>>) target(%dma_start3A_147 : memref<104x64xf32, #tpu.memory_space<vmem_shared>>) target_semaphore(%run_scoped3A_143 : memref<!tpu.dma_semaphore, #tpu.memory_space<semaphore_mem>>)
      %dma_wait3A_148 = arith.constant 0 : i32
      %dma_wait3A_149 = tpu.memref_slice %arg9[%add3A_44, %dma_wait3A_148] : memref<10000x64xf32, #tpu.memory_space<vmem_shared>> -> memref<104x64xf32, #tpu.memory_space<vmem_shared>>
      %dma_wait3A_150 = arith.constant 0 : i32
      %dma_wait3A_151 = tpu.memref_slice %arg9[%add3A_44, %dma_wait3A_150] : memref<10000x64xf32, #tpu.memory_space<vmem_shared>> -> memref<104x64xf32, #tpu.memory_space<vmem_shared>>
      tpu.wait_dma2 semaphore(%run_scoped3A_143 : memref<!tpu.dma_semaphore, #tpu.memory_space<semaphore_mem>>) src(%arg8 : memref<104x64xf32, #tpu.memory_space<vmem>>) dst(%dma_wait3A_151 : memref<104x64xf32, #tpu.memory_space<vmem_shared>>)
      tpu.yield
    }) : () -> ()
    %add3A_45 = arith.constant 104 : i32
    %add3A_46 = arith.addi %multiple_of3A, %add3A_45 : i32
    "tpu.region"() ({
      %run_scoped3A_143 = tpu.sem_alloc : memref<!tpu.dma_semaphore, #tpu.memory_space<semaphore_mem>>
      %dma_start3A_144 = arith.constant 0 : i32
      %dma_start3A_145 = tpu.memref_slice %arg9[%add3A_46, %dma_start3A_144] : memref<10000x64xf32, #tpu.memory_space<vmem_shared>> -> memref<104x64xf32, #tpu.memory_space<vmem_shared>>
      %dma_start3A_146 = arith.constant 0 : i32
      %dma_start3A_147 = tpu.memref_slice %arg9[%add3A_46, %dma_start3A_146] : memref<10000x64xf32, #tpu.memory_space<vmem_shared>> -> memref<104x64xf32, #tpu.memory_space<vmem_shared>>
      tpu.enqueue_dma source(%arg8 : memref<104x64xf32, #tpu.memory_space<vmem>>) target(%dma_start3A_147 : memref<104x64xf32, #tpu.memory_space<vmem_shared>>) target_semaphore(%run_scoped3A_143 : memref<!tpu.dma_semaphore, #tpu.memory_space<semaphore_mem>>)
      %dma_wait3A_148 = arith.constant 0 : i32
      %dma_wait3A_149 = tpu.memref_slice %arg9[%add3A_46, %dma_wait3A_148] : memref<10000x64xf32, #tpu.memory_space<vmem_shared>> -> memref<104x64xf32, #tpu.memory_space<vmem_shared>>
      %dma_wait3A_150 = arith.constant 0 : i32
      %dma_wait3A_151 = tpu.memref_slice %arg9[%add3A_46, %dma_wait3A_150] : memref<10000x64xf32, #tpu.memory_space<vmem_shared>> -> memref<104x64xf32, #tpu.memory_space<vmem_shared>>
      tpu.wait_dma2 semaphore(%run_scoped3A_143 : memref<!tpu.dma_semaphore, #tpu.memory_space<semaphore_mem>>) src(%arg8 : memref<104x64xf32, #tpu.memory_space<vmem>>) dst(%dma_wait3A_151 : memref<104x64xf32, #tpu.memory_space<vmem_shared>>)
      tpu.yield
    }) : () -> ()
    %add3A_47 = arith.constant 208 : i32
    %add3A_48 = arith.addi %multiple_of3A, %add3A_47 : i32
    "tpu.region"() ({
      %run_scoped3A_143 = tpu.sem_alloc : memref<!tpu.dma_semaphore, #tpu.memory_space<semaphore_mem>>
      %dma_start3A_144 = arith.constant 0 : i32
      %dma_start3A_145 = tpu.memref_slice %arg9[%add3A_48, %dma_start3A_144] : memref<10000x64xf32, #tpu.memory_space<vmem_shared>> -> memref<104x64xf32, #tpu.memory_space<vmem_shared>>
      %dma_start3A_146 = arith.constant 0 : i32
      %dma_start3A_147 = tpu.memref_slice %arg9[%add3A_48, %dma_start3A_146] : memref<10000x64xf32, #tpu.memory_space<vmem_shared>> -> memref<104x64xf32, #tpu.memory_space<vmem_shared>>
      tpu.enqueue_dma source(%arg8 : memref<104x64xf32, #tpu.memory_space<vmem>>) target(%dma_start3A_147 : memref<104x64xf32, #tpu.memory_space<vmem_shared>>) target_semaphore(%run_scoped3A_143 : memref<!tpu.dma_semaphore, #tpu.memory_space<semaphore_mem>>)
      %dma_wait3A_148 = arith.constant 0 : i32
      %dma_wait3A_149 = tpu.memref_slice %arg9[%add3A_48, %dma_wait3A_148] : memref<10000x64xf32, #tpu.memory_space<vmem_shared>> -> memref<104x64xf32, #tpu.memory_space<vmem_shared>>
      %dma_wait3A_150 = arith.constant 0 : i32
      %dma_wait3A_151 = tpu.memref_slice %arg9[%add3A_48, %dma_wait3A_150] : memref<10000x64xf32, #tpu.memory_space<vmem_shared>> -> memref<104x64xf32, #tpu.memory_space<vmem_shared>>
      tpu.wait_dma2 semaphore(%run_scoped3A_143 : memref<!tpu.dma_semaphore, #tpu.memory_space<semaphore_mem>>) src(%arg8 : memref<104x64xf32, #tpu.memory_space<vmem>>) dst(%dma_wait3A_151 : memref<104x64xf32, #tpu.memory_space<vmem_shared>>)
      tpu.yield
    }) : () -> ()
    %add3A_49 = arith.constant 312 : i32
    %add3A_50 = arith.addi %multiple_of3A, %add3A_49 : i32
    "tpu.region"() ({
      %run_scoped3A_143 = tpu.sem_alloc : memref<!tpu.dma_semaphore, #tpu.memory_space<semaphore_mem>>
      %dma_start3A_144 = arith.constant 0 : i32
      %dma_start3A_145 = tpu.memref_slice %arg9[%add3A_50, %dma_start3A_144] : memref<10000x64xf32, #tpu.memory_space<vmem_shared>> -> memref<104x64xf32, #tpu.memory_space<vmem_shared>>
      %dma_start3A_146 = arith.constant 0 : i32
      %dma_start3A_147 = tpu.memref_slice %arg9[%add3A_50, %dma_start3A_146] : memref<10000x64xf32, #tpu.memory_space<vmem_shared>> -> memref<104x64xf32, #tpu.memory_space<vmem_shared>>
      tpu.enqueue_dma source(%arg8 : memref<104x64xf32, #tpu.memory_space<vmem>>) target(%dma_start3A_147 : memref<104x64xf32, #tpu.memory_space<vmem_shared>>) target_semaphore(%run_scoped3A_143 : memref<!tpu.dma_semaphore, #tpu.memory_space<semaphore_mem>>)
      %dma_wait3A_148 = arith.constant 0 : i32
      %dma_wait3A_149 = tpu.memref_slice %arg9[%add3A_50, %dma_wait3A_148] : memref<10000x64xf32, #tpu.memory_space<vmem_shared>> -> memref<104x64xf32, #tpu.memory_space<vmem_shared>>
      %dma_wait3A_150 = arith.constant 0 : i32
      %dma_wait3A_151 = tpu.memref_slice %arg9[%add3A_50, %dma_wait3A_150] : memref<10000x64xf32, #tpu.memory_space<vmem_shared>> -> memref<104x64xf32, #tpu.memory_space<vmem_shared>>
      tpu.wait_dma2 semaphore(%run_scoped3A_143 : memref<!tpu.dma_semaphore, #tpu.memory_space<semaphore_mem>>) src(%arg8 : memref<104x64xf32, #tpu.memory_space<vmem>>) dst(%dma_wait3A_151 : memref<104x64xf32, #tpu.memory_space<vmem_shared>>)
      tpu.yield
    }) : () -> ()
    %add3A_51 = arith.constant 416 : i32
    %add3A_52 = arith.addi %multiple_of3A, %add3A_51 : i32
    "tpu.region"() ({
      %run_scoped3A_143 = tpu.sem_alloc : memref<!tpu.dma_semaphore, #tpu.memory_space<semaphore_mem>>
      %dma_start3A_144 = arith.constant 0 : i32
      %dma_start3A_145 = tpu.memref_slice %arg9[%add3A_52, %dma_start3A_144] : memref<10000x64xf32, #tpu.memory_space<vmem_shared>> -> memref<104x64xf32, #tpu.memory_space<vmem_shared>>
      %dma_start3A_146 = arith.constant 0 : i32
      %dma_start3A_147 = tpu.memref_slice %arg9[%add3A_52, %dma_start3A_146] : memref<10000x64xf32, #tpu.memory_space<vmem_shared>> -> memref<104x64xf32, #tpu.memory_space<vmem_shared>>
      tpu.enqueue_dma source(%arg8 : memref<104x64xf32, #tpu.memory_space<vmem>>) target(%dma_start3A_147 : memref<104x64xf32, #tpu.memory_space<vmem_shared>>) target_semaphore(%run_scoped3A_143 : memref<!tpu.dma_semaphore, #tpu.memory_space<semaphore_mem>>)
      %dma_wait3A_148 = arith.constant 0 : i32
      %dma_wait3A_149 = tpu.memref_slice %arg9[%add3A_52, %dma_wait3A_148] : memref<10000x64xf32, #tpu.memory_space<vmem_shared>> -> memref<104x64xf32, #tpu.memory_space<vmem_shared>>
      %dma_wait3A_150 = arith.constant 0 : i32
      %dma_wait3A_151 = tpu.memref_slice %arg9[%add3A_52, %dma_wait3A_150] : memref<10000x64xf32, #tpu.memory_space<vmem_shared>> -> memref<104x64xf32, #tpu.memory_space<vmem_shared>>
      tpu.wait_dma2 semaphore(%run_scoped3A_143 : memref<!tpu.dma_semaphore, #tpu.memory_space<semaphore_mem>>) src(%arg8 : memref<104x64xf32, #tpu.memory_space<vmem>>) dst(%dma_wait3A_151 : memref<104x64xf32, #tpu.memory_space<vmem_shared>>)
      tpu.yield
    }) : () -> ()
    %add3A_53 = arith.constant 520 : i32
    %add3A_54 = arith.addi %multiple_of3A, %add3A_53 : i32
    "tpu.region"() ({
      %run_scoped3A_143 = tpu.sem_alloc : memref<!tpu.dma_semaphore, #tpu.memory_space<semaphore_mem>>
      %dma_start3A_144 = arith.constant 0 : i32
      %dma_start3A_145 = tpu.memref_slice %arg9[%add3A_54, %dma_start3A_144] : memref<10000x64xf32, #tpu.memory_space<vmem_shared>> -> memref<104x64xf32, #tpu.memory_space<vmem_shared>>
      %dma_start3A_146 = arith.constant 0 : i32
      %dma_start3A_147 = tpu.memref_slice %arg9[%add3A_54, %dma_start3A_146] : memref<10000x64xf32, #tpu.memory_space<vmem_shared>> -> memref<104x64xf32, #tpu.memory_space<vmem_shared>>
      tpu.enqueue_dma source(%arg8 : memref<104x64xf32, #tpu.memory_space<vmem>>) target(%dma_start3A_147 : memref<104x64xf32, #tpu.memory_space<vmem_shared>>) target_semaphore(%run_scoped3A_143 : memref<!tpu.dma_semaphore, #tpu.memory_space<semaphore_mem>>)
      %dma_wait3A_148 = arith.constant 0 : i32
      %dma_wait3A_149 = tpu.memref_slice %arg9[%add3A_54, %dma_wait3A_148] : memref<10000x64xf32, #tpu.memory_space<vmem_shared>> -> memref<104x64xf32, #tpu.memory_space<vmem_shared>>
      %dma_wait3A_150 = arith.constant 0 : i32
      %dma_wait3A_151 = tpu.memref_slice %arg9[%add3A_54, %dma_wait3A_150] : memref<10000x64xf32, #tpu.memory_space<vmem_shared>> -> memref<104x64xf32, #tpu.memory_space<vmem_shared>>
      tpu.wait_dma2 semaphore(%run_scoped3A_143 : memref<!tpu.dma_semaphore, #tpu.memory_space<semaphore_mem>>) src(%arg8 : memref<104x64xf32, #tpu.memory_space<vmem>>) dst(%dma_wait3A_151 : memref<104x64xf32, #tpu.memory_space<vmem_shared>>)
      tpu.yield
    }) : () -> ()
    %eq3A = arith.constant 15 : i32
    %eq3A_55 = arith.cmpi eq, %arg1, %eq3A : i32
    %convert_element_type3A = arith.extui %eq3A_55 : i1 to i32
    %cond3A = arith.constant 0 : i32
    %cond3A_56 = arith.cmpi ne, %convert_element_type3A, %cond3A : i32
    scf.if %cond3A_56 {
      "tpu.region"() ({
        %run_scoped3A_143 = tpu.sem_alloc : memref<!tpu.dma_semaphore, #tpu.memory_space<semaphore_mem>>
        %dma_start3A_144 = arith.constant 0 : i32
        %dma_start3A_145 = arith.constant 0 : i32
        %dma_start3A_146 = tpu.memref_slice %arg8[%dma_start3A_144, %dma_start3A_145] : memref<104x64xf32, #tpu.memory_space<vmem>> -> memref<16x64xf32, #tpu.memory_space<vmem>>
        %dma_start3A_147 = arith.constant 9984 : i32
        %dma_start3A_148 = arith.constant 0 : i32
        %dma_start3A_149 = tpu.memref_slice %arg9[%dma_start3A_147, %dma_start3A_148] : memref<10000x64xf32, #tpu.memory_space<vmem_shared>> -> memref<16x64xf32, #tpu.memory_space<vmem_shared>>
        %dma_start3A_150 = arith.constant 9984 : i32
        %dma_start3A_151 = arith.constant 0 : i32
        %dma_start3A_152 = tpu.memref_slice %arg9[%dma_start3A_150, %dma_start3A_151] : memref<10000x64xf32, #tpu.memory_space<vmem_shared>> -> memref<16x64xf32, #tpu.memory_space<vmem_shared>>
        %dma_start3A_153 = arith.constant 0 : i32
        %dma_start3A_154 = arith.constant 0 : i32
        %dma_start3A_155 = tpu.memref_slice %arg8[%dma_start3A_153, %dma_start3A_154] : memref<104x64xf32, #tpu.memory_space<vmem>> -> memref<16x64xf32, #tpu.memory_space<vmem>>
        tpu.enqueue_dma source(%dma_start3A_155 : memref<16x64xf32, #tpu.memory_space<vmem>>) target(%dma_start3A_152 : memref<16x64xf32, #tpu.memory_space<vmem_shared>>) target_semaphore(%run_scoped3A_143 : memref<!tpu.dma_semaphore, #tpu.memory_space<semaphore_mem>>)
        %dma_wait3A_156 = arith.constant 0 : i32
        %dma_wait3A_157 = arith.constant 0 : i32
        %dma_wait3A_158 = tpu.memref_slice %arg8[%dma_wait3A_156, %dma_wait3A_157] : memref<104x64xf32, #tpu.memory_space<vmem>> -> memref<16x64xf32, #tpu.memory_space<vmem>>
        %dma_wait3A_159 = arith.constant 9984 : i32
        %dma_wait3A_160 = arith.constant 0 : i32
        %dma_wait3A_161 = tpu.memref_slice %arg9[%dma_wait3A_159, %dma_wait3A_160] : memref<10000x64xf32, #tpu.memory_space<vmem_shared>> -> memref<16x64xf32, #tpu.memory_space<vmem_shared>>
        %dma_wait3A_162 = arith.constant 9984 : i32
        %dma_wait3A_163 = arith.constant 0 : i32
        %dma_wait3A_164 = tpu.memref_slice %arg9[%dma_wait3A_162, %dma_wait3A_163] : memref<10000x64xf32, #tpu.memory_space<vmem_shared>> -> memref<16x64xf32, #tpu.memory_space<vmem_shared>>
        %dma_wait3A_165 = arith.constant 0 : i32
        %dma_wait3A_166 = arith.constant 0 : i32
        %dma_wait3A_167 = tpu.memref_slice %arg8[%dma_wait3A_165, %dma_wait3A_166] : memref<104x64xf32, #tpu.memory_space<vmem>> -> memref<16x64xf32, #tpu.memory_space<vmem>>
        tpu.wait_dma2 semaphore(%run_scoped3A_143 : memref<!tpu.dma_semaphore, #tpu.memory_space<semaphore_mem>>) src(%dma_wait3A_167 : memref<16x64xf32, #tpu.memory_space<vmem>>) dst(%dma_wait3A_164 : memref<16x64xf32, #tpu.memory_space<vmem_shared>>)
        tpu.yield
      }) : () -> ()
    } else {
    }
    %barrier3A = arith.constant 0 : index
    tpu.barrier barrier_id(%barrier3A)
    %scan3A_57 = arith.constant 0 : i32
    %scan3A_58 = arith.constant 0 : i32
    %scan3A_59 = arith.constant 50 : i32
    %scan3A_60 = arith.addi %scan3A_58, %scan3A_59 : i32
    %scan3A_61 = arith.constant 1 : i32
    scf.for %scan3A_143 = %scan3A_58 to %scan3A_60 step %scan3A_61  : i32 {
      %mul3A_144 = arith.constant 5 : i32
      %mul3A_145 = arith.muli %mul3A_144, %scan3A_143 : i32
      %add3A_146 = arith.constant 0 : i32
      %add3A_147 = arith.addi %mul3A_145, %add3A_146 : i32
      %add3A_148 = arith.constant 2 : i32
      %add3A_149 = arith.addi %add3A_147, %add3A_148 : i32
      %lt3A = arith.constant 250 : i32
      %lt3A_150 = arith.cmpi slt, %add3A_149, %lt3A : i32
      %ge3A = arith.constant 3 : i32
      %ge3A_151 = arith.cmpi sge, %add3A_147, %ge3A : i32
      %and3A = arith.andi %lt3A_150, %ge3A_151 : i1
      %convert_element_type3A_152 = arith.extui %and3A : i1 to i32
      %cond3A_153 = arith.constant 0 : i32
      %cond3A_154 = arith.cmpi ne, %convert_element_type3A_152, %cond3A_153 : i32
      scf.if %cond3A_154 {
        %sub3A = arith.constant 3 : i32
        %sub3A_398 = arith.subi %add3A_147, %sub3A : i32
        %dma_wait3A_399 = arith.constant 2 : i32
        %dma_wait3A_400 = arith.constant 2 : i32
        %dma_wait3A_401 = arith.constant 0 : i32
        %dma_wait3A_402 = arith.constant 0 : i32
        %dma_wait3A_403 = tpu.memref_slice %arg7[%dma_wait3A_399, %dma_wait3A_401, %dma_wait3A_402] : memref<5x80x64xf32, #tpu.memory_space<vmem>> -> memref<1x80x64xf32, #tpu.memory_space<vmem>>
        %dma_wait3A_404 = tpu.memref_squeeze %dma_wait3A_403 : memref<1x80x64xf32, #tpu.memory_space<vmem>> -> memref<80x64xf32, #tpu.memory_space<vmem>>
        %dma_wait3A_405 = arith.constant 0 : i32
        %dma_wait3A_406 = tpu.memref_slice %arg6[%sub3A_398, %dma_wait3A_405] : memref<250x80xi32, #tpu.memory_space<vmem>> -> memref<1x80xi32, #tpu.memory_space<vmem>>
        %dma_wait3A_407 = tpu.memref_squeeze %dma_wait3A_406 : memref<1x80xi32, #tpu.memory_space<vmem>> -> memref<80xi32, #tpu.memory_space<vmem>>
        %dma_wait3A_408 = arith.constant 0 : i32
        %dma_wait3A_409 = arith.constant 0 : i32
        %dma_wait3A_410 = tpu.memref_slice %arg9[%dma_wait3A_408, %dma_wait3A_409] : memref<10000x64xf32, #tpu.memory_space<vmem_shared>> -> memref<10000x64xf32, #tpu.memory_space<vmem_shared>>
        %dma_wait3A_411 = tpu.memref_slice %arg11[%dma_wait3A_400] : memref<5x!tpu.dma_semaphore, #tpu.memory_space<semaphore_mem>> -> memref<1x!tpu.dma_semaphore, #tpu.memory_space<semaphore_mem>>
        %dma_wait3A_412 = tpu.memref_squeeze %dma_wait3A_411 : memref<1x!tpu.dma_semaphore, #tpu.memory_space<semaphore_mem>> -> memref<!tpu.dma_semaphore, #tpu.memory_space<semaphore_mem>>
        tpu.wait_indirect_dma semaphore(%dma_wait3A_412 : memref<!tpu.dma_semaphore, #tpu.memory_space<semaphore_mem>>) src(%dma_wait3A_404 : memref<80x64xf32, #tpu.memory_space<vmem>>) dst(%dma_wait3A_410 : memref<10000x64xf32, #tpu.memory_space<vmem_shared>>)
      } else {
      }
      %add3A_155 = arith.constant 2 : i32
      %add3A_156 = arith.addi %add3A_147, %add3A_155 : i32
      %lt3A_157 = arith.constant 250 : i32
      %lt3A_158 = arith.cmpi slt, %add3A_156, %lt3A_157 : i32
      %convert_element_type3A_159 = arith.extui %lt3A_158 : i1 to i32
      %cond3A_160 = arith.constant 0 : i32
      %cond3A_161 = arith.cmpi ne, %convert_element_type3A_159, %cond3A_160 : i32
      scf.if %cond3A_161 {
        %add3A_398 = arith.constant 2 : i32
        %add3A_399 = arith.addi %add3A_147, %add3A_398 : i32
        %dma_start3A_400 = arith.constant 2 : i32
        %dma_start3A_401 = arith.constant 2 : i32
        %dma_start3A_402 = arith.constant 0 : i32
        %dma_start3A_403 = arith.constant 0 : i32
        %dma_start3A_404 = tpu.memref_slice %arg7[%dma_start3A_400, %dma_start3A_402, %dma_start3A_403] : memref<5x80x64xf32, #tpu.memory_space<vmem>> -> memref<1x80x64xf32, #tpu.memory_space<vmem>>
        %dma_start3A_405 = tpu.memref_squeeze %dma_start3A_404 : memref<1x80x64xf32, #tpu.memory_space<vmem>> -> memref<80x64xf32, #tpu.memory_space<vmem>>
        %dma_start3A_406 = arith.constant 0 : i32
        %dma_start3A_407 = tpu.memref_slice %arg5[%add3A_399, %dma_start3A_406] : memref<250x80xi32, #tpu.memory_space<vmem>> -> memref<1x80xi32, #tpu.memory_space<vmem>>
        %dma_start3A_408 = tpu.memref_squeeze %dma_start3A_407 : memref<1x80xi32, #tpu.memory_space<vmem>> -> memref<80xi32, #tpu.memory_space<vmem>>
        %dma_start3A_409 = arith.constant 0 : i32
        %dma_start3A_410 = arith.constant 0 : i32
        %dma_start3A_411 = tpu.memref_slice %arg2[%arg0, %dma_start3A_409, %dma_start3A_410] : memref<2x10000x64xf32, #tpu.memory_space<hbm>> -> memref<1x10000x64xf32, #tpu.memory_space<hbm>>
        %dma_start3A_412 = tpu.memref_squeeze %dma_start3A_411 : memref<1x10000x64xf32, #tpu.memory_space<hbm>> -> memref<10000x64xf32, #tpu.memory_space<hbm>>
        %dma_start3A_413 = arith.constant 0 : i32
        %dma_start3A_414 = arith.constant 0 : i32
        %dma_start3A_415 = tpu.memref_slice %dma_start3A_412[%dma_start3A_413, %dma_start3A_414] : memref<10000x64xf32, #tpu.memory_space<hbm>> -> memref<10000x64xf32, #tpu.memory_space<hbm>>
        %dma_start3A_416 = tpu.memref_slice %arg10[%dma_start3A_401] : memref<5x!tpu.dma_semaphore, #tpu.memory_space<semaphore_mem>> -> memref<1x!tpu.dma_semaphore, #tpu.memory_space<semaphore_mem>>
        %dma_start3A_417 = tpu.memref_squeeze %dma_start3A_416 : memref<1x!tpu.dma_semaphore, #tpu.memory_space<semaphore_mem>> -> memref<!tpu.dma_semaphore, #tpu.memory_space<semaphore_mem>>
        tpu.enqueue_indirect_dma source(%dma_start3A_415 : memref<10000x64xf32, #tpu.memory_space<hbm>>) target(%dma_start3A_405 : memref<80x64xf32, #tpu.memory_space<vmem>>) offsets(%dma_start3A_408 : memref<80xi32, #tpu.memory_space<vmem>>) semaphore(%dma_start3A_417 : memref<!tpu.dma_semaphore, #tpu.memory_space<semaphore_mem>>)
      } else {
      }
      %dma_wait3A_162 = arith.constant 0 : i32
      %dma_wait3A_163 = arith.constant 0 : i32
      %dma_wait3A_164 = arith.constant 0 : i32
      %dma_wait3A_165 = arith.constant 0 : i32
      %dma_wait3A_166 = tpu.memref_slice %arg7[%dma_wait3A_162, %dma_wait3A_164, %dma_wait3A_165] : memref<5x80x64xf32, #tpu.memory_space<vmem>> -> memref<1x80x64xf32, #tpu.memory_space<vmem>>
      %dma_wait3A_167 = tpu.memref_squeeze %dma_wait3A_166 : memref<1x80x64xf32, #tpu.memory_space<vmem>> -> memref<80x64xf32, #tpu.memory_space<vmem>>
      %dma_wait3A_168 = arith.constant 0 : i32
      %dma_wait3A_169 = tpu.memref_slice %arg5[%add3A_147, %dma_wait3A_168] : memref<250x80xi32, #tpu.memory_space<vmem>> -> memref<1x80xi32, #tpu.memory_space<vmem>>
      %dma_wait3A_170 = tpu.memref_squeeze %dma_wait3A_169 : memref<1x80xi32, #tpu.memory_space<vmem>> -> memref<80xi32, #tpu.memory_space<vmem>>
      %dma_wait3A_171 = arith.constant 0 : i32
      %dma_wait3A_172 = arith.constant 0 : i32
      %dma_wait3A_173 = tpu.memref_slice %arg2[%arg0, %dma_wait3A_171, %dma_wait3A_172] : memref<2x10000x64xf32, #tpu.memory_space<hbm>> -> memref<1x10000x64xf32, #tpu.memory_space<hbm>>
      %dma_wait3A_174 = tpu.memref_squeeze %dma_wait3A_173 : memref<1x10000x64xf32, #tpu.memory_space<hbm>> -> memref<10000x64xf32, #tpu.memory_space<hbm>>
      %dma_wait3A_175 = arith.constant 0 : i32
      %dma_wait3A_176 = arith.constant 0 : i32
      %dma_wait3A_177 = tpu.memref_slice %dma_wait3A_174[%dma_wait3A_175, %dma_wait3A_176] : memref<10000x64xf32, #tpu.memory_space<hbm>> -> memref<10000x64xf32, #tpu.memory_space<hbm>>
      %dma_wait3A_178 = tpu.memref_slice %arg10[%dma_wait3A_163] : memref<5x!tpu.dma_semaphore, #tpu.memory_space<semaphore_mem>> -> memref<1x!tpu.dma_semaphore, #tpu.memory_space<semaphore_mem>>
      %dma_wait3A_179 = tpu.memref_squeeze %dma_wait3A_178 : memref<1x!tpu.dma_semaphore, #tpu.memory_space<semaphore_mem>> -> memref<!tpu.dma_semaphore, #tpu.memory_space<semaphore_mem>>
      tpu.wait_indirect_dma semaphore(%dma_wait3A_179 : memref<!tpu.dma_semaphore, #tpu.memory_space<semaphore_mem>>) src(%dma_wait3A_177 : memref<10000x64xf32, #tpu.memory_space<hbm>>) dst(%dma_wait3A_167 : memref<80x64xf32, #tpu.memory_space<vmem>>)
      %dma_start3A_180 = arith.constant 0 : i32
      %dma_start3A_181 = arith.constant 0 : i32
      %dma_start3A_182 = arith.constant 0 : i32
      %dma_start3A_183 = arith.constant 0 : i32
      %dma_start3A_184 = tpu.memref_slice %arg7[%dma_start3A_180, %dma_start3A_182, %dma_start3A_183] : memref<5x80x64xf32, #tpu.memory_space<vmem>> -> memref<1x80x64xf32, #tpu.memory_space<vmem>>
      %dma_start3A_185 = tpu.memref_squeeze %dma_start3A_184 : memref<1x80x64xf32, #tpu.memory_space<vmem>> -> memref<80x64xf32, #tpu.memory_space<vmem>>
      %dma_start3A_186 = arith.constant 0 : i32
      %dma_start3A_187 = tpu.memref_slice %arg6[%add3A_147, %dma_start3A_186] : memref<250x80xi32, #tpu.memory_space<vmem>> -> memref<1x80xi32, #tpu.memory_space<vmem>>
      %dma_start3A_188 = tpu.memref_squeeze %dma_start3A_187 : memref<1x80xi32, #tpu.memory_space<vmem>> -> memref<80xi32, #tpu.memory_space<vmem>>
      %dma_start3A_189 = arith.constant 0 : i32
      %dma_start3A_190 = arith.constant 0 : i32
      %dma_start3A_191 = tpu.memref_slice %arg9[%dma_start3A_189, %dma_start3A_190] : memref<10000x64xf32, #tpu.memory_space<vmem_shared>> -> memref<10000x64xf32, #tpu.memory_space<vmem_shared>>
      %dma_start3A_192 = tpu.memref_slice %arg11[%dma_start3A_181] : memref<5x!tpu.dma_semaphore, #tpu.memory_space<semaphore_mem>> -> memref<1x!tpu.dma_semaphore, #tpu.memory_space<semaphore_mem>>
      %dma_start3A_193 = tpu.memref_squeeze %dma_start3A_192 : memref<1x!tpu.dma_semaphore, #tpu.memory_space<semaphore_mem>> -> memref<!tpu.dma_semaphore, #tpu.memory_space<semaphore_mem>>
      tpu.enqueue_indirect_dma source(%dma_start3A_185 : memref<80x64xf32, #tpu.memory_space<vmem>>) target(%dma_start3A_191 : memref<10000x64xf32, #tpu.memory_space<vmem_shared>>) offsets(%dma_start3A_188 : memref<80xi32, #tpu.memory_space<vmem>>) semaphore(%dma_start3A_193 : memref<!tpu.dma_semaphore, #tpu.memory_space<semaphore_mem>>) {add = true}
      %add3A_194 = arith.constant 1 : i32
      %add3A_195 = arith.addi %mul3A_145, %add3A_194 : i32
      %add3A_196 = arith.constant 2 : i32
      %add3A_197 = arith.addi %add3A_195, %add3A_196 : i32
      %lt3A_198 = arith.constant 250 : i32
      %lt3A_199 = arith.cmpi slt, %add3A_197, %lt3A_198 : i32
      %ge3A_200 = arith.constant 3 : i32
      %ge3A_201 = arith.cmpi sge, %add3A_195, %ge3A_200 : i32
      %and3A_202 = arith.andi %lt3A_199, %ge3A_201 : i1
      %convert_element_type3A_203 = arith.extui %and3A_202 : i1 to i32
      %cond3A_204 = arith.constant 0 : i32
      %cond3A_205 = arith.cmpi ne, %convert_element_type3A_203, %cond3A_204 : i32
      scf.if %cond3A_205 {
        %sub3A = arith.constant 3 : i32
        %sub3A_398 = arith.subi %add3A_195, %sub3A : i32
        %dma_wait3A_399 = arith.constant 3 : i32
        %dma_wait3A_400 = arith.constant 3 : i32
        %dma_wait3A_401 = arith.constant 0 : i32
        %dma_wait3A_402 = arith.constant 0 : i32
        %dma_wait3A_403 = tpu.memref_slice %arg7[%dma_wait3A_399, %dma_wait3A_401, %dma_wait3A_402] : memref<5x80x64xf32, #tpu.memory_space<vmem>> -> memref<1x80x64xf32, #tpu.memory_space<vmem>>
        %dma_wait3A_404 = tpu.memref_squeeze %dma_wait3A_403 : memref<1x80x64xf32, #tpu.memory_space<vmem>> -> memref<80x64xf32, #tpu.memory_space<vmem>>
        %dma_wait3A_405 = arith.constant 0 : i32
        %dma_wait3A_406 = tpu.memref_slice %arg6[%sub3A_398, %dma_wait3A_405] : memref<250x80xi32, #tpu.memory_space<vmem>> -> memref<1x80xi32, #tpu.memory_space<vmem>>
        %dma_wait3A_407 = tpu.memref_squeeze %dma_wait3A_406 : memref<1x80xi32, #tpu.memory_space<vmem>> -> memref<80xi32, #tpu.memory_space<vmem>>
        %dma_wait3A_408 = arith.constant 0 : i32
        %dma_wait3A_409 = arith.constant 0 : i32
        %dma_wait3A_410 = tpu.memref_slice %arg9[%dma_wait3A_408, %dma_wait3A_409] : memref<10000x64xf32, #tpu.memory_space<vmem_shared>> -> memref<10000x64xf32, #tpu.memory_space<vmem_shared>>
        %dma_wait3A_411 = tpu.memref_slice %arg11[%dma_wait3A_400] : memref<5x!tpu.dma_semaphore, #tpu.memory_space<semaphore_mem>> -> memref<1x!tpu.dma_semaphore, #tpu.memory_space<semaphore_mem>>
        %dma_wait3A_412 = tpu.memref_squeeze %dma_wait3A_411 : memref<1x!tpu.dma_semaphore, #tpu.memory_space<semaphore_mem>> -> memref<!tpu.dma_semaphore, #tpu.memory_space<semaphore_mem>>
        tpu.wait_indirect_dma semaphore(%dma_wait3A_412 : memref<!tpu.dma_semaphore, #tpu.memory_space<semaphore_mem>>) src(%dma_wait3A_404 : memref<80x64xf32, #tpu.memory_space<vmem>>) dst(%dma_wait3A_410 : memref<10000x64xf32, #tpu.memory_space<vmem_shared>>)
      } else {
      }
      %add3A_206 = arith.constant 2 : i32
      %add3A_207 = arith.addi %add3A_195, %add3A_206 : i32
      %lt3A_208 = arith.constant 250 : i32
      %lt3A_209 = arith.cmpi slt, %add3A_207, %lt3A_208 : i32
      %convert_element_type3A_210 = arith.extui %lt3A_209 : i1 to i32
      %cond3A_211 = arith.constant 0 : i32
      %cond3A_212 = arith.cmpi ne, %convert_element_type3A_210, %cond3A_211 : i32
      scf.if %cond3A_212 {
        %add3A_398 = arith.constant 2 : i32
        %add3A_399 = arith.addi %add3A_195, %add3A_398 : i32
        %dma_start3A_400 = arith.constant 3 : i32
        %dma_start3A_401 = arith.constant 3 : i32
        %dma_start3A_402 = arith.constant 0 : i32
        %dma_start3A_403 = arith.constant 0 : i32
        %dma_start3A_404 = tpu.memref_slice %arg7[%dma_start3A_400, %dma_start3A_402, %dma_start3A_403] : memref<5x80x64xf32, #tpu.memory_space<vmem>> -> memref<1x80x64xf32, #tpu.memory_space<vmem>>
        %dma_start3A_405 = tpu.memref_squeeze %dma_start3A_404 : memref<1x80x64xf32, #tpu.memory_space<vmem>> -> memref<80x64xf32, #tpu.memory_space<vmem>>
        %dma_start3A_406 = arith.constant 0 : i32
        %dma_start3A_407 = tpu.memref_slice %arg5[%add3A_399, %dma_start3A_406] : memref<250x80xi32, #tpu.memory_space<vmem>> -> memref<1x80xi32, #tpu.memory_space<vmem>>
        %dma_start3A_408 = tpu.memref_squeeze %dma_start3A_407 : memref<1x80xi32, #tpu.memory_space<vmem>> -> memref<80xi32, #tpu.memory_space<vmem>>
        %dma_start3A_409 = arith.constant 0 : i32
        %dma_start3A_410 = arith.constant 0 : i32
        %dma_start3A_411 = tpu.memref_slice %arg2[%arg0, %dma_start3A_409, %dma_start3A_410] : memref<2x10000x64xf32, #tpu.memory_space<hbm>> -> memref<1x10000x64xf32, #tpu.memory_space<hbm>>
        %dma_start3A_412 = tpu.memref_squeeze %dma_start3A_411 : memref<1x10000x64xf32, #tpu.memory_space<hbm>> -> memref<10000x64xf32, #tpu.memory_space<hbm>>
        %dma_start3A_413 = arith.constant 0 : i32
        %dma_start3A_414 = arith.constant 0 : i32
        %dma_start3A_415 = tpu.memref_slice %dma_start3A_412[%dma_start3A_413, %dma_start3A_414] : memref<10000x64xf32, #tpu.memory_space<hbm>> -> memref<10000x64xf32, #tpu.memory_space<hbm>>
        %dma_start3A_416 = tpu.memref_slice %arg10[%dma_start3A_401] : memref<5x!tpu.dma_semaphore, #tpu.memory_space<semaphore_mem>> -> memref<1x!tpu.dma_semaphore, #tpu.memory_space<semaphore_mem>>
        %dma_start3A_417 = tpu.memref_squeeze %dma_start3A_416 : memref<1x!tpu.dma_semaphore, #tpu.memory_space<semaphore_mem>> -> memref<!tpu.dma_semaphore, #tpu.memory_space<semaphore_mem>>
        tpu.enqueue_indirect_dma source(%dma_start3A_415 : memref<10000x64xf32, #tpu.memory_space<hbm>>) target(%dma_start3A_405 : memref<80x64xf32, #tpu.memory_space<vmem>>) offsets(%dma_start3A_408 : memref<80xi32, #tpu.memory_space<vmem>>) semaphore(%dma_start3A_417 : memref<!tpu.dma_semaphore, #tpu.memory_space<semaphore_mem>>)
      } else {
      }
      %dma_wait3A_213 = arith.constant 1 : i32
      %dma_wait3A_214 = arith.constant 1 : i32
      %dma_wait3A_215 = arith.constant 0 : i32
      %dma_wait3A_216 = arith.constant 0 : i32
      %dma_wait3A_217 = tpu.memref_slice %arg7[%dma_wait3A_213, %dma_wait3A_215, %dma_wait3A_216] : memref<5x80x64xf32, #tpu.memory_space<vmem>> -> memref<1x80x64xf32, #tpu.memory_space<vmem>>
      %dma_wait3A_218 = tpu.memref_squeeze %dma_wait3A_217 : memref<1x80x64xf32, #tpu.memory_space<vmem>> -> memref<80x64xf32, #tpu.memory_space<vmem>>
      %dma_wait3A_219 = arith.constant 0 : i32
      %dma_wait3A_220 = tpu.memref_slice %arg5[%add3A_195, %dma_wait3A_219] : memref<250x80xi32, #tpu.memory_space<vmem>> -> memref<1x80xi32, #tpu.memory_space<vmem>>
      %dma_wait3A_221 = tpu.memref_squeeze %dma_wait3A_220 : memref<1x80xi32, #tpu.memory_space<vmem>> -> memref<80xi32, #tpu.memory_space<vmem>>
      %dma_wait3A_222 = arith.constant 0 : i32
      %dma_wait3A_223 = arith.constant 0 : i32
      %dma_wait3A_224 = tpu.memref_slice %arg2[%arg0, %dma_wait3A_222, %dma_wait3A_223] : memref<2x10000x64xf32, #tpu.memory_space<hbm>> -> memref<1x10000x64xf32, #tpu.memory_space<hbm>>
      %dma_wait3A_225 = tpu.memref_squeeze %dma_wait3A_224 : memref<1x10000x64xf32, #tpu.memory_space<hbm>> -> memref<10000x64xf32, #tpu.memory_space<hbm>>
      %dma_wait3A_226 = arith.constant 0 : i32
      %dma_wait3A_227 = arith.constant 0 : i32
      %dma_wait3A_228 = tpu.memref_slice %dma_wait3A_225[%dma_wait3A_226, %dma_wait3A_227] : memref<10000x64xf32, #tpu.memory_space<hbm>> -> memref<10000x64xf32, #tpu.memory_space<hbm>>
      %dma_wait3A_229 = tpu.memref_slice %arg10[%dma_wait3A_214] : memref<5x!tpu.dma_semaphore, #tpu.memory_space<semaphore_mem>> -> memref<1x!tpu.dma_semaphore, #tpu.memory_space<semaphore_mem>>
      %dma_wait3A_230 = tpu.memref_squeeze %dma_wait3A_229 : memref<1x!tpu.dma_semaphore, #tpu.memory_space<semaphore_mem>> -> memref<!tpu.dma_semaphore, #tpu.memory_space<semaphore_mem>>
      tpu.wait_indirect_dma semaphore(%dma_wait3A_230 : memref<!tpu.dma_semaphore, #tpu.memory_space<semaphore_mem>>) src(%dma_wait3A_228 : memref<10000x64xf32, #tpu.memory_space<hbm>>) dst(%dma_wait3A_218 : memref<80x64xf32, #tpu.memory_space<vmem>>)
      %dma_start3A_231 = arith.constant 1 : i32
      %dma_start3A_232 = arith.constant 1 : i32
      %dma_start3A_233 = arith.constant 0 : i32
      %dma_start3A_234 = arith.constant 0 : i32
      %dma_start3A_235 = tpu.memref_slice %arg7[%dma_start3A_231, %dma_start3A_233, %dma_start3A_234] : memref<5x80x64xf32, #tpu.memory_space<vmem>> -> memref<1x80x64xf32, #tpu.memory_space<vmem>>
      %dma_start3A_236 = tpu.memref_squeeze %dma_start3A_235 : memref<1x80x64xf32, #tpu.memory_space<vmem>> -> memref<80x64xf32, #tpu.memory_space<vmem>>
      %dma_start3A_237 = arith.constant 0 : i32
      %dma_start3A_238 = tpu.memref_slice %arg6[%add3A_195, %dma_start3A_237] : memref<250x80xi32, #tpu.memory_space<vmem>> -> memref<1x80xi32, #tpu.memory_space<vmem>>
      %dma_start3A_239 = tpu.memref_squeeze %dma_start3A_238 : memref<1x80xi32, #tpu.memory_space<vmem>> -> memref<80xi32, #tpu.memory_space<vmem>>
      %dma_start3A_240 = arith.constant 0 : i32
      %dma_start3A_241 = arith.constant 0 : i32
      %dma_start3A_242 = tpu.memref_slice %arg9[%dma_start3A_240, %dma_start3A_241] : memref<10000x64xf32, #tpu.memory_space<vmem_shared>> -> memref<10000x64xf32, #tpu.memory_space<vmem_shared>>
      %dma_start3A_243 = tpu.memref_slice %arg11[%dma_start3A_232] : memref<5x!tpu.dma_semaphore, #tpu.memory_space<semaphore_mem>> -> memref<1x!tpu.dma_semaphore, #tpu.memory_space<semaphore_mem>>
      %dma_start3A_244 = tpu.memref_squeeze %dma_start3A_243 : memref<1x!tpu.dma_semaphore, #tpu.memory_space<semaphore_mem>> -> memref<!tpu.dma_semaphore, #tpu.memory_space<semaphore_mem>>
      tpu.enqueue_indirect_dma source(%dma_start3A_236 : memref<80x64xf32, #tpu.memory_space<vmem>>) target(%dma_start3A_242 : memref<10000x64xf32, #tpu.memory_space<vmem_shared>>) offsets(%dma_start3A_239 : memref<80xi32, #tpu.memory_space<vmem>>) semaphore(%dma_start3A_244 : memref<!tpu.dma_semaphore, #tpu.memory_space<semaphore_mem>>) {add = true}
      %add3A_245 = arith.constant 2 : i32
      %add3A_246 = arith.addi %mul3A_145, %add3A_245 : i32
      %add3A_247 = arith.constant 2 : i32
      %add3A_248 = arith.addi %add3A_246, %add3A_247 : i32
      %lt3A_249 = arith.constant 250 : i32
      %lt3A_250 = arith.cmpi slt, %add3A_248, %lt3A_249 : i32
      %ge3A_251 = arith.constant 3 : i32
      %ge3A_252 = arith.cmpi sge, %add3A_246, %ge3A_251 : i32
      %and3A_253 = arith.andi %lt3A_250, %ge3A_252 : i1
      %convert_element_type3A_254 = arith.extui %and3A_253 : i1 to i32
      %cond3A_255 = arith.constant 0 : i32
      %cond3A_256 = arith.cmpi ne, %convert_element_type3A_254, %cond3A_255 : i32
      scf.if %cond3A_256 {
        %sub3A = arith.constant 3 : i32
        %sub3A_398 = arith.subi %add3A_246, %sub3A : i32
        %dma_wait3A_399 = arith.constant 4 : i32
        %dma_wait3A_400 = arith.constant 4 : i32
        %dma_wait3A_401 = arith.constant 0 : i32
        %dma_wait3A_402 = arith.constant 0 : i32
        %dma_wait3A_403 = tpu.memref_slice %arg7[%dma_wait3A_399, %dma_wait3A_401, %dma_wait3A_402] : memref<5x80x64xf32, #tpu.memory_space<vmem>> -> memref<1x80x64xf32, #tpu.memory_space<vmem>>
        %dma_wait3A_404 = tpu.memref_squeeze %dma_wait3A_403 : memref<1x80x64xf32, #tpu.memory_space<vmem>> -> memref<80x64xf32, #tpu.memory_space<vmem>>
        %dma_wait3A_405 = arith.constant 0 : i32
        %dma_wait3A_406 = tpu.memref_slice %arg6[%sub3A_398, %dma_wait3A_405] : memref<250x80xi32, #tpu.memory_space<vmem>> -> memref<1x80xi32, #tpu.memory_space<vmem>>
        %dma_wait3A_407 = tpu.memref_squeeze %dma_wait3A_406 : memref<1x80xi32, #tpu.memory_space<vmem>> -> memref<80xi32, #tpu.memory_space<vmem>>
        %dma_wait3A_408 = arith.constant 0 : i32
        %dma_wait3A_409 = arith.constant 0 : i32
        %dma_wait3A_410 = tpu.memref_slice %arg9[%dma_wait3A_408, %dma_wait3A_409] : memref<10000x64xf32, #tpu.memory_space<vmem_shared>> -> memref<10000x64xf32, #tpu.memory_space<vmem_shared>>
        %dma_wait3A_411 = tpu.memref_slice %arg11[%dma_wait3A_400] : memref<5x!tpu.dma_semaphore, #tpu.memory_space<semaphore_mem>> -> memref<1x!tpu.dma_semaphore, #tpu.memory_space<semaphore_mem>>
        %dma_wait3A_412 = tpu.memref_squeeze %dma_wait3A_411 : memref<1x!tpu.dma_semaphore, #tpu.memory_space<semaphore_mem>> -> memref<!tpu.dma_semaphore, #tpu.memory_space<semaphore_mem>>
        tpu.wait_indirect_dma semaphore(%dma_wait3A_412 : memref<!tpu.dma_semaphore, #tpu.memory_space<semaphore_mem>>) src(%dma_wait3A_404 : memref<80x64xf32, #tpu.memory_space<vmem>>) dst(%dma_wait3A_410 : memref<10000x64xf32, #tpu.memory_space<vmem_shared>>)
      } else {
      }
      %add3A_257 = arith.constant 2 : i32
      %add3A_258 = arith.addi %add3A_246, %add3A_257 : i32
      %lt3A_259 = arith.constant 250 : i32
      %lt3A_260 = arith.cmpi slt, %add3A_258, %lt3A_259 : i32
      %convert_element_type3A_261 = arith.extui %lt3A_260 : i1 to i32
      %cond3A_262 = arith.constant 0 : i32
      %cond3A_263 = arith.cmpi ne, %convert_element_type3A_261, %cond3A_262 : i32
      scf.if %cond3A_263 {
        %add3A_398 = arith.constant 2 : i32
        %add3A_399 = arith.addi %add3A_246, %add3A_398 : i32
        %dma_start3A_400 = arith.constant 4 : i32
        %dma_start3A_401 = arith.constant 4 : i32
        %dma_start3A_402 = arith.constant 0 : i32
        %dma_start3A_403 = arith.constant 0 : i32
        %dma_start3A_404 = tpu.memref_slice %arg7[%dma_start3A_400, %dma_start3A_402, %dma_start3A_403] : memref<5x80x64xf32, #tpu.memory_space<vmem>> -> memref<1x80x64xf32, #tpu.memory_space<vmem>>
        %dma_start3A_405 = tpu.memref_squeeze %dma_start3A_404 : memref<1x80x64xf32, #tpu.memory_space<vmem>> -> memref<80x64xf32, #tpu.memory_space<vmem>>
        %dma_start3A_406 = arith.constant 0 : i32
        %dma_start3A_407 = tpu.memref_slice %arg5[%add3A_399, %dma_start3A_406] : memref<250x80xi32, #tpu.memory_space<vmem>> -> memref<1x80xi32, #tpu.memory_space<vmem>>
        %dma_start3A_408 = tpu.memref_squeeze %dma_start3A_407 : memref<1x80xi32, #tpu.memory_space<vmem>> -> memref<80xi32, #tpu.memory_space<vmem>>
        %dma_start3A_409 = arith.constant 0 : i32
        %dma_start3A_410 = arith.constant 0 : i32
        %dma_start3A_411 = tpu.memref_slice %arg2[%arg0, %dma_start3A_409, %dma_start3A_410] : memref<2x10000x64xf32, #tpu.memory_space<hbm>> -> memref<1x10000x64xf32, #tpu.memory_space<hbm>>
        %dma_start3A_412 = tpu.memref_squeeze %dma_start3A_411 : memref<1x10000x64xf32, #tpu.memory_space<hbm>> -> memref<10000x64xf32, #tpu.memory_space<hbm>>
        %dma_start3A_413 = arith.constant 0 : i32
        %dma_start3A_414 = arith.constant 0 : i32
        %dma_start3A_415 = tpu.memref_slice %dma_start3A_412[%dma_start3A_413, %dma_start3A_414] : memref<10000x64xf32, #tpu.memory_space<hbm>> -> memref<10000x64xf32, #tpu.memory_space<hbm>>
        %dma_start3A_416 = tpu.memref_slice %arg10[%dma_start3A_401] : memref<5x!tpu.dma_semaphore, #tpu.memory_space<semaphore_mem>> -> memref<1x!tpu.dma_semaphore, #tpu.memory_space<semaphore_mem>>
        %dma_start3A_417 = tpu.memref_squeeze %dma_start3A_416 : memref<1x!tpu.dma_semaphore, #tpu.memory_space<semaphore_mem>> -> memref<!tpu.dma_semaphore, #tpu.memory_space<semaphore_mem>>
        tpu.enqueue_indirect_dma source(%dma_start3A_415 : memref<10000x64xf32, #tpu.memory_space<hbm>>) target(%dma_start3A_405 : memref<80x64xf32, #tpu.memory_space<vmem>>) offsets(%dma_start3A_408 : memref<80xi32, #tpu.memory_space<vmem>>) semaphore(%dma_start3A_417 : memref<!tpu.dma_semaphore, #tpu.memory_space<semaphore_mem>>)
      } else {
      }
      %dma_wait3A_264 = arith.constant 2 : i32
      %dma_wait3A_265 = arith.constant 2 : i32
      %dma_wait3A_266 = arith.constant 0 : i32
      %dma_wait3A_267 = arith.constant 0 : i32
      %dma_wait3A_268 = tpu.memref_slice %arg7[%dma_wait3A_264, %dma_wait3A_266, %dma_wait3A_267] : memref<5x80x64xf32, #tpu.memory_space<vmem>> -> memref<1x80x64xf32, #tpu.memory_space<vmem>>
      %dma_wait3A_269 = tpu.memref_squeeze %dma_wait3A_268 : memref<1x80x64xf32, #tpu.memory_space<vmem>> -> memref<80x64xf32, #tpu.memory_space<vmem>>
      %dma_wait3A_270 = arith.constant 0 : i32
      %dma_wait3A_271 = tpu.memref_slice %arg5[%add3A_246, %dma_wait3A_270] : memref<250x80xi32, #tpu.memory_space<vmem>> -> memref<1x80xi32, #tpu.memory_space<vmem>>
      %dma_wait3A_272 = tpu.memref_squeeze %dma_wait3A_271 : memref<1x80xi32, #tpu.memory_space<vmem>> -> memref<80xi32, #tpu.memory_space<vmem>>
      %dma_wait3A_273 = arith.constant 0 : i32
      %dma_wait3A_274 = arith.constant 0 : i32
      %dma_wait3A_275 = tpu.memref_slice %arg2[%arg0, %dma_wait3A_273, %dma_wait3A_274] : memref<2x10000x64xf32, #tpu.memory_space<hbm>> -> memref<1x10000x64xf32, #tpu.memory_space<hbm>>
      %dma_wait3A_276 = tpu.memref_squeeze %dma_wait3A_275 : memref<1x10000x64xf32, #tpu.memory_space<hbm>> -> memref<10000x64xf32, #tpu.memory_space<hbm>>
      %dma_wait3A_277 = arith.constant 0 : i32
      %dma_wait3A_278 = arith.constant 0 : i32
      %dma_wait3A_279 = tpu.memref_slice %dma_wait3A_276[%dma_wait3A_277, %dma_wait3A_278] : memref<10000x64xf32, #tpu.memory_space<hbm>> -> memref<10000x64xf32, #tpu.memory_space<hbm>>
      %dma_wait3A_280 = tpu.memref_slice %arg10[%dma_wait3A_265] : memref<5x!tpu.dma_semaphore, #tpu.memory_space<semaphore_mem>> -> memref<1x!tpu.dma_semaphore, #tpu.memory_space<semaphore_mem>>
      %dma_wait3A_281 = tpu.memref_squeeze %dma_wait3A_280 : memref<1x!tpu.dma_semaphore, #tpu.memory_space<semaphore_mem>> -> memref<!tpu.dma_semaphore, #tpu.memory_space<semaphore_mem>>
      tpu.wait_indirect_dma semaphore(%dma_wait3A_281 : memref<!tpu.dma_semaphore, #tpu.memory_space<semaphore_mem>>) src(%dma_wait3A_279 : memref<10000x64xf32, #tpu.memory_space<hbm>>) dst(%dma_wait3A_269 : memref<80x64xf32, #tpu.memory_space<vmem>>)
      %dma_start3A_282 = arith.constant 2 : i32
      %dma_start3A_283 = arith.constant 2 : i32
      %dma_start3A_284 = arith.constant 0 : i32
      %dma_start3A_285 = arith.constant 0 : i32
      %dma_start3A_286 = tpu.memref_slice %arg7[%dma_start3A_282, %dma_start3A_284, %dma_start3A_285] : memref<5x80x64xf32, #tpu.memory_space<vmem>> -> memref<1x80x64xf32, #tpu.memory_space<vmem>>
      %dma_start3A_287 = tpu.memref_squeeze %dma_start3A_286 : memref<1x80x64xf32, #tpu.memory_space<vmem>> -> memref<80x64xf32, #tpu.memory_space<vmem>>
      %dma_start3A_288 = arith.constant 0 : i32
      %dma_start3A_289 = tpu.memref_slice %arg6[%add3A_246, %dma_start3A_288] : memref<250x80xi32, #tpu.memory_space<vmem>> -> memref<1x80xi32, #tpu.memory_space<vmem>>
      %dma_start3A_290 = tpu.memref_squeeze %dma_start3A_289 : memref<1x80xi32, #tpu.memory_space<vmem>> -> memref<80xi32, #tpu.memory_space<vmem>>
      %dma_start3A_291 = arith.constant 0 : i32
      %dma_start3A_292 = arith.constant 0 : i32
      %dma_start3A_293 = tpu.memref_slice %arg9[%dma_start3A_291, %dma_start3A_292] : memref<10000x64xf32, #tpu.memory_space<vmem_shared>> -> memref<10000x64xf32, #tpu.memory_space<vmem_shared>>
      %dma_start3A_294 = tpu.memref_slice %arg11[%dma_start3A_283] : memref<5x!tpu.dma_semaphore, #tpu.memory_space<semaphore_mem>> -> memref<1x!tpu.dma_semaphore, #tpu.memory_space<semaphore_mem>>
      %dma_start3A_295 = tpu.memref_squeeze %dma_start3A_294 : memref<1x!tpu.dma_semaphore, #tpu.memory_space<semaphore_mem>> -> memref<!tpu.dma_semaphore, #tpu.memory_space<semaphore_mem>>
      tpu.enqueue_indirect_dma source(%dma_start3A_287 : memref<80x64xf32, #tpu.memory_space<vmem>>) target(%dma_start3A_293 : memref<10000x64xf32, #tpu.memory_space<vmem_shared>>) offsets(%dma_start3A_290 : memref<80xi32, #tpu.memory_space<vmem>>) semaphore(%dma_start3A_295 : memref<!tpu.dma_semaphore, #tpu.memory_space<semaphore_mem>>) {add = true}
      %add3A_296 = arith.constant 3 : i32
      %add3A_297 = arith.addi %mul3A_145, %add3A_296 : i32
      %add3A_298 = arith.constant 2 : i32
      %add3A_299 = arith.addi %add3A_297, %add3A_298 : i32
      %lt3A_300 = arith.constant 250 : i32
      %lt3A_301 = arith.cmpi slt, %add3A_299, %lt3A_300 : i32
      %ge3A_302 = arith.constant 3 : i32
      %ge3A_303 = arith.cmpi sge, %add3A_297, %ge3A_302 : i32
      %and3A_304 = arith.andi %lt3A_301, %ge3A_303 : i1
      %convert_element_type3A_305 = arith.extui %and3A_304 : i1 to i32
      %cond3A_306 = arith.constant 0 : i32
      %cond3A_307 = arith.cmpi ne, %convert_element_type3A_305, %cond3A_306 : i32
      scf.if %cond3A_307 {
        %sub3A = arith.constant 3 : i32
        %sub3A_398 = arith.subi %add3A_297, %sub3A : i32
        %dma_wait3A_399 = arith.constant 0 : i32
        %dma_wait3A_400 = arith.constant 0 : i32
        %dma_wait3A_401 = arith.constant 0 : i32
        %dma_wait3A_402 = arith.constant 0 : i32
        %dma_wait3A_403 = tpu.memref_slice %arg7[%dma_wait3A_399, %dma_wait3A_401, %dma_wait3A_402] : memref<5x80x64xf32, #tpu.memory_space<vmem>> -> memref<1x80x64xf32, #tpu.memory_space<vmem>>
        %dma_wait3A_404 = tpu.memref_squeeze %dma_wait3A_403 : memref<1x80x64xf32, #tpu.memory_space<vmem>> -> memref<80x64xf32, #tpu.memory_space<vmem>>
        %dma_wait3A_405 = arith.constant 0 : i32
        %dma_wait3A_406 = tpu.memref_slice %arg6[%sub3A_398, %dma_wait3A_405] : memref<250x80xi32, #tpu.memory_space<vmem>> -> memref<1x80xi32, #tpu.memory_space<vmem>>
        %dma_wait3A_407 = tpu.memref_squeeze %dma_wait3A_406 : memref<1x80xi32, #tpu.memory_space<vmem>> -> memref<80xi32, #tpu.memory_space<vmem>>
        %dma_wait3A_408 = arith.constant 0 : i32
        %dma_wait3A_409 = arith.constant 0 : i32
        %dma_wait3A_410 = tpu.memref_slice %arg9[%dma_wait3A_408, %dma_wait3A_409] : memref<10000x64xf32, #tpu.memory_space<vmem_shared>> -> memref<10000x64xf32, #tpu.memory_space<vmem_shared>>
        %dma_wait3A_411 = tpu.memref_slice %arg11[%dma_wait3A_400] : memref<5x!tpu.dma_semaphore, #tpu.memory_space<semaphore_mem>> -> memref<1x!tpu.dma_semaphore, #tpu.memory_space<semaphore_mem>>
        %dma_wait3A_412 = tpu.memref_squeeze %dma_wait3A_411 : memref<1x!tpu.dma_semaphore, #tpu.memory_space<semaphore_mem>> -> memref<!tpu.dma_semaphore, #tpu.memory_space<semaphore_mem>>
        tpu.wait_indirect_dma semaphore(%dma_wait3A_412 : memref<!tpu.dma_semaphore, #tpu.memory_space<semaphore_mem>>) src(%dma_wait3A_404 : memref<80x64xf32, #tpu.memory_space<vmem>>) dst(%dma_wait3A_410 : memref<10000x64xf32, #tpu.memory_space<vmem_shared>>)
      } else {
      }
      %add3A_308 = arith.constant 2 : i32
      %add3A_309 = arith.addi %add3A_297, %add3A_308 : i32
      %lt3A_310 = arith.constant 250 : i32
      %lt3A_311 = arith.cmpi slt, %add3A_309, %lt3A_310 : i32
      %convert_element_type3A_312 = arith.extui %lt3A_311 : i1 to i32
      %cond3A_313 = arith.constant 0 : i32
      %cond3A_314 = arith.cmpi ne, %convert_element_type3A_312, %cond3A_313 : i32
      scf.if %cond3A_314 {
        %add3A_398 = arith.constant 2 : i32
        %add3A_399 = arith.addi %add3A_297, %add3A_398 : i32
        %dma_start3A_400 = arith.constant 0 : i32
        %dma_start3A_401 = arith.constant 0 : i32
        %dma_start3A_402 = arith.constant 0 : i32
        %dma_start3A_403 = arith.constant 0 : i32
        %dma_start3A_404 = tpu.memref_slice %arg7[%dma_start3A_400, %dma_start3A_402, %dma_start3A_403] : memref<5x80x64xf32, #tpu.memory_space<vmem>> -> memref<1x80x64xf32, #tpu.memory_space<vmem>>
        %dma_start3A_405 = tpu.memref_squeeze %dma_start3A_404 : memref<1x80x64xf32, #tpu.memory_space<vmem>> -> memref<80x64xf32, #tpu.memory_space<vmem>>
        %dma_start3A_406 = arith.constant 0 : i32
        %dma_start3A_407 = tpu.memref_slice %arg5[%add3A_399, %dma_start3A_406] : memref<250x80xi32, #tpu.memory_space<vmem>> -> memref<1x80xi32, #tpu.memory_space<vmem>>
        %dma_start3A_408 = tpu.memref_squeeze %dma_start3A_407 : memref<1x80xi32, #tpu.memory_space<vmem>> -> memref<80xi32, #tpu.memory_space<vmem>>
        %dma_start3A_409 = arith.constant 0 : i32
        %dma_start3A_410 = arith.constant 0 : i32
        %dma_start3A_411 = tpu.memref_slice %arg2[%arg0, %dma_start3A_409, %dma_start3A_410] : memref<2x10000x64xf32, #tpu.memory_space<hbm>> -> memref<1x10000x64xf32, #tpu.memory_space<hbm>>
        %dma_start3A_412 = tpu.memref_squeeze %dma_start3A_411 : memref<1x10000x64xf32, #tpu.memory_space<hbm>> -> memref<10000x64xf32, #tpu.memory_space<hbm>>
        %dma_start3A_413 = arith.constant 0 : i32
        %dma_start3A_414 = arith.constant 0 : i32
        %dma_start3A_415 = tpu.memref_slice %dma_start3A_412[%dma_start3A_413, %dma_start3A_414] : memref<10000x64xf32, #tpu.memory_space<hbm>> -> memref<10000x64xf32, #tpu.memory_space<hbm>>
        %dma_start3A_416 = tpu.memref_slice %arg10[%dma_start3A_401] : memref<5x!tpu.dma_semaphore, #tpu.memory_space<semaphore_mem>> -> memref<1x!tpu.dma_semaphore, #tpu.memory_space<semaphore_mem>>
        %dma_start3A_417 = tpu.memref_squeeze %dma_start3A_416 : memref<1x!tpu.dma_semaphore, #tpu.memory_space<semaphore_mem>> -> memref<!tpu.dma_semaphore, #tpu.memory_space<semaphore_mem>>
        tpu.enqueue_indirect_dma source(%dma_start3A_415 : memref<10000x64xf32, #tpu.memory_space<hbm>>) target(%dma_start3A_405 : memref<80x64xf32, #tpu.memory_space<vmem>>) offsets(%dma_start3A_408 : memref<80xi32, #tpu.memory_space<vmem>>) semaphore(%dma_start3A_417 : memref<!tpu.dma_semaphore, #tpu.memory_space<semaphore_mem>>)
      } else {
      }
      %dma_wait3A_315 = arith.constant 3 : i32
      %dma_wait3A_316 = arith.constant 3 : i32
      %dma_wait3A_317 = arith.constant 0 : i32
      %dma_wait3A_318 = arith.constant 0 : i32
      %dma_wait3A_319 = tpu.memref_slice %arg7[%dma_wait3A_315, %dma_wait3A_317, %dma_wait3A_318] : memref<5x80x64xf32, #tpu.memory_space<vmem>> -> memref<1x80x64xf32, #tpu.memory_space<vmem>>
      %dma_wait3A_320 = tpu.memref_squeeze %dma_wait3A_319 : memref<1x80x64xf32, #tpu.memory_space<vmem>> -> memref<80x64xf32, #tpu.memory_space<vmem>>
      %dma_wait3A_321 = arith.constant 0 : i32
      %dma_wait3A_322 = tpu.memref_slice %arg5[%add3A_297, %dma_wait3A_321] : memref<250x80xi32, #tpu.memory_space<vmem>> -> memref<1x80xi32, #tpu.memory_space<vmem>>
      %dma_wait3A_323 = tpu.memref_squeeze %dma_wait3A_322 : memref<1x80xi32, #tpu.memory_space<vmem>> -> memref<80xi32, #tpu.memory_space<vmem>>
      %dma_wait3A_324 = arith.constant 0 : i32
      %dma_wait3A_325 = arith.constant 0 : i32
      %dma_wait3A_326 = tpu.memref_slice %arg2[%arg0, %dma_wait3A_324, %dma_wait3A_325] : memref<2x10000x64xf32, #tpu.memory_space<hbm>> -> memref<1x10000x64xf32, #tpu.memory_space<hbm>>
      %dma_wait3A_327 = tpu.memref_squeeze %dma_wait3A_326 : memref<1x10000x64xf32, #tpu.memory_space<hbm>> -> memref<10000x64xf32, #tpu.memory_space<hbm>>
      %dma_wait3A_328 = arith.constant 0 : i32
      %dma_wait3A_329 = arith.constant 0 : i32
      %dma_wait3A_330 = tpu.memref_slice %dma_wait3A_327[%dma_wait3A_328, %dma_wait3A_329] : memref<10000x64xf32, #tpu.memory_space<hbm>> -> memref<10000x64xf32, #tpu.memory_space<hbm>>
      %dma_wait3A_331 = tpu.memref_slice %arg10[%dma_wait3A_316] : memref<5x!tpu.dma_semaphore, #tpu.memory_space<semaphore_mem>> -> memref<1x!tpu.dma_semaphore, #tpu.memory_space<semaphore_mem>>
      %dma_wait3A_332 = tpu.memref_squeeze %dma_wait3A_331 : memref<1x!tpu.dma_semaphore, #tpu.memory_space<semaphore_mem>> -> memref<!tpu.dma_semaphore, #tpu.memory_space<semaphore_mem>>
      tpu.wait_indirect_dma semaphore(%dma_wait3A_332 : memref<!tpu.dma_semaphore, #tpu.memory_space<semaphore_mem>>) src(%dma_wait3A_330 : memref<10000x64xf32, #tpu.memory_space<hbm>>) dst(%dma_wait3A_320 : memref<80x64xf32, #tpu.memory_space<vmem>>)
      %dma_start3A_333 = arith.constant 3 : i32
      %dma_start3A_334 = arith.constant 3 : i32
      %dma_start3A_335 = arith.constant 0 : i32
      %dma_start3A_336 = arith.constant 0 : i32
      %dma_start3A_337 = tpu.memref_slice %arg7[%dma_start3A_333, %dma_start3A_335, %dma_start3A_336] : memref<5x80x64xf32, #tpu.memory_space<vmem>> -> memref<1x80x64xf32, #tpu.memory_space<vmem>>
      %dma_start3A_338 = tpu.memref_squeeze %dma_start3A_337 : memref<1x80x64xf32, #tpu.memory_space<vmem>> -> memref<80x64xf32, #tpu.memory_space<vmem>>
      %dma_start3A_339 = arith.constant 0 : i32
      %dma_start3A_340 = tpu.memref_slice %arg6[%add3A_297, %dma_start3A_339] : memref<250x80xi32, #tpu.memory_space<vmem>> -> memref<1x80xi32, #tpu.memory_space<vmem>>
      %dma_start3A_341 = tpu.memref_squeeze %dma_start3A_340 : memref<1x80xi32, #tpu.memory_space<vmem>> -> memref<80xi32, #tpu.memory_space<vmem>>
      %dma_start3A_342 = arith.constant 0 : i32
      %dma_start3A_343 = arith.constant 0 : i32
      %dma_start3A_344 = tpu.memref_slice %arg9[%dma_start3A_342, %dma_start3A_343] : memref<10000x64xf32, #tpu.memory_space<vmem_shared>> -> memref<10000x64xf32, #tpu.memory_space<vmem_shared>>
      %dma_start3A_345 = tpu.memref_slice %arg11[%dma_start3A_334] : memref<5x!tpu.dma_semaphore, #tpu.memory_space<semaphore_mem>> -> memref<1x!tpu.dma_semaphore, #tpu.memory_space<semaphore_mem>>
      %dma_start3A_346 = tpu.memref_squeeze %dma_start3A_345 : memref<1x!tpu.dma_semaphore, #tpu.memory_space<semaphore_mem>> -> memref<!tpu.dma_semaphore, #tpu.memory_space<semaphore_mem>>
      tpu.enqueue_indirect_dma source(%dma_start3A_338 : memref<80x64xf32, #tpu.memory_space<vmem>>) target(%dma_start3A_344 : memref<10000x64xf32, #tpu.memory_space<vmem_shared>>) offsets(%dma_start3A_341 : memref<80xi32, #tpu.memory_space<vmem>>) semaphore(%dma_start3A_346 : memref<!tpu.dma_semaphore, #tpu.memory_space<semaphore_mem>>) {add = true}
      %add3A_347 = arith.constant 4 : i32
      %add3A_348 = arith.addi %mul3A_145, %add3A_347 : i32
      %add3A_349 = arith.constant 2 : i32
      %add3A_350 = arith.addi %add3A_348, %add3A_349 : i32
      %lt3A_351 = arith.constant 250 : i32
      %lt3A_352 = arith.cmpi slt, %add3A_350, %lt3A_351 : i32
      %ge3A_353 = arith.constant 3 : i32
      %ge3A_354 = arith.cmpi sge, %add3A_348, %ge3A_353 : i32
      %and3A_355 = arith.andi %lt3A_352, %ge3A_354 : i1
      %convert_element_type3A_356 = arith.extui %and3A_355 : i1 to i32
      %cond3A_357 = arith.constant 0 : i32
      %cond3A_358 = arith.cmpi ne, %convert_element_type3A_356, %cond3A_357 : i32
      scf.if %cond3A_358 {
        %sub3A = arith.constant 3 : i32
        %sub3A_398 = arith.subi %add3A_348, %sub3A : i32
        %dma_wait3A_399 = arith.constant 1 : i32
        %dma_wait3A_400 = arith.constant 1 : i32
        %dma_wait3A_401 = arith.constant 0 : i32
        %dma_wait3A_402 = arith.constant 0 : i32
        %dma_wait3A_403 = tpu.memref_slice %arg7[%dma_wait3A_399, %dma_wait3A_401, %dma_wait3A_402] : memref<5x80x64xf32, #tpu.memory_space<vmem>> -> memref<1x80x64xf32, #tpu.memory_space<vmem>>
        %dma_wait3A_404 = tpu.memref_squeeze %dma_wait3A_403 : memref<1x80x64xf32, #tpu.memory_space<vmem>> -> memref<80x64xf32, #tpu.memory_space<vmem>>
        %dma_wait3A_405 = arith.constant 0 : i32
        %dma_wait3A_406 = tpu.memref_slice %arg6[%sub3A_398, %dma_wait3A_405] : memref<250x80xi32, #tpu.memory_space<vmem>> -> memref<1x80xi32, #tpu.memory_space<vmem>>
        %dma_wait3A_407 = tpu.memref_squeeze %dma_wait3A_406 : memref<1x80xi32, #tpu.memory_space<vmem>> -> memref<80xi32, #tpu.memory_space<vmem>>
        %dma_wait3A_408 = arith.constant 0 : i32
        %dma_wait3A_409 = arith.constant 0 : i32
        %dma_wait3A_410 = tpu.memref_slice %arg9[%dma_wait3A_408, %dma_wait3A_409] : memref<10000x64xf32, #tpu.memory_space<vmem_shared>> -> memref<10000x64xf32, #tpu.memory_space<vmem_shared>>
        %dma_wait3A_411 = tpu.memref_slice %arg11[%dma_wait3A_400] : memref<5x!tpu.dma_semaphore, #tpu.memory_space<semaphore_mem>> -> memref<1x!tpu.dma_semaphore, #tpu.memory_space<semaphore_mem>>
        %dma_wait3A_412 = tpu.memref_squeeze %dma_wait3A_411 : memref<1x!tpu.dma_semaphore, #tpu.memory_space<semaphore_mem>> -> memref<!tpu.dma_semaphore, #tpu.memory_space<semaphore_mem>>
        tpu.wait_indirect_dma semaphore(%dma_wait3A_412 : memref<!tpu.dma_semaphore, #tpu.memory_space<semaphore_mem>>) src(%dma_wait3A_404 : memref<80x64xf32, #tpu.memory_space<vmem>>) dst(%dma_wait3A_410 : memref<10000x64xf32, #tpu.memory_space<vmem_shared>>)
      } else {
      }
      %add3A_359 = arith.constant 2 : i32
      %add3A_360 = arith.addi %add3A_348, %add3A_359 : i32
      %lt3A_361 = arith.constant 250 : i32
      %lt3A_362 = arith.cmpi slt, %add3A_360, %lt3A_361 : i32
      %convert_element_type3A_363 = arith.extui %lt3A_362 : i1 to i32
      %cond3A_364 = arith.constant 0 : i32
      %cond3A_365 = arith.cmpi ne, %convert_element_type3A_363, %cond3A_364 : i32
      scf.if %cond3A_365 {
        %add3A_398 = arith.constant 2 : i32
        %add3A_399 = arith.addi %add3A_348, %add3A_398 : i32
        %dma_start3A_400 = arith.constant 1 : i32
        %dma_start3A_401 = arith.constant 1 : i32
        %dma_start3A_402 = arith.constant 0 : i32
        %dma_start3A_403 = arith.constant 0 : i32
        %dma_start3A_404 = tpu.memref_slice %arg7[%dma_start3A_400, %dma_start3A_402, %dma_start3A_403] : memref<5x80x64xf32, #tpu.memory_space<vmem>> -> memref<1x80x64xf32, #tpu.memory_space<vmem>>
        %dma_start3A_405 = tpu.memref_squeeze %dma_start3A_404 : memref<1x80x64xf32, #tpu.memory_space<vmem>> -> memref<80x64xf32, #tpu.memory_space<vmem>>
        %dma_start3A_406 = arith.constant 0 : i32
        %dma_start3A_407 = tpu.memref_slice %arg5[%add3A_399, %dma_start3A_406] : memref<250x80xi32, #tpu.memory_space<vmem>> -> memref<1x80xi32, #tpu.memory_space<vmem>>
        %dma_start3A_408 = tpu.memref_squeeze %dma_start3A_407 : memref<1x80xi32, #tpu.memory_space<vmem>> -> memref<80xi32, #tpu.memory_space<vmem>>
        %dma_start3A_409 = arith.constant 0 : i32
        %dma_start3A_410 = arith.constant 0 : i32
        %dma_start3A_411 = tpu.memref_slice %arg2[%arg0, %dma_start3A_409, %dma_start3A_410] : memref<2x10000x64xf32, #tpu.memory_space<hbm>> -> memref<1x10000x64xf32, #tpu.memory_space<hbm>>
        %dma_start3A_412 = tpu.memref_squeeze %dma_start3A_411 : memref<1x10000x64xf32, #tpu.memory_space<hbm>> -> memref<10000x64xf32, #tpu.memory_space<hbm>>
        %dma_start3A_413 = arith.constant 0 : i32
        %dma_start3A_414 = arith.constant 0 : i32
        %dma_start3A_415 = tpu.memref_slice %dma_start3A_412[%dma_start3A_413, %dma_start3A_414] : memref<10000x64xf32, #tpu.memory_space<hbm>> -> memref<10000x64xf32, #tpu.memory_space<hbm>>
        %dma_start3A_416 = tpu.memref_slice %arg10[%dma_start3A_401] : memref<5x!tpu.dma_semaphore, #tpu.memory_space<semaphore_mem>> -> memref<1x!tpu.dma_semaphore, #tpu.memory_space<semaphore_mem>>
        %dma_start3A_417 = tpu.memref_squeeze %dma_start3A_416 : memref<1x!tpu.dma_semaphore, #tpu.memory_space<semaphore_mem>> -> memref<!tpu.dma_semaphore, #tpu.memory_space<semaphore_mem>>
        tpu.enqueue_indirect_dma source(%dma_start3A_415 : memref<10000x64xf32, #tpu.memory_space<hbm>>) target(%dma_start3A_405 : memref<80x64xf32, #tpu.memory_space<vmem>>) offsets(%dma_start3A_408 : memref<80xi32, #tpu.memory_space<vmem>>) semaphore(%dma_start3A_417 : memref<!tpu.dma_semaphore, #tpu.memory_space<semaphore_mem>>)
      } else {
      }
      %dma_wait3A_366 = arith.constant 4 : i32
      %dma_wait3A_367 = arith.constant 4 : i32
      %dma_wait3A_368 = arith.constant 0 : i32
      %dma_wait3A_369 = arith.constant 0 : i32
      %dma_wait3A_370 = tpu.memref_slice %arg7[%dma_wait3A_366, %dma_wait3A_368, %dma_wait3A_369] : memref<5x80x64xf32, #tpu.memory_space<vmem>> -> memref<1x80x64xf32, #tpu.memory_space<vmem>>
      %dma_wait3A_371 = tpu.memref_squeeze %dma_wait3A_370 : memref<1x80x64xf32, #tpu.memory_space<vmem>> -> memref<80x64xf32, #tpu.memory_space<vmem>>
      %dma_wait3A_372 = arith.constant 0 : i32
      %dma_wait3A_373 = tpu.memref_slice %arg5[%add3A_348, %dma_wait3A_372] : memref<250x80xi32, #tpu.memory_space<vmem>> -> memref<1x80xi32, #tpu.memory_space<vmem>>
      %dma_wait3A_374 = tpu.memref_squeeze %dma_wait3A_373 : memref<1x80xi32, #tpu.memory_space<vmem>> -> memref<80xi32, #tpu.memory_space<vmem>>
      %dma_wait3A_375 = arith.constant 0 : i32
      %dma_wait3A_376 = arith.constant 0 : i32
      %dma_wait3A_377 = tpu.memref_slice %arg2[%arg0, %dma_wait3A_375, %dma_wait3A_376] : memref<2x10000x64xf32, #tpu.memory_space<hbm>> -> memref<1x10000x64xf32, #tpu.memory_space<hbm>>
      %dma_wait3A_378 = tpu.memref_squeeze %dma_wait3A_377 : memref<1x10000x64xf32, #tpu.memory_space<hbm>> -> memref<10000x64xf32, #tpu.memory_space<hbm>>
      %dma_wait3A_379 = arith.constant 0 : i32
      %dma_wait3A_380 = arith.constant 0 : i32
      %dma_wait3A_381 = tpu.memref_slice %dma_wait3A_378[%dma_wait3A_379, %dma_wait3A_380] : memref<10000x64xf32, #tpu.memory_space<hbm>> -> memref<10000x64xf32, #tpu.memory_space<hbm>>
      %dma_wait3A_382 = tpu.memref_slice %arg10[%dma_wait3A_367] : memref<5x!tpu.dma_semaphore, #tpu.memory_space<semaphore_mem>> -> memref<1x!tpu.dma_semaphore, #tpu.memory_space<semaphore_mem>>
      %dma_wait3A_383 = tpu.memref_squeeze %dma_wait3A_382 : memref<1x!tpu.dma_semaphore, #tpu.memory_space<semaphore_mem>> -> memref<!tpu.dma_semaphore, #tpu.memory_space<semaphore_mem>>
      tpu.wait_indirect_dma semaphore(%dma_wait3A_383 : memref<!tpu.dma_semaphore, #tpu.memory_space<semaphore_mem>>) src(%dma_wait3A_381 : memref<10000x64xf32, #tpu.memory_space<hbm>>) dst(%dma_wait3A_371 : memref<80x64xf32, #tpu.memory_space<vmem>>)
      %dma_start3A_384 = arith.constant 4 : i32
      %dma_start3A_385 = arith.constant 4 : i32
      %dma_start3A_386 = arith.constant 0 : i32
      %dma_start3A_387 = arith.constant 0 : i32
      %dma_start3A_388 = tpu.memref_slice %arg7[%dma_start3A_384, %dma_start3A_386, %dma_start3A_387] : memref<5x80x64xf32, #tpu.memory_space<vmem>> -> memref<1x80x64xf32, #tpu.memory_space<vmem>>
      %dma_start3A_389 = tpu.memref_squeeze %dma_start3A_388 : memref<1x80x64xf32, #tpu.memory_space<vmem>> -> memref<80x64xf32, #tpu.memory_space<vmem>>
      %dma_start3A_390 = arith.constant 0 : i32
      %dma_start3A_391 = tpu.memref_slice %arg6[%add3A_348, %dma_start3A_390] : memref<250x80xi32, #tpu.memory_space<vmem>> -> memref<1x80xi32, #tpu.memory_space<vmem>>
      %dma_start3A_392 = tpu.memref_squeeze %dma_start3A_391 : memref<1x80xi32, #tpu.memory_space<vmem>> -> memref<80xi32, #tpu.memory_space<vmem>>
      %dma_start3A_393 = arith.constant 0 : i32
      %dma_start3A_394 = arith.constant 0 : i32
      %dma_start3A_395 = tpu.memref_slice %arg9[%dma_start3A_393, %dma_start3A_394] : memref<10000x64xf32, #tpu.memory_space<vmem_shared>> -> memref<10000x64xf32, #tpu.memory_space<vmem_shared>>
      %dma_start3A_396 = tpu.memref_slice %arg11[%dma_start3A_385] : memref<5x!tpu.dma_semaphore, #tpu.memory_space<semaphore_mem>> -> memref<1x!tpu.dma_semaphore, #tpu.memory_space<semaphore_mem>>
      %dma_start3A_397 = tpu.memref_squeeze %dma_start3A_396 : memref<1x!tpu.dma_semaphore, #tpu.memory_space<semaphore_mem>> -> memref<!tpu.dma_semaphore, #tpu.memory_space<semaphore_mem>>
      tpu.enqueue_indirect_dma source(%dma_start3A_389 : memref<80x64xf32, #tpu.memory_space<vmem>>) target(%dma_start3A_395 : memref<10000x64xf32, #tpu.memory_space<vmem_shared>>) offsets(%dma_start3A_392 : memref<80xi32, #tpu.memory_space<vmem>>) semaphore(%dma_start3A_397 : memref<!tpu.dma_semaphore, #tpu.memory_space<semaphore_mem>>) {add = true}
    }
    %scan3A_62 = arith.constant 50 : i32
    %dma_wait3A = arith.constant 0 : i32
    %dma_wait3A_63 = arith.constant 245 : i32
    %dma_wait3A_64 = arith.constant 0 : i32
    %dma_wait3A_65 = arith.constant 0 : i32
    %dma_wait3A_66 = arith.constant 0 : i32
    %dma_wait3A_67 = tpu.memref_slice %arg7[%dma_wait3A, %dma_wait3A_65, %dma_wait3A_66] : memref<5x80x64xf32, #tpu.memory_space<vmem>> -> memref<1x80x64xf32, #tpu.memory_space<vmem>>
    %dma_wait3A_68 = tpu.memref_squeeze %dma_wait3A_67 : memref<1x80x64xf32, #tpu.memory_space<vmem>> -> memref<80x64xf32, #tpu.memory_space<vmem>>
    %dma_wait3A_69 = arith.constant 0 : i32
    %dma_wait3A_70 = tpu.memref_slice %arg6[%dma_wait3A_63, %dma_wait3A_69] : memref<250x80xi32, #tpu.memory_space<vmem>> -> memref<1x80xi32, #tpu.memory_space<vmem>>
    %dma_wait3A_71 = tpu.memref_squeeze %dma_wait3A_70 : memref<1x80xi32, #tpu.memory_space<vmem>> -> memref<80xi32, #tpu.memory_space<vmem>>
    %dma_wait3A_72 = arith.constant 0 : i32
    %dma_wait3A_73 = arith.constant 0 : i32
    %dma_wait3A_74 = tpu.memref_slice %arg9[%dma_wait3A_72, %dma_wait3A_73] : memref<10000x64xf32, #tpu.memory_space<vmem_shared>> -> memref<10000x64xf32, #tpu.memory_space<vmem_shared>>
    %dma_wait3A_75 = tpu.memref_slice %arg11[%dma_wait3A_64] : memref<5x!tpu.dma_semaphore, #tpu.memory_space<semaphore_mem>> -> memref<1x!tpu.dma_semaphore, #tpu.memory_space<semaphore_mem>>
    %dma_wait3A_76 = tpu.memref_squeeze %dma_wait3A_75 : memref<1x!tpu.dma_semaphore, #tpu.memory_space<semaphore_mem>> -> memref<!tpu.dma_semaphore, #tpu.memory_space<semaphore_mem>>
    tpu.wait_indirect_dma semaphore(%dma_wait3A_76 : memref<!tpu.dma_semaphore, #tpu.memory_space<semaphore_mem>>) src(%dma_wait3A_68 : memref<80x64xf32, #tpu.memory_space<vmem>>) dst(%dma_wait3A_74 : memref<10000x64xf32, #tpu.memory_space<vmem_shared>>)
    %dma_wait3A_77 = arith.constant 1 : i32
    %dma_wait3A_78 = arith.constant 246 : i32
    %dma_wait3A_79 = arith.constant 1 : i32
    %dma_wait3A_80 = arith.constant 0 : i32
    %dma_wait3A_81 = arith.constant 0 : i32
    %dma_wait3A_82 = tpu.memref_slice %arg7[%dma_wait3A_77, %dma_wait3A_80, %dma_wait3A_81] : memref<5x80x64xf32, #tpu.memory_space<vmem>> -> memref<1x80x64xf32, #tpu.memory_space<vmem>>
    %dma_wait3A_83 = tpu.memref_squeeze %dma_wait3A_82 : memref<1x80x64xf32, #tpu.memory_space<vmem>> -> memref<80x64xf32, #tpu.memory_space<vmem>>
    %dma_wait3A_84 = arith.constant 0 : i32
    %dma_wait3A_85 = tpu.memref_slice %arg6[%dma_wait3A_78, %dma_wait3A_84] : memref<250x80xi32, #tpu.memory_space<vmem>> -> memref<1x80xi32, #tpu.memory_space<vmem>>
    %dma_wait3A_86 = tpu.memref_squeeze %dma_wait3A_85 : memref<1x80xi32, #tpu.memory_space<vmem>> -> memref<80xi32, #tpu.memory_space<vmem>>
    %dma_wait3A_87 = arith.constant 0 : i32
    %dma_wait3A_88 = arith.constant 0 : i32
    %dma_wait3A_89 = tpu.memref_slice %arg9[%dma_wait3A_87, %dma_wait3A_88] : memref<10000x64xf32, #tpu.memory_space<vmem_shared>> -> memref<10000x64xf32, #tpu.memory_space<vmem_shared>>
    %dma_wait3A_90 = tpu.memref_slice %arg11[%dma_wait3A_79] : memref<5x!tpu.dma_semaphore, #tpu.memory_space<semaphore_mem>> -> memref<1x!tpu.dma_semaphore, #tpu.memory_space<semaphore_mem>>
    %dma_wait3A_91 = tpu.memref_squeeze %dma_wait3A_90 : memref<1x!tpu.dma_semaphore, #tpu.memory_space<semaphore_mem>> -> memref<!tpu.dma_semaphore, #tpu.memory_space<semaphore_mem>>
    tpu.wait_indirect_dma semaphore(%dma_wait3A_91 : memref<!tpu.dma_semaphore, #tpu.memory_space<semaphore_mem>>) src(%dma_wait3A_83 : memref<80x64xf32, #tpu.memory_space<vmem>>) dst(%dma_wait3A_89 : memref<10000x64xf32, #tpu.memory_space<vmem_shared>>)
    %dma_wait3A_92 = arith.constant 2 : i32
    %dma_wait3A_93 = arith.constant 247 : i32
    %dma_wait3A_94 = arith.constant 2 : i32
    %dma_wait3A_95 = arith.constant 0 : i32
    %dma_wait3A_96 = arith.constant 0 : i32
    %dma_wait3A_97 = tpu.memref_slice %arg7[%dma_wait3A_92, %dma_wait3A_95, %dma_wait3A_96] : memref<5x80x64xf32, #tpu.memory_space<vmem>> -> memref<1x80x64xf32, #tpu.memory_space<vmem>>
    %dma_wait3A_98 = tpu.memref_squeeze %dma_wait3A_97 : memref<1x80x64xf32, #tpu.memory_space<vmem>> -> memref<80x64xf32, #tpu.memory_space<vmem>>
    %dma_wait3A_99 = arith.constant 0 : i32
    %dma_wait3A_100 = tpu.memref_slice %arg6[%dma_wait3A_93, %dma_wait3A_99] : memref<250x80xi32, #tpu.memory_space<vmem>> -> memref<1x80xi32, #tpu.memory_space<vmem>>
    %dma_wait3A_101 = tpu.memref_squeeze %dma_wait3A_100 : memref<1x80xi32, #tpu.memory_space<vmem>> -> memref<80xi32, #tpu.memory_space<vmem>>
    %dma_wait3A_102 = arith.constant 0 : i32
    %dma_wait3A_103 = arith.constant 0 : i32
    %dma_wait3A_104 = tpu.memref_slice %arg9[%dma_wait3A_102, %dma_wait3A_103] : memref<10000x64xf32, #tpu.memory_space<vmem_shared>> -> memref<10000x64xf32, #tpu.memory_space<vmem_shared>>
    %dma_wait3A_105 = tpu.memref_slice %arg11[%dma_wait3A_94] : memref<5x!tpu.dma_semaphore, #tpu.memory_space<semaphore_mem>> -> memref<1x!tpu.dma_semaphore, #tpu.memory_space<semaphore_mem>>
    %dma_wait3A_106 = tpu.memref_squeeze %dma_wait3A_105 : memref<1x!tpu.dma_semaphore, #tpu.memory_space<semaphore_mem>> -> memref<!tpu.dma_semaphore, #tpu.memory_space<semaphore_mem>>
    tpu.wait_indirect_dma semaphore(%dma_wait3A_106 : memref<!tpu.dma_semaphore, #tpu.memory_space<semaphore_mem>>) src(%dma_wait3A_98 : memref<80x64xf32, #tpu.memory_space<vmem>>) dst(%dma_wait3A_104 : memref<10000x64xf32, #tpu.memory_space<vmem_shared>>)
    %dma_wait3A_107 = arith.constant 3 : i32
    %dma_wait3A_108 = arith.constant 248 : i32
    %dma_wait3A_109 = arith.constant 3 : i32
    %dma_wait3A_110 = arith.constant 0 : i32
    %dma_wait3A_111 = arith.constant 0 : i32
    %dma_wait3A_112 = tpu.memref_slice %arg7[%dma_wait3A_107, %dma_wait3A_110, %dma_wait3A_111] : memref<5x80x64xf32, #tpu.memory_space<vmem>> -> memref<1x80x64xf32, #tpu.memory_space<vmem>>
    %dma_wait3A_113 = tpu.memref_squeeze %dma_wait3A_112 : memref<1x80x64xf32, #tpu.memory_space<vmem>> -> memref<80x64xf32, #tpu.memory_space<vmem>>
    %dma_wait3A_114 = arith.constant 0 : i32
    %dma_wait3A_115 = tpu.memref_slice %arg6[%dma_wait3A_108, %dma_wait3A_114] : memref<250x80xi32, #tpu.memory_space<vmem>> -> memref<1x80xi32, #tpu.memory_space<vmem>>
    %dma_wait3A_116 = tpu.memref_squeeze %dma_wait3A_115 : memref<1x80xi32, #tpu.memory_space<vmem>> -> memref<80xi32, #tpu.memory_space<vmem>>
    %dma_wait3A_117 = arith.constant 0 : i32
    %dma_wait3A_118 = arith.constant 0 : i32
    %dma_wait3A_119 = tpu.memref_slice %arg9[%dma_wait3A_117, %dma_wait3A_118] : memref<10000x64xf32, #tpu.memory_space<vmem_shared>> -> memref<10000x64xf32, #tpu.memory_space<vmem_shared>>
    %dma_wait3A_120 = tpu.memref_slice %arg11[%dma_wait3A_109] : memref<5x!tpu.dma_semaphore, #tpu.memory_space<semaphore_mem>> -> memref<1x!tpu.dma_semaphore, #tpu.memory_space<semaphore_mem>>
    %dma_wait3A_121 = tpu.memref_squeeze %dma_wait3A_120 : memref<1x!tpu.dma_semaphore, #tpu.memory_space<semaphore_mem>> -> memref<!tpu.dma_semaphore, #tpu.memory_space<semaphore_mem>>
    tpu.wait_indirect_dma semaphore(%dma_wait3A_121 : memref<!tpu.dma_semaphore, #tpu.memory_space<semaphore_mem>>) src(%dma_wait3A_113 : memref<80x64xf32, #tpu.memory_space<vmem>>) dst(%dma_wait3A_119 : memref<10000x64xf32, #tpu.memory_space<vmem_shared>>)
    %dma_wait3A_122 = arith.constant 4 : i32
    %dma_wait3A_123 = arith.constant 249 : i32
    %dma_wait3A_124 = arith.constant 4 : i32
    %dma_wait3A_125 = arith.constant 0 : i32
    %dma_wait3A_126 = arith.constant 0 : i32
    %dma_wait3A_127 = tpu.memref_slice %arg7[%dma_wait3A_122, %dma_wait3A_125, %dma_wait3A_126] : memref<5x80x64xf32, #tpu.memory_space<vmem>> -> memref<1x80x64xf32, #tpu.memory_space<vmem>>
    %dma_wait3A_128 = tpu.memref_squeeze %dma_wait3A_127 : memref<1x80x64xf32, #tpu.memory_space<vmem>> -> memref<80x64xf32, #tpu.memory_space<vmem>>
    %dma_wait3A_129 = arith.constant 0 : i32
    %dma_wait3A_130 = tpu.memref_slice %arg6[%dma_wait3A_123, %dma_wait3A_129] : memref<250x80xi32, #tpu.memory_space<vmem>> -> memref<1x80xi32, #tpu.memory_space<vmem>>
    %dma_wait3A_131 = tpu.memref_squeeze %dma_wait3A_130 : memref<1x80xi32, #tpu.memory_space<vmem>> -> memref<80xi32, #tpu.memory_space<vmem>>
    %dma_wait3A_132 = arith.constant 0 : i32
    %dma_wait3A_133 = arith.constant 0 : i32
    %dma_wait3A_134 = tpu.memref_slice %arg9[%dma_wait3A_132, %dma_wait3A_133] : memref<10000x64xf32, #tpu.memory_space<vmem_shared>> -> memref<10000x64xf32, #tpu.memory_space<vmem_shared>>
    %dma_wait3A_135 = tpu.memref_slice %arg11[%dma_wait3A_124] : memref<5x!tpu.dma_semaphore, #tpu.memory_space<semaphore_mem>> -> memref<1x!tpu.dma_semaphore, #tpu.memory_space<semaphore_mem>>
    %dma_wait3A_136 = tpu.memref_squeeze %dma_wait3A_135 : memref<1x!tpu.dma_semaphore, #tpu.memory_space<semaphore_mem>> -> memref<!tpu.dma_semaphore, #tpu.memory_space<semaphore_mem>>
    tpu.wait_indirect_dma semaphore(%dma_wait3A_136 : memref<!tpu.dma_semaphore, #tpu.memory_space<semaphore_mem>>) src(%dma_wait3A_128 : memref<80x64xf32, #tpu.memory_space<vmem>>) dst(%dma_wait3A_134 : memref<10000x64xf32, #tpu.memory_space<vmem_shared>>)
    %barrier3A_137 = arith.constant 0 : index
    tpu.barrier barrier_id(%barrier3A_137)
    "tpu.region"() ({
      %run_scoped3A_143 = tpu.sem_alloc : memref<!tpu.dma_semaphore, #tpu.memory_space<semaphore_mem>>
      %dma_start3A_144 = arith.constant 0 : i32
      %dma_start3A_145 = arith.constant 0 : i32
      %dma_start3A_146 = tpu.memref_slice %arg4[%arg0, %dma_start3A_144, %dma_start3A_145] : memref<2x10000x64xf32, #tpu.memory_space<hbm>> -> memref<1x10000x64xf32, #tpu.memory_space<hbm>>
      %dma_start3A_147 = tpu.memref_squeeze %dma_start3A_146 : memref<1x10000x64xf32, #tpu.memory_space<hbm>> -> memref<10000x64xf32, #tpu.memory_space<hbm>>
      %dma_start3A_148 = arith.constant 0 : i32
      %dma_start3A_149 = tpu.memref_slice %dma_start3A_147[%multiple_of3A, %dma_start3A_148] : memref<10000x64xf32, #tpu.memory_space<hbm>> -> memref<624x64xf32, #tpu.memory_space<hbm>>
      %dma_start3A_150 = arith.constant 0 : i32
      %dma_start3A_151 = tpu.memref_slice %arg9[%multiple_of3A, %dma_start3A_150] : memref<10000x64xf32, #tpu.memory_space<vmem_shared>> -> memref<624x64xf32, #tpu.memory_space<vmem_shared>>
      tpu.enqueue_dma source(%dma_start3A_151 : memref<624x64xf32, #tpu.memory_space<vmem_shared>>) target(%dma_start3A_149 : memref<624x64xf32, #tpu.memory_space<hbm>>) target_semaphore(%run_scoped3A_143 : memref<!tpu.dma_semaphore, #tpu.memory_space<semaphore_mem>>)
      %dma_wait3A_152 = arith.constant 0 : i32
      %dma_wait3A_153 = arith.constant 0 : i32
      %dma_wait3A_154 = tpu.memref_slice %arg4[%arg0, %dma_wait3A_152, %dma_wait3A_153] : memref<2x10000x64xf32, #tpu.memory_space<hbm>> -> memref<1x10000x64xf32, #tpu.memory_space<hbm>>
      %dma_wait3A_155 = tpu.memref_squeeze %dma_wait3A_154 : memref<1x10000x64xf32, #tpu.memory_space<hbm>> -> memref<10000x64xf32, #tpu.memory_space<hbm>>
      %dma_wait3A_156 = arith.constant 0 : i32
      %dma_wait3A_157 = tpu.memref_slice %dma_wait3A_155[%multiple_of3A, %dma_wait3A_156] : memref<10000x64xf32, #tpu.memory_space<hbm>> -> memref<624x64xf32, #tpu.memory_space<hbm>>
      %dma_wait3A_158 = arith.constant 0 : i32
      %dma_wait3A_159 = tpu.memref_slice %arg9[%multiple_of3A, %dma_wait3A_158] : memref<10000x64xf32, #tpu.memory_space<vmem_shared>> -> memref<624x64xf32, #tpu.memory_space<vmem_shared>>
      tpu.wait_dma2 semaphore(%run_scoped3A_143 : memref<!tpu.dma_semaphore, #tpu.memory_space<semaphore_mem>>) src(%dma_wait3A_159 : memref<624x64xf32, #tpu.memory_space<vmem_shared>>) dst(%dma_wait3A_157 : memref<624x64xf32, #tpu.memory_space<hbm>>)
      tpu.yield
    }) : () -> ()
    %eq3A_138 = arith.constant 15 : i32
    %eq3A_139 = arith.cmpi eq, %arg1, %eq3A_138 : i32
    %convert_element_type3A_140 = arith.extui %eq3A_139 : i1 to i32
    %cond3A_141 = arith.constant 0 : i32
    %cond3A_142 = arith.cmpi ne, %convert_element_type3A_140, %cond3A_141 : i32
    scf.if %cond3A_142 {
      "tpu.region"() ({
        %run_scoped3A_143 = tpu.sem_alloc : memref<!tpu.dma_semaphore, #tpu.memory_space<semaphore_mem>>
        %dma_start3A_144 = arith.constant 0 : i32
        %dma_start3A_145 = arith.constant 0 : i32
        %dma_start3A_146 = tpu.memref_slice %arg4[%arg0, %dma_start3A_144, %dma_start3A_145] : memref<2x10000x64xf32, #tpu.memory_space<hbm>> -> memref<1x10000x64xf32, #tpu.memory_space<hbm>>
        %dma_start3A_147 = tpu.memref_squeeze %dma_start3A_146 : memref<1x10000x64xf32, #tpu.memory_space<hbm>> -> memref<10000x64xf32, #tpu.memory_space<hbm>>
        %dma_start3A_148 = arith.constant 9984 : i32
        %dma_start3A_149 = arith.constant 0 : i32
        %dma_start3A_150 = tpu.memref_slice %dma_start3A_147[%dma_start3A_148, %dma_start3A_149] : memref<10000x64xf32, #tpu.memory_space<hbm>> -> memref<16x64xf32, #tpu.memory_space<hbm>>
        %dma_start3A_151 = arith.constant 9984 : i32
        %dma_start3A_152 = arith.constant 0 : i32
        %dma_start3A_153 = tpu.memref_slice %arg9[%dma_start3A_151, %dma_start3A_152] : memref<10000x64xf32, #tpu.memory_space<vmem_shared>> -> memref<16x64xf32, #tpu.memory_space<vmem_shared>>
        tpu.enqueue_dma source(%dma_start3A_153 : memref<16x64xf32, #tpu.memory_space<vmem_shared>>) target(%dma_start3A_150 : memref<16x64xf32, #tpu.memory_space<hbm>>) target_semaphore(%run_scoped3A_143 : memref<!tpu.dma_semaphore, #tpu.memory_space<semaphore_mem>>)
        %dma_wait3A_154 = arith.constant 0 : i32
        %dma_wait3A_155 = arith.constant 0 : i32
        %dma_wait3A_156 = tpu.memref_slice %arg4[%arg0, %dma_wait3A_154, %dma_wait3A_155] : memref<2x10000x64xf32, #tpu.memory_space<hbm>> -> memref<1x10000x64xf32, #tpu.memory_space<hbm>>
        %dma_wait3A_157 = tpu.memref_squeeze %dma_wait3A_156 : memref<1x10000x64xf32, #tpu.memory_space<hbm>> -> memref<10000x64xf32, #tpu.memory_space<hbm>>
        %dma_wait3A_158 = arith.constant 9984 : i32
        %dma_wait3A_159 = arith.constant 0 : i32
        %dma_wait3A_160 = tpu.memref_slice %dma_wait3A_157[%dma_wait3A_158, %dma_wait3A_159] : memref<10000x64xf32, #tpu.memory_space<hbm>> -> memref<16x64xf32, #tpu.memory_space<hbm>>
        %dma_wait3A_161 = arith.constant 9984 : i32
        %dma_wait3A_162 = arith.constant 0 : i32
        %dma_wait3A_163 = tpu.memref_slice %arg9[%dma_wait3A_161, %dma_wait3A_162] : memref<10000x64xf32, #tpu.memory_space<vmem_shared>> -> memref<16x64xf32, #tpu.memory_space<vmem_shared>>
        tpu.wait_dma2 semaphore(%run_scoped3A_143 : memref<!tpu.dma_semaphore, #tpu.memory_space<semaphore_mem>>) src(%dma_wait3A_163 : memref<16x64xf32, #tpu.memory_space<vmem_shared>>) dst(%dma_wait3A_160 : memref<16x64xf32, #tpu.memory_space<hbm>>)
        tpu.yield
      }) : () -> ()
    } else {
    }
    return
  }
}

module attributes {stable_mosaic.version = 14 : i64} {
  func.func @_mlp_block(%arg0: i32, %arg1: memref<2x2000x64xf32, #tpu.memory_space<vmem>>, %arg2: memref<2x2000x64xf32, #tpu.memory_space<vmem>>, %arg3: memref<2x64x128xf32, #tpu.memory_space<vmem>>, %arg4: memref<1x128xf32, #tpu.memory_space<vmem>>, %arg5: memref<2x128x64xf32, #tpu.memory_space<vmem>>, %arg6: memref<2x1x64xf32, #tpu.memory_space<vmem>>, %arg7: memref<2x2000x64xf32, #tpu.memory_space<vmem>>) attributes {dimension_semantics = [#tpu.dimension_semantics<arbitrary>], iteration_bounds = array<i64: 5>, scalar_prefetch = 0 : i64, scratch_operands = 0 : i64, tpu.core_type = #tpu.core_type<tc>, window_params = [{transform_indices = @transform_0, window_bounds = array<i64: 2, 2000, 64>}, {transform_indices = @transform_1, window_bounds = array<i64: 2, 2000, 64>}, {pipeline_mode = #tpu.pipeline_mode<synchronous>, transform_indices = @transform_2, window_bounds = array<i64: 2, 64, 128>}, {pipeline_mode = #tpu.pipeline_mode<synchronous>, transform_indices = @transform_3, window_bounds = array<i64: 1, 128>}, {pipeline_mode = #tpu.pipeline_mode<synchronous>, transform_indices = @transform_4, window_bounds = array<i64: 2, 128, 64>}, {pipeline_mode = #tpu.pipeline_mode<synchronous>, transform_indices = @transform_5, window_bounds = array<i64: 2, 1, 64>}, {transform_indices = @transform_6, window_bounds = array<i64: 2, 2000, 64>}]} {
    %get3A = arith.constant 0 : index
    %get3A_0 = arith.constant 0 : index
    %get3A_1 = arith.constant 0 : index
    %get3A_2 = vector.load %arg1[%get3A, %get3A_0, %get3A_1] : memref<2x2000x64xf32, #tpu.memory_space<vmem>>, vector<1x2000x64xf32>
    %get3A_3 = vector.shape_cast %get3A_2 : vector<1x2000x64xf32> to vector<2000x64xf32>
    %get3A_4 = arith.constant 0 : index
    %get3A_5 = arith.constant 0 : index
    %get3A_6 = arith.constant 0 : index
    %get3A_7 = vector.load %arg2[%get3A_4, %get3A_5, %get3A_6] : memref<2x2000x64xf32, #tpu.memory_space<vmem>>, vector<1x2000x64xf32>
    %get3A_8 = vector.shape_cast %get3A_7 : vector<1x2000x64xf32> to vector<2000x64xf32>
    %add3A = arith.addf %get3A_3, %get3A_8 : vector<2000x64xf32>
    %get3A_9 = arith.constant 1 : index
    %get3A_10 = arith.constant 0 : index
    %get3A_11 = arith.constant 0 : index
    %get3A_12 = vector.load %arg1[%get3A_9, %get3A_10, %get3A_11] : memref<2x2000x64xf32, #tpu.memory_space<vmem>>, vector<1x2000x64xf32>
    %get3A_13 = vector.shape_cast %get3A_12 : vector<1x2000x64xf32> to vector<2000x64xf32>
    %get3A_14 = arith.constant 1 : index
    %get3A_15 = arith.constant 0 : index
    %get3A_16 = arith.constant 0 : index
    %get3A_17 = vector.load %arg2[%get3A_14, %get3A_15, %get3A_16] : memref<2x2000x64xf32, #tpu.memory_space<vmem>>, vector<1x2000x64xf32>
    %get3A_18 = vector.shape_cast %get3A_17 : vector<1x2000x64xf32> to vector<2000x64xf32>
    %add3A_19 = arith.addf %get3A_13, %get3A_18 : vector<2000x64xf32>
    %get3A_20 = arith.constant 0 : index
    %get3A_21 = arith.constant 0 : index
    %get3A_22 = arith.constant 0 : index
    %get3A_23 = vector.load %arg3[%get3A_20, %get3A_21, %get3A_22] : memref<2x64x128xf32, #tpu.memory_space<vmem>>, vector<1x64x128xf32>
    %get3A_24 = vector.shape_cast %get3A_23 : vector<1x64x128xf32> to vector<64x128xf32>
    %dot_general3A = arith.constant dense<0.000000e+00> : vector<2000x128xf32>
    %dot_general3A_25 = tpu.matmul %add3A, %get3A_24, %dot_general3A {dimension_numbers = #tpu.dot_dimension_numbers<[1], [0], [0], [1], [0, 0, 1, 1], [], []>, transpose_lhs_hint = false} : vector<2000x64xf32>, vector<64x128xf32>, vector<2000x128xf32> -> vector<2000x128xf32>
    %get3A_26 = arith.constant 1 : index
    %get3A_27 = arith.constant 0 : index
    %get3A_28 = arith.constant 0 : index
    %get3A_29 = vector.load %arg3[%get3A_26, %get3A_27, %get3A_28] : memref<2x64x128xf32, #tpu.memory_space<vmem>>, vector<1x64x128xf32>
    %get3A_30 = vector.shape_cast %get3A_29 : vector<1x64x128xf32> to vector<64x128xf32>
    %dot_general3A_31 = arith.constant dense<0.000000e+00> : vector<2000x128xf32>
    %dot_general3A_32 = tpu.matmul %add3A_19, %get3A_30, %dot_general3A_31 {dimension_numbers = #tpu.dot_dimension_numbers<[1], [0], [0], [1], [0, 0, 1, 1], [], []>, transpose_lhs_hint = false} : vector<2000x64xf32>, vector<64x128xf32>, vector<2000x128xf32> -> vector<2000x128xf32>
    %add3A_33 = arith.addf %dot_general3A_25, %dot_general3A_32 : vector<2000x128xf32>
    %get3A_34 = arith.constant 0 : index
    %get3A_35 = arith.constant 0 : index
    %get3A_36 = vector.load %arg4[%get3A_34, %get3A_35] : memref<1x128xf32, #tpu.memory_space<vmem>>, vector<1x128xf32>
    %add3A_37 = vector.broadcast %get3A_36 : vector<1x128xf32> to vector<2000x128xf32>
    %add3A_38 = arith.addf %add3A_33, %add3A_37 : vector<2000x128xf32>
    %max3A = arith.constant 0.000000e+00 : f32
    %max3A_39 = vector.broadcast %max3A : f32 to vector<2000x128xf32>
    %max3A_40 = arith.maximumf %add3A_38, %max3A_39 : vector<2000x128xf32>
    %get3A_41 = arith.constant 0 : index
    %get3A_42 = arith.constant 0 : index
    %get3A_43 = arith.constant 0 : index
    %get3A_44 = vector.load %arg5[%get3A_41, %get3A_42, %get3A_43] : memref<2x128x64xf32, #tpu.memory_space<vmem>>, vector<1x128x64xf32>
    %get3A_45 = vector.shape_cast %get3A_44 : vector<1x128x64xf32> to vector<128x64xf32>
    %dot_general3A_46 = arith.constant dense<0.000000e+00> : vector<2000x64xf32>
    %dot_general3A_47 = tpu.matmul %max3A_40, %get3A_45, %dot_general3A_46 {dimension_numbers = #tpu.dot_dimension_numbers<[1], [0], [0], [1], [0, 0, 1, 1], [], []>, transpose_lhs_hint = false} : vector<2000x128xf32>, vector<128x64xf32>, vector<2000x64xf32> -> vector<2000x64xf32>
    %get3A_48 = arith.constant 0 : index
    %get3A_49 = arith.constant 0 : index
    %get3A_50 = arith.constant 0 : index
    %get3A_51 = vector.load %arg6[%get3A_48, %get3A_49, %get3A_50] : memref<2x1x64xf32, #tpu.memory_space<vmem>>, vector<1x1x64xf32>
    %get3A_52 = vector.shape_cast %get3A_51 : vector<1x1x64xf32> to vector<1x64xf32>
    %add3A_53 = vector.broadcast %get3A_52 : vector<1x64xf32> to vector<2000x64xf32>
    %add3A_54 = arith.addf %dot_general3A_47, %add3A_53 : vector<2000x64xf32>
    %max3A_55 = arith.constant 0.000000e+00 : f32
    %max3A_56 = vector.broadcast %max3A_55 : f32 to vector<2000x64xf32>
    %max3A_57 = arith.maximumf %add3A_54, %max3A_56 : vector<2000x64xf32>
    %swap3A = arith.constant 0 : index
    %swap3A_58 = arith.constant 0 : index
    %swap3A_59 = arith.constant 0 : index
    %swap3A_60 = vector.load %arg7[%swap3A, %swap3A_58, %swap3A_59] : memref<2x2000x64xf32, #tpu.memory_space<vmem>>, vector<1x2000x64xf32>
    %swap3A_61 = vector.shape_cast %swap3A_60 : vector<1x2000x64xf32> to vector<2000x64xf32>
    %swap3A_62 = vector.shape_cast %max3A_57 : vector<2000x64xf32> to vector<1x2000x64xf32>
    tpu.vector_store %arg7[%swap3A, %swap3A_58, %swap3A_59], %swap3A_62 {strides = array<i32>} : memref<2x2000x64xf32, #tpu.memory_space<vmem>>, vector<1x2000x64xf32>,
    %get3A_63 = arith.constant 1 : index
    %get3A_64 = arith.constant 0 : index
    %get3A_65 = arith.constant 0 : index
    %get3A_66 = vector.load %arg5[%get3A_63, %get3A_64, %get3A_65] : memref<2x128x64xf32, #tpu.memory_space<vmem>>, vector<1x128x64xf32>
    %get3A_67 = vector.shape_cast %get3A_66 : vector<1x128x64xf32> to vector<128x64xf32>
    %dot_general3A_68 = arith.constant dense<0.000000e+00> : vector<2000x64xf32>
    %dot_general3A_69 = tpu.matmul %max3A_40, %get3A_67, %dot_general3A_68 {dimension_numbers = #tpu.dot_dimension_numbers<[1], [0], [0], [1], [0, 0, 1, 1], [], []>, transpose_lhs_hint = false} : vector<2000x128xf32>, vector<128x64xf32>, vector<2000x64xf32> -> vector<2000x64xf32>
    %get3A_70 = arith.constant 1 : index
    %get3A_71 = arith.constant 0 : index
    %get3A_72 = arith.constant 0 : index
    %get3A_73 = vector.load %arg6[%get3A_70, %get3A_71, %get3A_72] : memref<2x1x64xf32, #tpu.memory_space<vmem>>, vector<1x1x64xf32>
    %get3A_74 = vector.shape_cast %get3A_73 : vector<1x1x64xf32> to vector<1x64xf32>
    %add3A_75 = vector.broadcast %get3A_74 : vector<1x64xf32> to vector<2000x64xf32>
    %add3A_76 = arith.addf %dot_general3A_69, %add3A_75 : vector<2000x64xf32>
    %max3A_77 = arith.constant 0.000000e+00 : f32
    %max3A_78 = vector.broadcast %max3A_77 : f32 to vector<2000x64xf32>
    %max3A_79 = arith.maximumf %add3A_76, %max3A_78 : vector<2000x64xf32>
    %swap3A_80 = arith.constant 1 : index
    %swap3A_81 = arith.constant 0 : index
    %swap3A_82 = arith.constant 0 : index
    %swap3A_83 = vector.load %arg7[%swap3A_80, %swap3A_81, %swap3A_82] : memref<2x2000x64xf32, #tpu.memory_space<vmem>>, vector<1x2000x64xf32>
    %swap3A_84 = vector.shape_cast %swap3A_83 : vector<1x2000x64xf32> to vector<2000x64xf32>
    %swap3A_85 = vector.shape_cast %max3A_79 : vector<2000x64xf32> to vector<1x2000x64xf32>
    tpu.vector_store %arg7[%swap3A_80, %swap3A_81, %swap3A_82], %swap3A_85 {strides = array<i32>} : memref<2x2000x64xf32, #tpu.memory_space<vmem>>, vector<1x2000x64xf32>,
    return
  }
  func.func @transform_0(%arg0: i32) -> (i32, i32, i32) {
    %c0_i32 = arith.constant 0 : i32
    %c0_i32_0 = arith.constant 0 : i32
    %c0_i32_1 = arith.constant 0 : i32
    return %c0_i32, %arg0, %c0_i32_0 : i32, i32, i32
  }
  func.func @transform_1(%arg0: i32) -> (i32, i32, i32) {
    %c0_i32 = arith.constant 0 : i32
    %c0_i32_0 = arith.constant 0 : i32
    %c0_i32_1 = arith.constant 0 : i32
    return %c0_i32, %arg0, %c0_i32_0 : i32, i32, i32
  }
  func.func @transform_2(%arg0: i32) -> (i32, i32, i32) {
    %c0_i32 = arith.constant 0 : i32
    %c0_i32_0 = arith.constant 0 : i32
    %c0_i32_1 = arith.constant 0 : i32
    %c0_i32_2 = arith.constant 0 : i32
    return %c0_i32, %c0_i32_0, %c0_i32_1 : i32, i32, i32
  }
  func.func @transform_3(%arg0: i32) -> (i32, i32) {
    %c0_i32 = arith.constant 0 : i32
    %c0_i32_0 = arith.constant 0 : i32
    %c0_i32_1 = arith.constant 0 : i32
    return %c0_i32, %c0_i32_0 : i32, i32
  }
  func.func @transform_4(%arg0: i32) -> (i32, i32, i32) {
    %c0_i32 = arith.constant 0 : i32
    %c0_i32_0 = arith.constant 0 : i32
    %c0_i32_1 = arith.constant 0 : i32
    %c0_i32_2 = arith.constant 0 : i32
    return %c0_i32, %c0_i32_0, %c0_i32_1 : i32, i32, i32
  }
  func.func @transform_5(%arg0: i32) -> (i32, i32, i32) {
    %c0_i32 = arith.constant 0 : i32
    %c0_i32_0 = arith.constant 0 : i32
    %c0_i32_1 = arith.constant 0 : i32
    %c0_i32_2 = arith.constant 0 : i32
    return %c0_i32, %c0_i32_0, %c0_i32_1 : i32, i32, i32
  }
  func.func @transform_6(%arg0: i32) -> (i32, i32, i32) {
    %c0_i32 = arith.constant 0 : i32
    %c0_i32_0 = arith.constant 0 : i32
    %c0_i32_1 = arith.constant 0 : i32
    return %c0_i32, %arg0, %c0_i32_0 : i32, i32, i32
  }
}

module attributes {stable_mosaic.version = 14 : i64} {
  func.func @_mlp_pool_block(%arg0: i32, %arg1: memref<2x2000x64xf32, #tpu.memory_space<vmem>>, %arg2: memref<2x2000x64xf32, #tpu.memory_space<vmem>>, %arg3: memref<2x64x128xf32, #tpu.memory_space<vmem>>, %arg4: memref<1x128xf32, #tpu.memory_space<vmem>>, %arg5: memref<2x128x64xf32, #tpu.memory_space<vmem>>, %arg6: memref<2x1x64xf32, #tpu.memory_space<vmem>>, %arg7: memref<10000xi32, #tpu.memory_space<smem>>, %arg8: memref<128x128xf32, #tpu.memory_space<vmem>>, %arg9: memref<1x128xf32, #tpu.memory_space<vmem>>, %arg10: memref<128x10xf32, #tpu.memory_space<vmem>>, %arg11: memref<1x10xf32, #tpu.memory_space<vmem>>, %arg12: memref<128x10xf32, #tpu.memory_space<vmem>>, %arg13: memref<2000x64xf32, #tpu.memory_space<vmem>>, %arg14: memref<2000x64xf32, #tpu.memory_space<vmem>>, %arg15: memref<128x64xf32, #tpu.memory_space<vmem>>, %arg16: memref<128x64xf32, #tpu.memory_space<vmem>>) attributes {dimension_semantics = [#tpu.dimension_semantics<arbitrary>], iteration_bounds = array<i64: 5>, scalar_prefetch = 0 : i64, scratch_operands = 4 : i64, tpu.core_type = #tpu.core_type<tc>, window_params = [{transform_indices = @transform_0, window_bounds = array<i64: 2, 2000, 64>}, {transform_indices = @transform_1, window_bounds = array<i64: 2, 2000, 64>}, {pipeline_mode = #tpu.pipeline_mode<synchronous>, transform_indices = @transform_2, window_bounds = array<i64: 2, 64, 128>}, {pipeline_mode = #tpu.pipeline_mode<synchronous>, transform_indices = @transform_3, window_bounds = array<i64: 1, 128>}, {pipeline_mode = #tpu.pipeline_mode<synchronous>, transform_indices = @transform_4, window_bounds = array<i64: 2, 128, 64>}, {pipeline_mode = #tpu.pipeline_mode<synchronous>, transform_indices = @transform_5, window_bounds = array<i64: 2, 1, 64>}, {transform_indices = @transform_6, window_bounds = array<i64: 10000>}, {pipeline_mode = #tpu.pipeline_mode<synchronous>, transform_indices = @transform_7, window_bounds = array<i64: 128, 128>}, {pipeline_mode = #tpu.pipeline_mode<synchronous>, transform_indices = @transform_8, window_bounds = array<i64: 1, 128>}, {pipeline_mode = #tpu.pipeline_mode<synchronous>, transform_indices = @transform_9, window_bounds = array<i64: 128, 10>}, {pipeline_mode = #tpu.pipeline_mode<synchronous>, transform_indices = @transform_10, window_bounds = array<i64: 1, 10>}, {pipeline_mode = #tpu.pipeline_mode<synchronous>, transform_indices = @transform_11, window_bounds = array<i64: 128, 10>}]} {
    %eq3A = arith.constant 0 : i32
    %eq3A_0 = arith.cmpi eq, %arg0, %eq3A : i32
    %convert_element_type3A = arith.extui %eq3A_0 : i1 to i32
    %cond3A = arith.constant 0 : i32
    %cond3A_1 = arith.cmpi ne, %convert_element_type3A, %cond3A : i32
    scf.if %cond3A_1 {
      %broadcast_in_dim3A = arith.constant 0.000000e+00 : f32
      %broadcast_in_dim3A_91 = vector.broadcast %broadcast_in_dim3A : f32 to vector<128x64xf32>
      %swap3A_92 = arith.constant 0 : index
      %swap3A_93 = arith.constant 0 : index
      %swap3A_94 = vector.load %arg15[%swap3A_92, %swap3A_93] : memref<128x64xf32, #tpu.memory_space<vmem>>, vector<128x64xf32>
      tpu.vector_store %arg15[%swap3A_92, %swap3A_93], %broadcast_in_dim3A_91 {strides = array<i32>} : memref<128x64xf32, #tpu.memory_space<vmem>>, vector<128x64xf32>,
      %broadcast_in_dim3A_95 = arith.constant 0.000000e+00 : f32
      %broadcast_in_dim3A_96 = vector.broadcast %broadcast_in_dim3A_95 : f32 to vector<128x64xf32>
      %swap3A_97 = arith.constant 0 : index
      %swap3A_98 = arith.constant 0 : index
      %swap3A_99 = vector.load %arg16[%swap3A_97, %swap3A_98] : memref<128x64xf32, #tpu.memory_space<vmem>>, vector<128x64xf32>
      tpu.vector_store %arg16[%swap3A_97, %swap3A_98], %broadcast_in_dim3A_96 {strides = array<i32>} : memref<128x64xf32, #tpu.memory_space<vmem>>, vector<128x64xf32>,
    } else {
    }
    %get3A = arith.constant 0 : index
    %get3A_2 = arith.constant 0 : index
    %get3A_3 = arith.constant 0 : index
    %get3A_4 = vector.load %arg1[%get3A, %get3A_2, %get3A_3] : memref<2x2000x64xf32, #tpu.memory_space<vmem>>, vector<1x2000x64xf32>
    %get3A_5 = vector.shape_cast %get3A_4 : vector<1x2000x64xf32> to vector<2000x64xf32>
    %get3A_6 = arith.constant 0 : index
    %get3A_7 = arith.constant 0 : index
    %get3A_8 = arith.constant 0 : index
    %get3A_9 = vector.load %arg2[%get3A_6, %get3A_7, %get3A_8] : memref<2x2000x64xf32, #tpu.memory_space<vmem>>, vector<1x2000x64xf32>
    %get3A_10 = vector.shape_cast %get3A_9 : vector<1x2000x64xf32> to vector<2000x64xf32>
    %add3A = arith.addf %get3A_5, %get3A_10 : vector<2000x64xf32>
    %get3A_11 = arith.constant 1 : index
    %get3A_12 = arith.constant 0 : index
    %get3A_13 = arith.constant 0 : index
    %get3A_14 = vector.load %arg1[%get3A_11, %get3A_12, %get3A_13] : memref<2x2000x64xf32, #tpu.memory_space<vmem>>, vector<1x2000x64xf32>
    %get3A_15 = vector.shape_cast %get3A_14 : vector<1x2000x64xf32> to vector<2000x64xf32>
    %get3A_16 = arith.constant 1 : index
    %get3A_17 = arith.constant 0 : index
    %get3A_18 = arith.constant 0 : index
    %get3A_19 = vector.load %arg2[%get3A_16, %get3A_17, %get3A_18] : memref<2x2000x64xf32, #tpu.memory_space<vmem>>, vector<1x2000x64xf32>
    %get3A_20 = vector.shape_cast %get3A_19 : vector<1x2000x64xf32> to vector<2000x64xf32>
    %add3A_21 = arith.addf %get3A_15, %get3A_20 : vector<2000x64xf32>
    %get3A_22 = arith.constant 0 : index
    %get3A_23 = arith.constant 0 : index
    %get3A_24 = arith.constant 0 : index
    %get3A_25 = vector.load %arg3[%get3A_22, %get3A_23, %get3A_24] : memref<2x64x128xf32, #tpu.memory_space<vmem>>, vector<1x64x128xf32>
    %get3A_26 = vector.shape_cast %get3A_25 : vector<1x64x128xf32> to vector<64x128xf32>
    %dot_general3A = arith.constant dense<0.000000e+00> : vector<2000x128xf32>
    %dot_general3A_27 = tpu.matmul %add3A, %get3A_26, %dot_general3A {dimension_numbers = #tpu.dot_dimension_numbers<[1], [0], [0], [1], [0, 0, 1, 1], [], []>, transpose_lhs_hint = false} : vector<2000x64xf32>, vector<64x128xf32>, vector<2000x128xf32> -> vector<2000x128xf32>
    %get3A_28 = arith.constant 1 : index
    %get3A_29 = arith.constant 0 : index
    %get3A_30 = arith.constant 0 : index
    %get3A_31 = vector.load %arg3[%get3A_28, %get3A_29, %get3A_30] : memref<2x64x128xf32, #tpu.memory_space<vmem>>, vector<1x64x128xf32>
    %get3A_32 = vector.shape_cast %get3A_31 : vector<1x64x128xf32> to vector<64x128xf32>
    %dot_general3A_33 = arith.constant dense<0.000000e+00> : vector<2000x128xf32>
    %dot_general3A_34 = tpu.matmul %add3A_21, %get3A_32, %dot_general3A_33 {dimension_numbers = #tpu.dot_dimension_numbers<[1], [0], [0], [1], [0, 0, 1, 1], [], []>, transpose_lhs_hint = false} : vector<2000x64xf32>, vector<64x128xf32>, vector<2000x128xf32> -> vector<2000x128xf32>
    %add3A_35 = arith.addf %dot_general3A_27, %dot_general3A_34 : vector<2000x128xf32>
    %get3A_36 = arith.constant 0 : index
    %get3A_37 = arith.constant 0 : index
    %get3A_38 = vector.load %arg4[%get3A_36, %get3A_37] : memref<1x128xf32, #tpu.memory_space<vmem>>, vector<1x128xf32>
    %add3A_39 = vector.broadcast %get3A_38 : vector<1x128xf32> to vector<2000x128xf32>
    %add3A_40 = arith.addf %add3A_35, %add3A_39 : vector<2000x128xf32>
    %max3A = arith.constant 0.000000e+00 : f32
    %max3A_41 = vector.broadcast %max3A : f32 to vector<2000x128xf32>
    %max3A_42 = arith.maximumf %add3A_40, %max3A_41 : vector<2000x128xf32>
    %get3A_43 = arith.constant 0 : index
    %get3A_44 = arith.constant 0 : index
    %get3A_45 = arith.constant 0 : index
    %get3A_46 = vector.load %arg5[%get3A_43, %get3A_44, %get3A_45] : memref<2x128x64xf32, #tpu.memory_space<vmem>>, vector<1x128x64xf32>
    %get3A_47 = vector.shape_cast %get3A_46 : vector<1x128x64xf32> to vector<128x64xf32>
    %dot_general3A_48 = arith.constant dense<0.000000e+00> : vector<2000x64xf32>
    %dot_general3A_49 = tpu.matmul %max3A_42, %get3A_47, %dot_general3A_48 {dimension_numbers = #tpu.dot_dimension_numbers<[1], [0], [0], [1], [0, 0, 1, 1], [], []>, transpose_lhs_hint = false} : vector<2000x128xf32>, vector<128x64xf32>, vector<2000x64xf32> -> vector<2000x64xf32>
    %get3A_50 = arith.constant 0 : index
    %get3A_51 = arith.constant 0 : index
    %get3A_52 = arith.constant 0 : index
    %get3A_53 = vector.load %arg6[%get3A_50, %get3A_51, %get3A_52] : memref<2x1x64xf32, #tpu.memory_space<vmem>>, vector<1x1x64xf32>
    %get3A_54 = vector.shape_cast %get3A_53 : vector<1x1x64xf32> to vector<1x64xf32>
    %add3A_55 = vector.broadcast %get3A_54 : vector<1x64xf32> to vector<2000x64xf32>
    %add3A_56 = arith.addf %dot_general3A_49, %add3A_55 : vector<2000x64xf32>
    %max3A_57 = arith.constant 0.000000e+00 : f32
    %max3A_58 = vector.broadcast %max3A_57 : f32 to vector<2000x64xf32>
    %max3A_59 = arith.maximumf %add3A_56, %max3A_58 : vector<2000x64xf32>
    %swap3A = arith.constant 0 : index
    %swap3A_60 = arith.constant 0 : index
    %swap3A_61 = vector.load %arg13[%swap3A, %swap3A_60] : memref<2000x64xf32, #tpu.memory_space<vmem>>, vector<2000x64xf32>
    tpu.vector_store %arg13[%swap3A, %swap3A_60], %max3A_59 {strides = array<i32>} : memref<2000x64xf32, #tpu.memory_space<vmem>>, vector<2000x64xf32>,
    %get3A_62 = arith.constant 1 : index
    %get3A_63 = arith.constant 0 : index
    %get3A_64 = arith.constant 0 : index
    %get3A_65 = vector.load %arg5[%get3A_62, %get3A_63, %get3A_64] : memref<2x128x64xf32, #tpu.memory_space<vmem>>, vector<1x128x64xf32>
    %get3A_66 = vector.shape_cast %get3A_65 : vector<1x128x64xf32> to vector<128x64xf32>
    %dot_general3A_67 = arith.constant dense<0.000000e+00> : vector<2000x64xf32>
    %dot_general3A_68 = tpu.matmul %max3A_42, %get3A_66, %dot_general3A_67 {dimension_numbers = #tpu.dot_dimension_numbers<[1], [0], [0], [1], [0, 0, 1, 1], [], []>, transpose_lhs_hint = false} : vector<2000x128xf32>, vector<128x64xf32>, vector<2000x64xf32> -> vector<2000x64xf32>
    %get3A_69 = arith.constant 1 : index
    %get3A_70 = arith.constant 0 : index
    %get3A_71 = arith.constant 0 : index
    %get3A_72 = vector.load %arg6[%get3A_69, %get3A_70, %get3A_71] : memref<2x1x64xf32, #tpu.memory_space<vmem>>, vector<1x1x64xf32>
    %get3A_73 = vector.shape_cast %get3A_72 : vector<1x1x64xf32> to vector<1x64xf32>
    %add3A_74 = vector.broadcast %get3A_73 : vector<1x64xf32> to vector<2000x64xf32>
    %add3A_75 = arith.addf %dot_general3A_68, %add3A_74 : vector<2000x64xf32>
    %max3A_76 = arith.constant 0.000000e+00 : f32
    %max3A_77 = vector.broadcast %max3A_76 : f32 to vector<2000x64xf32>
    %max3A_78 = arith.maximumf %add3A_75, %max3A_77 : vector<2000x64xf32>
    %swap3A_79 = arith.constant 0 : index
    %swap3A_80 = arith.constant 0 : index
    %swap3A_81 = vector.load %arg14[%swap3A_79, %swap3A_80] : memref<2000x64xf32, #tpu.memory_space<vmem>>, vector<2000x64xf32>
    tpu.vector_store %arg14[%swap3A_79, %swap3A_80], %max3A_78 {strides = array<i32>} : memref<2000x64xf32, #tpu.memory_space<vmem>>, vector<2000x64xf32>,
    %scan3A = arith.constant 0 : i32
    %scan3A_82 = arith.constant 125 : i32
    %scan3A_83 = arith.addi %scan3A, %scan3A_82 : i32
    %scan3A_84 = arith.constant 1 : i32
    scf.for %scan3A_91 = %scan3A to %scan3A_83 step %scan3A_84  : i32 {
      %mul3A = arith.constant 16 : i32
      %mul3A_92 = arith.muli %scan3A_91, %mul3A : i32
      %get3A_93 = arith.index_cast %mul3A_92 : i32 to index
      %get3A_94 = arith.constant 0 : index
      %get3A_95 = vector.load %arg13[%get3A_93, %get3A_94] : memref<2000x64xf32, #tpu.memory_space<vmem>>, vector<16x64xf32>
      %get3A_96 = arith.index_cast %mul3A_92 : i32 to index
      %get3A_97 = arith.constant 0 : index
      %get3A_98 = vector.load %arg14[%get3A_96, %get3A_97] : memref<2000x64xf32, #tpu.memory_space<vmem>>, vector<16x64xf32>
      %mul3A_99 = arith.constant 2000 : i32
      %mul3A_100 = arith.muli %arg0, %mul3A_99 : i32
      %add3A_101 = arith.addi %mul3A_100, %mul3A_92 : i32
      %get3A_102 = arith.index_cast %add3A_101 : i32 to index
      %get3A_103 = memref.load %arg7[%get3A_102] : memref<10000xi32, #tpu.memory_space<smem>>
      %add3A_104 = arith.constant 16 : i32
      %add3A_105 = arith.addi %add3A_101, %add3A_104 : i32
      %sub3A = arith.constant 1 : i32
      %sub3A_106 = arith.subi %add3A_105, %sub3A : i32
      %get3A_107 = arith.index_cast %sub3A_106 : i32 to index
      %get3A_108 = memref.load %arg7[%get3A_107] : memref<10000xi32, #tpu.memory_space<smem>>
      %eq3A_109 = arith.cmpi eq, %get3A_103, %get3A_108 : i32
      %convert_element_type3A_110 = arith.extui %eq3A_109 : i1 to i32
      %cond3A_111 = arith.constant 0 : i32
      %cond3A_112 = arith.cmpi ne, %convert_element_type3A_110, %cond3A_111 : i32
      scf.if %cond3A_112 {
        %reduce_max3A = arith.constant dense<0xFF800000> : vector<64xf32>
        %reduce_max3A_116 = vector.multi_reduction <maximumf>, %get3A_95, %reduce_max3A [0] : vector<16x64xf32> to vector<64xf32>
        %broadcast_in_dim3A = vector.shape_cast %reduce_max3A_116 : vector<64xf32> to vector<1x64xf32>
        %reduce_max3A_117 = arith.constant dense<0xFF800000> : vector<64xf32>
        %reduce_max3A_118 = vector.multi_reduction <maximumf>, %get3A_98, %reduce_max3A_117 [0] : vector<16x64xf32> to vector<64xf32>
        %broadcast_in_dim3A_119 = vector.shape_cast %reduce_max3A_118 : vector<64xf32> to vector<1x64xf32>
        %get3A_120 = arith.index_cast %get3A_103 : i32 to index
        %get3A_121 = arith.constant 0 : index
        %get3A_122 = vector.load %arg15[%get3A_120, %get3A_121] : memref<128x64xf32, #tpu.memory_space<vmem>>, vector<1x64xf32>
        %max3A_123 = arith.maximumf %get3A_122, %broadcast_in_dim3A : vector<1x64xf32>
        %swap3A_124 = arith.index_cast %get3A_103 : i32 to index
        %swap3A_125 = arith.constant 0 : index
        %swap3A_126 = vector.load %arg15[%swap3A_124, %swap3A_125] : memref<128x64xf32, #tpu.memory_space<vmem>>, vector<1x64xf32>
        tpu.vector_store %arg15[%swap3A_124, %swap3A_125], %max3A_123 {strides = array<i32>} : memref<128x64xf32, #tpu.memory_space<vmem>>, vector<1x64xf32>,
        %get3A_127 = arith.index_cast %get3A_103 : i32 to index
        %get3A_128 = arith.constant 0 : index
        %get3A_129 = vector.load %arg16[%get3A_127, %get3A_128] : memref<128x64xf32, #tpu.memory_space<vmem>>, vector<1x64xf32>
        %max3A_130 = arith.maximumf %get3A_129, %broadcast_in_dim3A_119 : vector<1x64xf32>
        %swap3A_131 = arith.index_cast %get3A_103 : i32 to index
        %swap3A_132 = arith.constant 0 : index
        %swap3A_133 = vector.load %arg16[%swap3A_131, %swap3A_132] : memref<128x64xf32, #tpu.memory_space<vmem>>, vector<1x64xf32>
        tpu.vector_store %arg16[%swap3A_131, %swap3A_132], %max3A_130 {strides = array<i32>} : memref<128x64xf32, #tpu.memory_space<vmem>>, vector<1x64xf32>,
      } else {
      }
      %ne3A = arith.cmpi ne, %get3A_103, %get3A_108 : i32
      %convert_element_type3A_113 = arith.extui %ne3A : i1 to i32
      %cond3A_114 = arith.constant 0 : i32
      %cond3A_115 = arith.cmpi ne, %convert_element_type3A_113, %cond3A_114 : i32
      scf.if %cond3A_115 {
        %add3A_116 = arith.constant 0 : i32
        %add3A_117 = arith.addi %add3A_101, %add3A_116 : i32
        %get3A_118 = arith.index_cast %add3A_117 : i32 to index
        %get3A_119 = memref.load %arg7[%get3A_118] : memref<10000xi32, #tpu.memory_space<smem>>
        %slice3A = vector.extract_strided_slice %get3A_95 {offsets = [0, 0], sizes = [1, 64], strides = [1, 1]} : vector<16x64xf32> to vector<1x64xf32>
        %slice3A_120 = vector.extract_strided_slice %get3A_98 {offsets = [0, 0], sizes = [1, 64], strides = [1, 1]} : vector<16x64xf32> to vector<1x64xf32>
        %get3A_121 = arith.index_cast %get3A_119 : i32 to index
        %get3A_122 = arith.constant 0 : index
        %get3A_123 = vector.load %arg15[%get3A_121, %get3A_122] : memref<128x64xf32, #tpu.memory_space<vmem>>, vector<1x64xf32>
        %max3A_124 = arith.maximumf %get3A_123, %slice3A : vector<1x64xf32>
        %swap3A_125 = arith.index_cast %get3A_119 : i32 to index
        %swap3A_126 = arith.constant 0 : index
        %swap3A_127 = vector.load %arg15[%swap3A_125, %swap3A_126] : memref<128x64xf32, #tpu.memory_space<vmem>>, vector<1x64xf32>
        tpu.vector_store %arg15[%swap3A_125, %swap3A_126], %max3A_124 {strides = array<i32>} : memref<128x64xf32, #tpu.memory_space<vmem>>, vector<1x64xf32>,
        %get3A_128 = arith.index_cast %get3A_119 : i32 to index
        %get3A_129 = arith.constant 0 : index
        %get3A_130 = vector.load %arg16[%get3A_128, %get3A_129] : memref<128x64xf32, #tpu.memory_space<vmem>>, vector<1x64xf32>
        %max3A_131 = arith.maximumf %get3A_130, %slice3A_120 : vector<1x64xf32>
        %swap3A_132 = arith.index_cast %get3A_119 : i32 to index
        %swap3A_133 = arith.constant 0 : index
        %swap3A_134 = vector.load %arg16[%swap3A_132, %swap3A_133] : memref<128x64xf32, #tpu.memory_space<vmem>>, vector<1x64xf32>
        tpu.vector_store %arg16[%swap3A_132, %swap3A_133], %max3A_131 {strides = array<i32>} : memref<128x64xf32, #tpu.memory_space<vmem>>, vector<1x64xf32>,
        %add3A_135 = arith.constant 1 : i32
        %add3A_136 = arith.addi %add3A_101, %add3A_135 : i32
        %get3A_137 = arith.index_cast %add3A_136 : i32 to index
        %get3A_138 = memref.load %arg7[%get3A_137] : memref<10000xi32, #tpu.memory_space<smem>>
        %slice3A_139 = vector.extract_strided_slice %get3A_95 {offsets = [1, 0], sizes = [1, 64], strides = [1, 1]} : vector<16x64xf32> to vector<1x64xf32>
        %slice3A_140 = vector.extract_strided_slice %get3A_98 {offsets = [1, 0], sizes = [1, 64], strides = [1, 1]} : vector<16x64xf32> to vector<1x64xf32>
        %get3A_141 = arith.index_cast %get3A_138 : i32 to index
        %get3A_142 = arith.constant 0 : index
        %get3A_143 = vector.load %arg15[%get3A_141, %get3A_142] : memref<128x64xf32, #tpu.memory_space<vmem>>, vector<1x64xf32>
        %max3A_144 = arith.maximumf %get3A_143, %slice3A_139 : vector<1x64xf32>
        %swap3A_145 = arith.index_cast %get3A_138 : i32 to index
        %swap3A_146 = arith.constant 0 : index
        %swap3A_147 = vector.load %arg15[%swap3A_145, %swap3A_146] : memref<128x64xf32, #tpu.memory_space<vmem>>, vector<1x64xf32>
        tpu.vector_store %arg15[%swap3A_145, %swap3A_146], %max3A_144 {strides = array<i32>} : memref<128x64xf32, #tpu.memory_space<vmem>>, vector<1x64xf32>,
        %get3A_148 = arith.index_cast %get3A_138 : i32 to index
        %get3A_149 = arith.constant 0 : index
        %get3A_150 = vector.load %arg16[%get3A_148, %get3A_149] : memref<128x64xf32, #tpu.memory_space<vmem>>, vector<1x64xf32>
        %max3A_151 = arith.maximumf %get3A_150, %slice3A_140 : vector<1x64xf32>
        %swap3A_152 = arith.index_cast %get3A_138 : i32 to index
        %swap3A_153 = arith.constant 0 : index
        %swap3A_154 = vector.load %arg16[%swap3A_152, %swap3A_153] : memref<128x64xf32, #tpu.memory_space<vmem>>, vector<1x64xf32>
        tpu.vector_store %arg16[%swap3A_152, %swap3A_153], %max3A_151 {strides = array<i32>} : memref<128x64xf32, #tpu.memory_space<vmem>>, vector<1x64xf32>,
        %add3A_155 = arith.constant 2 : i32
        %add3A_156 = arith.addi %add3A_101, %add3A_155 : i32
        %get3A_157 = arith.index_cast %add3A_156 : i32 to index
        %get3A_158 = memref.load %arg7[%get3A_157] : memref<10000xi32, #tpu.memory_space<smem>>
        %slice3A_159 = vector.extract_strided_slice %get3A_95 {offsets = [2, 0], sizes = [1, 64], strides = [1, 1]} : vector<16x64xf32> to vector<1x64xf32>
        %slice3A_160 = vector.extract_strided_slice %get3A_98 {offsets = [2, 0], sizes = [1, 64], strides = [1, 1]} : vector<16x64xf32> to vector<1x64xf32>
        %get3A_161 = arith.index_cast %get3A_158 : i32 to index
        %get3A_162 = arith.constant 0 : index
        %get3A_163 = vector.load %arg15[%get3A_161, %get3A_162] : memref<128x64xf32, #tpu.memory_space<vmem>>, vector<1x64xf32>
        %max3A_164 = arith.maximumf %get3A_163, %slice3A_159 : vector<1x64xf32>
        %swap3A_165 = arith.index_cast %get3A_158 : i32 to index
        %swap3A_166 = arith.constant 0 : index
        %swap3A_167 = vector.load %arg15[%swap3A_165, %swap3A_166] : memref<128x64xf32, #tpu.memory_space<vmem>>, vector<1x64xf32>
        tpu.vector_store %arg15[%swap3A_165, %swap3A_166], %max3A_164 {strides = array<i32>} : memref<128x64xf32, #tpu.memory_space<vmem>>, vector<1x64xf32>,
        %get3A_168 = arith.index_cast %get3A_158 : i32 to index
        %get3A_169 = arith.constant 0 : index
        %get3A_170 = vector.load %arg16[%get3A_168, %get3A_169] : memref<128x64xf32, #tpu.memory_space<vmem>>, vector<1x64xf32>
        %max3A_171 = arith.maximumf %get3A_170, %slice3A_160 : vector<1x64xf32>
        %swap3A_172 = arith.index_cast %get3A_158 : i32 to index
        %swap3A_173 = arith.constant 0 : index
        %swap3A_174 = vector.load %arg16[%swap3A_172, %swap3A_173] : memref<128x64xf32, #tpu.memory_space<vmem>>, vector<1x64xf32>
        tpu.vector_store %arg16[%swap3A_172, %swap3A_173], %max3A_171 {strides = array<i32>} : memref<128x64xf32, #tpu.memory_space<vmem>>, vector<1x64xf32>,
        %add3A_175 = arith.constant 3 : i32
        %add3A_176 = arith.addi %add3A_101, %add3A_175 : i32
        %get3A_177 = arith.index_cast %add3A_176 : i32 to index
        %get3A_178 = memref.load %arg7[%get3A_177] : memref<10000xi32, #tpu.memory_space<smem>>
        %slice3A_179 = vector.extract_strided_slice %get3A_95 {offsets = [3, 0], sizes = [1, 64], strides = [1, 1]} : vector<16x64xf32> to vector<1x64xf32>
        %slice3A_180 = vector.extract_strided_slice %get3A_98 {offsets = [3, 0], sizes = [1, 64], strides = [1, 1]} : vector<16x64xf32> to vector<1x64xf32>
        %get3A_181 = arith.index_cast %get3A_178 : i32 to index
        %get3A_182 = arith.constant 0 : index
        %get3A_183 = vector.load %arg15[%get3A_181, %get3A_182] : memref<128x64xf32, #tpu.memory_space<vmem>>, vector<1x64xf32>
        %max3A_184 = arith.maximumf %get3A_183, %slice3A_179 : vector<1x64xf32>
        %swap3A_185 = arith.index_cast %get3A_178 : i32 to index
        %swap3A_186 = arith.constant 0 : index
        %swap3A_187 = vector.load %arg15[%swap3A_185, %swap3A_186] : memref<128x64xf32, #tpu.memory_space<vmem>>, vector<1x64xf32>
        tpu.vector_store %arg15[%swap3A_185, %swap3A_186], %max3A_184 {strides = array<i32>} : memref<128x64xf32, #tpu.memory_space<vmem>>, vector<1x64xf32>,
        %get3A_188 = arith.index_cast %get3A_178 : i32 to index
        %get3A_189 = arith.constant 0 : index
        %get3A_190 = vector.load %arg16[%get3A_188, %get3A_189] : memref<128x64xf32, #tpu.memory_space<vmem>>, vector<1x64xf32>
        %max3A_191 = arith.maximumf %get3A_190, %slice3A_180 : vector<1x64xf32>
        %swap3A_192 = arith.index_cast %get3A_178 : i32 to index
        %swap3A_193 = arith.constant 0 : index
        %swap3A_194 = vector.load %arg16[%swap3A_192, %swap3A_193] : memref<128x64xf32, #tpu.memory_space<vmem>>, vector<1x64xf32>
        tpu.vector_store %arg16[%swap3A_192, %swap3A_193], %max3A_191 {strides = array<i32>} : memref<128x64xf32, #tpu.memory_space<vmem>>, vector<1x64xf32>,
        %add3A_195 = arith.constant 4 : i32
        %add3A_196 = arith.addi %add3A_101, %add3A_195 : i32
        %get3A_197 = arith.index_cast %add3A_196 : i32 to index
        %get3A_198 = memref.load %arg7[%get3A_197] : memref<10000xi32, #tpu.memory_space<smem>>
        %slice3A_199 = vector.extract_strided_slice %get3A_95 {offsets = [4, 0], sizes = [1, 64], strides = [1, 1]} : vector<16x64xf32> to vector<1x64xf32>
        %slice3A_200 = vector.extract_strided_slice %get3A_98 {offsets = [4, 0], sizes = [1, 64], strides = [1, 1]} : vector<16x64xf32> to vector<1x64xf32>
        %get3A_201 = arith.index_cast %get3A_198 : i32 to index
        %get3A_202 = arith.constant 0 : index
        %get3A_203 = vector.load %arg15[%get3A_201, %get3A_202] : memref<128x64xf32, #tpu.memory_space<vmem>>, vector<1x64xf32>
        %max3A_204 = arith.maximumf %get3A_203, %slice3A_199 : vector<1x64xf32>
        %swap3A_205 = arith.index_cast %get3A_198 : i32 to index
        %swap3A_206 = arith.constant 0 : index
        %swap3A_207 = vector.load %arg15[%swap3A_205, %swap3A_206] : memref<128x64xf32, #tpu.memory_space<vmem>>, vector<1x64xf32>
        tpu.vector_store %arg15[%swap3A_205, %swap3A_206], %max3A_204 {strides = array<i32>} : memref<128x64xf32, #tpu.memory_space<vmem>>, vector<1x64xf32>,
        %get3A_208 = arith.index_cast %get3A_198 : i32 to index
        %get3A_209 = arith.constant 0 : index
        %get3A_210 = vector.load %arg16[%get3A_208, %get3A_209] : memref<128x64xf32, #tpu.memory_space<vmem>>, vector<1x64xf32>
        %max3A_211 = arith.maximumf %get3A_210, %slice3A_200 : vector<1x64xf32>
        %swap3A_212 = arith.index_cast %get3A_198 : i32 to index
        %swap3A_213 = arith.constant 0 : index
        %swap3A_214 = vector.load %arg16[%swap3A_212, %swap3A_213] : memref<128x64xf32, #tpu.memory_space<vmem>>, vector<1x64xf32>
        tpu.vector_store %arg16[%swap3A_212, %swap3A_213], %max3A_211 {strides = array<i32>} : memref<128x64xf32, #tpu.memory_space<vmem>>, vector<1x64xf32>,
        %add3A_215 = arith.constant 5 : i32
        %add3A_216 = arith.addi %add3A_101, %add3A_215 : i32
        %get3A_217 = arith.index_cast %add3A_216 : i32 to index
        %get3A_218 = memref.load %arg7[%get3A_217] : memref<10000xi32, #tpu.memory_space<smem>>
        %slice3A_219 = vector.extract_strided_slice %get3A_95 {offsets = [5, 0], sizes = [1, 64], strides = [1, 1]} : vector<16x64xf32> to vector<1x64xf32>
        %slice3A_220 = vector.extract_strided_slice %get3A_98 {offsets = [5, 0], sizes = [1, 64], strides = [1, 1]} : vector<16x64xf32> to vector<1x64xf32>
        %get3A_221 = arith.index_cast %get3A_218 : i32 to index
        %get3A_222 = arith.constant 0 : index
        %get3A_223 = vector.load %arg15[%get3A_221, %get3A_222] : memref<128x64xf32, #tpu.memory_space<vmem>>, vector<1x64xf32>
        %max3A_224 = arith.maximumf %get3A_223, %slice3A_219 : vector<1x64xf32>
        %swap3A_225 = arith.index_cast %get3A_218 : i32 to index
        %swap3A_226 = arith.constant 0 : index
        %swap3A_227 = vector.load %arg15[%swap3A_225, %swap3A_226] : memref<128x64xf32, #tpu.memory_space<vmem>>, vector<1x64xf32>
        tpu.vector_store %arg15[%swap3A_225, %swap3A_226], %max3A_224 {strides = array<i32>} : memref<128x64xf32, #tpu.memory_space<vmem>>, vector<1x64xf32>,
        %get3A_228 = arith.index_cast %get3A_218 : i32 to index
        %get3A_229 = arith.constant 0 : index
        %get3A_230 = vector.load %arg16[%get3A_228, %get3A_229] : memref<128x64xf32, #tpu.memory_space<vmem>>, vector<1x64xf32>
        %max3A_231 = arith.maximumf %get3A_230, %slice3A_220 : vector<1x64xf32>
        %swap3A_232 = arith.index_cast %get3A_218 : i32 to index
        %swap3A_233 = arith.constant 0 : index
        %swap3A_234 = vector.load %arg16[%swap3A_232, %swap3A_233] : memref<128x64xf32, #tpu.memory_space<vmem>>, vector<1x64xf32>
        tpu.vector_store %arg16[%swap3A_232, %swap3A_233], %max3A_231 {strides = array<i32>} : memref<128x64xf32, #tpu.memory_space<vmem>>, vector<1x64xf32>,
        %add3A_235 = arith.constant 6 : i32
        %add3A_236 = arith.addi %add3A_101, %add3A_235 : i32
        %get3A_237 = arith.index_cast %add3A_236 : i32 to index
        %get3A_238 = memref.load %arg7[%get3A_237] : memref<10000xi32, #tpu.memory_space<smem>>
        %slice3A_239 = vector.extract_strided_slice %get3A_95 {offsets = [6, 0], sizes = [1, 64], strides = [1, 1]} : vector<16x64xf32> to vector<1x64xf32>
        %slice3A_240 = vector.extract_strided_slice %get3A_98 {offsets = [6, 0], sizes = [1, 64], strides = [1, 1]} : vector<16x64xf32> to vector<1x64xf32>
        %get3A_241 = arith.index_cast %get3A_238 : i32 to index
        %get3A_242 = arith.constant 0 : index
        %get3A_243 = vector.load %arg15[%get3A_241, %get3A_242] : memref<128x64xf32, #tpu.memory_space<vmem>>, vector<1x64xf32>
        %max3A_244 = arith.maximumf %get3A_243, %slice3A_239 : vector<1x64xf32>
        %swap3A_245 = arith.index_cast %get3A_238 : i32 to index
        %swap3A_246 = arith.constant 0 : index
        %swap3A_247 = vector.load %arg15[%swap3A_245, %swap3A_246] : memref<128x64xf32, #tpu.memory_space<vmem>>, vector<1x64xf32>
        tpu.vector_store %arg15[%swap3A_245, %swap3A_246], %max3A_244 {strides = array<i32>} : memref<128x64xf32, #tpu.memory_space<vmem>>, vector<1x64xf32>,
        %get3A_248 = arith.index_cast %get3A_238 : i32 to index
        %get3A_249 = arith.constant 0 : index
        %get3A_250 = vector.load %arg16[%get3A_248, %get3A_249] : memref<128x64xf32, #tpu.memory_space<vmem>>, vector<1x64xf32>
        %max3A_251 = arith.maximumf %get3A_250, %slice3A_240 : vector<1x64xf32>
        %swap3A_252 = arith.index_cast %get3A_238 : i32 to index
        %swap3A_253 = arith.constant 0 : index
        %swap3A_254 = vector.load %arg16[%swap3A_252, %swap3A_253] : memref<128x64xf32, #tpu.memory_space<vmem>>, vector<1x64xf32>
        tpu.vector_store %arg16[%swap3A_252, %swap3A_253], %max3A_251 {strides = array<i32>} : memref<128x64xf32, #tpu.memory_space<vmem>>, vector<1x64xf32>,
        %add3A_255 = arith.constant 7 : i32
        %add3A_256 = arith.addi %add3A_101, %add3A_255 : i32
        %get3A_257 = arith.index_cast %add3A_256 : i32 to index
        %get3A_258 = memref.load %arg7[%get3A_257] : memref<10000xi32, #tpu.memory_space<smem>>
        %slice3A_259 = vector.extract_strided_slice %get3A_95 {offsets = [7, 0], sizes = [1, 64], strides = [1, 1]} : vector<16x64xf32> to vector<1x64xf32>
        %slice3A_260 = vector.extract_strided_slice %get3A_98 {offsets = [7, 0], sizes = [1, 64], strides = [1, 1]} : vector<16x64xf32> to vector<1x64xf32>
        %get3A_261 = arith.index_cast %get3A_258 : i32 to index
        %get3A_262 = arith.constant 0 : index
        %get3A_263 = vector.load %arg15[%get3A_261, %get3A_262] : memref<128x64xf32, #tpu.memory_space<vmem>>, vector<1x64xf32>
        %max3A_264 = arith.maximumf %get3A_263, %slice3A_259 : vector<1x64xf32>
        %swap3A_265 = arith.index_cast %get3A_258 : i32 to index
        %swap3A_266 = arith.constant 0 : index
        %swap3A_267 = vector.load %arg15[%swap3A_265, %swap3A_266] : memref<128x64xf32, #tpu.memory_space<vmem>>, vector<1x64xf32>
        tpu.vector_store %arg15[%swap3A_265, %swap3A_266], %max3A_264 {strides = array<i32>} : memref<128x64xf32, #tpu.memory_space<vmem>>, vector<1x64xf32>,
        %get3A_268 = arith.index_cast %get3A_258 : i32 to index
        %get3A_269 = arith.constant 0 : index
        %get3A_270 = vector.load %arg16[%get3A_268, %get3A_269] : memref<128x64xf32, #tpu.memory_space<vmem>>, vector<1x64xf32>
        %max3A_271 = arith.maximumf %get3A_270, %slice3A_260 : vector<1x64xf32>
        %swap3A_272 = arith.index_cast %get3A_258 : i32 to index
        %swap3A_273 = arith.constant 0 : index
        %swap3A_274 = vector.load %arg16[%swap3A_272, %swap3A_273] : memref<128x64xf32, #tpu.memory_space<vmem>>, vector<1x64xf32>
        tpu.vector_store %arg16[%swap3A_272, %swap3A_273], %max3A_271 {strides = array<i32>} : memref<128x64xf32, #tpu.memory_space<vmem>>, vector<1x64xf32>,
        %add3A_275 = arith.constant 8 : i32
        %add3A_276 = arith.addi %add3A_101, %add3A_275 : i32
        %get3A_277 = arith.index_cast %add3A_276 : i32 to index
        %get3A_278 = memref.load %arg7[%get3A_277] : memref<10000xi32, #tpu.memory_space<smem>>
        %slice3A_279 = vector.extract_strided_slice %get3A_95 {offsets = [8, 0], sizes = [1, 64], strides = [1, 1]} : vector<16x64xf32> to vector<1x64xf32>
        %slice3A_280 = vector.extract_strided_slice %get3A_98 {offsets = [8, 0], sizes = [1, 64], strides = [1, 1]} : vector<16x64xf32> to vector<1x64xf32>
        %get3A_281 = arith.index_cast %get3A_278 : i32 to index
        %get3A_282 = arith.constant 0 : index
        %get3A_283 = vector.load %arg15[%get3A_281, %get3A_282] : memref<128x64xf32, #tpu.memory_space<vmem>>, vector<1x64xf32>
        %max3A_284 = arith.maximumf %get3A_283, %slice3A_279 : vector<1x64xf32>
        %swap3A_285 = arith.index_cast %get3A_278 : i32 to index
        %swap3A_286 = arith.constant 0 : index
        %swap3A_287 = vector.load %arg15[%swap3A_285, %swap3A_286] : memref<128x64xf32, #tpu.memory_space<vmem>>, vector<1x64xf32>
        tpu.vector_store %arg15[%swap3A_285, %swap3A_286], %max3A_284 {strides = array<i32>} : memref<128x64xf32, #tpu.memory_space<vmem>>, vector<1x64xf32>,
        %get3A_288 = arith.index_cast %get3A_278 : i32 to index
        %get3A_289 = arith.constant 0 : index
        %get3A_290 = vector.load %arg16[%get3A_288, %get3A_289] : memref<128x64xf32, #tpu.memory_space<vmem>>, vector<1x64xf32>
        %max3A_291 = arith.maximumf %get3A_290, %slice3A_280 : vector<1x64xf32>
        %swap3A_292 = arith.index_cast %get3A_278 : i32 to index
        %swap3A_293 = arith.constant 0 : index
        %swap3A_294 = vector.load %arg16[%swap3A_292, %swap3A_293] : memref<128x64xf32, #tpu.memory_space<vmem>>, vector<1x64xf32>
        tpu.vector_store %arg16[%swap3A_292, %swap3A_293], %max3A_291 {strides = array<i32>} : memref<128x64xf32, #tpu.memory_space<vmem>>, vector<1x64xf32>,
        %add3A_295 = arith.constant 9 : i32
        %add3A_296 = arith.addi %add3A_101, %add3A_295 : i32
        %get3A_297 = arith.index_cast %add3A_296 : i32 to index
        %get3A_298 = memref.load %arg7[%get3A_297] : memref<10000xi32, #tpu.memory_space<smem>>
        %slice3A_299 = vector.extract_strided_slice %get3A_95 {offsets = [9, 0], sizes = [1, 64], strides = [1, 1]} : vector<16x64xf32> to vector<1x64xf32>
        %slice3A_300 = vector.extract_strided_slice %get3A_98 {offsets = [9, 0], sizes = [1, 64], strides = [1, 1]} : vector<16x64xf32> to vector<1x64xf32>
        %get3A_301 = arith.index_cast %get3A_298 : i32 to index
        %get3A_302 = arith.constant 0 : index
        %get3A_303 = vector.load %arg15[%get3A_301, %get3A_302] : memref<128x64xf32, #tpu.memory_space<vmem>>, vector<1x64xf32>
        %max3A_304 = arith.maximumf %get3A_303, %slice3A_299 : vector<1x64xf32>
        %swap3A_305 = arith.index_cast %get3A_298 : i32 to index
        %swap3A_306 = arith.constant 0 : index
        %swap3A_307 = vector.load %arg15[%swap3A_305, %swap3A_306] : memref<128x64xf32, #tpu.memory_space<vmem>>, vector<1x64xf32>
        tpu.vector_store %arg15[%swap3A_305, %swap3A_306], %max3A_304 {strides = array<i32>} : memref<128x64xf32, #tpu.memory_space<vmem>>, vector<1x64xf32>,
        %get3A_308 = arith.index_cast %get3A_298 : i32 to index
        %get3A_309 = arith.constant 0 : index
        %get3A_310 = vector.load %arg16[%get3A_308, %get3A_309] : memref<128x64xf32, #tpu.memory_space<vmem>>, vector<1x64xf32>
        %max3A_311 = arith.maximumf %get3A_310, %slice3A_300 : vector<1x64xf32>
        %swap3A_312 = arith.index_cast %get3A_298 : i32 to index
        %swap3A_313 = arith.constant 0 : index
        %swap3A_314 = vector.load %arg16[%swap3A_312, %swap3A_313] : memref<128x64xf32, #tpu.memory_space<vmem>>, vector<1x64xf32>
        tpu.vector_store %arg16[%swap3A_312, %swap3A_313], %max3A_311 {strides = array<i32>} : memref<128x64xf32, #tpu.memory_space<vmem>>, vector<1x64xf32>,
        %add3A_315 = arith.constant 10 : i32
        %add3A_316 = arith.addi %add3A_101, %add3A_315 : i32
        %get3A_317 = arith.index_cast %add3A_316 : i32 to index
        %get3A_318 = memref.load %arg7[%get3A_317] : memref<10000xi32, #tpu.memory_space<smem>>
        %slice3A_319 = vector.extract_strided_slice %get3A_95 {offsets = [10, 0], sizes = [1, 64], strides = [1, 1]} : vector<16x64xf32> to vector<1x64xf32>
        %slice3A_320 = vector.extract_strided_slice %get3A_98 {offsets = [10, 0], sizes = [1, 64], strides = [1, 1]} : vector<16x64xf32> to vector<1x64xf32>
        %get3A_321 = arith.index_cast %get3A_318 : i32 to index
        %get3A_322 = arith.constant 0 : index
        %get3A_323 = vector.load %arg15[%get3A_321, %get3A_322] : memref<128x64xf32, #tpu.memory_space<vmem>>, vector<1x64xf32>
        %max3A_324 = arith.maximumf %get3A_323, %slice3A_319 : vector<1x64xf32>
        %swap3A_325 = arith.index_cast %get3A_318 : i32 to index
        %swap3A_326 = arith.constant 0 : index
        %swap3A_327 = vector.load %arg15[%swap3A_325, %swap3A_326] : memref<128x64xf32, #tpu.memory_space<vmem>>, vector<1x64xf32>
        tpu.vector_store %arg15[%swap3A_325, %swap3A_326], %max3A_324 {strides = array<i32>} : memref<128x64xf32, #tpu.memory_space<vmem>>, vector<1x64xf32>,
        %get3A_328 = arith.index_cast %get3A_318 : i32 to index
        %get3A_329 = arith.constant 0 : index
        %get3A_330 = vector.load %arg16[%get3A_328, %get3A_329] : memref<128x64xf32, #tpu.memory_space<vmem>>, vector<1x64xf32>
        %max3A_331 = arith.maximumf %get3A_330, %slice3A_320 : vector<1x64xf32>
        %swap3A_332 = arith.index_cast %get3A_318 : i32 to index
        %swap3A_333 = arith.constant 0 : index
        %swap3A_334 = vector.load %arg16[%swap3A_332, %swap3A_333] : memref<128x64xf32, #tpu.memory_space<vmem>>, vector<1x64xf32>
        tpu.vector_store %arg16[%swap3A_332, %swap3A_333], %max3A_331 {strides = array<i32>} : memref<128x64xf32, #tpu.memory_space<vmem>>, vector<1x64xf32>,
        %add3A_335 = arith.constant 11 : i32
        %add3A_336 = arith.addi %add3A_101, %add3A_335 : i32
        %get3A_337 = arith.index_cast %add3A_336 : i32 to index
        %get3A_338 = memref.load %arg7[%get3A_337] : memref<10000xi32, #tpu.memory_space<smem>>
        %slice3A_339 = vector.extract_strided_slice %get3A_95 {offsets = [11, 0], sizes = [1, 64], strides = [1, 1]} : vector<16x64xf32> to vector<1x64xf32>
        %slice3A_340 = vector.extract_strided_slice %get3A_98 {offsets = [11, 0], sizes = [1, 64], strides = [1, 1]} : vector<16x64xf32> to vector<1x64xf32>
        %get3A_341 = arith.index_cast %get3A_338 : i32 to index
        %get3A_342 = arith.constant 0 : index
        %get3A_343 = vector.load %arg15[%get3A_341, %get3A_342] : memref<128x64xf32, #tpu.memory_space<vmem>>, vector<1x64xf32>
        %max3A_344 = arith.maximumf %get3A_343, %slice3A_339 : vector<1x64xf32>
        %swap3A_345 = arith.index_cast %get3A_338 : i32 to index
        %swap3A_346 = arith.constant 0 : index
        %swap3A_347 = vector.load %arg15[%swap3A_345, %swap3A_346] : memref<128x64xf32, #tpu.memory_space<vmem>>, vector<1x64xf32>
        tpu.vector_store %arg15[%swap3A_345, %swap3A_346], %max3A_344 {strides = array<i32>} : memref<128x64xf32, #tpu.memory_space<vmem>>, vector<1x64xf32>,
        %get3A_348 = arith.index_cast %get3A_338 : i32 to index
        %get3A_349 = arith.constant 0 : index
        %get3A_350 = vector.load %arg16[%get3A_348, %get3A_349] : memref<128x64xf32, #tpu.memory_space<vmem>>, vector<1x64xf32>
        %max3A_351 = arith.maximumf %get3A_350, %slice3A_340 : vector<1x64xf32>
        %swap3A_352 = arith.index_cast %get3A_338 : i32 to index
        %swap3A_353 = arith.constant 0 : index
        %swap3A_354 = vector.load %arg16[%swap3A_352, %swap3A_353] : memref<128x64xf32, #tpu.memory_space<vmem>>, vector<1x64xf32>
        tpu.vector_store %arg16[%swap3A_352, %swap3A_353], %max3A_351 {strides = array<i32>} : memref<128x64xf32, #tpu.memory_space<vmem>>, vector<1x64xf32>,
        %add3A_355 = arith.constant 12 : i32
        %add3A_356 = arith.addi %add3A_101, %add3A_355 : i32
        %get3A_357 = arith.index_cast %add3A_356 : i32 to index
        %get3A_358 = memref.load %arg7[%get3A_357] : memref<10000xi32, #tpu.memory_space<smem>>
        %slice3A_359 = vector.extract_strided_slice %get3A_95 {offsets = [12, 0], sizes = [1, 64], strides = [1, 1]} : vector<16x64xf32> to vector<1x64xf32>
        %slice3A_360 = vector.extract_strided_slice %get3A_98 {offsets = [12, 0], sizes = [1, 64], strides = [1, 1]} : vector<16x64xf32> to vector<1x64xf32>
        %get3A_361 = arith.index_cast %get3A_358 : i32 to index
        %get3A_362 = arith.constant 0 : index
        %get3A_363 = vector.load %arg15[%get3A_361, %get3A_362] : memref<128x64xf32, #tpu.memory_space<vmem>>, vector<1x64xf32>
        %max3A_364 = arith.maximumf %get3A_363, %slice3A_359 : vector<1x64xf32>
        %swap3A_365 = arith.index_cast %get3A_358 : i32 to index
        %swap3A_366 = arith.constant 0 : index
        %swap3A_367 = vector.load %arg15[%swap3A_365, %swap3A_366] : memref<128x64xf32, #tpu.memory_space<vmem>>, vector<1x64xf32>
        tpu.vector_store %arg15[%swap3A_365, %swap3A_366], %max3A_364 {strides = array<i32>} : memref<128x64xf32, #tpu.memory_space<vmem>>, vector<1x64xf32>,
        %get3A_368 = arith.index_cast %get3A_358 : i32 to index
        %get3A_369 = arith.constant 0 : index
        %get3A_370 = vector.load %arg16[%get3A_368, %get3A_369] : memref<128x64xf32, #tpu.memory_space<vmem>>, vector<1x64xf32>
        %max3A_371 = arith.maximumf %get3A_370, %slice3A_360 : vector<1x64xf32>
        %swap3A_372 = arith.index_cast %get3A_358 : i32 to index
        %swap3A_373 = arith.constant 0 : index
        %swap3A_374 = vector.load %arg16[%swap3A_372, %swap3A_373] : memref<128x64xf32, #tpu.memory_space<vmem>>, vector<1x64xf32>
        tpu.vector_store %arg16[%swap3A_372, %swap3A_373], %max3A_371 {strides = array<i32>} : memref<128x64xf32, #tpu.memory_space<vmem>>, vector<1x64xf32>,
        %add3A_375 = arith.constant 13 : i32
        %add3A_376 = arith.addi %add3A_101, %add3A_375 : i32
        %get3A_377 = arith.index_cast %add3A_376 : i32 to index
        %get3A_378 = memref.load %arg7[%get3A_377] : memref<10000xi32, #tpu.memory_space<smem>>
        %slice3A_379 = vector.extract_strided_slice %get3A_95 {offsets = [13, 0], sizes = [1, 64], strides = [1, 1]} : vector<16x64xf32> to vector<1x64xf32>
        %slice3A_380 = vector.extract_strided_slice %get3A_98 {offsets = [13, 0], sizes = [1, 64], strides = [1, 1]} : vector<16x64xf32> to vector<1x64xf32>
        %get3A_381 = arith.index_cast %get3A_378 : i32 to index
        %get3A_382 = arith.constant 0 : index
        %get3A_383 = vector.load %arg15[%get3A_381, %get3A_382] : memref<128x64xf32, #tpu.memory_space<vmem>>, vector<1x64xf32>
        %max3A_384 = arith.maximumf %get3A_383, %slice3A_379 : vector<1x64xf32>
        %swap3A_385 = arith.index_cast %get3A_378 : i32 to index
        %swap3A_386 = arith.constant 0 : index
        %swap3A_387 = vector.load %arg15[%swap3A_385, %swap3A_386] : memref<128x64xf32, #tpu.memory_space<vmem>>, vector<1x64xf32>
        tpu.vector_store %arg15[%swap3A_385, %swap3A_386], %max3A_384 {strides = array<i32>} : memref<128x64xf32, #tpu.memory_space<vmem>>, vector<1x64xf32>,
        %get3A_388 = arith.index_cast %get3A_378 : i32 to index
        %get3A_389 = arith.constant 0 : index
        %get3A_390 = vector.load %arg16[%get3A_388, %get3A_389] : memref<128x64xf32, #tpu.memory_space<vmem>>, vector<1x64xf32>
        %max3A_391 = arith.maximumf %get3A_390, %slice3A_380 : vector<1x64xf32>
        %swap3A_392 = arith.index_cast %get3A_378 : i32 to index
        %swap3A_393 = arith.constant 0 : index
        %swap3A_394 = vector.load %arg16[%swap3A_392, %swap3A_393] : memref<128x64xf32, #tpu.memory_space<vmem>>, vector<1x64xf32>
        tpu.vector_store %arg16[%swap3A_392, %swap3A_393], %max3A_391 {strides = array<i32>} : memref<128x64xf32, #tpu.memory_space<vmem>>, vector<1x64xf32>,
        %add3A_395 = arith.constant 14 : i32
        %add3A_396 = arith.addi %add3A_101, %add3A_395 : i32
        %get3A_397 = arith.index_cast %add3A_396 : i32 to index
        %get3A_398 = memref.load %arg7[%get3A_397] : memref<10000xi32, #tpu.memory_space<smem>>
        %slice3A_399 = vector.extract_strided_slice %get3A_95 {offsets = [14, 0], sizes = [1, 64], strides = [1, 1]} : vector<16x64xf32> to vector<1x64xf32>
        %slice3A_400 = vector.extract_strided_slice %get3A_98 {offsets = [14, 0], sizes = [1, 64], strides = [1, 1]} : vector<16x64xf32> to vector<1x64xf32>
        %get3A_401 = arith.index_cast %get3A_398 : i32 to index
        %get3A_402 = arith.constant 0 : index
        %get3A_403 = vector.load %arg15[%get3A_401, %get3A_402] : memref<128x64xf32, #tpu.memory_space<vmem>>, vector<1x64xf32>
        %max3A_404 = arith.maximumf %get3A_403, %slice3A_399 : vector<1x64xf32>
        %swap3A_405 = arith.index_cast %get3A_398 : i32 to index
        %swap3A_406 = arith.constant 0 : index
        %swap3A_407 = vector.load %arg15[%swap3A_405, %swap3A_406] : memref<128x64xf32, #tpu.memory_space<vmem>>, vector<1x64xf32>
        tpu.vector_store %arg15[%swap3A_405, %swap3A_406], %max3A_404 {strides = array<i32>} : memref<128x64xf32, #tpu.memory_space<vmem>>, vector<1x64xf32>,
        %get3A_408 = arith.index_cast %get3A_398 : i32 to index
        %get3A_409 = arith.constant 0 : index
        %get3A_410 = vector.load %arg16[%get3A_408, %get3A_409] : memref<128x64xf32, #tpu.memory_space<vmem>>, vector<1x64xf32>
        %max3A_411 = arith.maximumf %get3A_410, %slice3A_400 : vector<1x64xf32>
        %swap3A_412 = arith.index_cast %get3A_398 : i32 to index
        %swap3A_413 = arith.constant 0 : index
        %swap3A_414 = vector.load %arg16[%swap3A_412, %swap3A_413] : memref<128x64xf32, #tpu.memory_space<vmem>>, vector<1x64xf32>
        tpu.vector_store %arg16[%swap3A_412, %swap3A_413], %max3A_411 {strides = array<i32>} : memref<128x64xf32, #tpu.memory_space<vmem>>, vector<1x64xf32>,
        %add3A_415 = arith.constant 15 : i32
        %add3A_416 = arith.addi %add3A_101, %add3A_415 : i32
        %get3A_417 = arith.index_cast %add3A_416 : i32 to index
        %get3A_418 = memref.load %arg7[%get3A_417] : memref<10000xi32, #tpu.memory_space<smem>>
        %slice3A_419 = vector.extract_strided_slice %get3A_95 {offsets = [15, 0], sizes = [1, 64], strides = [1, 1]} : vector<16x64xf32> to vector<1x64xf32>
        %slice3A_420 = vector.extract_strided_slice %get3A_98 {offsets = [15, 0], sizes = [1, 64], strides = [1, 1]} : vector<16x64xf32> to vector<1x64xf32>
        %get3A_421 = arith.index_cast %get3A_418 : i32 to index
        %get3A_422 = arith.constant 0 : index
        %get3A_423 = vector.load %arg15[%get3A_421, %get3A_422] : memref<128x64xf32, #tpu.memory_space<vmem>>, vector<1x64xf32>
        %max3A_424 = arith.maximumf %get3A_423, %slice3A_419 : vector<1x64xf32>
        %swap3A_425 = arith.index_cast %get3A_418 : i32 to index
        %swap3A_426 = arith.constant 0 : index
        %swap3A_427 = vector.load %arg15[%swap3A_425, %swap3A_426] : memref<128x64xf32, #tpu.memory_space<vmem>>, vector<1x64xf32>
        tpu.vector_store %arg15[%swap3A_425, %swap3A_426], %max3A_424 {strides = array<i32>} : memref<128x64xf32, #tpu.memory_space<vmem>>, vector<1x64xf32>,
        %get3A_428 = arith.index_cast %get3A_418 : i32 to index
        %get3A_429 = arith.constant 0 : index
        %get3A_430 = vector.load %arg16[%get3A_428, %get3A_429] : memref<128x64xf32, #tpu.memory_space<vmem>>, vector<1x64xf32>
        %max3A_431 = arith.maximumf %get3A_430, %slice3A_420 : vector<1x64xf32>
        %swap3A_432 = arith.index_cast %get3A_418 : i32 to index
        %swap3A_433 = arith.constant 0 : index
        %swap3A_434 = vector.load %arg16[%swap3A_432, %swap3A_433] : memref<128x64xf32, #tpu.memory_space<vmem>>, vector<1x64xf32>
        tpu.vector_store %arg16[%swap3A_432, %swap3A_433], %max3A_431 {strides = array<i32>} : memref<128x64xf32, #tpu.memory_space<vmem>>, vector<1x64xf32>,
      } else {
      }
    }
    %scan3A_85 = arith.constant 125 : i32
    %eq3A_86 = arith.constant 4 : i32
    %eq3A_87 = arith.cmpi eq, %arg0, %eq3A_86 : i32
    %convert_element_type3A_88 = arith.extui %eq3A_87 : i1 to i32
    %cond3A_89 = arith.constant 0 : i32
    %cond3A_90 = arith.cmpi ne, %convert_element_type3A_88, %cond3A_89 : i32
    scf.if %cond3A_90 {
      %get3A_91 = arith.constant 0 : index
      %get3A_92 = arith.constant 0 : index
      %get3A_93 = vector.load %arg15[%get3A_91, %get3A_92] : memref<128x64xf32, #tpu.memory_space<vmem>>, vector<128x64xf32>
      %get3A_94 = arith.constant 0 : index
      %get3A_95 = arith.constant 0 : index
      %get3A_96 = vector.load %arg16[%get3A_94, %get3A_95] : memref<128x64xf32, #tpu.memory_space<vmem>>, vector<128x64xf32>
      %concatenate3A = tpu.concatenate %get3A_93, %get3A_96 in 1 : vector<128x64xf32>, vector<128x64xf32> -> vector<128x128xf32>
      %get3A_97 = arith.constant 0 : index
      %get3A_98 = arith.constant 0 : index
      %get3A_99 = vector.load %arg8[%get3A_97, %get3A_98] : memref<128x128xf32, #tpu.memory_space<vmem>>, vector<128x128xf32>
      %dot_general3A_100 = arith.constant dense<0.000000e+00> : vector<128x128xf32>
      %dot_general3A_101 = tpu.matmul %concatenate3A, %get3A_99, %dot_general3A_100 {dimension_numbers = #tpu.dot_dimension_numbers<[1], [0], [0], [1], [0, 0, 1, 1], [], []>, transpose_lhs_hint = false} : vector<128x128xf32>, vector<128x128xf32>, vector<128x128xf32> -> vector<128x128xf32>
      %get3A_102 = arith.constant 0 : index
      %get3A_103 = arith.constant 0 : index
      %get3A_104 = vector.load %arg9[%get3A_102, %get3A_103] : memref<1x128xf32, #tpu.memory_space<vmem>>, vector<1x128xf32>
      %add3A_105 = vector.broadcast %get3A_104 : vector<1x128xf32> to vector<128x128xf32>
      %add3A_106 = arith.addf %dot_general3A_101, %add3A_105 : vector<128x128xf32>
      %max3A_107 = arith.constant 0.000000e+00 : f32
      %max3A_108 = vector.broadcast %max3A_107 : f32 to vector<128x128xf32>
      %max3A_109 = arith.maximumf %add3A_106, %max3A_108 : vector<128x128xf32>
      %get3A_110 = arith.constant 0 : index
      %get3A_111 = arith.constant 0 : index
      %get3A_112 = vector.load %arg10[%get3A_110, %get3A_111] : memref<128x10xf32, #tpu.memory_space<vmem>>, vector<128x10xf32>
      %dot_general3A_113 = arith.constant dense<0.000000e+00> : vector<128x10xf32>
      %dot_general3A_114 = tpu.matmul %max3A_109, %get3A_112, %dot_general3A_113 {dimension_numbers = #tpu.dot_dimension_numbers<[1], [0], [0], [1], [0, 0, 1, 1], [], []>, transpose_lhs_hint = false} : vector<128x128xf32>, vector<128x10xf32>, vector<128x10xf32> -> vector<128x10xf32>
      %get3A_115 = arith.constant 0 : index
      %get3A_116 = arith.constant 0 : index
      %get3A_117 = vector.load %arg11[%get3A_115, %get3A_116] : memref<1x10xf32, #tpu.memory_space<vmem>>, vector<1x10xf32>
      %add3A_118 = vector.broadcast %get3A_117 : vector<1x10xf32> to vector<128x10xf32>
      %add3A_119 = arith.addf %dot_general3A_114, %add3A_118 : vector<128x10xf32>
      %swap3A_120 = arith.constant 0 : index
      %swap3A_121 = arith.constant 0 : index
      %swap3A_122 = vector.load %arg12[%swap3A_120, %swap3A_121] : memref<128x10xf32, #tpu.memory_space<vmem>>, vector<128x10xf32>
      tpu.vector_store %arg12[%swap3A_120, %swap3A_121], %add3A_119 {strides = array<i32>} : memref<128x10xf32, #tpu.memory_space<vmem>>, vector<128x10xf32>,
    } else {
    }
    return
  }
  func.func @transform_0(%arg0: i32) -> (i32, i32, i32) {
    %c0_i32 = arith.constant 0 : i32
    %c0_i32_0 = arith.constant 0 : i32
    %c0_i32_1 = arith.constant 0 : i32
    return %c0_i32, %arg0, %c0_i32_0 : i32, i32, i32
  }
  func.func @transform_1(%arg0: i32) -> (i32, i32, i32) {
    %c0_i32 = arith.constant 0 : i32
    %c0_i32_0 = arith.constant 0 : i32
    %c0_i32_1 = arith.constant 0 : i32
    return %c0_i32, %arg0, %c0_i32_0 : i32, i32, i32
  }
  func.func @transform_2(%arg0: i32) -> (i32, i32, i32) {
    %c0_i32 = arith.constant 0 : i32
    %c0_i32_0 = arith.constant 0 : i32
    %c0_i32_1 = arith.constant 0 : i32
    %c0_i32_2 = arith.constant 0 : i32
    return %c0_i32, %c0_i32_0, %c0_i32_1 : i32, i32, i32
  }
  func.func @transform_3(%arg0: i32) -> (i32, i32) {
    %c0_i32 = arith.constant 0 : i32
    %c0_i32_0 = arith.constant 0 : i32
    %c0_i32_1 = arith.constant 0 : i32
    return %c0_i32, %c0_i32_0 : i32, i32
  }
  func.func @transform_4(%arg0: i32) -> (i32, i32, i32) {
    %c0_i32 = arith.constant 0 : i32
    %c0_i32_0 = arith.constant 0 : i32
    %c0_i32_1 = arith.constant 0 : i32
    %c0_i32_2 = arith.constant 0 : i32
    return %c0_i32, %c0_i32_0, %c0_i32_1 : i32, i32, i32
  }
  func.func @transform_5(%arg0: i32) -> (i32, i32, i32) {
    %c0_i32 = arith.constant 0 : i32
    %c0_i32_0 = arith.constant 0 : i32
    %c0_i32_1 = arith.constant 0 : i32
    %c0_i32_2 = arith.constant 0 : i32
    return %c0_i32, %c0_i32_0, %c0_i32_1 : i32, i32, i32
  }
  func.func @transform_6(%arg0: i32) -> i32 {
    %c0_i32 = arith.constant 0 : i32
    %c0_i32_0 = arith.constant 0 : i32
    return %c0_i32 : i32
  }
  func.func @transform_7(%arg0: i32) -> (i32, i32) {
    %c0_i32 = arith.constant 0 : i32
    %c0_i32_0 = arith.constant 0 : i32
    %c0_i32_1 = arith.constant 0 : i32
    return %c0_i32, %c0_i32_0 : i32, i32
  }
  func.func @transform_8(%arg0: i32) -> (i32, i32) {
    %c0_i32 = arith.constant 0 : i32
    %c0_i32_0 = arith.constant 0 : i32
    %c0_i32_1 = arith.constant 0 : i32
    return %c0_i32, %c0_i32_0 : i32, i32
  }
  func.func @transform_9(%arg0: i32) -> (i32, i32) {
    %c0_i32 = arith.constant 0 : i32
    %c0_i32_0 = arith.constant 0 : i32
    %c0_i32_1 = arith.constant 0 : i32
    return %c0_i32, %c0_i32_0 : i32, i32
  }
  func.func @transform_10(%arg0: i32) -> (i32, i32) {
    %c0_i32 = arith.constant 0 : i32
    %c0_i32_0 = arith.constant 0 : i32
    %c0_i32_1 = arith.constant 0 : i32
    return %c0_i32, %c0_i32_0 : i32, i32
  }
  func.func @transform_11(%arg0: i32) -> (i32, i32) {
    %c0_i32 = arith.constant 0 : i32
    %c0_i32_0 = arith.constant 0 : i32
    %c0_i32_1 = arith.constant 0 : i32
    return %c0_i32, %c0_i32_0 : i32, i32
  }
}

</mosaic_0001>

<sc_bundles>
// kernel: kernel.11.cloned.1.call-start
scs
__scs_entry_jumppad:
0x0: {  	(pc) =	sbr.rel $0x88, $3  }
0x1: {  	(tag) =	ssettag $0x0;
	lr =	simm.s32 $0x1  }
0x2: {  	[smem:$0x3F8E] =	sst lr;
	_ =	strace $0xD0000000  }
0x3: {  	_ = 	snop  }
0x4: {  	_ = 	snop  }
0x5: {  	_ = 	snop  }
0x6: {  	_ = 	snop  }
0x7: {  	_ = 	snop  }
__scs_overlays_trampoline_lowered:
0x8: {  	[smem:$0x3F9D] =	sst s0  }
0x9: {  	[smem:$0x3F9E] =	sst s1  }
0xa: {  	[smem:$0x3F9F] =	sst s2  }
0xb: {  	[smem:$0x3FA0] =	sst s3  }
0xc: {  	[smem:$0x3FA1] =	sst s4  }
0xd: {  	[smem:$0x3FA2] =	sst s5  }
0xe: {  	[smem:$0x3FA3] =	sst s6  }
0xf: {  	[smem:$0x3FA4] =	sst s7  }
0x10: {  	[smem:$0x3FA5] =	sst s8  }
0x11: {  	[smem:$0x3FA6] =	sst s9;
	s0 =	simm.s32 @!p0 $0x0  }
0x12: {  	s1 =	sld [smem:$0x3F8C];
	s0 =	simm.s32 @p0 $0x1  }
0x13: {  	[smem:$0x3FA7] =	sst s0;
	s0 =	simm.s32 @!p1 $0x0  }
0x14: {  	s2 =	sld [smem:$0x3F8B];
	s0 =	simm.s32 @p1 $0x1  }
0x15: {  	[smem:$0x3FA8] =	sst s0;
	s0 =	simm.s32 @!p2 $0x0  }
0x16: {  	s3 =	sld [smem:$0x3FDB];
	s0 =	simm.s32 @p2 $0x1  }
0x17: {  	s4 =	simm.s32 $0x1BF5;
	[smem:$0x3FAA] =	sst s0  }
0x18: {  	s0 =	sld [smem:$0x3F8D];
	_ =	swait.ge [sflag:s4], $0x0  }
0x19: {  	s7 =	sld [smem:$0x3F8E]  }
0x1a: {  	s8 =	sadd.s32 $0xFFFFE003, lr  }
0x1b: {  	s9 =	sadd.s32 $0xFFFFFEF7, lr;
	s5 =	simm.s32 $0xFFFFFFFF;
	p2 =	slt.u32 s8, $0xFFFFF086  }
0x1c: {  	p1 =	slt.u32 s9, $0xF7A;
	s5 =	simm.s32 @!p2 $0x0  }
0x1d: {  	s5 =	simm.s32 @p1 $0x1;
	p0 =	seq.s32 s7, s2  }
0x1e: {  	s7 =	smul.u32 @!p0 $0xF7A, s2;
	p2 =	seq.s32 @!p0 s5, $0x0  }
0x1f: {  	s9 =	smul.u32 $0xF7A, s1;
	s8 =	simm.s32 @!p0 $0x1BF5;
	p2 =	por !p2, p0  }
0x20: {  	[sflag:s8] =	ssyncset.s32 @!p0 $0xFFFFF086;
	s6 =	sadd.s32 @!p0 s3, s7;
	s7 =	simm.s32 @!p0 $0x108  }
0x21: {  	s3 =	sadd.s32 s3, s9;
	s6 =	sadd.s32 @!p0 $0x88, s6;
	s7 =	simm.s32 @p2 $0x1082  }
0x22: {  	[simem:s7], [sflag:s8] =	dma.local @!p0 [hbm:s6], $0xF7A  }
0x23: {  	s9 =	sor.u32 $0xD0000000, s2;
	s6 =	simm.s32 $0x108;
	_ =	swait.ge @!p0 [sflag:s8], $0x0  }
0x24: {  	s3 =	sadd.s32 $0x88, s3;
	s6 =	simm.s32 @!p1 $0x1082;
	[sflag:s4] =	ssyncset.s32 $0xFFFFF086  }
0x25: {  	[simem:s6], [sflag:s4] =	dma.local [hbm:s3], $0xF7A  }
0x26: {  	[smem:$0x3F8E] =	sst s1;
	(tag) =	ssettag s2;
	_ =	strace s9  }
0x27: {  	s1 =	sld [smem:$0x3F9E]  }
0x28: {  	s2 =	sld [smem:$0x3F9F]  }
0x29: {  	s4 =	sld [smem:$0x3FA1]  }
0x2a: {  	p0 =	seq.s32 s5, $0x0;
	s5 =	sld [smem:$0x3FA2]  }
0x2b: {  	s6 =	sld [smem:$0x3FA3]  }
0x2c: {  	s7 =	sld [smem:$0x3FA4]  }
0x2d: {  	s3 =	simm.s32 $0x108;
	s8 =	sld [smem:$0x3FA5]  }
0x2e: {  	s3 =	simm.s32 @!p0 $0x1082;
	s9 =	sld [smem:$0x3FA6]  }
0x2f: {  	lr =	sadd.s32 s0, s3;
	s0 =	sld [smem:$0x3F9D]  }
0x30: {  	s3 =	sld [smem:$0x3FA0]  }
0x31: {  	[smem:$0x3FA9] =	sst s10  }
0x32: {  	s10 =	sld [smem:$0x3FA7];
	_ =	sdelay $0x3  }
0x33: {  	p0 =	seq.s32 s10, $0x1;
	s10 =	sld [smem:$0x3FA9];
	_ =	sdelay $0x3  }
0x34: {  	[smem:$0x3FA9] =	sst s10  }
0x35: {  	s10 =	sld [smem:$0x3FA8];
	_ =	sdelay $0x3  }
0x36: {  	p1 =	seq.s32 s10, $0x1;
	s10 =	sld [smem:$0x3FA9];
	_ =	sdelay $0x3  }
0x37: {  	[smem:$0x3FA9] =	sst s10  }
0x38: {  	s10 =	sld [smem:$0x3FAA]  }
0x39: {  	_ = 	snop;
	(pc) =	sbr.ind lr, $3  }
0x3a: {  	_ = 	snop  }
0x3b: {  	_ = 	snop  }
0x3c: {  	p2 =	seq.s32 s10, $0x1;
	s10 =	sld [smem:$0x3FA9]  }
0x3d: {  	_ =	shalt  }
0x3e: {  	_ =	shalt  }
0x3f: {  	_ =	shalt  }
0x40: {  	_ =	shalt  }
0x41: {  	_ =	shalt  }
0x42: {  	_ =	shalt  }
0x43: {  	_ =	shalt  }
0x44: {  	_ =	shalt  }
0x45: {  	_ =	shalt  }
0x46: {  	_ =	shalt  }
0x47: {  	_ =	shalt  }
0x48: {  	_ =	shalt  }
0x49: {  	_ =	shalt  }
0x4a: {  	_ =	shalt  }
0x4b: {  	_ =	shalt  }
0x4c: {  	_ =	shalt  }
0x4d: {  	_ =	shalt  }
0x4e: {  	_ =	shalt  }
0x4f: {  	_ =	shalt  }
0x50: {  	_ =	shalt  }
0x51: {  	_ =	shalt  }
0x52: {  	_ =	shalt  }
0x53: {  	_ =	shalt  }
0x54: {  	_ =	shalt  }
0x55: {  	_ =	shalt  }
0x56: {  	_ =	shalt  }
0x57: {  	_ =	shalt  }
0x58: {  	_ =	shalt  }
0x59: {  	_ =	shalt  }
0x5a: {  	_ =	shalt  }
0x5b: {  	_ =	shalt  }
0x5c: {  	_ =	shalt  }
0x5d: {  	_ =	shalt  }
0x5e: {  	_ =	shalt  }
0x5f: {  	_ =	shalt  }
0x60: {  	_ =	shalt  }
0x61: {  	_ =	shalt  }
0x62: {  	_ =	shalt  }
0x63: {  	_ =	shalt  }
0x64: {  	_ =	shalt  }
0x65: {  	_ =	shalt  }
0x66: {  	_ =	shalt  }
0x67: {  	_ =	shalt  }
0x68: {  	_ =	shalt  }
0x69: {  	_ =	shalt  }
0x6a: {  	_ =	shalt  }
0x6b: {  	_ =	shalt  }
0x6c: {  	_ =	shalt  }
0x6d: {  	_ =	shalt  }
0x6e: {  	_ =	shalt  }
0x6f: {  	_ =	shalt  }
0x70: {  	_ =	shalt  }
0x71: {  	_ =	shalt  }
0x72: {  	_ =	shalt  }
0x73: {  	_ =	shalt  }
0x74: {  	_ =	shalt  }
0x75: {  	_ =	shalt  }
0x76: {  	_ =	shalt  }
0x77: {  	_ =	shalt  }
0x78: {  	_ =	shalt  }
0x79: {  	_ =	shalt  }
0x7a: {  	_ =	shalt  }
0x7b: {  	_ =	shalt  }
0x7c: {  	_ =	shalt  }
0x7d: {  	_ =	shalt  }
0x7e: {  	_ =	shalt  }
0x7f: {  	_ =	shalt  }
0x80: {  	_ =	shalt  }
0x81: {  	_ =	shalt  }
0x82: {  	_ =	shalt  }
0x83: {  	_ =	shalt  }
0x84: {  	_ =	shalt  }
0x85: {  	_ =	shalt  }
0x86: {  	_ =	shalt  }
0x87: {  	_ =	shalt  }
.Lfunc_end0:
.L_simem_size_0:
called_computation.1_lowered:
.L_overlay_start_0:
0x88: {  	s2 =	sld [smem:$0x3FD9]  }
0x89: {  	s3 =	sld [smem:$0x3FFE];
	_ =	sdelay $0x1  }
0x8a: {  	s1 =	srdreg.scid  }
0x8b: {  	s0 =	sand.u32 $0x1, s1  }
0x8c: {  	s16 =	sshll.u32 s0, $0xA;
	s2 =	sadd.s32 s3, s2  }
0x8d: {  	s2 =	sadd.s32 s2, s16  }
0x8e: {  	[smem:$0x3FB5] =	sst s2  }
0x8f: {  	_ = 	snop  }
0x90: {  	(tm) =	ssettm $0x1  }
0x91: {  	s17 =	sld [smem:$0x3FFB];
	_ =	sdelay $0x3  }
0x92: {  	_ =	strace s17  }
0x93: {  	s2 =	sld [smem:$0x3FFC];
	_ =	sdelay $0x3  }
0x94: {  	_ =	strace s2  }
0x95: {  	s2 =	sld [smem:$0x3FFD];
	_ =	sdelay $0x3  }
0x96: {  	_ =	strace s2  }
0x97: {  	_ =	strace $0x8FFFFFFF  }
0x98: {  	s18 =	sld [smem:$0x3FDB];
	_ =	sdelay $0x1  }
0x99: {  	s19 =	simm.s32 $_scs_section_size  }
0x9a: {  	s4 =	simm.s32 $_size__tile_overlayer_lowered;
	s5 =	simm.s32 $_tile_overlayer_lowered  }
0x9b: {  	s22 =	simm.s32 $0x1BFF;
	s21 =	sshll.u32 s5, $0x1;
	s2 =	sadd.s32 s19, s18  }
0x9c: {  	s6 =	simm.s32 $0x0;
	s20 =	sshll.u32 s4, $0x1;
	s4 =	sadd.s32 s21, s2  }
0x9d: {  	[timem:s6], [sflag:s22] =	dma.local [hbm:s4], s20  }
0x9e: {  	_ =	swait.ge [sflag:s22], s20  }
0x9f: {  	s3 =	ssub.s32 $0x0, s20;
	[sflag:s22] =	ssyncset.done $0x0  }
0xa0: {  	[sflag:s22] =	ssyncadd.s32 s3;
	_ =	sdelay $0x1  }
0xa1: {  	s23 =	simm.s32 $0x1B8B  }
0xa2: {  	_ =	swait.ge [sflag:s23], $0x1  }
0xa3: {  	[sflag:s23] =	ssyncset.done $0x0  }
0xa4: {  	s25 =	simm.s32 $0x1B8E;
	s24 =	sld [smem:$0x3FFE];
	[sflag:s23] =	ssyncadd.s32 $0xFFFFFFFF  }
0xa5: {  	s26 =	simm.s32 $execute0_lowered;
	[smem:$0x3FD2] =	sst s25  }
0xa6: {  	s4 =	sshll.u32 s26, $0x1;
	_ =	strace $0x80000049;
	[dreg:$0x1] =	wrdreg $0xFFFFFFFF  }
0xa7: {  	s28 =	simm.s32 $_size_execute0_lowered;
	s2 =	sadd.s32 s2, s4;
	[dreg:$0x0] =	wrdreg $0x0  }
0xa8: {  	s4 =	sshll.u32 s28, $0x1;
	[dreg:$0x2] =	wrdreg s2  }
0xa9: {  	[dreg:$0x3] =	wrdreg s4  }
0xaa: {  	[dreg:$0x4] =	wrdreg $0xC0  }
0xab: {  	_ =	task [dreg:s6], $0x5FFFF  }
0xac: {  	[dreg:$0x1] =	wrdreg $0xFFFFFFFF  }
0xad: {  	[dreg:$0x0] =	wrdreg $0x60  }
0xae: {  	[dreg:$0x2] =	wrdreg s24  }
0xaf: {  	[dreg:$0x3] =	wrdreg $0x11A400  }
0xb0: {  	[dreg:$0x4] =	wrdreg $0x9  }
0xb1: {  	_ =	task.clear_ibuf [dreg:s6], $0x5FFFF;
	_ =	strace $0x90000049  }
0xb2: {  	s29 =	simm.s32 $0x9;
	_ =	strace $0x8000004B  }
0xb3: {  	_ =	swait.ge [sflag:s29], $0x1  }
0xb4: {  	[sflag:s29] =	ssyncadd.s32 $0xFFFFFFFF  }
0xb5: {  	_ =	strace $0x9000004B  }
0xb6: {  	_ =	sfence  }
0xb7: {  	s30 =	sld [smem:$0x0];
	_ =	sdelay $0x2  }
0xb8: {  	s31 =	sshll.u32 s1, $0xD;
	s1 =	sshrl.u32 s1, $0x2  }
0xb9: {  	s3 =	sand.u32 $0x4000, s31;
	s1 =	sadd.s32 s1, s30  }
0xba: {  	s0 =	sor.u32 s3, s0;
	s1 =	sshll.u32 s1, $0x11  }
0xbb: {  	s0 =	sor.u32 s1, s0  }
0xbc: {  	s0 =	sadd.s32 $0x8F2B, s0  }
0xbd: {  	[sflag:s0] =	ssyncadd.remote.s32 $0x1  }
0xbe: {  	_ =	sfence.sel $0xFFFF  }
0xbf: {  	[dreg:$0x0] =	wrdreg $0xFFFFFFFF;
	(pc) =	sbr.abs _section_cstart, $3  }
0xc0: {  	[dreg:$0x1] =	wrdreg $0xFFFFFFFF  }
0xc1: {  	_ =	task.clear_ibuf [dreg:s6], $0x2FFFF;
	_ =	strace $0x9FFFFFFF  }
0xc2: {  	(tm) =	ssettm $0x7FFFFFFF  }
0xc3: {  	_ =	shalt  }
tec
execute0_lowered:
.L_overlay_start_1:
0x0: {  	(tag) =	ssettag $0x1  }
0x1: {  	s0 =	rddreg [dreg:$0x0]  }
0x2: {  	s2 =	rddreg [dreg:$0x1]  }
0x3: {  	s3 =	simm.s32 $0x0;
	s8 =	stileid.u32;
	s4 =	srdreg.scid  }
0x4: {  	s16 =	simm.s32 $0xB;
	s17 =	simm.s32 $0x4E20;
	s18 =	simm.s32 $0x50  }
0x5: {  	s19 =	simm.s32 $0x9C40;
	s28 =	simm.s32 $0xD840;
	s29 =	simm.s32 $0x2  }
0x6: {  	s30 =	simm.s32 $0x6;
	s31 =	simm.s32 $0x5;
	s1 =	smul.u32 $0x4E20, s8  }
0x7: {  	[smem:$0x7FF] =	sst s3;
	s4 =	sand.u32 $0x1, s4;
	s7 =	smul.u32 $0x27000, s8  }
0x8: {  	s20 =	smul.u32 $0x9C00, s8;
	s13 =	sadd.s32 $0x9C000, s2;
	p0 =	sne.s32 s8, $0xF  }
0x9: {  	s8 =	simm.s32 $0xA;
	s5 =	smul.u32 $0x13880, s4;
	s4 =	ssub.s32 $0x2, s4  }
0xa: {  	_ =	strace $0x8000004A;
	s1 =	sshrl.u32 s1, $0x3;
	s6 =	sshrl.u32 s4, $0x1  }
0xb: {  	s22 =	sshrl.u32 s7, $0x2;
	s7 =	sadd.s32 s20, s2;
	s26 =	sshrl.u32 s20, $0x3  }
0xc: {  	s20 =	simm.s32 $0xB040;
	s1 =	sadd.s32 s1, s0;
	s0 =	sadd.s32 s5, s0  }
0xd: {  	s4 =	ssub.s32 s4, s6;
	s21 =	sadd.s32 $0x3000, s1;
	s1 =	sadd.s32 $0xCC40, s1  }
0xe: {  	s5 =	simm.s32 $0x9;
	[dreg:$0x4] =	wrdreg s1;
	s1 =	sadd.s32 s22, s2  }
0xf: {  	s6 =	sadd.s32 $0x16A00, s0;
	[dreg:$0x3] =	wrdreg s21;
	s9 =	sadd.s32 $0x1A00, s1  }
0x10: {  	s14 =	sadd.s32 $0x3DC00, s0;
	s23 =	sadd.s32 $0x3400, s1;
	[dreg:$0x5] =	wrdreg s9  }
0x11: {  	s15 =	smax.u32 s4, $0x1;
	s24 =	sadd.s32 $0x4E00, s1;
	[dreg:$0x6] =	wrdreg s23  }
0x12: {  	s0 =	simm.s32 $0xEC40;
	s25 =	sadd.s32 $0x6800, s1;
	[dreg:$0x7] =	wrdreg s24  }
0x13: {  	s4 =	simm.s32 $0x8;
	s1 =	sadd.s32 $0x8200, s1;
	[dreg:$0x8] =	wrdreg s25  }
0x14: {  	s21 =	simm.s32 $0x10040;
	s22 =	simm.s32 $0x3;
	[dreg:$0x9] =	wrdreg s1  }
0x15: {  	s23 =	simm.s32 $0xC440;
	s24 =	simm.s32 $0x1;
	s25 =	sadd.s32 s26, s14  }
0x16: {  	v0 =	vimm.f32 $0.0e+00;
	s26 =	simm.s32 $0x4;
	s1 =	simm.s32 $0x7;
	s9 =	simm.s32 $0x0  }
.LBB2_1:
0x17: {  	s10 =	rddreg [dreg:$0x3]  }
0x18: {  	[tilespmem:s3], [sflag:$0xB] =	stream.linear.gather [hbm4b:s10+s3], $0x4E20, $0x38;
	[tilespmem:$0x1B680] =	vst v63  }
0x19: {  	_ =	swait.ge [sflag:s16], $0x4E20  }
0x1a: {  	[sflag:s16] =	ssyncset.done $0x0  }
0x1b: {  	s12 =	rddreg [dreg:$0x4];
	[sflag:s16] =	ssyncadd.s32 $0xFFFFB1E0  }
0x1c: {  	[tilespmem:s17], [sflag:$0xB] =	stream.linear.gather [hbm4b:s12+s3], $0x4E20, $0x38;
	[tilespmem:$0x1B680] =	vst v63  }
0x1d: {  	_ =	swait.ge [sflag:s16], $0x4E20  }
0x1e: {  	[sflag:s16] =	ssyncset.done $0x0  }
0x1f: {  	[sflag:s16] =	ssyncadd.s32 $0xFFFFB1E0  }
0x20: {  	[tilespmem:s19], [sflag:$0x1] =	stream.indirect.gather [hbm4b:s6+s18], $0x40, s3, s18, $0xb8;
	[tilespmem:$0x1B680] =	vst v63  }
0x21: {  	s11 =	simm.s32 $0x100;
	s10 =	simm.s32 $0x0  }
0x22: {  	[tilespmem:s20], [sflag:$0x2] =	stream.indirect.gather [hbm4b:s6+s18], $0x40, s18, s18, $0xb8;
	[tilespmem:$0x1B680] =	vst v63  }
.LBB2_2:
0x23: {  	p1 =	sne.s32 s11, $0x6700;
	[tilespmem:s10+$0x10070] =	vst v0;
	s12 =	smov.u32 s11;
	s11 =	sadd.s32 $0x100, s11  }
.Ltmp0:
0x24: {  	[tilespmem:s10+$0x10060] =	vst v0;
	(pc) =	sbr.rel @p1 .LBB2_2-.Ltmp0, $3  }
0x25: {  	[tilespmem:s10+$0x10040] =	vst v0  }
0x26: {  	[tilespmem:s10+$0x10050] =	vst v0;
	_ =	sdelay $0x1  }
0x27: {  	s10 =	sshra.s32 s12, $0x2  }
0x28: {  	[tilespmem:s10+$0x10070] =	vst v0  }
0x29: {  	[tilespmem:s10+$0x10060] =	vst v0  }
0x2a: {  	[tilespmem:s10+$0x10040] =	vst v0  }
0x2b: {  	[tilespmem:s10+$0x10050] =	vst v0  }
0x2c: {  	[spmem:s7] =	stream.linear.scatter [tilespmem:s21], [sflag:$0xB], $0x1A00, $0x38;
	[tilespmem:$0x1B680] =	vst v63  }
0x2d: {  	_ =	swait.ge [sflag:s16], $0x1A00  }
0x2e: {  	[sflag:s16] =	ssyncset.done $0x0  }
0x2f: {  	s12 =	rddreg [dreg:$0x5];
	[sflag:s16] =	ssyncadd.s32 $0xFFFFE600  }
0x30: {  	[spmem:s12] =	stream.linear.scatter [tilespmem:s21], [sflag:$0xB], $0x1A00, $0x38;
	[tilespmem:$0x1B680] =	vst v63  }
0x31: {  	_ =	swait.ge [sflag:s16], $0x1A00  }
0x32: {  	[sflag:s16] =	ssyncset.done $0x0  }
0x33: {  	s11 =	rddreg [dreg:$0x6];
	[sflag:s16] =	ssyncadd.s32 $0xFFFFE600  }
0x34: {  	[spmem:s11] =	stream.linear.scatter [tilespmem:s21], [sflag:$0xB], $0x1A00, $0x38;
	[tilespmem:$0x1B680] =	vst v63  }
0x35: {  	_ =	swait.ge [sflag:s16], $0x1A00  }
0x36: {  	[sflag:s16] =	ssyncset.done $0x0  }
0x37: {  	s12 =	rddreg [dreg:$0x7];
	[sflag:s16] =	ssyncadd.s32 $0xFFFFE600  }
0x38: {  	[spmem:s12] =	stream.linear.scatter [tilespmem:s21], [sflag:$0xB], $0x1A00, $0x38;
	[tilespmem:$0x1B680] =	vst v63  }
0x39: {  	_ =	swait.ge [sflag:s16], $0x1A00  }
0x3a: {  	[sflag:s16] =	ssyncset.done $0x0  }
0x3b: {  	s11 =	rddreg [dreg:$0x8];
	[sflag:s16] =	ssyncadd.s32 $0xFFFFE600  }
0x3c: {  	[spmem:s11] =	stream.linear.scatter [tilespmem:s21], [sflag:$0xB], $0x1A00, $0x38;
	[tilespmem:$0x1B680] =	vst v63  }
0x3d: {  	_ =	swait.ge [sflag:s16], $0x1A00  }
0x3e: {  	[sflag:s16] =	ssyncset.done $0x0  }
0x3f: {  	s12 =	rddreg [dreg:$0x9];
	[sflag:s16] =	ssyncadd.s32 $0xFFFFE600  }
0x40: {  	[spmem:s12] =	stream.linear.scatter [tilespmem:s21], [sflag:$0xB], $0x1A00, $0x38;
	[tilespmem:$0x1B680] =	vst v63  }
0x41: {  	_ =	swait.ge [sflag:s16], $0x1A00  }
0x42: {  	[sflag:s16] =	ssyncset.done $0x0  }
0x43: {  	s10 =	simm.s32 @!p0 $0x10040;
	[sflag:s16] =	ssyncadd.s32 $0xFFFFE600  }
0x44: {  	[spmem:s13] =	stream.linear.scatter @!p0 [tilespmem:s10], [sflag:$0xB], $0x400, $0x38;
	[tilespmem:$0x1B680] =	vst v63  }
0x45: {  	s10 =	simm.s32 @!p0 $0xB  }
0x46: {  	_ =	swait.ge @!p0 [sflag:s10], $0x400  }
0x47: {  	[sflag:s10] =	ssyncset.done @!p0 $0x0  }
0x48: {  	[sflag:s10] =	ssyncadd.s32 @!p0 $0xFFFFFC00  }
0x49: {  	s11 =	simm.s32 $0xA0;
	[bflag:$0x0] =	sbarrier.arrive $0xFFFF  }
0x4a: {  	[tilespmem:s23], [sflag:$0x3] =	stream.indirect.gather [hbm4b:s6+s18], $0x40, s11, s18, $0xb8;
	[tilespmem:$0x1B680] =	vst v63  }
0x4b: {  	_ =	swait.ge [sflag:s24], $0x1400  }
0x4c: {  	[sflag:s24] =	ssyncset.done $0x0  }
0x4d: {  	[sflag:s24] =	ssyncadd.s32 $0xFFFFEC00  }
0x4e: {  	[spmem:s2] =	stream.indirect.scatter.add.f32 [tilespmem:s19], [sflag:$0x6], $0x40, s17, s18, $0xb8;
	[tilespmem:$0x1B680] =	vst v63  }
0x4f: {  	s12 =	simm.s32 $0xF0  }
0x50: {  	[tilespmem:s28], [sflag:$0x4] =	stream.indirect.gather [hbm4b:s6+s18], $0x40, s12, s18, $0xb8;
	[tilespmem:$0x1B680] =	vst v63  }
0x51: {  	_ =	swait.ge [sflag:s29], $0x1400  }
0x52: {  	[sflag:s29] =	ssyncset.done $0x0  }
0x53: {  	s11 =	simm.s32 $0x4E70;
	[sflag:s29] =	ssyncadd.s32 $0xFFFFEC00  }
0x54: {  	[spmem:s2] =	stream.indirect.scatter.add.f32 [tilespmem:s20], [sflag:$0x7], $0x40, s11, s18, $0xb8;
	[tilespmem:$0x1B680] =	vst v63  }
0x55: {  	s12 =	simm.s32 $0x140  }
0x56: {  	[tilespmem:s0], [sflag:$0x5] =	stream.indirect.gather [hbm4b:s6+s18], $0x40, s12, s18, $0xb8;
	[tilespmem:$0x1B680] =	vst v63  }
0x57: {  	_ =	swait.ge [sflag:s22], $0x1400  }
0x58: {  	[sflag:s22] =	ssyncset.done $0x0  }
0x59: {  	s11 =	simm.s32 $0x4EC0;
	[sflag:s22] =	ssyncadd.s32 $0xFFFFEC00  }
0x5a: {  	[spmem:s2] =	stream.indirect.scatter.add.f32 [tilespmem:s23], [sflag:$0x8], $0x40, s11, s18, $0xb8;
	[tilespmem:$0x1B680] =	vst v63  }
0x5b: {  	_ =	swait.ge [sflag:s30], $0x1400  }
0x5c: {  	[sflag:s30] =	ssyncset.done $0x0  }
0x5d: {  	s12 =	simm.s32 $0x190;
	[sflag:s30] =	ssyncadd.s32 $0xFFFFEC00  }
0x5e: {  	[tilespmem:s19], [sflag:$0x1] =	stream.indirect.gather [hbm4b:s6+s18], $0x40, s12, s18, $0xb8;
	[tilespmem:$0x1B680] =	vst v63  }
0x5f: {  	_ =	swait.ge [sflag:s26], $0x1400  }
0x60: {  	[sflag:s26] =	ssyncset.done $0x0  }
0x61: {  	s11 =	simm.s32 $0x4F10;
	[sflag:s26] =	ssyncadd.s32 $0xFFFFEC00  }
0x62: {  	[spmem:s2] =	stream.indirect.scatter.add.f32 [tilespmem:s28], [sflag:$0x9], $0x40, s11, s18, $0xb8;
	[tilespmem:$0x1B680] =	vst v63  }
0x63: {  	_ =	swait.ge [sflag:s1], $0x1400  }
0x64: {  	[sflag:s1] =	ssyncset.done $0x0  }
0x65: {  	s12 =	simm.s32 $0x1E0;
	[sflag:s1] =	ssyncadd.s32 $0xFFFFEC00  }
0x66: {  	[tilespmem:s20], [sflag:$0x2] =	stream.indirect.gather [hbm4b:s6+s18], $0x40, s12, s18, $0xb8;
	[tilespmem:$0x1B680] =	vst v63  }
0x67: {  	_ =	swait.ge [sflag:s31], $0x1400  }
0x68: {  	[sflag:s31] =	ssyncset.done $0x0  }
0x69: {  	s11 =	simm.s32 $0x4F60;
	[sflag:s31] =	ssyncadd.s32 $0xFFFFEC00  }
0x6a: {  	[spmem:s2] =	stream.indirect.scatter.add.f32 [tilespmem:s0], [sflag:$0xA], $0x40, s11, s18, $0xb8;
	[tilespmem:$0x1B680] =	vst v63  }
0x6b: {  	_ =	swait.ge [sflag:s4], $0x1400  }
0x6c: {  	[sflag:s4] =	ssyncset.done $0x0  }
0x6d: {  	s12 =	simm.s32 $0x230;
	[sflag:s4] =	ssyncadd.s32 $0xFFFFEC00  }
0x6e: {  	[tilespmem:s23], [sflag:$0x3] =	stream.indirect.gather [hbm4b:s6+s18], $0x40, s12, s18, $0xb8;
	[tilespmem:$0x1B680] =	vst v63  }
0x6f: {  	_ =	swait.ge [sflag:s24], $0x1400  }
0x70: {  	[sflag:s24] =	ssyncset.done $0x0  }
0x71: {  	s11 =	simm.s32 $0x4FB0;
	[sflag:s24] =	ssyncadd.s32 $0xFFFFEC00  }
0x72: {  	[spmem:s2] =	stream.indirect.scatter.add.f32 [tilespmem:s19], [sflag:$0x6], $0x40, s11, s18, $0xb8;
	[tilespmem:$0x1B680] =	vst v63  }
0x73: {  	_ =	swait.ge [sflag:s5], $0x1400  }
0x74: {  	[sflag:s5] =	ssyncset.done $0x0  }
0x75: {  	s12 =	simm.s32 $0x280;
	[sflag:s5] =	ssyncadd.s32 $0xFFFFEC00  }
0x76: {  	[tilespmem:s28], [sflag:$0x4] =	stream.indirect.gather [hbm4b:s6+s18], $0x40, s12, s18, $0xb8;
	[tilespmem:$0x1B680] =	vst v63  }
0x77: {  	_ =	swait.ge [sflag:s29], $0x1400  }
0x78: {  	[sflag:s29] =	ssyncset.done $0x0  }
0x79: {  	s11 =	simm.s32 $0x5000;
	[sflag:s29] =	ssyncadd.s32 $0xFFFFEC00  }
0x7a: {  	[spmem:s2] =	stream.indirect.scatter.add.f32 [tilespmem:s20], [sflag:$0x7], $0x40, s11, s18, $0xb8;
	[tilespmem:$0x1B680] =	vst v63  }
0x7b: {  	_ =	swait.ge [sflag:s8], $0x1400  }
0x7c: {  	[sflag:s8] =	ssyncset.done $0x0  }
0x7d: {  	s12 =	simm.s32 $0x2D0;
	[sflag:s8] =	ssyncadd.s32 $0xFFFFEC00  }
0x7e: {  	[tilespmem:s0], [sflag:$0x5] =	stream.indirect.gather [hbm4b:s6+s18], $0x40, s12, s18, $0xb8;
	[tilespmem:$0x1B680] =	vst v63  }
0x7f: {  	_ =	swait.ge [sflag:s22], $0x1400  }
0x80: {  	[sflag:s22] =	ssyncset.done $0x0  }
0x81: {  	s11 =	simm.s32 $0x5050;
	[sflag:s22] =	ssyncadd.s32 $0xFFFFEC00  }
0x82: {  	[spmem:s2] =	stream.indirect.scatter.add.f32 [tilespmem:s23], [sflag:$0x8], $0x40, s11, s18, $0xb8;
	[tilespmem:$0x1B680] =	vst v63  }
0x83: {  	_ =	swait.ge [sflag:s30], $0x1400  }
0x84: {  	[sflag:s30] =	ssyncset.done $0x0  }
0x85: {  	s12 =	simm.s32 $0x320;
	[sflag:s30] =	ssyncadd.s32 $0xFFFFEC00  }
0x86: {  	[tilespmem:s19], [sflag:$0x1] =	stream.indirect.gather [hbm4b:s6+s18], $0x40, s12, s18, $0xb8;
	[tilespmem:$0x1B680] =	vst v63  }
0x87: {  	_ =	swait.ge [sflag:s26], $0x1400  }
0x88: {  	[sflag:s26] =	ssyncset.done $0x0  }
0x89: {  	s11 =	simm.s32 $0x50A0;
	[sflag:s26] =	ssyncadd.s32 $0xFFFFEC00  }
0x8a: {  	[spmem:s2] =	stream.indirect.scatter.add.f32 [tilespmem:s28], [sflag:$0x9], $0x40, s11, s18, $0xb8;
	[tilespmem:$0x1B680] =	vst v63  }
0x8b: {  	_ =	swait.ge [sflag:s1], $0x1400  }
0x8c: {  	[sflag:s1] =	ssyncset.done $0x0  }
0x8d: {  	s12 =	simm.s32 $0x370;
	[sflag:s1] =	ssyncadd.s32 $0xFFFFEC00  }
0x8e: {  	[tilespmem:s20], [sflag:$0x2] =	stream.indirect.gather [hbm4b:s6+s18], $0x40, s12, s18, $0xb8;
	[tilespmem:$0x1B680] =	vst v63  }
0x8f: {  	_ =	swait.ge [sflag:s31], $0x1400  }
0x90: {  	[sflag:s31] =	ssyncset.done $0x0  }
0x91: {  	s10 =	simm.s32 $0x640;
	s11 =	simm.s32 $0x50F0;
	[sflag:s31] =	ssyncadd.s32 $0xFFFFEC00  }
.LBB2_4:
0x92: {  	[spmem:s2] =	stream.indirect.scatter.add.f32 [tilespmem:s0], [sflag:$0xA], $0x40, s11, s18, $0xb8;
	[tilespmem:$0x1B680] =	vst v63  }
0x93: {  	s11 =	smov.u32 s10;
	s10 =	sadd.s32 $0x640, s10;
	_ =	swait.ge [sflag:s4], $0x1400  }
0x94: {  	s11 =	sshra.s32 s11, $0x2;
	p1 =	sne.s32 s10, $0x12C00;
	[sflag:s4] =	ssyncset.done $0x0  }
0x95: {  	s12 =	sadd.s32 $0x230, s11;
	[sflag:s4] =	ssyncadd.s32 $0xFFFFEC00  }
0x96: {  	[tilespmem:s23], [sflag:$0x3] =	stream.indirect.gather [hbm4b:s6+s18], $0x40, s12, s18, $0xb8;
	[tilespmem:$0x1B680] =	vst v63  }
0x97: {  	_ =	swait.ge [sflag:s24], $0x1400  }
0x98: {  	[sflag:s24] =	ssyncset.done $0x0  }
0x99: {  	s12 =	sadd.s32 $0x4FB0, s11;
	[sflag:s24] =	ssyncadd.s32 $0xFFFFEC00  }
0x9a: {  	[spmem:s2] =	stream.indirect.scatter.add.f32 [tilespmem:s19], [sflag:$0x6], $0x40, s12, s18, $0xb8;
	[tilespmem:$0x1B680] =	vst v63  }
0x9b: {  	_ =	swait.ge [sflag:s5], $0x1400  }
0x9c: {  	[sflag:s5] =	ssyncset.done $0x0  }
0x9d: {  	s12 =	sadd.s32 $0x280, s11;
	[sflag:s5] =	ssyncadd.s32 $0xFFFFEC00  }
0x9e: {  	[tilespmem:s28], [sflag:$0x4] =	stream.indirect.gather [hbm4b:s6+s18], $0x40, s12, s18, $0xb8;
	[tilespmem:$0x1B680] =	vst v63  }
0x9f: {  	_ =	swait.ge [sflag:s29], $0x1400  }
0xa0: {  	[sflag:s29] =	ssyncset.done $0x0  }
0xa1: {  	s12 =	sadd.s32 $0x5000, s11;
	[sflag:s29] =	ssyncadd.s32 $0xFFFFEC00  }
0xa2: {  	[spmem:s2] =	stream.indirect.scatter.add.f32 [tilespmem:s20], [sflag:$0x7], $0x40, s12, s18, $0xb8;
	[tilespmem:$0x1B680] =	vst v63  }
0xa3: {  	_ =	swait.ge [sflag:s8], $0x1400  }
0xa4: {  	[sflag:s8] =	ssyncset.done $0x0  }
0xa5: {  	s12 =	sadd.s32 $0x2D0, s11;
	[sflag:s8] =	ssyncadd.s32 $0xFFFFEC00  }
0xa6: {  	[tilespmem:s0], [sflag:$0x5] =	stream.indirect.gather [hbm4b:s6+s18], $0x40, s12, s18, $0xb8;
	[tilespmem:$0x1B680] =	vst v63  }
0xa7: {  	_ =	swait.ge [sflag:s22], $0x1400  }
0xa8: {  	[sflag:s22] =	ssyncset.done $0x0  }
0xa9: {  	s12 =	sadd.s32 $0x5050, s11;
	[sflag:s22] =	ssyncadd.s32 $0xFFFFEC00  }
0xaa: {  	[spmem:s2] =	stream.indirect.scatter.add.f32 [tilespmem:s23], [sflag:$0x8], $0x40, s12, s18, $0xb8;
	[tilespmem:$0x1B680] =	vst v63  }
0xab: {  	_ =	swait.ge [sflag:s30], $0x1400  }
0xac: {  	[sflag:s30] =	ssyncset.done $0x0  }
0xad: {  	s12 =	sadd.s32 $0x320, s11;
	[sflag:s30] =	ssyncadd.s32 $0xFFFFEC00  }
0xae: {  	[tilespmem:s19], [sflag:$0x1] =	stream.indirect.gather [hbm4b:s6+s18], $0x40, s12, s18, $0xb8;
	[tilespmem:$0x1B680] =	vst v63  }
0xaf: {  	_ =	swait.ge [sflag:s26], $0x1400  }
0xb0: {  	[sflag:s26] =	ssyncset.done $0x0  }
0xb1: {  	s12 =	sadd.s32 $0x50A0, s11;
	[sflag:s26] =	ssyncadd.s32 $0xFFFFEC00  }
0xb2: {  	[spmem:s2] =	stream.indirect.scatter.add.f32 [tilespmem:s28], [sflag:$0x9], $0x40, s12, s18, $0xb8;
	[tilespmem:$0x1B680] =	vst v63  }
0xb3: {  	_ =	swait.ge [sflag:s1], $0x1400  }
0xb4: {  	[sflag:s1] =	ssyncset.done $0x0  }
.Ltmp1:
0xb5: {  	s12 =	sadd.s32 $0x370, s11;
	[sflag:s1] =	ssyncadd.s32 $0xFFFFEC00;
	(pc) =	sbr.rel @p1 .LBB2_4-.Ltmp1, $4  }
0xb6: {  	[tilespmem:s20], [sflag:$0x2] =	stream.indirect.gather [hbm4b:s6+s18], $0x40, s12, s18, $0xb8;
	[tilespmem:$0x1B680] =	vst v63  }
0xb7: {  	_ =	swait.ge [sflag:s31], $0x1400  }
0xb8: {  	[sflag:s31] =	ssyncset.done $0x0  }
0xb9: {  	s11 =	sadd.s32 $0x50F0, s11;
	[sflag:s31] =	ssyncadd.s32 $0xFFFFEC00  }
0xba: {  	[spmem:s2] =	stream.indirect.scatter.add.f32 [tilespmem:s0], [sflag:$0xA], $0x40, s11, s18, $0xb8;
	[tilespmem:$0x1B680] =	vst v63  }
0xbb: {  	_ =	swait.ge [sflag:s4], $0x1400  }
0xbc: {  	s10 =	sshra.s32 s10, $0x2;
	[sflag:s4] =	ssyncset.done $0x0  }
0xbd: {  	s12 =	sadd.s32 $0x230, s10;
	[sflag:s4] =	ssyncadd.s32 $0xFFFFEC00  }
0xbe: {  	[tilespmem:s23], [sflag:$0x3] =	stream.indirect.gather [hbm4b:s6+s18], $0x40, s12, s18, $0xb8;
	[tilespmem:$0x1B680] =	vst v63  }
0xbf: {  	_ =	swait.ge [sflag:s24], $0x1400  }
0xc0: {  	[sflag:s24] =	ssyncset.done $0x0  }
0xc1: {  	s12 =	sadd.s32 $0x4FB0, s10;
	[sflag:s24] =	ssyncadd.s32 $0xFFFFEC00  }
0xc2: {  	[spmem:s2] =	stream.indirect.scatter.add.f32 [tilespmem:s19], [sflag:$0x6], $0x40, s12, s18, $0xb8;
	[tilespmem:$0x1B680] =	vst v63  }
0xc3: {  	_ =	swait.ge [sflag:s5], $0x1400  }
0xc4: {  	[sflag:s5] =	ssyncset.done $0x0  }
0xc5: {  	s12 =	sadd.s32 $0x280, s10;
	[sflag:s5] =	ssyncadd.s32 $0xFFFFEC00  }
0xc6: {  	[tilespmem:s28], [sflag:$0x4] =	stream.indirect.gather [hbm4b:s6+s18], $0x40, s12, s18, $0xb8;
	[tilespmem:$0x1B680] =	vst v63  }
0xc7: {  	_ =	swait.ge [sflag:s29], $0x1400  }
0xc8: {  	[sflag:s29] =	ssyncset.done $0x0  }
0xc9: {  	s12 =	sadd.s32 $0x5000, s10;
	[sflag:s29] =	ssyncadd.s32 $0xFFFFEC00  }
0xca: {  	[spmem:s2] =	stream.indirect.scatter.add.f32 [tilespmem:s20], [sflag:$0x7], $0x40, s12, s18, $0xb8;
	[tilespmem:$0x1B680] =	vst v63  }
0xcb: {  	_ =	swait.ge [sflag:s8], $0x1400  }
0xcc: {  	[sflag:s8] =	ssyncset.done $0x0  }
0xcd: {  	s12 =	simm.s32 $0x4DD0;
	[sflag:s8] =	ssyncadd.s32 $0xFFFFEC00  }
0xce: {  	[tilespmem:s0], [sflag:$0x5] =	stream.indirect.gather [hbm4b:s6+s18], $0x40, s12, s18, $0xb8;
	[tilespmem:$0x1B680] =	vst v63  }
0xcf: {  	_ =	swait.ge [sflag:s22], $0x1400  }
0xd0: {  	[sflag:s22] =	ssyncset.done $0x0  }
0xd1: {  	s12 =	sadd.s32 $0x5050, s10;
	[sflag:s22] =	ssyncadd.s32 $0xFFFFEC00  }
0xd2: {  	[spmem:s2] =	stream.indirect.scatter.add.f32 [tilespmem:s23], [sflag:$0x8], $0x40, s12, s18, $0xb8;
	[tilespmem:$0x1B680] =	vst v63  }
0xd3: {  	_ =	swait.ge [sflag:s26], $0x1400  }
0xd4: {  	[sflag:s26] =	ssyncset.done $0x0  }
0xd5: {  	s10 =	sadd.s32 $0x50A0, s10;
	[sflag:s26] =	ssyncadd.s32 $0xFFFFEC00  }
0xd6: {  	[spmem:s2] =	stream.indirect.scatter.add.f32 [tilespmem:s28], [sflag:$0x9], $0x40, s10, s18, $0xb8;
	[tilespmem:$0x1B680] =	vst v63  }
0xd7: {  	_ =	swait.ge [sflag:s31], $0x1400  }
0xd8: {  	[sflag:s31] =	ssyncset.done $0x0  }
0xd9: {  	s12 =	simm.s32 $0x9BF0;
	[sflag:s31] =	ssyncadd.s32 $0xFFFFEC00  }
0xda: {  	[spmem:s2] =	stream.indirect.scatter.add.f32 [tilespmem:s0], [sflag:$0xA], $0x40, s12, s18, $0xb8;
	[tilespmem:$0x1B680] =	vst v63  }
0xdb: {  	_ =	swait.ge [sflag:s30], $0x1400  }
0xdc: {  	[sflag:s30] =	ssyncset.done $0x0  }
0xdd: {  	[sflag:s30] =	ssyncadd.s32 $0xFFFFEC00  }
0xde: {  	_ =	swait.ge [sflag:s1], $0x1400  }
0xdf: {  	[sflag:s1] =	ssyncset.done $0x0  }
0xe0: {  	[sflag:s1] =	ssyncadd.s32 $0xFFFFEC00  }
0xe1: {  	_ =	swait.ge [sflag:s4], $0x1400  }
0xe2: {  	[sflag:s4] =	ssyncset.done $0x0  }
0xe3: {  	[sflag:s4] =	ssyncadd.s32 $0xFFFFEC00  }
0xe4: {  	_ =	swait.ge [sflag:s5], $0x1400  }
0xe5: {  	[sflag:s5] =	ssyncset.done $0x0  }
0xe6: {  	[sflag:s5] =	ssyncadd.s32 $0xFFFFEC00  }
0xe7: {  	_ =	swait.ge [sflag:s8], $0x1400  }
0xe8: {  	s11 =	stileid.u32;
	[sflag:s8] =	ssyncset.done $0x0  }
0xe9: {  	s10 =	sshll.u32 s11, $0x6;
	[sflag:s8] =	ssyncadd.s32 $0xFFFFEC00  }
0xea: {  	s10 =	sor.u32 $0x1C0B, s10;
	s12 =	sshrl.u32 s7, $0x3;
	[bflag:$0x0] =	sbarrier.arrive $0xFFFF  }
0xeb: {  	[hbm:s25], [sflag:s10] =	dma.local [spmem:s12], $0x1380  }
0xec: {  	s9 =	sadd.s32 $0x1, s9;
	_ =	swait.ge [sflag:s16], $0x1380  }
0xed: {  	p1 =	sne.s32 s9, s15;
	[sflag:s16] =	ssyncset.done $0x0  }
0xee: {  	s11 =	sadd.s32 @!p0 $0x13800, s14;
	s12 =	sshrl.u32 @!p0 s13, $0x3;
	[sflag:s16] =	ssyncadd.s32 $0xFFFFEC80  }
0xef: {  	[hbm:s11], [sflag:s10] =	dma.local @!p0 [spmem:s12], $0x80  }
.Ltmp2:
0xf0: {  	_ = 	snop;
	(pc) =	sbr.rel @p1 .LBB2_1-.Ltmp2, $4  }
0xf1: {  	s10 =	simm.s32 @!p0 $0xB  }
0xf2: {  	_ =	swait.ge @!p0 [sflag:s10], $0x80  }
0xf3: {  	[sflag:s10] =	ssyncset.done @!p0 $0x0  }
0xf4: {  	[sflag:s10] =	ssyncadd.s32 @!p0 $0xFFFFFF80  }
0xf5: {  	_ =	sfence.sel $0x180000  }
0xf6: {  	[bflag:$0x0] =	sbarrier.arrive $0xFFFF  }
0xf7: {  	_ =	strace $0x9000004A  }
0xf8: {  	s0 =	stileid.u32;
	[bflag:$0x2] =	sbarrier.arrive $0xFFFF  }
0xf9: {  	p0 =	sne.s32 s0, $0x0;
	s0 =	rddreg [dreg:$0x2]  }
0xfa: {  	s0 =	sadd.s32 @!p0 $0x100000, s0  }
0xfb: {  	[sflag:s0] =	ssyncadd.tile.s32 @!p0 $0x1;
	_ =	shalt  }
.Lfunc_end2:
_tile_overlayer_lowered:
.L_overlay_start_2:
0xfc: {  	(tag) =	ssettag $0x2  }
0xfd: {  	s0 =	rddreg [dreg:$0x0];
	s2 =	stileid.u32  }
0xfe: {  	s1 =	rddreg [dreg:$0x1];
	p0 =	sne.s32 s2, $0x0  }
0xff: {  	s3 =	rddreg [dreg:$0x2];
	[bflag:$0x3] =	sbarrier.arrive $0xFFFF;
	s2 =	simm.s32 @!p0 $0x1C0B  }
0x100: {  	[timem:s3], [sflag:s2] =	dma.local @!p0 [hbm:s0], s1  }
0x101: {  	s0 =	simm.s32 @!p0 $0xB  }
0x102: {  	_ =	swait.ge @!p0 [sflag:s0], s1  }
0x103: {  	s1 =	ssub.s32 @!p0 $0x0, s1;
	[sflag:s0] =	ssyncset.done @!p0 $0x0  }
0x104: {  	[sflag:s0] =	ssyncadd.s32 @!p0 s1  }
0x105: {  	[bflag:$0x3] =	sbarrier.arrive $0xFFFF  }
0x106: {  	_ =	shalt  }

// kernel: kernel.14.cloned.1.call-start
scs
__scs_entry_jumppad:
0x0: {  	(pc) =	sbr.rel $0x88, $3  }
0x1: {  	(tag) =	ssettag $0x0;
	lr =	simm.s32 $0x1  }
0x2: {  	[smem:$0x3F8E] =	sst lr;
	_ =	strace $0xD0000000  }
0x3: {  	_ = 	snop  }
0x4: {  	_ = 	snop  }
0x5: {  	_ = 	snop  }
0x6: {  	_ = 	snop  }
0x7: {  	_ = 	snop  }
__scs_overlays_trampoline_lowered:
0x8: {  	[smem:$0x3F9D] =	sst s0  }
0x9: {  	[smem:$0x3F9E] =	sst s1  }
0xa: {  	[smem:$0x3F9F] =	sst s2  }
0xb: {  	[smem:$0x3FA0] =	sst s3  }
0xc: {  	[smem:$0x3FA1] =	sst s4  }
0xd: {  	[smem:$0x3FA2] =	sst s5  }
0xe: {  	[smem:$0x3FA3] =	sst s6  }
0xf: {  	[smem:$0x3FA4] =	sst s7  }
0x10: {  	[smem:$0x3FA5] =	sst s8  }
0x11: {  	[smem:$0x3FA6] =	sst s9;
	s0 =	simm.s32 @!p0 $0x0  }
0x12: {  	s1 =	sld [smem:$0x3F8C];
	s0 =	simm.s32 @p0 $0x1  }
0x13: {  	[smem:$0x3FA7] =	sst s0;
	s0 =	simm.s32 @!p1 $0x0  }
0x14: {  	s2 =	sld [smem:$0x3F8B];
	s0 =	simm.s32 @p1 $0x1  }
0x15: {  	[smem:$0x3FA8] =	sst s0;
	s0 =	simm.s32 @!p2 $0x0  }
0x16: {  	s3 =	sld [smem:$0x3FDB];
	s0 =	simm.s32 @p2 $0x1  }
0x17: {  	s4 =	simm.s32 $0x1BF5;
	[smem:$0x3FAA] =	sst s0  }
0x18: {  	s0 =	sld [smem:$0x3F8D];
	_ =	swait.ge [sflag:s4], $0x0  }
0x19: {  	s7 =	sld [smem:$0x3F8E]  }
0x1a: {  	s8 =	sadd.s32 $0xFFFFE003, lr  }
0x1b: {  	s9 =	sadd.s32 $0xFFFFFEF7, lr;
	s5 =	simm.s32 $0xFFFFFFFF;
	p2 =	slt.u32 s8, $0xFFFFF086  }
0x1c: {  	p1 =	slt.u32 s9, $0xF7A;
	s5 =	simm.s32 @!p2 $0x0  }
0x1d: {  	s5 =	simm.s32 @p1 $0x1;
	p0 =	seq.s32 s7, s2  }
0x1e: {  	s7 =	smul.u32 @!p0 $0xF7A, s2;
	p2 =	seq.s32 @!p0 s5, $0x0  }
0x1f: {  	s9 =	smul.u32 $0xF7A, s1;
	s8 =	simm.s32 @!p0 $0x1BF5;
	p2 =	por !p2, p0  }
0x20: {  	[sflag:s8] =	ssyncset.s32 @!p0 $0xFFFFF086;
	s6 =	sadd.s32 @!p0 s3, s7;
	s7 =	simm.s32 @!p0 $0x108  }
0x21: {  	s3 =	sadd.s32 s3, s9;
	s6 =	sadd.s32 @!p0 $0x88, s6;
	s7 =	simm.s32 @p2 $0x1082  }
0x22: {  	[simem:s7], [sflag:s8] =	dma.local @!p0 [hbm:s6], $0xF7A  }
0x23: {  	s9 =	sor.u32 $0xD0000000, s2;
	s6 =	simm.s32 $0x108;
	_ =	swait.ge @!p0 [sflag:s8], $0x0  }
0x24: {  	s3 =	sadd.s32 $0x88, s3;
	s6 =	simm.s32 @!p1 $0x1082;
	[sflag:s4] =	ssyncset.s32 $0xFFFFF086  }
0x25: {  	[simem:s6], [sflag:s4] =	dma.local [hbm:s3], $0xF7A  }
0x26: {  	[smem:$0x3F8E] =	sst s1;
	(tag) =	ssettag s2;
	_ =	strace s9  }
0x27: {  	s1 =	sld [smem:$0x3F9E]  }
0x28: {  	s2 =	sld [smem:$0x3F9F]  }
0x29: {  	s4 =	sld [smem:$0x3FA1]  }
0x2a: {  	p0 =	seq.s32 s5, $0x0;
	s5 =	sld [smem:$0x3FA2]  }
0x2b: {  	s6 =	sld [smem:$0x3FA3]  }
0x2c: {  	s7 =	sld [smem:$0x3FA4]  }
0x2d: {  	s3 =	simm.s32 $0x108;
	s8 =	sld [smem:$0x3FA5]  }
0x2e: {  	s3 =	simm.s32 @!p0 $0x1082;
	s9 =	sld [smem:$0x3FA6]  }
0x2f: {  	lr =	sadd.s32 s0, s3;
	s0 =	sld [smem:$0x3F9D]  }
0x30: {  	s3 =	sld [smem:$0x3FA0]  }
0x31: {  	[smem:$0x3FA9] =	sst s10  }
0x32: {  	s10 =	sld [smem:$0x3FA7];
	_ =	sdelay $0x3  }
0x33: {  	p0 =	seq.s32 s10, $0x1;
	s10 =	sld [smem:$0x3FA9];
	_ =	sdelay $0x3  }
0x34: {  	[smem:$0x3FA9] =	sst s10  }
0x35: {  	s10 =	sld [smem:$0x3FA8];
	_ =	sdelay $0x3  }
0x36: {  	p1 =	seq.s32 s10, $0x1;
	s10 =	sld [smem:$0x3FA9];
	_ =	sdelay $0x3  }
0x37: {  	[smem:$0x3FA9] =	sst s10  }
0x38: {  	s10 =	sld [smem:$0x3FAA]  }
0x39: {  	_ = 	snop;
	(pc) =	sbr.ind lr, $3  }
0x3a: {  	_ = 	snop  }
0x3b: {  	_ = 	snop  }
0x3c: {  	p2 =	seq.s32 s10, $0x1;
	s10 =	sld [smem:$0x3FA9]  }
0x3d: {  	_ =	shalt  }
0x3e: {  	_ =	shalt  }
0x3f: {  	_ =	shalt  }
0x40: {  	_ =	shalt  }
0x41: {  	_ =	shalt  }
0x42: {  	_ =	shalt  }
0x43: {  	_ =	shalt  }
0x44: {  	_ =	shalt  }
0x45: {  	_ =	shalt  }
0x46: {  	_ =	shalt  }
0x47: {  	_ =	shalt  }
0x48: {  	_ =	shalt  }
0x49: {  	_ =	shalt  }
0x4a: {  	_ =	shalt  }
0x4b: {  	_ =	shalt  }
0x4c: {  	_ =	shalt  }
0x4d: {  	_ =	shalt  }
0x4e: {  	_ =	shalt  }
0x4f: {  	_ =	shalt  }
0x50: {  	_ =	shalt  }
0x51: {  	_ =	shalt  }
0x52: {  	_ =	shalt  }
0x53: {  	_ =	shalt  }
0x54: {  	_ =	shalt  }
0x55: {  	_ =	shalt  }
0x56: {  	_ =	shalt  }
0x57: {  	_ =	shalt  }
0x58: {  	_ =	shalt  }
0x59: {  	_ =	shalt  }
0x5a: {  	_ =	shalt  }
0x5b: {  	_ =	shalt  }
0x5c: {  	_ =	shalt  }
0x5d: {  	_ =	shalt  }
0x5e: {  	_ =	shalt  }
0x5f: {  	_ =	shalt  }
0x60: {  	_ =	shalt  }
0x61: {  	_ =	shalt  }
0x62: {  	_ =	shalt  }
0x63: {  	_ =	shalt  }
0x64: {  	_ =	shalt  }
0x65: {  	_ =	shalt  }
0x66: {  	_ =	shalt  }
0x67: {  	_ =	shalt  }
0x68: {  	_ =	shalt  }
0x69: {  	_ =	shalt  }
0x6a: {  	_ =	shalt  }
0x6b: {  	_ =	shalt  }
0x6c: {  	_ =	shalt  }
0x6d: {  	_ =	shalt  }
0x6e: {  	_ =	shalt  }
0x6f: {  	_ =	shalt  }
0x70: {  	_ =	shalt  }
0x71: {  	_ =	shalt  }
0x72: {  	_ =	shalt  }
0x73: {  	_ =	shalt  }
0x74: {  	_ =	shalt  }
0x75: {  	_ =	shalt  }
0x76: {  	_ =	shalt  }
0x77: {  	_ =	shalt  }
0x78: {  	_ =	shalt  }
0x79: {  	_ =	shalt  }
0x7a: {  	_ =	shalt  }
0x7b: {  	_ =	shalt  }
0x7c: {  	_ =	shalt  }
0x7d: {  	_ =	shalt  }
0x7e: {  	_ =	shalt  }
0x7f: {  	_ =	shalt  }
0x80: {  	_ =	shalt  }
0x81: {  	_ =	shalt  }
0x82: {  	_ =	shalt  }
0x83: {  	_ =	shalt  }
0x84: {  	_ =	shalt  }
0x85: {  	_ =	shalt  }
0x86: {  	_ =	shalt  }
0x87: {  	_ =	shalt  }
.Lfunc_end0:
.L_simem_size_0:
called_computation.2_lowered:
.L_overlay_start_0:
0x88: {  	s2 =	sld [smem:$0x3FD9]  }
0x89: {  	s3 =	sld [smem:$0x3FFE];
	_ =	sdelay $0x1  }
0x8a: {  	s1 =	srdreg.scid  }
0x8b: {  	s0 =	sand.u32 $0x1, s1  }
0x8c: {  	s16 =	sshll.u32 s0, $0xA;
	s2 =	sadd.s32 s3, s2  }
0x8d: {  	s2 =	sadd.s32 s2, s16  }
0x8e: {  	[smem:$0x3FB5] =	sst s2  }
0x8f: {  	_ = 	snop  }
0x90: {  	(tm) =	ssettm $0x1  }
0x91: {  	s17 =	sld [smem:$0x3FFB];
	_ =	sdelay $0x3  }
0x92: {  	_ =	strace s17  }
0x93: {  	s2 =	sld [smem:$0x3FFC];
	_ =	sdelay $0x3  }
0x94: {  	_ =	strace s2  }
0x95: {  	s2 =	sld [smem:$0x3FFD];
	_ =	sdelay $0x3  }
0x96: {  	_ =	strace s2  }
0x97: {  	_ =	strace $0x8FFFFFFF  }
0x98: {  	s18 =	sld [smem:$0x3FDB];
	_ =	sdelay $0x1  }
0x99: {  	s19 =	simm.s32 $_scs_section_size  }
0x9a: {  	s4 =	simm.s32 $_size__tile_overlayer_lowered;
	s5 =	simm.s32 $_tile_overlayer_lowered  }
0x9b: {  	s22 =	simm.s32 $0x1BFF;
	s21 =	sshll.u32 s5, $0x1;
	s2 =	sadd.s32 s19, s18  }
0x9c: {  	s6 =	simm.s32 $0x0;
	s20 =	sshll.u32 s4, $0x1;
	s4 =	sadd.s32 s21, s2  }
0x9d: {  	[timem:s6], [sflag:s22] =	dma.local [hbm:s4], s20  }
0x9e: {  	_ =	swait.ge [sflag:s22], s20  }
0x9f: {  	s3 =	ssub.s32 $0x0, s20;
	[sflag:s22] =	ssyncset.done $0x0  }
0xa0: {  	[sflag:s22] =	ssyncadd.s32 s3;
	_ =	sdelay $0x1  }
0xa1: {  	s23 =	simm.s32 $0x1B8B  }
0xa2: {  	_ =	swait.ge [sflag:s23], $0x1  }
0xa3: {  	[sflag:s23] =	ssyncset.done $0x0  }
0xa4: {  	s25 =	simm.s32 $0x1B8E;
	s24 =	sld [smem:$0x3FFE];
	[sflag:s23] =	ssyncadd.s32 $0xFFFFFFFF  }
0xa5: {  	s26 =	simm.s32 $execute0_lowered;
	[smem:$0x3FD2] =	sst s25  }
0xa6: {  	s4 =	sshll.u32 s26, $0x1;
	_ =	strace $0x8000004C;
	[dreg:$0x1] =	wrdreg $0xFFFFFFFF  }
0xa7: {  	s28 =	simm.s32 $_size_execute0_lowered;
	s2 =	sadd.s32 s2, s4;
	[dreg:$0x0] =	wrdreg $0x0  }
0xa8: {  	s4 =	sshll.u32 s28, $0x1;
	[dreg:$0x2] =	wrdreg s2  }
0xa9: {  	[dreg:$0x3] =	wrdreg s4  }
0xaa: {  	[dreg:$0x4] =	wrdreg $0xC0  }
0xab: {  	_ =	task [dreg:s6], $0x5FFFF  }
0xac: {  	[dreg:$0x1] =	wrdreg $0xFFFFFFFF  }
0xad: {  	[dreg:$0x0] =	wrdreg $0x60  }
0xae: {  	[dreg:$0x2] =	wrdreg s24  }
0xaf: {  	[dreg:$0x3] =	wrdreg $0x11A400  }
0xb0: {  	[dreg:$0x4] =	wrdreg $0x9  }
0xb1: {  	_ =	task.clear_ibuf [dreg:s6], $0x5FFFF;
	_ =	strace $0x9000004C  }
0xb2: {  	s29 =	simm.s32 $0x9;
	_ =	strace $0x8000004E  }
0xb3: {  	_ =	swait.ge [sflag:s29], $0x1  }
0xb4: {  	[sflag:s29] =	ssyncadd.s32 $0xFFFFFFFF  }
0xb5: {  	_ =	strace $0x9000004E  }
0xb6: {  	_ =	sfence  }
0xb7: {  	s30 =	sld [smem:$0x0];
	_ =	sdelay $0x2  }
0xb8: {  	s31 =	sshll.u32 s1, $0xD;
	s1 =	sshrl.u32 s1, $0x2  }
0xb9: {  	s3 =	sand.u32 $0x4000, s31;
	s1 =	sadd.s32 s1, s30  }
0xba: {  	s0 =	sor.u32 s3, s0;
	s1 =	sshll.u32 s1, $0x11  }
0xbb: {  	s0 =	sor.u32 s1, s0  }
0xbc: {  	s0 =	sadd.s32 $0x8F2B, s0  }
0xbd: {  	[sflag:s0] =	ssyncadd.remote.s32 $0x1  }
0xbe: {  	_ =	sfence.sel $0xFFFF  }
0xbf: {  	[dreg:$0x0] =	wrdreg $0xFFFFFFFF;
	(pc) =	sbr.abs _section_cstart, $3  }
0xc0: {  	[dreg:$0x1] =	wrdreg $0xFFFFFFFF  }
0xc1: {  	_ =	task.clear_ibuf [dreg:s6], $0x2FFFF;
	_ =	strace $0x9FFFFFFF  }
0xc2: {  	(tm) =	ssettm $0x7FFFFFFF  }
0xc3: {  	_ =	shalt  }
tec
execute0_lowered:
.L_overlay_start_1:
0x0: {  	(tag) =	ssettag $0x1  }
0x1: {  	s0 =	rddreg [dreg:$0x0]  }
0x2: {  	s2 =	rddreg [dreg:$0x1]  }
0x3: {  	s3 =	simm.s32 $0x0;
	s8 =	stileid.u32;
	s4 =	srdreg.scid  }
0x4: {  	s16 =	simm.s32 $0xB;
	s17 =	simm.s32 $0x4E20;
	s18 =	simm.s32 $0x50  }
0x5: {  	s19 =	simm.s32 $0x9C40;
	s28 =	simm.s32 $0xD840;
	s29 =	simm.s32 $0x2  }
0x6: {  	s30 =	simm.s32 $0x6;
	s31 =	simm.s32 $0x5;
	s1 =	smul.u32 $0x4E20, s8  }
0x7: {  	[smem:$0x7FF] =	sst s3;
	s4 =	sand.u32 $0x1, s4;
	s7 =	smul.u32 $0x27000, s8  }
0x8: {  	s20 =	smul.u32 $0x9C00, s8;
	s13 =	sadd.s32 $0x9C000, s2;
	p0 =	sne.s32 s8, $0xF  }
0x9: {  	s8 =	simm.s32 $0xA;
	s5 =	smul.u32 $0x13880, s4;
	s4 =	ssub.s32 $0x2, s4  }
0xa: {  	_ =	strace $0x8000004D;
	s1 =	sshrl.u32 s1, $0x3;
	s6 =	sshrl.u32 s4, $0x1  }
0xb: {  	s22 =	sshrl.u32 s7, $0x2;
	s7 =	sadd.s32 s20, s2;
	s26 =	sshrl.u32 s20, $0x3  }
0xc: {  	s20 =	simm.s32 $0xB040;
	s1 =	sadd.s32 s1, s0;
	s0 =	sadd.s32 s5, s0  }
0xd: {  	s4 =	ssub.s32 s4, s6;
	s21 =	sadd.s32 $0x3000, s1;
	s1 =	sadd.s32 $0xCC40, s1  }
0xe: {  	s5 =	simm.s32 $0x9;
	[dreg:$0x4] =	wrdreg s1;
	s1 =	sadd.s32 s22, s2  }
0xf: {  	s6 =	sadd.s32 $0x16A00, s0;
	[dreg:$0x3] =	wrdreg s21;
	s9 =	sadd.s32 $0x1A00, s1  }
0x10: {  	s14 =	sadd.s32 $0x3DC00, s0;
	s23 =	sadd.s32 $0x3400, s1;
	[dreg:$0x5] =	wrdreg s9  }
0x11: {  	s15 =	smax.u32 s4, $0x1;
	s24 =	sadd.s32 $0x4E00, s1;
	[dreg:$0x6] =	wrdreg s23  }
0x12: {  	s0 =	simm.s32 $0xEC40;
	s25 =	sadd.s32 $0x6800, s1;
	[dreg:$0x7] =	wrdreg s24  }
0x13: {  	s4 =	simm.s32 $0x8;
	s1 =	sadd.s32 $0x8200, s1;
	[dreg:$0x8] =	wrdreg s25  }
0x14: {  	s21 =	simm.s32 $0x10040;
	s22 =	simm.s32 $0x3;
	[dreg:$0x9] =	wrdreg s1  }
0x15: {  	s23 =	simm.s32 $0xC440;
	s24 =	simm.s32 $0x1;
	s25 =	sadd.s32 s26, s14  }
0x16: {  	v0 =	vimm.f32 $0.0e+00;
	s26 =	simm.s32 $0x4;
	s1 =	simm.s32 $0x7;
	s9 =	simm.s32 $0x0  }
.LBB2_1:
0x17: {  	s10 =	rddreg [dreg:$0x3]  }
0x18: {  	[tilespmem:s3], [sflag:$0xB] =	stream.linear.gather [hbm4b:s10+s3], $0x4E20, $0x38;
	[tilespmem:$0x1B680] =	vst v63  }
0x19: {  	_ =	swait.ge [sflag:s16], $0x4E20  }
0x1a: {  	[sflag:s16] =	ssyncset.done $0x0  }
0x1b: {  	s12 =	rddreg [dreg:$0x4];
	[sflag:s16] =	ssyncadd.s32 $0xFFFFB1E0  }
0x1c: {  	[tilespmem:s17], [sflag:$0xB] =	stream.linear.gather [hbm4b:s12+s3], $0x4E20, $0x38;
	[tilespmem:$0x1B680] =	vst v63  }
0x1d: {  	_ =	swait.ge [sflag:s16], $0x4E20  }
0x1e: {  	[sflag:s16] =	ssyncset.done $0x0  }
0x1f: {  	[sflag:s16] =	ssyncadd.s32 $0xFFFFB1E0  }
0x20: {  	[tilespmem:s19], [sflag:$0x1] =	stream.indirect.gather [hbm4b:s6+s18], $0x40, s3, s18, $0xb8;
	[tilespmem:$0x1B680] =	vst v63  }
0x21: {  	s11 =	simm.s32 $0x100;
	s10 =	simm.s32 $0x0  }
0x22: {  	[tilespmem:s20], [sflag:$0x2] =	stream.indirect.gather [hbm4b:s6+s18], $0x40, s18, s18, $0xb8;
	[tilespmem:$0x1B680] =	vst v63  }
.LBB2_2:
0x23: {  	p1 =	sne.s32 s11, $0x6700;
	[tilespmem:s10+$0x10070] =	vst v0;
	s12 =	smov.u32 s11;
	s11 =	sadd.s32 $0x100, s11  }
.Ltmp0:
0x24: {  	[tilespmem:s10+$0x10060] =	vst v0;
	(pc) =	sbr.rel @p1 .LBB2_2-.Ltmp0, $3  }
0x25: {  	[tilespmem:s10+$0x10040] =	vst v0  }
0x26: {  	[tilespmem:s10+$0x10050] =	vst v0;
	_ =	sdelay $0x1  }
0x27: {  	s10 =	sshra.s32 s12, $0x2  }
0x28: {  	[tilespmem:s10+$0x10070] =	vst v0  }
0x29: {  	[tilespmem:s10+$0x10060] =	vst v0  }
0x2a: {  	[tilespmem:s10+$0x10040] =	vst v0  }
0x2b: {  	[tilespmem:s10+$0x10050] =	vst v0  }
0x2c: {  	[spmem:s7] =	stream.linear.scatter [tilespmem:s21], [sflag:$0xB], $0x1A00, $0x38;
	[tilespmem:$0x1B680] =	vst v63  }
0x2d: {  	_ =	swait.ge [sflag:s16], $0x1A00  }
0x2e: {  	[sflag:s16] =	ssyncset.done $0x0  }
0x2f: {  	s12 =	rddreg [dreg:$0x5];
	[sflag:s16] =	ssyncadd.s32 $0xFFFFE600  }
0x30: {  	[spmem:s12] =	stream.linear.scatter [tilespmem:s21], [sflag:$0xB], $0x1A00, $0x38;
	[tilespmem:$0x1B680] =	vst v63  }
0x31: {  	_ =	swait.ge [sflag:s16], $0x1A00  }
0x32: {  	[sflag:s16] =	ssyncset.done $0x0  }
0x33: {  	s11 =	rddreg [dreg:$0x6];
	[sflag:s16] =	ssyncadd.s32 $0xFFFFE600  }
0x34: {  	[spmem:s11] =	stream.linear.scatter [tilespmem:s21], [sflag:$0xB], $0x1A00, $0x38;
	[tilespmem:$0x1B680] =	vst v63  }
0x35: {  	_ =	swait.ge [sflag:s16], $0x1A00  }
0x36: {  	[sflag:s16] =	ssyncset.done $0x0  }
0x37: {  	s12 =	rddreg [dreg:$0x7];
	[sflag:s16] =	ssyncadd.s32 $0xFFFFE600  }
0x38: {  	[spmem:s12] =	stream.linear.scatter [tilespmem:s21], [sflag:$0xB], $0x1A00, $0x38;
	[tilespmem:$0x1B680] =	vst v63  }
0x39: {  	_ =	swait.ge [sflag:s16], $0x1A00  }
0x3a: {  	[sflag:s16] =	ssyncset.done $0x0  }
0x3b: {  	s11 =	rddreg [dreg:$0x8];
	[sflag:s16] =	ssyncadd.s32 $0xFFFFE600  }
0x3c: {  	[spmem:s11] =	stream.linear.scatter [tilespmem:s21], [sflag:$0xB], $0x1A00, $0x38;
	[tilespmem:$0x1B680] =	vst v63  }
0x3d: {  	_ =	swait.ge [sflag:s16], $0x1A00  }
0x3e: {  	[sflag:s16] =	ssyncset.done $0x0  }
0x3f: {  	s12 =	rddreg [dreg:$0x9];
	[sflag:s16] =	ssyncadd.s32 $0xFFFFE600  }
0x40: {  	[spmem:s12] =	stream.linear.scatter [tilespmem:s21], [sflag:$0xB], $0x1A00, $0x38;
	[tilespmem:$0x1B680] =	vst v63  }
0x41: {  	_ =	swait.ge [sflag:s16], $0x1A00  }
0x42: {  	[sflag:s16] =	ssyncset.done $0x0  }
0x43: {  	s10 =	simm.s32 @!p0 $0x10040;
	[sflag:s16] =	ssyncadd.s32 $0xFFFFE600  }
0x44: {  	[spmem:s13] =	stream.linear.scatter @!p0 [tilespmem:s10], [sflag:$0xB], $0x400, $0x38;
	[tilespmem:$0x1B680] =	vst v63  }
0x45: {  	s10 =	simm.s32 @!p0 $0xB  }
0x46: {  	_ =	swait.ge @!p0 [sflag:s10], $0x400  }
0x47: {  	[sflag:s10] =	ssyncset.done @!p0 $0x0  }
0x48: {  	[sflag:s10] =	ssyncadd.s32 @!p0 $0xFFFFFC00  }
0x49: {  	s11 =	simm.s32 $0xA0;
	[bflag:$0x0] =	sbarrier.arrive $0xFFFF  }
0x4a: {  	[tilespmem:s23], [sflag:$0x3] =	stream.indirect.gather [hbm4b:s6+s18], $0x40, s11, s18, $0xb8;
	[tilespmem:$0x1B680] =	vst v63  }
0x4b: {  	_ =	swait.ge [sflag:s24], $0x1400  }
0x4c: {  	[sflag:s24] =	ssyncset.done $0x0  }
0x4d: {  	[sflag:s24] =	ssyncadd.s32 $0xFFFFEC00  }
0x4e: {  	[spmem:s2] =	stream.indirect.scatter.add.f32 [tilespmem:s19], [sflag:$0x6], $0x40, s17, s18, $0xb8;
	[tilespmem:$0x1B680] =	vst v63  }
0x4f: {  	s12 =	simm.s32 $0xF0  }
0x50: {  	[tilespmem:s28], [sflag:$0x4] =	stream.indirect.gather [hbm4b:s6+s18], $0x40, s12, s18, $0xb8;
	[tilespmem:$0x1B680] =	vst v63  }
0x51: {  	_ =	swait.ge [sflag:s29], $0x1400  }
0x52: {  	[sflag:s29] =	ssyncset.done $0x0  }
0x53: {  	s11 =	simm.s32 $0x4E70;
	[sflag:s29] =	ssyncadd.s32 $0xFFFFEC00  }
0x54: {  	[spmem:s2] =	stream.indirect.scatter.add.f32 [tilespmem:s20], [sflag:$0x7], $0x40, s11, s18, $0xb8;
	[tilespmem:$0x1B680] =	vst v63  }
0x55: {  	s12 =	simm.s32 $0x140  }
0x56: {  	[tilespmem:s0], [sflag:$0x5] =	stream.indirect.gather [hbm4b:s6+s18], $0x40, s12, s18, $0xb8;
	[tilespmem:$0x1B680] =	vst v63  }
0x57: {  	_ =	swait.ge [sflag:s22], $0x1400  }
0x58: {  	[sflag:s22] =	ssyncset.done $0x0  }
0x59: {  	s11 =	simm.s32 $0x4EC0;
	[sflag:s22] =	ssyncadd.s32 $0xFFFFEC00  }
0x5a: {  	[spmem:s2] =	stream.indirect.scatter.add.f32 [tilespmem:s23], [sflag:$0x8], $0x40, s11, s18, $0xb8;
	[tilespmem:$0x1B680] =	vst v63  }
0x5b: {  	_ =	swait.ge [sflag:s30], $0x1400  }
0x5c: {  	[sflag:s30] =	ssyncset.done $0x0  }
0x5d: {  	s12 =	simm.s32 $0x190;
	[sflag:s30] =	ssyncadd.s32 $0xFFFFEC00  }
0x5e: {  	[tilespmem:s19], [sflag:$0x1] =	stream.indirect.gather [hbm4b:s6+s18], $0x40, s12, s18, $0xb8;
	[tilespmem:$0x1B680] =	vst v63  }
0x5f: {  	_ =	swait.ge [sflag:s26], $0x1400  }
0x60: {  	[sflag:s26] =	ssyncset.done $0x0  }
0x61: {  	s11 =	simm.s32 $0x4F10;
	[sflag:s26] =	ssyncadd.s32 $0xFFFFEC00  }
0x62: {  	[spmem:s2] =	stream.indirect.scatter.add.f32 [tilespmem:s28], [sflag:$0x9], $0x40, s11, s18, $0xb8;
	[tilespmem:$0x1B680] =	vst v63  }
0x63: {  	_ =	swait.ge [sflag:s1], $0x1400  }
0x64: {  	[sflag:s1] =	ssyncset.done $0x0  }
0x65: {  	s12 =	simm.s32 $0x1E0;
	[sflag:s1] =	ssyncadd.s32 $0xFFFFEC00  }
0x66: {  	[tilespmem:s20], [sflag:$0x2] =	stream.indirect.gather [hbm4b:s6+s18], $0x40, s12, s18, $0xb8;
	[tilespmem:$0x1B680] =	vst v63  }
0x67: {  	_ =	swait.ge [sflag:s31], $0x1400  }
0x68: {  	[sflag:s31] =	ssyncset.done $0x0  }
0x69: {  	s11 =	simm.s32 $0x4F60;
	[sflag:s31] =	ssyncadd.s32 $0xFFFFEC00  }
0x6a: {  	[spmem:s2] =	stream.indirect.scatter.add.f32 [tilespmem:s0], [sflag:$0xA], $0x40, s11, s18, $0xb8;
	[tilespmem:$0x1B680] =	vst v63  }
0x6b: {  	_ =	swait.ge [sflag:s4], $0x1400  }
0x6c: {  	[sflag:s4] =	ssyncset.done $0x0  }
0x6d: {  	s12 =	simm.s32 $0x230;
	[sflag:s4] =	ssyncadd.s32 $0xFFFFEC00  }
0x6e: {  	[tilespmem:s23], [sflag:$0x3] =	stream.indirect.gather [hbm4b:s6+s18], $0x40, s12, s18, $0xb8;
	[tilespmem:$0x1B680] =	vst v63  }
0x6f: {  	_ =	swait.ge [sflag:s24], $0x1400  }
0x70: {  	[sflag:s24] =	ssyncset.done $0x0  }
0x71: {  	s11 =	simm.s32 $0x4FB0;
	[sflag:s24] =	ssyncadd.s32 $0xFFFFEC00  }
0x72: {  	[spmem:s2] =	stream.indirect.scatter.add.f32 [tilespmem:s19], [sflag:$0x6], $0x40, s11, s18, $0xb8;
	[tilespmem:$0x1B680] =	vst v63  }
0x73: {  	_ =	swait.ge [sflag:s5], $0x1400  }
0x74: {  	[sflag:s5] =	ssyncset.done $0x0  }
0x75: {  	s12 =	simm.s32 $0x280;
	[sflag:s5] =	ssyncadd.s32 $0xFFFFEC00  }
0x76: {  	[tilespmem:s28], [sflag:$0x4] =	stream.indirect.gather [hbm4b:s6+s18], $0x40, s12, s18, $0xb8;
	[tilespmem:$0x1B680] =	vst v63  }
0x77: {  	_ =	swait.ge [sflag:s29], $0x1400  }
0x78: {  	[sflag:s29] =	ssyncset.done $0x0  }
0x79: {  	s11 =	simm.s32 $0x5000;
	[sflag:s29] =	ssyncadd.s32 $0xFFFFEC00  }
0x7a: {  	[spmem:s2] =	stream.indirect.scatter.add.f32 [tilespmem:s20], [sflag:$0x7], $0x40, s11, s18, $0xb8;
	[tilespmem:$0x1B680] =	vst v63  }
0x7b: {  	_ =	swait.ge [sflag:s8], $0x1400  }
0x7c: {  	[sflag:s8] =	ssyncset.done $0x0  }
0x7d: {  	s12 =	simm.s32 $0x2D0;
	[sflag:s8] =	ssyncadd.s32 $0xFFFFEC00  }
0x7e: {  	[tilespmem:s0], [sflag:$0x5] =	stream.indirect.gather [hbm4b:s6+s18], $0x40, s12, s18, $0xb8;
	[tilespmem:$0x1B680] =	vst v63  }
0x7f: {  	_ =	swait.ge [sflag:s22], $0x1400  }
0x80: {  	[sflag:s22] =	ssyncset.done $0x0  }
0x81: {  	s11 =	simm.s32 $0x5050;
	[sflag:s22] =	ssyncadd.s32 $0xFFFFEC00  }
0x82: {  	[spmem:s2] =	stream.indirect.scatter.add.f32 [tilespmem:s23], [sflag:$0x8], $0x40, s11, s18, $0xb8;
	[tilespmem:$0x1B680] =	vst v63  }
0x83: {  	_ =	swait.ge [sflag:s30], $0x1400  }
0x84: {  	[sflag:s30] =	ssyncset.done $0x0  }
0x85: {  	s12 =	simm.s32 $0x320;
	[sflag:s30] =	ssyncadd.s32 $0xFFFFEC00  }
0x86: {  	[tilespmem:s19], [sflag:$0x1] =	stream.indirect.gather [hbm4b:s6+s18], $0x40, s12, s18, $0xb8;
	[tilespmem:$0x1B680] =	vst v63  }
0x87: {  	_ =	swait.ge [sflag:s26], $0x1400  }
0x88: {  	[sflag:s26] =	ssyncset.done $0x0  }
0x89: {  	s11 =	simm.s32 $0x50A0;
	[sflag:s26] =	ssyncadd.s32 $0xFFFFEC00  }
0x8a: {  	[spmem:s2] =	stream.indirect.scatter.add.f32 [tilespmem:s28], [sflag:$0x9], $0x40, s11, s18, $0xb8;
	[tilespmem:$0x1B680] =	vst v63  }
0x8b: {  	_ =	swait.ge [sflag:s1], $0x1400  }
0x8c: {  	[sflag:s1] =	ssyncset.done $0x0  }
0x8d: {  	s12 =	simm.s32 $0x370;
	[sflag:s1] =	ssyncadd.s32 $0xFFFFEC00  }
0x8e: {  	[tilespmem:s20], [sflag:$0x2] =	stream.indirect.gather [hbm4b:s6+s18], $0x40, s12, s18, $0xb8;
	[tilespmem:$0x1B680] =	vst v63  }
0x8f: {  	_ =	swait.ge [sflag:s31], $0x1400  }
0x90: {  	[sflag:s31] =	ssyncset.done $0x0  }
0x91: {  	s10 =	simm.s32 $0x640;
	s11 =	simm.s32 $0x50F0;
	[sflag:s31] =	ssyncadd.s32 $0xFFFFEC00  }
.LBB2_4:
0x92: {  	[spmem:s2] =	stream.indirect.scatter.add.f32 [tilespmem:s0], [sflag:$0xA], $0x40, s11, s18, $0xb8;
	[tilespmem:$0x1B680] =	vst v63  }
0x93: {  	s11 =	smov.u32 s10;
	s10 =	sadd.s32 $0x640, s10;
	_ =	swait.ge [sflag:s4], $0x1400  }
0x94: {  	s11 =	sshra.s32 s11, $0x2;
	p1 =	sne.s32 s10, $0x12C00;
	[sflag:s4] =	ssyncset.done $0x0  }
0x95: {  	s12 =	sadd.s32 $0x230, s11;
	[sflag:s4] =	ssyncadd.s32 $0xFFFFEC00  }
0x96: {  	[tilespmem:s23], [sflag:$0x3] =	stream.indirect.gather [hbm4b:s6+s18], $0x40, s12, s18, $0xb8;
	[tilespmem:$0x1B680] =	vst v63  }
0x97: {  	_ =	swait.ge [sflag:s24], $0x1400  }
0x98: {  	[sflag:s24] =	ssyncset.done $0x0  }
0x99: {  	s12 =	sadd.s32 $0x4FB0, s11;
	[sflag:s24] =	ssyncadd.s32 $0xFFFFEC00  }
0x9a: {  	[spmem:s2] =	stream.indirect.scatter.add.f32 [tilespmem:s19], [sflag:$0x6], $0x40, s12, s18, $0xb8;
	[tilespmem:$0x1B680] =	vst v63  }
0x9b: {  	_ =	swait.ge [sflag:s5], $0x1400  }
0x9c: {  	[sflag:s5] =	ssyncset.done $0x0  }
0x9d: {  	s12 =	sadd.s32 $0x280, s11;
	[sflag:s5] =	ssyncadd.s32 $0xFFFFEC00  }
0x9e: {  	[tilespmem:s28], [sflag:$0x4] =	stream.indirect.gather [hbm4b:s6+s18], $0x40, s12, s18, $0xb8;
	[tilespmem:$0x1B680] =	vst v63  }
0x9f: {  	_ =	swait.ge [sflag:s29], $0x1400  }
0xa0: {  	[sflag:s29] =	ssyncset.done $0x0  }
0xa1: {  	s12 =	sadd.s32 $0x5000, s11;
	[sflag:s29] =	ssyncadd.s32 $0xFFFFEC00  }
0xa2: {  	[spmem:s2] =	stream.indirect.scatter.add.f32 [tilespmem:s20], [sflag:$0x7], $0x40, s12, s18, $0xb8;
	[tilespmem:$0x1B680] =	vst v63  }
0xa3: {  	_ =	swait.ge [sflag:s8], $0x1400  }
0xa4: {  	[sflag:s8] =	ssyncset.done $0x0  }
0xa5: {  	s12 =	sadd.s32 $0x2D0, s11;
	[sflag:s8] =	ssyncadd.s32 $0xFFFFEC00  }
0xa6: {  	[tilespmem:s0], [sflag:$0x5] =	stream.indirect.gather [hbm4b:s6+s18], $0x40, s12, s18, $0xb8;
	[tilespmem:$0x1B680] =	vst v63  }
0xa7: {  	_ =	swait.ge [sflag:s22], $0x1400  }
0xa8: {  	[sflag:s22] =	ssyncset.done $0x0  }
0xa9: {  	s12 =	sadd.s32 $0x5050, s11;
	[sflag:s22] =	ssyncadd.s32 $0xFFFFEC00  }
0xaa: {  	[spmem:s2] =	stream.indirect.scatter.add.f32 [tilespmem:s23], [sflag:$0x8], $0x40, s12, s18, $0xb8;
	[tilespmem:$0x1B680] =	vst v63  }
0xab: {  	_ =	swait.ge [sflag:s30], $0x1400  }
0xac: {  	[sflag:s30] =	ssyncset.done $0x0  }
0xad: {  	s12 =	sadd.s32 $0x320, s11;
	[sflag:s30] =	ssyncadd.s32 $0xFFFFEC00  }
0xae: {  	[tilespmem:s19], [sflag:$0x1] =	stream.indirect.gather [hbm4b:s6+s18], $0x40, s12, s18, $0xb8;
	[tilespmem:$0x1B680] =	vst v63  }
0xaf: {  	_ =	swait.ge [sflag:s26], $0x1400  }
0xb0: {  	[sflag:s26] =	ssyncset.done $0x0  }
0xb1: {  	s12 =	sadd.s32 $0x50A0, s11;
	[sflag:s26] =	ssyncadd.s32 $0xFFFFEC00  }
0xb2: {  	[spmem:s2] =	stream.indirect.scatter.add.f32 [tilespmem:s28], [sflag:$0x9], $0x40, s12, s18, $0xb8;
	[tilespmem:$0x1B680] =	vst v63  }
0xb3: {  	_ =	swait.ge [sflag:s1], $0x1400  }
0xb4: {  	[sflag:s1] =	ssyncset.done $0x0  }
.Ltmp1:
0xb5: {  	s12 =	sadd.s32 $0x370, s11;
	[sflag:s1] =	ssyncadd.s32 $0xFFFFEC00;
	(pc) =	sbr.rel @p1 .LBB2_4-.Ltmp1, $4  }
0xb6: {  	[tilespmem:s20], [sflag:$0x2] =	stream.indirect.gather [hbm4b:s6+s18], $0x40, s12, s18, $0xb8;
	[tilespmem:$0x1B680] =	vst v63  }
0xb7: {  	_ =	swait.ge [sflag:s31], $0x1400  }
0xb8: {  	[sflag:s31] =	ssyncset.done $0x0  }
0xb9: {  	s11 =	sadd.s32 $0x50F0, s11;
	[sflag:s31] =	ssyncadd.s32 $0xFFFFEC00  }
0xba: {  	[spmem:s2] =	stream.indirect.scatter.add.f32 [tilespmem:s0], [sflag:$0xA], $0x40, s11, s18, $0xb8;
	[tilespmem:$0x1B680] =	vst v63  }
0xbb: {  	_ =	swait.ge [sflag:s4], $0x1400  }
0xbc: {  	s10 =	sshra.s32 s10, $0x2;
	[sflag:s4] =	ssyncset.done $0x0  }
0xbd: {  	s12 =	sadd.s32 $0x230, s10;
	[sflag:s4] =	ssyncadd.s32 $0xFFFFEC00  }
0xbe: {  	[tilespmem:s23], [sflag:$0x3] =	stream.indirect.gather [hbm4b:s6+s18], $0x40, s12, s18, $0xb8;
	[tilespmem:$0x1B680] =	vst v63  }
0xbf: {  	_ =	swait.ge [sflag:s24], $0x1400  }
0xc0: {  	[sflag:s24] =	ssyncset.done $0x0  }
0xc1: {  	s12 =	sadd.s32 $0x4FB0, s10;
	[sflag:s24] =	ssyncadd.s32 $0xFFFFEC00  }
0xc2: {  	[spmem:s2] =	stream.indirect.scatter.add.f32 [tilespmem:s19], [sflag:$0x6], $0x40, s12, s18, $0xb8;
	[tilespmem:$0x1B680] =	vst v63  }
0xc3: {  	_ =	swait.ge [sflag:s5], $0x1400  }
0xc4: {  	[sflag:s5] =	ssyncset.done $0x0  }
0xc5: {  	s12 =	sadd.s32 $0x280, s10;
	[sflag:s5] =	ssyncadd.s32 $0xFFFFEC00  }
0xc6: {  	[tilespmem:s28], [sflag:$0x4] =	stream.indirect.gather [hbm4b:s6+s18], $0x40, s12, s18, $0xb8;
	[tilespmem:$0x1B680] =	vst v63  }
0xc7: {  	_ =	swait.ge [sflag:s29], $0x1400  }
0xc8: {  	[sflag:s29] =	ssyncset.done $0x0  }
0xc9: {  	s12 =	sadd.s32 $0x5000, s10;
	[sflag:s29] =	ssyncadd.s32 $0xFFFFEC00  }
0xca: {  	[spmem:s2] =	stream.indirect.scatter.add.f32 [tilespmem:s20], [sflag:$0x7], $0x40, s12, s18, $0xb8;
	[tilespmem:$0x1B680] =	vst v63  }
0xcb: {  	_ =	swait.ge [sflag:s8], $0x1400  }
0xcc: {  	[sflag:s8] =	ssyncset.done $0x0  }
0xcd: {  	s12 =	simm.s32 $0x4DD0;
	[sflag:s8] =	ssyncadd.s32 $0xFFFFEC00  }
0xce: {  	[tilespmem:s0], [sflag:$0x5] =	stream.indirect.gather [hbm4b:s6+s18], $0x40, s12, s18, $0xb8;
	[tilespmem:$0x1B680] =	vst v63  }
0xcf: {  	_ =	swait.ge [sflag:s22], $0x1400  }
0xd0: {  	[sflag:s22] =	ssyncset.done $0x0  }
0xd1: {  	s12 =	sadd.s32 $0x5050, s10;
	[sflag:s22] =	ssyncadd.s32 $0xFFFFEC00  }
0xd2: {  	[spmem:s2] =	stream.indirect.scatter.add.f32 [tilespmem:s23], [sflag:$0x8], $0x40, s12, s18, $0xb8;
	[tilespmem:$0x1B680] =	vst v63  }
0xd3: {  	_ =	swait.ge [sflag:s26], $0x1400  }
0xd4: {  	[sflag:s26] =	ssyncset.done $0x0  }
0xd5: {  	s10 =	sadd.s32 $0x50A0, s10;
	[sflag:s26] =	ssyncadd.s32 $0xFFFFEC00  }
0xd6: {  	[spmem:s2] =	stream.indirect.scatter.add.f32 [tilespmem:s28], [sflag:$0x9], $0x40, s10, s18, $0xb8;
	[tilespmem:$0x1B680] =	vst v63  }
0xd7: {  	_ =	swait.ge [sflag:s31], $0x1400  }
0xd8: {  	[sflag:s31] =	ssyncset.done $0x0  }
0xd9: {  	s12 =	simm.s32 $0x9BF0;
	[sflag:s31] =	ssyncadd.s32 $0xFFFFEC00  }
0xda: {  	[spmem:s2] =	stream.indirect.scatter.add.f32 [tilespmem:s0], [sflag:$0xA], $0x40, s12, s18, $0xb8;
	[tilespmem:$0x1B680] =	vst v63  }
0xdb: {  	_ =	swait.ge [sflag:s30], $0x1400  }
0xdc: {  	[sflag:s30] =	ssyncset.done $0x0  }
0xdd: {  	[sflag:s30] =	ssyncadd.s32 $0xFFFFEC00  }
0xde: {  	_ =	swait.ge [sflag:s1], $0x1400  }
0xdf: {  	[sflag:s1] =	ssyncset.done $0x0  }
0xe0: {  	[sflag:s1] =	ssyncadd.s32 $0xFFFFEC00  }
0xe1: {  	_ =	swait.ge [sflag:s4], $0x1400  }
0xe2: {  	[sflag:s4] =	ssyncset.done $0x0  }
0xe3: {  	[sflag:s4] =	ssyncadd.s32 $0xFFFFEC00  }
0xe4: {  	_ =	swait.ge [sflag:s5], $0x1400  }
0xe5: {  	[sflag:s5] =	ssyncset.done $0x0  }
0xe6: {  	[sflag:s5] =	ssyncadd.s32 $0xFFFFEC00  }
0xe7: {  	_ =	swait.ge [sflag:s8], $0x1400  }
0xe8: {  	s11 =	stileid.u32;
	[sflag:s8] =	ssyncset.done $0x0  }
0xe9: {  	s10 =	sshll.u32 s11, $0x6;
	[sflag:s8] =	ssyncadd.s32 $0xFFFFEC00  }
0xea: {  	s10 =	sor.u32 $0x1C0B, s10;
	s12 =	sshrl.u32 s7, $0x3;
	[bflag:$0x0] =	sbarrier.arrive $0xFFFF  }
0xeb: {  	[hbm:s25], [sflag:s10] =	dma.local [spmem:s12], $0x1380  }
0xec: {  	s9 =	sadd.s32 $0x1, s9;
	_ =	swait.ge [sflag:s16], $0x1380  }
0xed: {  	p1 =	sne.s32 s9, s15;
	[sflag:s16] =	ssyncset.done $0x0  }
0xee: {  	s11 =	sadd.s32 @!p0 $0x13800, s14;
	s12 =	sshrl.u32 @!p0 s13, $0x3;
	[sflag:s16] =	ssyncadd.s32 $0xFFFFEC80  }
0xef: {  	[hbm:s11], [sflag:s10] =	dma.local @!p0 [spmem:s12], $0x80  }
.Ltmp2:
0xf0: {  	_ = 	snop;
	(pc) =	sbr.rel @p1 .LBB2_1-.Ltmp2, $4  }
0xf1: {  	s10 =	simm.s32 @!p0 $0xB  }
0xf2: {  	_ =	swait.ge @!p0 [sflag:s10], $0x80  }
0xf3: {  	[sflag:s10] =	ssyncset.done @!p0 $0x0  }
0xf4: {  	[sflag:s10] =	ssyncadd.s32 @!p0 $0xFFFFFF80  }
0xf5: {  	_ =	sfence.sel $0x180000  }
0xf6: {  	[bflag:$0x0] =	sbarrier.arrive $0xFFFF  }
0xf7: {  	_ =	strace $0x9000004D  }
0xf8: {  	s0 =	stileid.u32;
	[bflag:$0x2] =	sbarrier.arrive $0xFFFF  }
0xf9: {  	p0 =	sne.s32 s0, $0x0;
	s0 =	rddreg [dreg:$0x2]  }
0xfa: {  	s0 =	sadd.s32 @!p0 $0x100000, s0  }
0xfb: {  	[sflag:s0] =	ssyncadd.tile.s32 @!p0 $0x1;
	_ =	shalt  }
.Lfunc_end2:
_tile_overlayer_lowered:
.L_overlay_start_2:
0xfc: {  	(tag) =	ssettag $0x2  }
0xfd: {  	s0 =	rddreg [dreg:$0x0];
	s2 =	stileid.u32  }
0xfe: {  	s1 =	rddreg [dreg:$0x1];
	p0 =	sne.s32 s2, $0x0  }
0xff: {  	s3 =	rddreg [dreg:$0x2];
	[bflag:$0x3] =	sbarrier.arrive $0xFFFF;
	s2 =	simm.s32 @!p0 $0x1C0B  }
0x100: {  	[timem:s3], [sflag:s2] =	dma.local @!p0 [hbm:s0], s1  }
0x101: {  	s0 =	simm.s32 @!p0 $0xB  }
0x102: {  	_ =	swait.ge @!p0 [sflag:s0], s1  }
0x103: {  	s1 =	ssub.s32 @!p0 $0x0, s1;
	[sflag:s0] =	ssyncset.done @!p0 $0x0  }
0x104: {  	[sflag:s0] =	ssyncadd.s32 @!p0 s1  }
0x105: {  	[bflag:$0x3] =	sbarrier.arrive $0xFFFF  }
0x106: {  	_ =	shalt  }

// kernel: kernel.8.cloned.1.call-start
scs
__scs_entry_jumppad:
0x0: {  	(pc) =	sbr.rel $0x88, $3  }
0x1: {  	(tag) =	ssettag $0x0;
	lr =	simm.s32 $0x1  }
0x2: {  	[smem:$0x3F8E] =	sst lr;
	_ =	strace $0xD0000000  }
0x3: {  	_ = 	snop  }
0x4: {  	_ = 	snop  }
0x5: {  	_ = 	snop  }
0x6: {  	_ = 	snop  }
0x7: {  	_ = 	snop  }
__scs_overlays_trampoline_lowered:
0x8: {  	[smem:$0x3F9D] =	sst s0  }
0x9: {  	[smem:$0x3F9E] =	sst s1  }
0xa: {  	[smem:$0x3F9F] =	sst s2  }
0xb: {  	[smem:$0x3FA0] =	sst s3  }
0xc: {  	[smem:$0x3FA1] =	sst s4  }
0xd: {  	[smem:$0x3FA2] =	sst s5  }
0xe: {  	[smem:$0x3FA3] =	sst s6  }
0xf: {  	[smem:$0x3FA4] =	sst s7  }
0x10: {  	[smem:$0x3FA5] =	sst s8  }
0x11: {  	[smem:$0x3FA6] =	sst s9;
	s0 =	simm.s32 @!p0 $0x0  }
0x12: {  	s1 =	sld [smem:$0x3F8C];
	s0 =	simm.s32 @p0 $0x1  }
0x13: {  	[smem:$0x3FA7] =	sst s0;
	s0 =	simm.s32 @!p1 $0x0  }
0x14: {  	s2 =	sld [smem:$0x3F8B];
	s0 =	simm.s32 @p1 $0x1  }
0x15: {  	[smem:$0x3FA8] =	sst s0;
	s0 =	simm.s32 @!p2 $0x0  }
0x16: {  	s3 =	sld [smem:$0x3FDB];
	s0 =	simm.s32 @p2 $0x1  }
0x17: {  	s4 =	simm.s32 $0x1BF5;
	[smem:$0x3FAA] =	sst s0  }
0x18: {  	s0 =	sld [smem:$0x3F8D];
	_ =	swait.ge [sflag:s4], $0x0  }
0x19: {  	s7 =	sld [smem:$0x3F8E]  }
0x1a: {  	s8 =	sadd.s32 $0xFFFFE003, lr  }
0x1b: {  	s9 =	sadd.s32 $0xFFFFFEF7, lr;
	s5 =	simm.s32 $0xFFFFFFFF;
	p2 =	slt.u32 s8, $0xFFFFF086  }
0x1c: {  	p1 =	slt.u32 s9, $0xF7A;
	s5 =	simm.s32 @!p2 $0x0  }
0x1d: {  	s5 =	simm.s32 @p1 $0x1;
	p0 =	seq.s32 s7, s2  }
0x1e: {  	s7 =	smul.u32 @!p0 $0xF7A, s2;
	p2 =	seq.s32 @!p0 s5, $0x0  }
0x1f: {  	s9 =	smul.u32 $0xF7A, s1;
	s8 =	simm.s32 @!p0 $0x1BF5;
	p2 =	por !p2, p0  }
0x20: {  	[sflag:s8] =	ssyncset.s32 @!p0 $0xFFFFF086;
	s6 =	sadd.s32 @!p0 s3, s7;
	s7 =	simm.s32 @!p0 $0x108  }
0x21: {  	s3 =	sadd.s32 s3, s9;
	s6 =	sadd.s32 @!p0 $0x88, s6;
	s7 =	simm.s32 @p2 $0x1082  }
0x22: {  	[simem:s7], [sflag:s8] =	dma.local @!p0 [hbm:s6], $0xF7A  }
0x23: {  	s9 =	sor.u32 $0xD0000000, s2;
	s6 =	simm.s32 $0x108;
	_ =	swait.ge @!p0 [sflag:s8], $0x0  }
0x24: {  	s3 =	sadd.s32 $0x88, s3;
	s6 =	simm.s32 @!p1 $0x1082;
	[sflag:s4] =	ssyncset.s32 $0xFFFFF086  }
0x25: {  	[simem:s6], [sflag:s4] =	dma.local [hbm:s3], $0xF7A  }
0x26: {  	[smem:$0x3F8E] =	sst s1;
	(tag) =	ssettag s2;
	_ =	strace s9  }
0x27: {  	s1 =	sld [smem:$0x3F9E]  }
0x28: {  	s2 =	sld [smem:$0x3F9F]  }
0x29: {  	s4 =	sld [smem:$0x3FA1]  }
0x2a: {  	p0 =	seq.s32 s5, $0x0;
	s5 =	sld [smem:$0x3FA2]  }
0x2b: {  	s6 =	sld [smem:$0x3FA3]  }
0x2c: {  	s7 =	sld [smem:$0x3FA4]  }
0x2d: {  	s3 =	simm.s32 $0x108;
	s8 =	sld [smem:$0x3FA5]  }
0x2e: {  	s3 =	simm.s32 @!p0 $0x1082;
	s9 =	sld [smem:$0x3FA6]  }
0x2f: {  	lr =	sadd.s32 s0, s3;
	s0 =	sld [smem:$0x3F9D]  }
0x30: {  	s3 =	sld [smem:$0x3FA0]  }
0x31: {  	[smem:$0x3FA9] =	sst s10  }
0x32: {  	s10 =	sld [smem:$0x3FA7];
	_ =	sdelay $0x3  }
0x33: {  	p0 =	seq.s32 s10, $0x1;
	s10 =	sld [smem:$0x3FA9];
	_ =	sdelay $0x3  }
0x34: {  	[smem:$0x3FA9] =	sst s10  }
0x35: {  	s10 =	sld [smem:$0x3FA8];
	_ =	sdelay $0x3  }
0x36: {  	p1 =	seq.s32 s10, $0x1;
	s10 =	sld [smem:$0x3FA9];
	_ =	sdelay $0x3  }
0x37: {  	[smem:$0x3FA9] =	sst s10  }
0x38: {  	s10 =	sld [smem:$0x3FAA]  }
0x39: {  	_ = 	snop;
	(pc) =	sbr.ind lr, $3  }
0x3a: {  	_ = 	snop  }
0x3b: {  	_ = 	snop  }
0x3c: {  	p2 =	seq.s32 s10, $0x1;
	s10 =	sld [smem:$0x3FA9]  }
0x3d: {  	_ =	shalt  }
0x3e: {  	_ =	shalt  }
0x3f: {  	_ =	shalt  }
0x40: {  	_ =	shalt  }
0x41: {  	_ =	shalt  }
0x42: {  	_ =	shalt  }
0x43: {  	_ =	shalt  }
0x44: {  	_ =	shalt  }
0x45: {  	_ =	shalt  }
0x46: {  	_ =	shalt  }
0x47: {  	_ =	shalt  }
0x48: {  	_ =	shalt  }
0x49: {  	_ =	shalt  }
0x4a: {  	_ =	shalt  }
0x4b: {  	_ =	shalt  }
0x4c: {  	_ =	shalt  }
0x4d: {  	_ =	shalt  }
0x4e: {  	_ =	shalt  }
0x4f: {  	_ =	shalt  }
0x50: {  	_ =	shalt  }
0x51: {  	_ =	shalt  }
0x52: {  	_ =	shalt  }
0x53: {  	_ =	shalt  }
0x54: {  	_ =	shalt  }
0x55: {  	_ =	shalt  }
0x56: {  	_ =	shalt  }
0x57: {  	_ =	shalt  }
0x58: {  	_ =	shalt  }
0x59: {  	_ =	shalt  }
0x5a: {  	_ =	shalt  }
0x5b: {  	_ =	shalt  }
0x5c: {  	_ =	shalt  }
0x5d: {  	_ =	shalt  }
0x5e: {  	_ =	shalt  }
0x5f: {  	_ =	shalt  }
0x60: {  	_ =	shalt  }
0x61: {  	_ =	shalt  }
0x62: {  	_ =	shalt  }
0x63: {  	_ =	shalt  }
0x64: {  	_ =	shalt  }
0x65: {  	_ =	shalt  }
0x66: {  	_ =	shalt  }
0x67: {  	_ =	shalt  }
0x68: {  	_ =	shalt  }
0x69: {  	_ =	shalt  }
0x6a: {  	_ =	shalt  }
0x6b: {  	_ =	shalt  }
0x6c: {  	_ =	shalt  }
0x6d: {  	_ =	shalt  }
0x6e: {  	_ =	shalt  }
0x6f: {  	_ =	shalt  }
0x70: {  	_ =	shalt  }
0x71: {  	_ =	shalt  }
0x72: {  	_ =	shalt  }
0x73: {  	_ =	shalt  }
0x74: {  	_ =	shalt  }
0x75: {  	_ =	shalt  }
0x76: {  	_ =	shalt  }
0x77: {  	_ =	shalt  }
0x78: {  	_ =	shalt  }
0x79: {  	_ =	shalt  }
0x7a: {  	_ =	shalt  }
0x7b: {  	_ =	shalt  }
0x7c: {  	_ =	shalt  }
0x7d: {  	_ =	shalt  }
0x7e: {  	_ =	shalt  }
0x7f: {  	_ =	shalt  }
0x80: {  	_ =	shalt  }
0x81: {  	_ =	shalt  }
0x82: {  	_ =	shalt  }
0x83: {  	_ =	shalt  }
0x84: {  	_ =	shalt  }
0x85: {  	_ =	shalt  }
0x86: {  	_ =	shalt  }
0x87: {  	_ =	shalt  }
.Lfunc_end0:
.L_simem_size_0:
called_computation_lowered:
.L_overlay_start_0:
0x88: {  	s2 =	sld [smem:$0x3FD9]  }
0x89: {  	s3 =	sld [smem:$0x3FFE];
	_ =	sdelay $0x1  }
0x8a: {  	s1 =	srdreg.scid  }
0x8b: {  	s0 =	sand.u32 $0x1, s1  }
0x8c: {  	s16 =	sshll.u32 s0, $0xA;
	s2 =	sadd.s32 s3, s2  }
0x8d: {  	s2 =	sadd.s32 s2, s16  }
0x8e: {  	[smem:$0x3FB5] =	sst s2  }
0x8f: {  	_ = 	snop  }
0x90: {  	(tm) =	ssettm $0x1  }
0x91: {  	s17 =	sld [smem:$0x3FFB];
	_ =	sdelay $0x3  }
0x92: {  	_ =	strace s17  }
0x93: {  	s2 =	sld [smem:$0x3FFC];
	_ =	sdelay $0x3  }
0x94: {  	_ =	strace s2  }
0x95: {  	s2 =	sld [smem:$0x3FFD];
	_ =	sdelay $0x3  }
0x96: {  	_ =	strace s2  }
0x97: {  	_ =	strace $0x8FFFFFFF  }
0x98: {  	s18 =	sld [smem:$0x3FDB];
	_ =	sdelay $0x1  }
0x99: {  	s19 =	simm.s32 $_scs_section_size  }
0x9a: {  	s4 =	simm.s32 $_size__tile_overlayer_lowered;
	s5 =	simm.s32 $_tile_overlayer_lowered  }
0x9b: {  	s22 =	simm.s32 $0x1BFF;
	s21 =	sshll.u32 s5, $0x1;
	s2 =	sadd.s32 s19, s18  }
0x9c: {  	s6 =	simm.s32 $0x0;
	s20 =	sshll.u32 s4, $0x1;
	s4 =	sadd.s32 s21, s2  }
0x9d: {  	[timem:s6], [sflag:s22] =	dma.local [hbm:s4], s20  }
0x9e: {  	_ =	swait.ge [sflag:s22], s20  }
0x9f: {  	s3 =	ssub.s32 $0x0, s20;
	[sflag:s22] =	ssyncset.done $0x0  }
0xa0: {  	[sflag:s22] =	ssyncadd.s32 s3;
	_ =	sdelay $0x1  }
0xa1: {  	s23 =	simm.s32 $0x1B8B  }
0xa2: {  	_ =	swait.ge [sflag:s23], $0x1  }
0xa3: {  	[sflag:s23] =	ssyncset.done $0x0  }
0xa4: {  	s25 =	simm.s32 $0x1B8E;
	s24 =	sld [smem:$0x3FFE];
	[sflag:s23] =	ssyncadd.s32 $0xFFFFFFFF  }
0xa5: {  	s26 =	simm.s32 $execute0_lowered;
	[smem:$0x3FD2] =	sst s25  }
0xa6: {  	s4 =	sshll.u32 s26, $0x1;
	_ =	strace $0x80000046;
	[dreg:$0x1] =	wrdreg $0xFFFFFFFF  }
0xa7: {  	s28 =	simm.s32 $_size_execute0_lowered;
	s2 =	sadd.s32 s2, s4;
	[dreg:$0x0] =	wrdreg $0x0  }
0xa8: {  	s4 =	sshll.u32 s28, $0x1;
	[dreg:$0x2] =	wrdreg s2  }
0xa9: {  	[dreg:$0x3] =	wrdreg s4  }
0xaa: {  	[dreg:$0x4] =	wrdreg $0xC0  }
0xab: {  	_ =	task [dreg:s6], $0x5FFFF  }
0xac: {  	[dreg:$0x1] =	wrdreg $0xFFFFFFFF  }
0xad: {  	[dreg:$0x0] =	wrdreg $0x60  }
0xae: {  	[dreg:$0x2] =	wrdreg s24  }
0xaf: {  	[dreg:$0x3] =	wrdreg $0x11A400  }
0xb0: {  	[dreg:$0x4] =	wrdreg $0x9  }
0xb1: {  	_ =	task.clear_ibuf [dreg:s6], $0x5FFFF;
	_ =	strace $0x90000046  }
0xb2: {  	s29 =	simm.s32 $0x9;
	_ =	strace $0x80000048  }
0xb3: {  	_ =	swait.ge [sflag:s29], $0x1  }
0xb4: {  	[sflag:s29] =	ssyncadd.s32 $0xFFFFFFFF  }
0xb5: {  	_ =	strace $0x90000048  }
0xb6: {  	_ =	sfence  }
0xb7: {  	s30 =	sld [smem:$0x0];
	_ =	sdelay $0x2  }
0xb8: {  	s31 =	sshll.u32 s1, $0xD;
	s1 =	sshrl.u32 s1, $0x2  }
0xb9: {  	s3 =	sand.u32 $0x4000, s31;
	s1 =	sadd.s32 s1, s30  }
0xba: {  	s0 =	sor.u32 s3, s0;
	s1 =	sshll.u32 s1, $0x11  }
0xbb: {  	s0 =	sor.u32 s1, s0  }
0xbc: {  	s0 =	sadd.s32 $0x8F2B, s0  }
0xbd: {  	[sflag:s0] =	ssyncadd.remote.s32 $0x1  }
0xbe: {  	_ =	sfence.sel $0xFFFF  }
0xbf: {  	[dreg:$0x0] =	wrdreg $0xFFFFFFFF;
	(pc) =	sbr.abs _section_cstart, $3  }
0xc0: {  	[dreg:$0x1] =	wrdreg $0xFFFFFFFF  }
0xc1: {  	_ =	task.clear_ibuf [dreg:s6], $0x2FFFF;
	_ =	strace $0x9FFFFFFF  }
0xc2: {  	(tm) =	ssettm $0x7FFFFFFF  }
0xc3: {  	_ =	shalt  }
tec
execute0_lowered:
.L_overlay_start_1:
0x0: {  	(tag) =	ssettag $0x1  }
0x1: {  	s0 =	rddreg [dreg:$0x0]  }
0x2: {  	s2 =	rddreg [dreg:$0x1]  }
0x3: {  	s3 =	simm.s32 $0x0;
	s8 =	stileid.u32;
	s4 =	srdreg.scid  }
0x4: {  	s16 =	simm.s32 $0xB;
	s17 =	simm.s32 $0x4E20;
	s18 =	simm.s32 $0x50  }
0x5: {  	s19 =	simm.s32 $0x9C40;
	s28 =	simm.s32 $0xD840;
	s29 =	simm.s32 $0x2  }
0x6: {  	s30 =	simm.s32 $0x6;
	s31 =	simm.s32 $0x5;
	s1 =	smul.u32 $0x4E20, s8  }
0x7: {  	[smem:$0x7FF] =	sst s3;
	s4 =	sand.u32 $0x1, s4;
	s7 =	smul.u32 $0x27000, s8  }
0x8: {  	s20 =	smul.u32 $0x9C00, s8;
	s13 =	sadd.s32 $0x9C000, s2;
	p0 =	sne.s32 s8, $0xF  }
0x9: {  	s8 =	simm.s32 $0xA;
	s5 =	smul.u32 $0x13880, s4;
	s4 =	ssub.s32 $0x2, s4  }
0xa: {  	_ =	strace $0x80000047;
	s1 =	sshrl.u32 s1, $0x3;
	s6 =	sshrl.u32 s4, $0x1  }
0xb: {  	s22 =	sshrl.u32 s7, $0x2;
	s7 =	sadd.s32 s20, s2;
	s26 =	sshrl.u32 s20, $0x3  }
0xc: {  	s20 =	simm.s32 $0xB040;
	s1 =	sadd.s32 s1, s0;
	s0 =	sadd.s32 s5, s0  }
0xd: {  	s4 =	ssub.s32 s4, s6;
	s21 =	sadd.s32 $0x3000, s1;
	s1 =	sadd.s32 $0xCC40, s1  }
0xe: {  	s5 =	simm.s32 $0x9;
	[dreg:$0x4] =	wrdreg s1;
	s1 =	sadd.s32 s22, s2  }
0xf: {  	s6 =	sadd.s32 $0x16A00, s0;
	[dreg:$0x3] =	wrdreg s21;
	s9 =	sadd.s32 $0x1A00, s1  }
0x10: {  	s14 =	sadd.s32 $0x3DC00, s0;
	s23 =	sadd.s32 $0x3400, s1;
	[dreg:$0x5] =	wrdreg s9  }
0x11: {  	s15 =	smax.u32 s4, $0x1;
	s24 =	sadd.s32 $0x4E00, s1;
	[dreg:$0x6] =	wrdreg s23  }
0x12: {  	s0 =	simm.s32 $0xEC40;
	s25 =	sadd.s32 $0x6800, s1;
	[dreg:$0x7] =	wrdreg s24  }
0x13: {  	s4 =	simm.s32 $0x8;
	s1 =	sadd.s32 $0x8200, s1;
	[dreg:$0x8] =	wrdreg s25  }
0x14: {  	s21 =	simm.s32 $0x10040;
	s22 =	simm.s32 $0x3;
	[dreg:$0x9] =	wrdreg s1  }
0x15: {  	s23 =	simm.s32 $0xC440;
	s24 =	simm.s32 $0x1;
	s25 =	sadd.s32 s26, s14  }
0x16: {  	v0 =	vimm.f32 $0.0e+00;
	s26 =	simm.s32 $0x4;
	s1 =	simm.s32 $0x7;
	s9 =	simm.s32 $0x0  }
.LBB2_1:
0x17: {  	s10 =	rddreg [dreg:$0x3]  }
0x18: {  	[tilespmem:s3], [sflag:$0xB] =	stream.linear.gather [hbm4b:s10+s3], $0x4E20, $0x38;
	[tilespmem:$0x1B680] =	vst v63  }
0x19: {  	_ =	swait.ge [sflag:s16], $0x4E20  }
0x1a: {  	[sflag:s16] =	ssyncset.done $0x0  }
0x1b: {  	s12 =	rddreg [dreg:$0x4];
	[sflag:s16] =	ssyncadd.s32 $0xFFFFB1E0  }
0x1c: {  	[tilespmem:s17], [sflag:$0xB] =	stream.linear.gather [hbm4b:s12+s3], $0x4E20, $0x38;
	[tilespmem:$0x1B680] =	vst v63  }
0x1d: {  	_ =	swait.ge [sflag:s16], $0x4E20  }
0x1e: {  	[sflag:s16] =	ssyncset.done $0x0  }
0x1f: {  	[sflag:s16] =	ssyncadd.s32 $0xFFFFB1E0  }
0x20: {  	[tilespmem:s19], [sflag:$0x1] =	stream.indirect.gather [hbm4b:s6+s18], $0x40, s3, s18, $0xb8;
	[tilespmem:$0x1B680] =	vst v63  }
0x21: {  	s11 =	simm.s32 $0x100;
	s10 =	simm.s32 $0x0  }
0x22: {  	[tilespmem:s20], [sflag:$0x2] =	stream.indirect.gather [hbm4b:s6+s18], $0x40, s18, s18, $0xb8;
	[tilespmem:$0x1B680] =	vst v63  }
.LBB2_2:
0x23: {  	p1 =	sne.s32 s11, $0x6700;
	[tilespmem:s10+$0x10070] =	vst v0;
	s12 =	smov.u32 s11;
	s11 =	sadd.s32 $0x100, s11  }
.Ltmp0:
0x24: {  	[tilespmem:s10+$0x10060] =	vst v0;
	(pc) =	sbr.rel @p1 .LBB2_2-.Ltmp0, $3  }
0x25: {  	[tilespmem:s10+$0x10040] =	vst v0  }
0x26: {  	[tilespmem:s10+$0x10050] =	vst v0;
	_ =	sdelay $0x1  }
0x27: {  	s10 =	sshra.s32 s12, $0x2  }
0x28: {  	[tilespmem:s10+$0x10070] =	vst v0  }
0x29: {  	[tilespmem:s10+$0x10060] =	vst v0  }
0x2a: {  	[tilespmem:s10+$0x10040] =	vst v0  }
0x2b: {  	[tilespmem:s10+$0x10050] =	vst v0  }
0x2c: {  	[spmem:s7] =	stream.linear.scatter [tilespmem:s21], [sflag:$0xB], $0x1A00, $0x38;
	[tilespmem:$0x1B680] =	vst v63  }
0x2d: {  	_ =	swait.ge [sflag:s16], $0x1A00  }
0x2e: {  	[sflag:s16] =	ssyncset.done $0x0  }
0x2f: {  	s12 =	rddreg [dreg:$0x5];
	[sflag:s16] =	ssyncadd.s32 $0xFFFFE600  }
0x30: {  	[spmem:s12] =	stream.linear.scatter [tilespmem:s21], [sflag:$0xB], $0x1A00, $0x38;
	[tilespmem:$0x1B680] =	vst v63  }
0x31: {  	_ =	swait.ge [sflag:s16], $0x1A00  }
0x32: {  	[sflag:s16] =	ssyncset.done $0x0  }
0x33: {  	s11 =	rddreg [dreg:$0x6];
	[sflag:s16] =	ssyncadd.s32 $0xFFFFE600  }
0x34: {  	[spmem:s11] =	stream.linear.scatter [tilespmem:s21], [sflag:$0xB], $0x1A00, $0x38;
	[tilespmem:$0x1B680] =	vst v63  }
0x35: {  	_ =	swait.ge [sflag:s16], $0x1A00  }
0x36: {  	[sflag:s16] =	ssyncset.done $0x0  }
0x37: {  	s12 =	rddreg [dreg:$0x7];
	[sflag:s16] =	ssyncadd.s32 $0xFFFFE600  }
0x38: {  	[spmem:s12] =	stream.linear.scatter [tilespmem:s21], [sflag:$0xB], $0x1A00, $0x38;
	[tilespmem:$0x1B680] =	vst v63  }
0x39: {  	_ =	swait.ge [sflag:s16], $0x1A00  }
0x3a: {  	[sflag:s16] =	ssyncset.done $0x0  }
0x3b: {  	s11 =	rddreg [dreg:$0x8];
	[sflag:s16] =	ssyncadd.s32 $0xFFFFE600  }
0x3c: {  	[spmem:s11] =	stream.linear.scatter [tilespmem:s21], [sflag:$0xB], $0x1A00, $0x38;
	[tilespmem:$0x1B680] =	vst v63  }
0x3d: {  	_ =	swait.ge [sflag:s16], $0x1A00  }
0x3e: {  	[sflag:s16] =	ssyncset.done $0x0  }
0x3f: {  	s12 =	rddreg [dreg:$0x9];
	[sflag:s16] =	ssyncadd.s32 $0xFFFFE600  }
0x40: {  	[spmem:s12] =	stream.linear.scatter [tilespmem:s21], [sflag:$0xB], $0x1A00, $0x38;
	[tilespmem:$0x1B680] =	vst v63  }
0x41: {  	_ =	swait.ge [sflag:s16], $0x1A00  }
0x42: {  	[sflag:s16] =	ssyncset.done $0x0  }
0x43: {  	s10 =	simm.s32 @!p0 $0x10040;
	[sflag:s16] =	ssyncadd.s32 $0xFFFFE600  }
0x44: {  	[spmem:s13] =	stream.linear.scatter @!p0 [tilespmem:s10], [sflag:$0xB], $0x400, $0x38;
	[tilespmem:$0x1B680] =	vst v63  }
0x45: {  	s10 =	simm.s32 @!p0 $0xB  }
0x46: {  	_ =	swait.ge @!p0 [sflag:s10], $0x400  }
0x47: {  	[sflag:s10] =	ssyncset.done @!p0 $0x0  }
0x48: {  	[sflag:s10] =	ssyncadd.s32 @!p0 $0xFFFFFC00  }
0x49: {  	s11 =	simm.s32 $0xA0;
	[bflag:$0x0] =	sbarrier.arrive $0xFFFF  }
0x4a: {  	[tilespmem:s23], [sflag:$0x3] =	stream.indirect.gather [hbm4b:s6+s18], $0x40, s11, s18, $0xb8;
	[tilespmem:$0x1B680] =	vst v63  }
0x4b: {  	_ =	swait.ge [sflag:s24], $0x1400  }
0x4c: {  	[sflag:s24] =	ssyncset.done $0x0  }
0x4d: {  	[sflag:s24] =	ssyncadd.s32 $0xFFFFEC00  }
0x4e: {  	[spmem:s2] =	stream.indirect.scatter.add.f32 [tilespmem:s19], [sflag:$0x6], $0x40, s17, s18, $0xb8;
	[tilespmem:$0x1B680] =	vst v63  }
0x4f: {  	s12 =	simm.s32 $0xF0  }
0x50: {  	[tilespmem:s28], [sflag:$0x4] =	stream.indirect.gather [hbm4b:s6+s18], $0x40, s12, s18, $0xb8;
	[tilespmem:$0x1B680] =	vst v63  }
0x51: {  	_ =	swait.ge [sflag:s29], $0x1400  }
0x52: {  	[sflag:s29] =	ssyncset.done $0x0  }
0x53: {  	s11 =	simm.s32 $0x4E70;
	[sflag:s29] =	ssyncadd.s32 $0xFFFFEC00  }
0x54: {  	[spmem:s2] =	stream.indirect.scatter.add.f32 [tilespmem:s20], [sflag:$0x7], $0x40, s11, s18, $0xb8;
	[tilespmem:$0x1B680] =	vst v63  }
0x55: {  	s12 =	simm.s32 $0x140  }
0x56: {  	[tilespmem:s0], [sflag:$0x5] =	stream.indirect.gather [hbm4b:s6+s18], $0x40, s12, s18, $0xb8;
	[tilespmem:$0x1B680] =	vst v63  }
0x57: {  	_ =	swait.ge [sflag:s22], $0x1400  }
0x58: {  	[sflag:s22] =	ssyncset.done $0x0  }
0x59: {  	s11 =	simm.s32 $0x4EC0;
	[sflag:s22] =	ssyncadd.s32 $0xFFFFEC00  }
0x5a: {  	[spmem:s2] =	stream.indirect.scatter.add.f32 [tilespmem:s23], [sflag:$0x8], $0x40, s11, s18, $0xb8;
	[tilespmem:$0x1B680] =	vst v63  }
0x5b: {  	_ =	swait.ge [sflag:s30], $0x1400  }
0x5c: {  	[sflag:s30] =	ssyncset.done $0x0  }
0x5d: {  	s12 =	simm.s32 $0x190;
	[sflag:s30] =	ssyncadd.s32 $0xFFFFEC00  }
0x5e: {  	[tilespmem:s19], [sflag:$0x1] =	stream.indirect.gather [hbm4b:s6+s18], $0x40, s12, s18, $0xb8;
	[tilespmem:$0x1B680] =	vst v63  }
0x5f: {  	_ =	swait.ge [sflag:s26], $0x1400  }
0x60: {  	[sflag:s26] =	ssyncset.done $0x0  }
0x61: {  	s11 =	simm.s32 $0x4F10;
	[sflag:s26] =	ssyncadd.s32 $0xFFFFEC00  }
0x62: {  	[spmem:s2] =	stream.indirect.scatter.add.f32 [tilespmem:s28], [sflag:$0x9], $0x40, s11, s18, $0xb8;
	[tilespmem:$0x1B680] =	vst v63  }
0x63: {  	_ =	swait.ge [sflag:s1], $0x1400  }
0x64: {  	[sflag:s1] =	ssyncset.done $0x0  }
0x65: {  	s12 =	simm.s32 $0x1E0;
	[sflag:s1] =	ssyncadd.s32 $0xFFFFEC00  }
0x66: {  	[tilespmem:s20], [sflag:$0x2] =	stream.indirect.gather [hbm4b:s6+s18], $0x40, s12, s18, $0xb8;
	[tilespmem:$0x1B680] =	vst v63  }
0x67: {  	_ =	swait.ge [sflag:s31], $0x1400  }
0x68: {  	[sflag:s31] =	ssyncset.done $0x0  }
0x69: {  	s11 =	simm.s32 $0x4F60;
	[sflag:s31] =	ssyncadd.s32 $0xFFFFEC00  }
0x6a: {  	[spmem:s2] =	stream.indirect.scatter.add.f32 [tilespmem:s0], [sflag:$0xA], $0x40, s11, s18, $0xb8;
	[tilespmem:$0x1B680] =	vst v63  }
0x6b: {  	_ =	swait.ge [sflag:s4], $0x1400  }
0x6c: {  	[sflag:s4] =	ssyncset.done $0x0  }
0x6d: {  	s12 =	simm.s32 $0x230;
	[sflag:s4] =	ssyncadd.s32 $0xFFFFEC00  }
0x6e: {  	[tilespmem:s23], [sflag:$0x3] =	stream.indirect.gather [hbm4b:s6+s18], $0x40, s12, s18, $0xb8;
	[tilespmem:$0x1B680] =	vst v63  }
0x6f: {  	_ =	swait.ge [sflag:s24], $0x1400  }
0x70: {  	[sflag:s24] =	ssyncset.done $0x0  }
0x71: {  	s11 =	simm.s32 $0x4FB0;
	[sflag:s24] =	ssyncadd.s32 $0xFFFFEC00  }
0x72: {  	[spmem:s2] =	stream.indirect.scatter.add.f32 [tilespmem:s19], [sflag:$0x6], $0x40, s11, s18, $0xb8;
	[tilespmem:$0x1B680] =	vst v63  }
0x73: {  	_ =	swait.ge [sflag:s5], $0x1400  }
0x74: {  	[sflag:s5] =	ssyncset.done $0x0  }
0x75: {  	s12 =	simm.s32 $0x280;
	[sflag:s5] =	ssyncadd.s32 $0xFFFFEC00  }
0x76: {  	[tilespmem:s28], [sflag:$0x4] =	stream.indirect.gather [hbm4b:s6+s18], $0x40, s12, s18, $0xb8;
	[tilespmem:$0x1B680] =	vst v63  }
0x77: {  	_ =	swait.ge [sflag:s29], $0x1400  }
0x78: {  	[sflag:s29] =	ssyncset.done $0x0  }
0x79: {  	s11 =	simm.s32 $0x5000;
	[sflag:s29] =	ssyncadd.s32 $0xFFFFEC00  }
0x7a: {  	[spmem:s2] =	stream.indirect.scatter.add.f32 [tilespmem:s20], [sflag:$0x7], $0x40, s11, s18, $0xb8;
	[tilespmem:$0x1B680] =	vst v63  }
0x7b: {  	_ =	swait.ge [sflag:s8], $0x1400  }
0x7c: {  	[sflag:s8] =	ssyncset.done $0x0  }
0x7d: {  	s12 =	simm.s32 $0x2D0;
	[sflag:s8] =	ssyncadd.s32 $0xFFFFEC00  }
0x7e: {  	[tilespmem:s0], [sflag:$0x5] =	stream.indirect.gather [hbm4b:s6+s18], $0x40, s12, s18, $0xb8;
	[tilespmem:$0x1B680] =	vst v63  }
0x7f: {  	_ =	swait.ge [sflag:s22], $0x1400  }
0x80: {  	[sflag:s22] =	ssyncset.done $0x0  }
0x81: {  	s11 =	simm.s32 $0x5050;
	[sflag:s22] =	ssyncadd.s32 $0xFFFFEC00  }
0x82: {  	[spmem:s2] =	stream.indirect.scatter.add.f32 [tilespmem:s23], [sflag:$0x8], $0x40, s11, s18, $0xb8;
	[tilespmem:$0x1B680] =	vst v63  }
0x83: {  	_ =	swait.ge [sflag:s30], $0x1400  }
0x84: {  	[sflag:s30] =	ssyncset.done $0x0  }
0x85: {  	s12 =	simm.s32 $0x320;
	[sflag:s30] =	ssyncadd.s32 $0xFFFFEC00  }
0x86: {  	[tilespmem:s19], [sflag:$0x1] =	stream.indirect.gather [hbm4b:s6+s18], $0x40, s12, s18, $0xb8;
	[tilespmem:$0x1B680] =	vst v63  }
0x87: {  	_ =	swait.ge [sflag:s26], $0x1400  }
0x88: {  	[sflag:s26] =	ssyncset.done $0x0  }
0x89: {  	s11 =	simm.s32 $0x50A0;
	[sflag:s26] =	ssyncadd.s32 $0xFFFFEC00  }
0x8a: {  	[spmem:s2] =	stream.indirect.scatter.add.f32 [tilespmem:s28], [sflag:$0x9], $0x40, s11, s18, $0xb8;
	[tilespmem:$0x1B680] =	vst v63  }
0x8b: {  	_ =	swait.ge [sflag:s1], $0x1400  }
0x8c: {  	[sflag:s1] =	ssyncset.done $0x0  }
0x8d: {  	s12 =	simm.s32 $0x370;
	[sflag:s1] =	ssyncadd.s32 $0xFFFFEC00  }
0x8e: {  	[tilespmem:s20], [sflag:$0x2] =	stream.indirect.gather [hbm4b:s6+s18], $0x40, s12, s18, $0xb8;
	[tilespmem:$0x1B680] =	vst v63  }
0x8f: {  	_ =	swait.ge [sflag:s31], $0x1400  }
0x90: {  	[sflag:s31] =	ssyncset.done $0x0  }
0x91: {  	s10 =	simm.s32 $0x640;
	s11 =	simm.s32 $0x50F0;
	[sflag:s31] =	ssyncadd.s32 $0xFFFFEC00  }
.LBB2_4:
0x92: {  	[spmem:s2] =	stream.indirect.scatter.add.f32 [tilespmem:s0], [sflag:$0xA], $0x40, s11, s18, $0xb8;
	[tilespmem:$0x1B680] =	vst v63  }
0x93: {  	s11 =	smov.u32 s10;
	s10 =	sadd.s32 $0x640, s10;
	_ =	swait.ge [sflag:s4], $0x1400  }
0x94: {  	s11 =	sshra.s32 s11, $0x2;
	p1 =	sne.s32 s10, $0x12C00;
	[sflag:s4] =	ssyncset.done $0x0  }
0x95: {  	s12 =	sadd.s32 $0x230, s11;
	[sflag:s4] =	ssyncadd.s32 $0xFFFFEC00  }
0x96: {  	[tilespmem:s23], [sflag:$0x3] =	stream.indirect.gather [hbm4b:s6+s18], $0x40, s12, s18, $0xb8;
	[tilespmem:$0x1B680] =	vst v63  }
0x97: {  	_ =	swait.ge [sflag:s24], $0x1400  }
0x98: {  	[sflag:s24] =	ssyncset.done $0x0  }
0x99: {  	s12 =	sadd.s32 $0x4FB0, s11;
	[sflag:s24] =	ssyncadd.s32 $0xFFFFEC00  }
0x9a: {  	[spmem:s2] =	stream.indirect.scatter.add.f32 [tilespmem:s19], [sflag:$0x6], $0x40, s12, s18, $0xb8;
	[tilespmem:$0x1B680] =	vst v63  }
0x9b: {  	_ =	swait.ge [sflag:s5], $0x1400  }
0x9c: {  	[sflag:s5] =	ssyncset.done $0x0  }
0x9d: {  	s12 =	sadd.s32 $0x280, s11;
	[sflag:s5] =	ssyncadd.s32 $0xFFFFEC00  }
0x9e: {  	[tilespmem:s28], [sflag:$0x4] =	stream.indirect.gather [hbm4b:s6+s18], $0x40, s12, s18, $0xb8;
	[tilespmem:$0x1B680] =	vst v63  }
0x9f: {  	_ =	swait.ge [sflag:s29], $0x1400  }
0xa0: {  	[sflag:s29] =	ssyncset.done $0x0  }
0xa1: {  	s12 =	sadd.s32 $0x5000, s11;
	[sflag:s29] =	ssyncadd.s32 $0xFFFFEC00  }
0xa2: {  	[spmem:s2] =	stream.indirect.scatter.add.f32 [tilespmem:s20], [sflag:$0x7], $0x40, s12, s18, $0xb8;
	[tilespmem:$0x1B680] =	vst v63  }
0xa3: {  	_ =	swait.ge [sflag:s8], $0x1400  }
0xa4: {  	[sflag:s8] =	ssyncset.done $0x0  }
0xa5: {  	s12 =	sadd.s32 $0x2D0, s11;
	[sflag:s8] =	ssyncadd.s32 $0xFFFFEC00  }
0xa6: {  	[tilespmem:s0], [sflag:$0x5] =	stream.indirect.gather [hbm4b:s6+s18], $0x40, s12, s18, $0xb8;
	[tilespmem:$0x1B680] =	vst v63  }
0xa7: {  	_ =	swait.ge [sflag:s22], $0x1400  }
0xa8: {  	[sflag:s22] =	ssyncset.done $0x0  }
0xa9: {  	s12 =	sadd.s32 $0x5050, s11;
	[sflag:s22] =	ssyncadd.s32 $0xFFFFEC00  }
0xaa: {  	[spmem:s2] =	stream.indirect.scatter.add.f32 [tilespmem:s23], [sflag:$0x8], $0x40, s12, s18, $0xb8;
	[tilespmem:$0x1B680] =	vst v63  }
0xab: {  	_ =	swait.ge [sflag:s30], $0x1400  }
0xac: {  	[sflag:s30] =	ssyncset.done $0x0  }
0xad: {  	s12 =	sadd.s32 $0x320, s11;
	[sflag:s30] =	ssyncadd.s32 $0xFFFFEC00  }
0xae: {  	[tilespmem:s19], [sflag:$0x1] =	stream.indirect.gather [hbm4b:s6+s18], $0x40, s12, s18, $0xb8;
	[tilespmem:$0x1B680] =	vst v63  }
0xaf: {  	_ =	swait.ge [sflag:s26], $0x1400  }
0xb0: {  	[sflag:s26] =	ssyncset.done $0x0  }
0xb1: {  	s12 =	sadd.s32 $0x50A0, s11;
	[sflag:s26] =	ssyncadd.s32 $0xFFFFEC00  }
0xb2: {  	[spmem:s2] =	stream.indirect.scatter.add.f32 [tilespmem:s28], [sflag:$0x9], $0x40, s12, s18, $0xb8;
	[tilespmem:$0x1B680] =	vst v63  }
0xb3: {  	_ =	swait.ge [sflag:s1], $0x1400  }
0xb4: {  	[sflag:s1] =	ssyncset.done $0x0  }
.Ltmp1:
0xb5: {  	s12 =	sadd.s32 $0x370, s11;
	[sflag:s1] =	ssyncadd.s32 $0xFFFFEC00;
	(pc) =	sbr.rel @p1 .LBB2_4-.Ltmp1, $4  }
0xb6: {  	[tilespmem:s20], [sflag:$0x2] =	stream.indirect.gather [hbm4b:s6+s18], $0x40, s12, s18, $0xb8;
	[tilespmem:$0x1B680] =	vst v63  }
0xb7: {  	_ =	swait.ge [sflag:s31], $0x1400  }
0xb8: {  	[sflag:s31] =	ssyncset.done $0x0  }
0xb9: {  	s11 =	sadd.s32 $0x50F0, s11;
	[sflag:s31] =	ssyncadd.s32 $0xFFFFEC00  }
0xba: {  	[spmem:s2] =	stream.indirect.scatter.add.f32 [tilespmem:s0], [sflag:$0xA], $0x40, s11, s18, $0xb8;
	[tilespmem:$0x1B680] =	vst v63  }
0xbb: {  	_ =	swait.ge [sflag:s4], $0x1400  }
0xbc: {  	s10 =	sshra.s32 s10, $0x2;
	[sflag:s4] =	ssyncset.done $0x0  }
0xbd: {  	s12 =	sadd.s32 $0x230, s10;
	[sflag:s4] =	ssyncadd.s32 $0xFFFFEC00  }
0xbe: {  	[tilespmem:s23], [sflag:$0x3] =	stream.indirect.gather [hbm4b:s6+s18], $0x40, s12, s18, $0xb8;
	[tilespmem:$0x1B680] =	vst v63  }
0xbf: {  	_ =	swait.ge [sflag:s24], $0x1400  }
0xc0: {  	[sflag:s24] =	ssyncset.done $0x0  }
0xc1: {  	s12 =	sadd.s32 $0x4FB0, s10;
	[sflag:s24] =	ssyncadd.s32 $0xFFFFEC00  }
0xc2: {  	[spmem:s2] =	stream.indirect.scatter.add.f32 [tilespmem:s19], [sflag:$0x6], $0x40, s12, s18, $0xb8;
	[tilespmem:$0x1B680] =	vst v63  }
0xc3: {  	_ =	swait.ge [sflag:s5], $0x1400  }
0xc4: {  	[sflag:s5] =	ssyncset.done $0x0  }
0xc5: {  	s12 =	sadd.s32 $0x280, s10;
	[sflag:s5] =	ssyncadd.s32 $0xFFFFEC00  }
0xc6: {  	[tilespmem:s28], [sflag:$0x4] =	stream.indirect.gather [hbm4b:s6+s18], $0x40, s12, s18, $0xb8;
	[tilespmem:$0x1B680] =	vst v63  }
0xc7: {  	_ =	swait.ge [sflag:s29], $0x1400  }
0xc8: {  	[sflag:s29] =	ssyncset.done $0x0  }
0xc9: {  	s12 =	sadd.s32 $0x5000, s10;
	[sflag:s29] =	ssyncadd.s32 $0xFFFFEC00  }
0xca: {  	[spmem:s2] =	stream.indirect.scatter.add.f32 [tilespmem:s20], [sflag:$0x7], $0x40, s12, s18, $0xb8;
	[tilespmem:$0x1B680] =	vst v63  }
0xcb: {  	_ =	swait.ge [sflag:s8], $0x1400  }
0xcc: {  	[sflag:s8] =	ssyncset.done $0x0  }
0xcd: {  	s12 =	simm.s32 $0x4DD0;
	[sflag:s8] =	ssyncadd.s32 $0xFFFFEC00  }
0xce: {  	[tilespmem:s0], [sflag:$0x5] =	stream.indirect.gather [hbm4b:s6+s18], $0x40, s12, s18, $0xb8;
	[tilespmem:$0x1B680] =	vst v63  }
0xcf: {  	_ =	swait.ge [sflag:s22], $0x1400  }
0xd0: {  	[sflag:s22] =	ssyncset.done $0x0  }
0xd1: {  	s12 =	sadd.s32 $0x5050, s10;
	[sflag:s22] =	ssyncadd.s32 $0xFFFFEC00  }
0xd2: {  	[spmem:s2] =	stream.indirect.scatter.add.f32 [tilespmem:s23], [sflag:$0x8], $0x40, s12, s18, $0xb8;
	[tilespmem:$0x1B680] =	vst v63  }
0xd3: {  	_ =	swait.ge [sflag:s26], $0x1400  }
0xd4: {  	[sflag:s26] =	ssyncset.done $0x0  }
0xd5: {  	s10 =	sadd.s32 $0x50A0, s10;
	[sflag:s26] =	ssyncadd.s32 $0xFFFFEC00  }
0xd6: {  	[spmem:s2] =	stream.indirect.scatter.add.f32 [tilespmem:s28], [sflag:$0x9], $0x40, s10, s18, $0xb8;
	[tilespmem:$0x1B680] =	vst v63  }
0xd7: {  	_ =	swait.ge [sflag:s31], $0x1400  }
0xd8: {  	[sflag:s31] =	ssyncset.done $0x0  }
0xd9: {  	s12 =	simm.s32 $0x9BF0;
	[sflag:s31] =	ssyncadd.s32 $0xFFFFEC00  }
0xda: {  	[spmem:s2] =	stream.indirect.scatter.add.f32 [tilespmem:s0], [sflag:$0xA], $0x40, s12, s18, $0xb8;
	[tilespmem:$0x1B680] =	vst v63  }
0xdb: {  	_ =	swait.ge [sflag:s30], $0x1400  }
0xdc: {  	[sflag:s30] =	ssyncset.done $0x0  }
0xdd: {  	[sflag:s30] =	ssyncadd.s32 $0xFFFFEC00  }
0xde: {  	_ =	swait.ge [sflag:s1], $0x1400  }
0xdf: {  	[sflag:s1] =	ssyncset.done $0x0  }
0xe0: {  	[sflag:s1] =	ssyncadd.s32 $0xFFFFEC00  }
0xe1: {  	_ =	swait.ge [sflag:s4], $0x1400  }
0xe2: {  	[sflag:s4] =	ssyncset.done $0x0  }
0xe3: {  	[sflag:s4] =	ssyncadd.s32 $0xFFFFEC00  }
0xe4: {  	_ =	swait.ge [sflag:s5], $0x1400  }
0xe5: {  	[sflag:s5] =	ssyncset.done $0x0  }
0xe6: {  	[sflag:s5] =	ssyncadd.s32 $0xFFFFEC00  }
0xe7: {  	_ =	swait.ge [sflag:s8], $0x1400  }
0xe8: {  	s11 =	stileid.u32;
	[sflag:s8] =	ssyncset.done $0x0  }
0xe9: {  	s10 =	sshll.u32 s11, $0x6;
	[sflag:s8] =	ssyncadd.s32 $0xFFFFEC00  }
0xea: {  	s10 =	sor.u32 $0x1C0B, s10;
	s12 =	sshrl.u32 s7, $0x3;
	[bflag:$0x0] =	sbarrier.arrive $0xFFFF  }
0xeb: {  	[hbm:s25], [sflag:s10] =	dma.local [spmem:s12], $0x1380  }
0xec: {  	s9 =	sadd.s32 $0x1, s9;
	_ =	swait.ge [sflag:s16], $0x1380  }
0xed: {  	p1 =	sne.s32 s9, s15;
	[sflag:s16] =	ssyncset.done $0x0  }
0xee: {  	s11 =	sadd.s32 @!p0 $0x13800, s14;
	s12 =	sshrl.u32 @!p0 s13, $0x3;
	[sflag:s16] =	ssyncadd.s32 $0xFFFFEC80  }
0xef: {  	[hbm:s11], [sflag:s10] =	dma.local @!p0 [spmem:s12], $0x80  }
.Ltmp2:
0xf0: {  	_ = 	snop;
	(pc) =	sbr.rel @p1 .LBB2_1-.Ltmp2, $4  }
0xf1: {  	s10 =	simm.s32 @!p0 $0xB  }
0xf2: {  	_ =	swait.ge @!p0 [sflag:s10], $0x80  }
0xf3: {  	[sflag:s10] =	ssyncset.done @!p0 $0x0  }
0xf4: {  	[sflag:s10] =	ssyncadd.s32 @!p0 $0xFFFFFF80  }
0xf5: {  	_ =	sfence.sel $0x180000  }
0xf6: {  	[bflag:$0x0] =	sbarrier.arrive $0xFFFF  }
0xf7: {  	_ =	strace $0x90000047  }
0xf8: {  	s0 =	stileid.u32;
	[bflag:$0x2] =	sbarrier.arrive $0xFFFF  }
0xf9: {  	p0 =	sne.s32 s0, $0x0;
	s0 =	rddreg [dreg:$0x2]  }
0xfa: {  	s0 =	sadd.s32 @!p0 $0x100000, s0  }
0xfb: {  	[sflag:s0] =	ssyncadd.tile.s32 @!p0 $0x1;
	_ =	shalt  }
.Lfunc_end2:
_tile_overlayer_lowered:
.L_overlay_start_2:
0xfc: {  	(tag) =	ssettag $0x2  }
0xfd: {  	s0 =	rddreg [dreg:$0x0];
	s2 =	stileid.u32  }
0xfe: {  	s1 =	rddreg [dreg:$0x1];
	p0 =	sne.s32 s2, $0x0  }
0xff: {  	s3 =	rddreg [dreg:$0x2];
	[bflag:$0x3] =	sbarrier.arrive $0xFFFF;
	s2 =	simm.s32 @!p0 $0x1C0B  }
0x100: {  	[timem:s3], [sflag:s2] =	dma.local @!p0 [hbm:s0], s1  }
0x101: {  	s0 =	simm.s32 @!p0 $0xB  }
0x102: {  	_ =	swait.ge @!p0 [sflag:s0], s1  }
0x103: {  	s1 =	ssub.s32 @!p0 $0x0, s1;
	[sflag:s0] =	ssyncset.done @!p0 $0x0  }
0x104: {  	[sflag:s0] =	ssyncadd.s32 @!p0 s1  }
0x105: {  	[bflag:$0x3] =	sbarrier.arrive $0xFFFF  }
0x106: {  	_ =	shalt  }

</sc_bundles>
